<compile_context>
chip_gen: v7x
topology: tpu7x:2x2x1
jax: 0.10.2.dev20260603
libtpu: 0.0.44.dev20260713+nightly
codegen_flags: <defaults>
</compile_context>

<pallas_src>
import functools

import jax
import jax.numpy as jnp
from jax import lax
from jax.experimental import pallas as pl
from jax.experimental.pallas import tpu as pltpu
from jax.experimental.pallas import tpu_sc as plsc

N = 10000
E = 320000
F0, F1, F2 = 128, 128, 2

NC = 2
NS = 16
NW = NC * NS
CHUNK = 128
NBUF = 2
GB = 16
NCHUNK = 80
NBATCH = NCHUNK // GB
EW = NCHUNK * CHUNK
RPAD = 10240
RPW = RPAD // NS
PAD_DST = N
DPAD = 8

_mesh = plsc.VectorSubcoreMesh(core_axis_name="c", subcore_axis_name="s")


def _make_deg_kernel():
    @functools.partial(
        pl.kernel,
        mesh=_mesh,
        out_type=jax.ShapeDtypeStruct((NC, RPAD, DPAD), jnp.float32),
        scratch_types=[
            pltpu.VMEM((NCHUNK, CHUNK), jnp.int32),
            pltpu.VMEM((CHUNK, DPAD), jnp.float32),
            pltpu.VMEM_SHARED((RPAD, DPAD), jnp.float32),
            pltpu.SemaphoreType.DMA,
        ],
        compiler_params=pltpu.CompilerParams(use_tc_tiling_on_sc=False),
    )
    def deg_kernel(dsts_hbm, zeros_hbm, ones_hbm, out_hbm, idx_d, rows, acc,
                   sem_s):
        c = lax.axis_index("c")
        s = lax.axis_index("s")
        w = s * NC + c
        pltpu.sync_copy(dsts_hbm.at[w], idx_d)
        pltpu.sync_copy(zeros_hbm, rows)
        for k in range(RPW // CHUNK):
            pltpu.sync_copy(rows, acc.at[pl.ds(s * RPW + k * CHUNK, CHUNK)])
        plsc.subcore_barrier()
        pltpu.sync_copy(ones_hbm, rows)

        def scatter(j):
            return pltpu.make_async_copy(rows, acc.at[idx_d.at[j]], sem_s)

        def body(bg, carry):
            for k in range(GB):
                scatter(bg * GB + k).start(add=True)
            for k in range(GB):
                scatter(bg * GB + k).wait()
            return carry

        lax.fori_loop(0, NBATCH, body, 0)
        plsc.subcore_barrier()
        pltpu.sync_copy(acc.at[pl.ds(s * RPW, RPW)],
                        out_hbm.at[c, pl.ds(s * RPW, RPW)])

    return deg_kernel


def _make_agg_kernel(D):
    nbuf = NBUF if D >= 128 else 4
    @functools.partial(
        pl.kernel,
        mesh=_mesh,
        out_type=jax.ShapeDtypeStruct((NC, RPAD, D), jnp.float32),
        scratch_types=[
            pltpu.VMEM((NCHUNK, CHUNK), jnp.int32),
            pltpu.VMEM((GB, CHUNK), jnp.int32),
            pltpu.VMEM((nbuf, CHUNK, D), jnp.float32),
            pltpu.VMEM_SHARED((RPAD, D), jnp.float32),
            pltpu.SemaphoreType.DMA,
        ],
        compiler_params=(None if D % 128 == 0 else
                         pltpu.CompilerParams(use_tc_tiling_on_sc=False)),
    )
    def agg_kernel(table_hbm, srcs_hbm, dsts_hbm, zeros_hbm, out_hbm,
                   idx_s, ib_d, rows, acc, sem_g):
        c = lax.axis_index("c")
        s = lax.axis_index("s")
        w = s * NC + c
        pltpu.sync_copy(srcs_hbm.at[w], idx_s)
        pltpu.sync_copy(zeros_hbm, rows.at[0])
        for k in range(RPW // CHUNK):
            pltpu.sync_copy(rows.at[0], acc.at[pl.ds(s * RPW + k * CHUNK, CHUNK)])
        plsc.subcore_barrier()

        def gather(j, b):
            return pltpu.make_async_copy(table_hbm.at[idx_s.at[j]],
                                         rows.at[b], sem_g)

        for b in range(nbuf):
            gather(b, b).start()

        def body(bg, carry):
            pltpu.sync_copy(dsts_hbm.at[w, pl.ds(bg * GB, GB)], ib_d)
            for k in range(GB):
                b = k % nbuf
                j = bg * GB + k
                gather(j, b).wait()
                pltpu.sync_copy(rows.at[b], acc.at[ib_d.at[k]], add=True)

                @pl.when(j + nbuf < NCHUNK)
                def _():
                    gather(j + nbuf, b).start()

            return carry

        lax.fori_loop(0, NBATCH, body, 0)
        plsc.subcore_barrier()
        pltpu.sync_copy(acc.at[pl.ds(s * RPW, RPW)],
                        out_hbm.at[c, pl.ds(s * RPW, RPW)])

    return agg_kernel


_deg_kernel = _make_deg_kernel()
_agg128 = _make_agg_kernel(F1)
_agg8 = _make_agg_kernel(DPAD)

BR = 400
GRID = N // BR


def _tc1_body(deg_ref, x_ref, w_ref, h_ref, n_ref):
    deg = deg_ref[0, :, 0:1] + deg_ref[1, :, 0:1]
    norm = lax.rsqrt(jnp.maximum(deg, 1.0))
    h = jnp.dot(x_ref[...], w_ref[...], preferred_element_type=jnp.float32)
    h_ref[...] = h * norm
    n_ref[...] = norm


def _tc2_body(p_ref, n_ref, b_ref, w_ref, z_ref):
    norm = n_ref[...]
    h1 = jnp.maximum((p_ref[0] + p_ref[1]) * norm + b_ref[...], 0.0)
    z = jnp.dot(h1, w_ref[...], preferred_element_type=jnp.float32)
    z_ref[...] = z * norm


def _tc3_body(q_ref, n_ref, b_ref, o_ref):
    logits = (q_ref[0, :, 0:F2] + q_ref[1, :, 0:F2]) * n_ref[...] + b_ref[...]
    m = jnp.max(logits, axis=1, keepdims=True)
    e = jnp.exp(logits - m)
    o_ref[...] = e / jnp.sum(e, axis=1, keepdims=True)


def kernel(x, edge_index, W0, b0, W1, b1):
    ei = edge_index.astype(jnp.int32)
    npad = NW * EW - E
    pad_iota = jnp.arange(npad, dtype=jnp.int32)
    pad_src = pad_iota % N
    pad_dst = PAD_DST + pad_iota % (RPAD - N)
    src = jnp.concatenate([ei[0], pad_src])
    dst = jnp.concatenate([ei[1], pad_dst])
    srcs = src.reshape(NW, NCHUNK, CHUNK)
    dsts = dst.reshape(NW, NCHUNK, CHUNK)

    zeros8 = jnp.zeros((CHUNK, DPAD), jnp.float32)
    ones8 = jnp.ones((CHUNK, DPAD), jnp.float32)
    zeros128 = jnp.zeros((CHUNK, F1), jnp.float32)
    W1p = jnp.pad(W1, ((0, 0), (0, DPAD - F2)))

    deg_p = _deg_kernel(dsts, zeros8, ones8)

    h_scaled, norm = pl.pallas_call(
        _tc1_body,
        grid=(GRID,),
        in_specs=[
            pl.BlockSpec((NC, BR, DPAD), lambda i: (0, i, 0)),
            pl.BlockSpec((BR, F0), lambda i: (i, 0)),
            pl.BlockSpec((F0, F1), lambda i: (0, 0)),
        ],
        out_specs=[
            pl.BlockSpec((BR, F1), lambda i: (i, 0)),
            pl.BlockSpec((BR, 1), lambda i: (i, 0)),
        ],
        out_shape=[
            jax.ShapeDtypeStruct((N, F1), jnp.float32),
            jax.ShapeDtypeStruct((N, 1), jnp.float32),
        ],
    )(deg_p, x, W0)

    p = _agg128(h_scaled, srcs, dsts, zeros128)

    z_scaled = pl.pallas_call(
        _tc2_body,
        grid=(GRID,),
        in_specs=[
            pl.BlockSpec((NC, BR, F1), lambda i: (0, i, 0)),
            pl.BlockSpec((BR, 1), lambda i: (i, 0)),
            pl.BlockSpec((1, F1), lambda i: (0, 0)),
            pl.BlockSpec((F0, DPAD), lambda i: (0, 0)),
        ],
        out_specs=pl.BlockSpec((BR, DPAD), lambda i: (i, 0)),
        out_shape=jax.ShapeDtypeStruct((N, DPAD), jnp.float32),
    )(p, norm, b0.reshape(1, F1), W1p)

    q = _agg8(z_scaled, srcs, dsts, zeros8)

    out = pl.pallas_call(
        _tc3_body,
        grid=(GRID,),
        in_specs=[
            pl.BlockSpec((NC, BR, DPAD), lambda i: (0, i, 0)),
            pl.BlockSpec((BR, 1), lambda i: (i, 0)),
            pl.BlockSpec((1, F2), lambda i: (0, 0)),
        ],
        out_specs=pl.BlockSpec((BR, F2), lambda i: (i, 0)),
        out_shape=jax.ShapeDtypeStruct((N, F2), jnp.float32),
    )(q, norm, b1.reshape(1, F2))

    return out

# --- scband reference (transcript-rebuilt; emitter-appended) ---
"""Pipeline reference for scband-gcn-48241072669019 (READ-ONLY COPY).

The authoritative reference and input builder live on the scoring server;
editing this copy changes nothing except your own understanding.
"""

import jax, jax.numpy as jnp
import numpy as np

N_NODES = 10000
N_EDGES = 320000
LAYERS = [128, 128, 2]


def setup_inputs(seed: int = 0) -> dict:
    key = jax.random.key(seed)
    k_x, k_e, k_w0, k_b0, k_w1, k_b1 = jax.random.split(key, 6)
    x = jax.random.normal(k_x, (N_NODES, LAYERS[0]), dtype=jnp.float32)
    edge_index = jax.random.randint(k_e, (2, N_EDGES), 0, N_NODES, dtype=jnp.int64)
    # ConvLayer weights (GCN conv: linear transform + symmetric-normalized aggregation)
    W0 = jax.random.normal(k_w0, (LAYERS[0], LAYERS[1]), dtype=jnp.float32) * (1.0 / np.sqrt(LAYERS[0]))
    b0 = jnp.zeros((LAYERS[1],), dtype=jnp.float32)
    W1 = jax.random.normal(k_w1, (LAYERS[1], LAYERS[2]), dtype=jnp.float32) * (1.0 / np.sqrt(LAYERS[1]))
    b1 = jnp.zeros((LAYERS[2],), dtype=jnp.float32)
    return {"x": x, "edge_index": edge_index, "W0": W0, "b0": b0, "W1": W1, "b1": b1}


def _gcn_conv(h, W, b, src, dst, norm_src_dst, n_nodes):
    h = h @ W
    m = h[src] * norm_src_dst[:, None]
    agg = jax.ops.segment_sum(m, dst, num_segments=n_nodes)
    return agg + b


def reference(x, edge_index, W0, b0, W1, b1):
    src = edge_index[0]
    dst = edge_index[1]
    # symmetric degree normalization (standard GCN ConvLayer)
    ones = jnp.ones((src.shape[0],), dtype=jnp.float32)
    deg = jax.ops.segment_sum(ones, dst, num_segments=N_NODES)
    norm = jax.lax.rsqrt(jnp.maximum(deg, 1.0))
    norm_e = norm[src] * norm[dst]
    # hidden conv layers with ReLU (batch_norm/dropout/residual disabled per default args)
    h = _gcn_conv(x, W0, b0, src, dst, norm_e, N_NODES)
    h = jax.nn.relu(h)
    # final conv + softmax over classes
    h = _gcn_conv(h, W1, b1, src, dst, norm_e, N_NODES)
    h = jax.nn.softmax(h, axis=1)
    return h

if __name__ == "__main__":
    import jax
    _d = setup_inputs()
    print(jax.jit(kernel)(*tuple(_d.values())))

</pallas_src>

<mosaic_0001>
#map = affine_map<(d0, d1) -> (0, 0)>
#map1 = affine_map<(d0, d1) -> (0, 0, 0)>
module attributes {stable_mosaic.version = 14 : i64} {
  func.func @agg_kernel(%arg0: i32, %arg1: i32, %arg2: memref<10000x128xf32, #tpu.memory_space<hbm>>, %arg3: memref<32x80x128xi32, #tpu.memory_space<hbm>>, %arg4: memref<32x80x128xi32, #tpu.memory_space<hbm>>, %arg5: memref<128x128xf32, #tpu.memory_space<hbm>>, %arg6: memref<2x10240x128xf32, #tpu.memory_space<hbm>>, %arg7: memref<80x128xi32, #tpu.memory_space<vmem>>, %arg8: memref<16x128xi32, #tpu.memory_space<vmem>>, %arg9: memref<2x128x128xf32, #tpu.memory_space<vmem>>, %arg10: memref<10240x128xf32, #tpu.memory_space<vmem_shared>>, %arg11: memref<!tpu.dma_semaphore, #tpu.memory_space<semaphore_mem>>) attributes {dimension_semantics = [#tpu.dimension_semantics<core_parallel>, #tpu.dimension_semantics<subcore_parallel>], iteration_bounds = array<i64: 2, 16>, scalar_prefetch = 0 : i64, scratch_operands = 5 : i64, tpu.core_type = #tpu.core_type<sc_vector_subcore>, window_params = [{transform_indices = #map}, {transform_indices = #map1}, {transform_indices = #map1}, {transform_indices = #map}, {transform_indices = #map1}]} {
    %mul3A = arith.constant 2 : i32
    %mul3A_0 = arith.muli %arg1, %mul3A : i32
    %add3A = arith.addi %mul3A_0, %arg0 : i32
    "tpu.region"() ({
      %run_scoped3A_59 = tpu.sem_alloc : memref<!tpu.dma_semaphore, #tpu.memory_space<semaphore_mem>>
      %dma_start3A_60 = arith.constant 0 : i32
      %dma_start3A_61 = arith.constant 0 : i32
      %dma_start3A_62 = tpu.memref_slice %arg3[%add3A, %dma_start3A_60, %dma_start3A_61] : memref<32x80x128xi32, #tpu.memory_space<hbm>> -> memref<1x80x128xi32, #tpu.memory_space<hbm>>
      %dma_start3A_63 = tpu.memref_squeeze %dma_start3A_62 : memref<1x80x128xi32, #tpu.memory_space<hbm>> -> memref<80x128xi32, #tpu.memory_space<hbm>>
      %dma_start3A_64 = arith.constant 0 : i32
      %dma_start3A_65 = arith.constant 0 : i32
      %dma_start3A_66 = tpu.memref_slice %arg3[%add3A, %dma_start3A_64, %dma_start3A_65] : memref<32x80x128xi32, #tpu.memory_space<hbm>> -> memref<1x80x128xi32, #tpu.memory_space<hbm>>
      %dma_start3A_67 = tpu.memref_squeeze %dma_start3A_66 : memref<1x80x128xi32, #tpu.memory_space<hbm>> -> memref<80x128xi32, #tpu.memory_space<hbm>>
      tpu.enqueue_dma source(%dma_start3A_67 : memref<80x128xi32, #tpu.memory_space<hbm>>) target(%arg7 : memref<80x128xi32, #tpu.memory_space<vmem>>) target_semaphore(%run_scoped3A_59 : memref<!tpu.dma_semaphore, #tpu.memory_space<semaphore_mem>>)
      %dma_wait3A = arith.constant 0 : i32
      %dma_wait3A_68 = arith.constant 0 : i32
      %dma_wait3A_69 = tpu.memref_slice %arg3[%add3A, %dma_wait3A, %dma_wait3A_68] : memref<32x80x128xi32, #tpu.memory_space<hbm>> -> memref<1x80x128xi32, #tpu.memory_space<hbm>>
      %dma_wait3A_70 = tpu.memref_squeeze %dma_wait3A_69 : memref<1x80x128xi32, #tpu.memory_space<hbm>> -> memref<80x128xi32, #tpu.memory_space<hbm>>
      %dma_wait3A_71 = arith.constant 0 : i32
      %dma_wait3A_72 = arith.constant 0 : i32
      %dma_wait3A_73 = tpu.memref_slice %arg3[%add3A, %dma_wait3A_71, %dma_wait3A_72] : memref<32x80x128xi32, #tpu.memory_space<hbm>> -> memref<1x80x128xi32, #tpu.memory_space<hbm>>
      %dma_wait3A_74 = tpu.memref_squeeze %dma_wait3A_73 : memref<1x80x128xi32, #tpu.memory_space<hbm>> -> memref<80x128xi32, #tpu.memory_space<hbm>>
      tpu.wait_dma2 semaphore(%run_scoped3A_59 : memref<!tpu.dma_semaphore, #tpu.memory_space<semaphore_mem>>) src(%dma_wait3A_74 : memref<80x128xi32, #tpu.memory_space<hbm>>) dst(%arg7 : memref<80x128xi32, #tpu.memory_space<vmem>>)
      tpu.yield
    }) : () -> ()
    %run_scoped3A = arith.constant 0 : i32
    "tpu.region"() ({
      %run_scoped3A_59 = tpu.sem_alloc : memref<!tpu.dma_semaphore, #tpu.memory_space<semaphore_mem>>
      %dma_start3A_60 = arith.constant 0 : i32
      %dma_start3A_61 = arith.constant 0 : i32
      %dma_start3A_62 = tpu.memref_slice %arg9[%run_scoped3A, %dma_start3A_60, %dma_start3A_61] : memref<2x128x128xf32, #tpu.memory_space<vmem>> -> memref<1x128x128xf32, #tpu.memory_space<vmem>>
      %dma_start3A_63 = tpu.memref_squeeze %dma_start3A_62 : memref<1x128x128xf32, #tpu.memory_space<vmem>> -> memref<128x128xf32, #tpu.memory_space<vmem>>
      %dma_start3A_64 = arith.constant 0 : i32
      %dma_start3A_65 = arith.constant 0 : i32
      %dma_start3A_66 = tpu.memref_slice %arg9[%run_scoped3A, %dma_start3A_64, %dma_start3A_65] : memref<2x128x128xf32, #tpu.memory_space<vmem>> -> memref<1x128x128xf32, #tpu.memory_space<vmem>>
      %dma_start3A_67 = tpu.memref_squeeze %dma_start3A_66 : memref<1x128x128xf32, #tpu.memory_space<vmem>> -> memref<128x128xf32, #tpu.memory_space<vmem>>
      tpu.enqueue_dma source(%arg5 : memref<128x128xf32, #tpu.memory_space<hbm>>) target(%dma_start3A_67 : memref<128x128xf32, #tpu.memory_space<vmem>>) target_semaphore(%run_scoped3A_59 : memref<!tpu.dma_semaphore, #tpu.memory_space<semaphore_mem>>)
      %dma_wait3A = arith.constant 0 : i32
      %dma_wait3A_68 = arith.constant 0 : i32
      %dma_wait3A_69 = tpu.memref_slice %arg9[%run_scoped3A, %dma_wait3A, %dma_wait3A_68] : memref<2x128x128xf32, #tpu.memory_space<vmem>> -> memref<1x128x128xf32, #tpu.memory_space<vmem>>
      %dma_wait3A_70 = tpu.memref_squeeze %dma_wait3A_69 : memref<1x128x128xf32, #tpu.memory_space<vmem>> -> memref<128x128xf32, #tpu.memory_space<vmem>>
      %dma_wait3A_71 = arith.constant 0 : i32
      %dma_wait3A_72 = arith.constant 0 : i32
      %dma_wait3A_73 = tpu.memref_slice %arg9[%run_scoped3A, %dma_wait3A_71, %dma_wait3A_72] : memref<2x128x128xf32, #tpu.memory_space<vmem>> -> memref<1x128x128xf32, #tpu.memory_space<vmem>>
      %dma_wait3A_74 = tpu.memref_squeeze %dma_wait3A_73 : memref<1x128x128xf32, #tpu.memory_space<vmem>> -> memref<128x128xf32, #tpu.memory_space<vmem>>
      tpu.wait_dma2 semaphore(%run_scoped3A_59 : memref<!tpu.dma_semaphore, #tpu.memory_space<semaphore_mem>>) src(%arg5 : memref<128x128xf32, #tpu.memory_space<hbm>>) dst(%dma_wait3A_74 : memref<128x128xf32, #tpu.memory_space<vmem>>)
      tpu.yield
    }) : () -> ()
    %mul3A_1 = arith.constant 640 : i32
    %mul3A_2 = arith.muli %arg1, %mul3A_1 : i32
    %add3A_3 = arith.constant 0 : i32
    %add3A_4 = arith.addi %mul3A_2, %add3A_3 : i32
    %run_scoped3A_5 = arith.constant 0 : i32
    "tpu.region"() ({
      %run_scoped3A_59 = tpu.sem_alloc : memref<!tpu.dma_semaphore, #tpu.memory_space<semaphore_mem>>
      %dma_start3A_60 = arith.constant 0 : i32
      %dma_start3A_61 = arith.constant 0 : i32
      %dma_start3A_62 = tpu.memref_slice %arg9[%run_scoped3A_5, %dma_start3A_60, %dma_start3A_61] : memref<2x128x128xf32, #tpu.memory_space<vmem>> -> memref<1x128x128xf32, #tpu.memory_space<vmem>>
      %dma_start3A_63 = tpu.memref_squeeze %dma_start3A_62 : memref<1x128x128xf32, #tpu.memory_space<vmem>> -> memref<128x128xf32, #tpu.memory_space<vmem>>
      %dma_start3A_64 = arith.constant 0 : i32
      %dma_start3A_65 = tpu.memref_slice %arg10[%add3A_4, %dma_start3A_64] : memref<10240x128xf32, #tpu.memory_space<vmem_shared>> -> memref<128x128xf32, #tpu.memory_space<vmem_shared>>
      %dma_start3A_66 = arith.constant 0 : i32
      %dma_start3A_67 = tpu.memref_slice %arg10[%add3A_4, %dma_start3A_66] : memref<10240x128xf32, #tpu.memory_space<vmem_shared>> -> memref<128x128xf32, #tpu.memory_space<vmem_shared>>
      %dma_start3A_68 = arith.constant 0 : i32
      %dma_start3A_69 = arith.constant 0 : i32
      %dma_start3A_70 = tpu.memref_slice %arg9[%run_scoped3A_5, %dma_start3A_68, %dma_start3A_69] : memref<2x128x128xf32, #tpu.memory_space<vmem>> -> memref<1x128x128xf32, #tpu.memory_space<vmem>>
      %dma_start3A_71 = tpu.memref_squeeze %dma_start3A_70 : memref<1x128x128xf32, #tpu.memory_space<vmem>> -> memref<128x128xf32, #tpu.memory_space<vmem>>
      tpu.enqueue_dma source(%dma_start3A_71 : memref<128x128xf32, #tpu.memory_space<vmem>>) target(%dma_start3A_67 : memref<128x128xf32, #tpu.memory_space<vmem_shared>>) target_semaphore(%run_scoped3A_59 : memref<!tpu.dma_semaphore, #tpu.memory_space<semaphore_mem>>)
      %dma_wait3A = arith.constant 0 : i32
      %dma_wait3A_72 = arith.constant 0 : i32
      %dma_wait3A_73 = tpu.memref_slice %arg9[%run_scoped3A_5, %dma_wait3A, %dma_wait3A_72] : memref<2x128x128xf32, #tpu.memory_space<vmem>> -> memref<1x128x128xf32, #tpu.memory_space<vmem>>
      %dma_wait3A_74 = tpu.memref_squeeze %dma_wait3A_73 : memref<1x128x128xf32, #tpu.memory_space<vmem>> -> memref<128x128xf32, #tpu.memory_space<vmem>>
      %dma_wait3A_75 = arith.constant 0 : i32
      %dma_wait3A_76 = tpu.memref_slice %arg10[%add3A_4, %dma_wait3A_75] : memref<10240x128xf32, #tpu.memory_space<vmem_shared>> -> memref<128x128xf32, #tpu.memory_space<vmem_shared>>
      %dma_wait3A_77 = arith.constant 0 : i32
      %dma_wait3A_78 = tpu.memref_slice %arg10[%add3A_4, %dma_wait3A_77] : memref<10240x128xf32, #tpu.memory_space<vmem_shared>> -> memref<128x128xf32, #tpu.memory_space<vmem_shared>>
      %dma_wait3A_79 = arith.constant 0 : i32
      %dma_wait3A_80 = arith.constant 0 : i32
      %dma_wait3A_81 = tpu.memref_slice %arg9[%run_scoped3A_5, %dma_wait3A_79, %dma_wait3A_80] : memref<2x128x128xf32, #tpu.memory_space<vmem>> -> memref<1x128x128xf32, #tpu.memory_space<vmem>>
      %dma_wait3A_82 = tpu.memref_squeeze %dma_wait3A_81 : memref<1x128x128xf32, #tpu.memory_space<vmem>> -> memref<128x128xf32, #tpu.memory_space<vmem>>
      tpu.wait_dma2 semaphore(%run_scoped3A_59 : memref<!tpu.dma_semaphore, #tpu.memory_space<semaphore_mem>>) src(%dma_wait3A_82 : memref<128x128xf32, #tpu.memory_space<vmem>>) dst(%dma_wait3A_78 : memref<128x128xf32, #tpu.memory_space<vmem_shared>>)
      tpu.yield
    }) : () -> ()
    %mul3A_6 = arith.constant 640 : i32
    %mul3A_7 = arith.muli %arg1, %mul3A_6 : i32
    %add3A_8 = arith.constant 128 : i32
    %add3A_9 = arith.addi %mul3A_7, %add3A_8 : i32
    %run_scoped3A_10 = arith.constant 0 : i32
    "tpu.region"() ({
      %run_scoped3A_59 = tpu.sem_alloc : memref<!tpu.dma_semaphore, #tpu.memory_space<semaphore_mem>>
      %dma_start3A_60 = arith.constant 0 : i32
      %dma_start3A_61 = arith.constant 0 : i32
      %dma_start3A_62 = tpu.memref_slice %arg9[%run_scoped3A_10, %dma_start3A_60, %dma_start3A_61] : memref<2x128x128xf32, #tpu.memory_space<vmem>> -> memref<1x128x128xf32, #tpu.memory_space<vmem>>
      %dma_start3A_63 = tpu.memref_squeeze %dma_start3A_62 : memref<1x128x128xf32, #tpu.memory_space<vmem>> -> memref<128x128xf32, #tpu.memory_space<vmem>>
      %dma_start3A_64 = arith.constant 0 : i32
      %dma_start3A_65 = tpu.memref_slice %arg10[%add3A_9, %dma_start3A_64] : memref<10240x128xf32, #tpu.memory_space<vmem_shared>> -> memref<128x128xf32, #tpu.memory_space<vmem_shared>>
      %dma_start3A_66 = arith.constant 0 : i32
      %dma_start3A_67 = tpu.memref_slice %arg10[%add3A_9, %dma_start3A_66] : memref<10240x128xf32, #tpu.memory_space<vmem_shared>> -> memref<128x128xf32, #tpu.memory_space<vmem_shared>>
      %dma_start3A_68 = arith.constant 0 : i32
      %dma_start3A_69 = arith.constant 0 : i32
      %dma_start3A_70 = tpu.memref_slice %arg9[%run_scoped3A_10, %dma_start3A_68, %dma_start3A_69] : memref<2x128x128xf32, #tpu.memory_space<vmem>> -> memref<1x128x128xf32, #tpu.memory_space<vmem>>
      %dma_start3A_71 = tpu.memref_squeeze %dma_start3A_70 : memref<1x128x128xf32, #tpu.memory_space<vmem>> -> memref<128x128xf32, #tpu.memory_space<vmem>>
      tpu.enqueue_dma source(%dma_start3A_71 : memref<128x128xf32, #tpu.memory_space<vmem>>) target(%dma_start3A_67 : memref<128x128xf32, #tpu.memory_space<vmem_shared>>) target_semaphore(%run_scoped3A_59 : memref<!tpu.dma_semaphore, #tpu.memory_space<semaphore_mem>>)
      %dma_wait3A = arith.constant 0 : i32
      %dma_wait3A_72 = arith.constant 0 : i32
      %dma_wait3A_73 = tpu.memref_slice %arg9[%run_scoped3A_10, %dma_wait3A, %dma_wait3A_72] : memref<2x128x128xf32, #tpu.memory_space<vmem>> -> memref<1x128x128xf32, #tpu.memory_space<vmem>>
      %dma_wait3A_74 = tpu.memref_squeeze %dma_wait3A_73 : memref<1x128x128xf32, #tpu.memory_space<vmem>> -> memref<128x128xf32, #tpu.memory_space<vmem>>
      %dma_wait3A_75 = arith.constant 0 : i32
      %dma_wait3A_76 = tpu.memref_slice %arg10[%add3A_9, %dma_wait3A_75] : memref<10240x128xf32, #tpu.memory_space<vmem_shared>> -> memref<128x128xf32, #tpu.memory_space<vmem_shared>>
      %dma_wait3A_77 = arith.constant 0 : i32
      %dma_wait3A_78 = tpu.memref_slice %arg10[%add3A_9, %dma_wait3A_77] : memref<10240x128xf32, #tpu.memory_space<vmem_shared>> -> memref<128x128xf32, #tpu.memory_space<vmem_shared>>
      %dma_wait3A_79 = arith.constant 0 : i32
      %dma_wait3A_80 = arith.constant 0 : i32
      %dma_wait3A_81 = tpu.memref_slice %arg9[%run_scoped3A_10, %dma_wait3A_79, %dma_wait3A_80] : memref<2x128x128xf32, #tpu.memory_space<vmem>> -> memref<1x128x128xf32, #tpu.memory_space<vmem>>
      %dma_wait3A_82 = tpu.memref_squeeze %dma_wait3A_81 : memref<1x128x128xf32, #tpu.memory_space<vmem>> -> memref<128x128xf32, #tpu.memory_space<vmem>>
      tpu.wait_dma2 semaphore(%run_scoped3A_59 : memref<!tpu.dma_semaphore, #tpu.memory_space<semaphore_mem>>) src(%dma_wait3A_82 : memref<128x128xf32, #tpu.memory_space<vmem>>) dst(%dma_wait3A_78 : memref<128x128xf32, #tpu.memory_space<vmem_shared>>)
      tpu.yield
    }) : () -> ()
    %mul3A_11 = arith.constant 640 : i32
    %mul3A_12 = arith.muli %arg1, %mul3A_11 : i32
    %add3A_13 = arith.constant 256 : i32
    %add3A_14 = arith.addi %mul3A_12, %add3A_13 : i32
    %run_scoped3A_15 = arith.constant 0 : i32
    "tpu.region"() ({
      %run_scoped3A_59 = tpu.sem_alloc : memref<!tpu.dma_semaphore, #tpu.memory_space<semaphore_mem>>
      %dma_start3A_60 = arith.constant 0 : i32
      %dma_start3A_61 = arith.constant 0 : i32
      %dma_start3A_62 = tpu.memref_slice %arg9[%run_scoped3A_15, %dma_start3A_60, %dma_start3A_61] : memref<2x128x128xf32, #tpu.memory_space<vmem>> -> memref<1x128x128xf32, #tpu.memory_space<vmem>>
      %dma_start3A_63 = tpu.memref_squeeze %dma_start3A_62 : memref<1x128x128xf32, #tpu.memory_space<vmem>> -> memref<128x128xf32, #tpu.memory_space<vmem>>
      %dma_start3A_64 = arith.constant 0 : i32
      %dma_start3A_65 = tpu.memref_slice %arg10[%add3A_14, %dma_start3A_64] : memref<10240x128xf32, #tpu.memory_space<vmem_shared>> -> memref<128x128xf32, #tpu.memory_space<vmem_shared>>
      %dma_start3A_66 = arith.constant 0 : i32
      %dma_start3A_67 = tpu.memref_slice %arg10[%add3A_14, %dma_start3A_66] : memref<10240x128xf32, #tpu.memory_space<vmem_shared>> -> memref<128x128xf32, #tpu.memory_space<vmem_shared>>
      %dma_start3A_68 = arith.constant 0 : i32
      %dma_start3A_69 = arith.constant 0 : i32
      %dma_start3A_70 = tpu.memref_slice %arg9[%run_scoped3A_15, %dma_start3A_68, %dma_start3A_69] : memref<2x128x128xf32, #tpu.memory_space<vmem>> -> memref<1x128x128xf32, #tpu.memory_space<vmem>>
      %dma_start3A_71 = tpu.memref_squeeze %dma_start3A_70 : memref<1x128x128xf32, #tpu.memory_space<vmem>> -> memref<128x128xf32, #tpu.memory_space<vmem>>
      tpu.enqueue_dma source(%dma_start3A_71 : memref<128x128xf32, #tpu.memory_space<vmem>>) target(%dma_start3A_67 : memref<128x128xf32, #tpu.memory_space<vmem_shared>>) target_semaphore(%run_scoped3A_59 : memref<!tpu.dma_semaphore, #tpu.memory_space<semaphore_mem>>)
      %dma_wait3A = arith.constant 0 : i32
      %dma_wait3A_72 = arith.constant 0 : i32
      %dma_wait3A_73 = tpu.memref_slice %arg9[%run_scoped3A_15, %dma_wait3A, %dma_wait3A_72] : memref<2x128x128xf32, #tpu.memory_space<vmem>> -> memref<1x128x128xf32, #tpu.memory_space<vmem>>
      %dma_wait3A_74 = tpu.memref_squeeze %dma_wait3A_73 : memref<1x128x128xf32, #tpu.memory_space<vmem>> -> memref<128x128xf32, #tpu.memory_space<vmem>>
      %dma_wait3A_75 = arith.constant 0 : i32
      %dma_wait3A_76 = tpu.memref_slice %arg10[%add3A_14, %dma_wait3A_75] : memref<10240x128xf32, #tpu.memory_space<vmem_shared>> -> memref<128x128xf32, #tpu.memory_space<vmem_shared>>
      %dma_wait3A_77 = arith.constant 0 : i32
      %dma_wait3A_78 = tpu.memref_slice %arg10[%add3A_14, %dma_wait3A_77] : memref<10240x128xf32, #tpu.memory_space<vmem_shared>> -> memref<128x128xf32, #tpu.memory_space<vmem_shared>>
      %dma_wait3A_79 = arith.constant 0 : i32
      %dma_wait3A_80 = arith.constant 0 : i32
      %dma_wait3A_81 = tpu.memref_slice %arg9[%run_scoped3A_15, %dma_wait3A_79, %dma_wait3A_80] : memref<2x128x128xf32, #tpu.memory_space<vmem>> -> memref<1x128x128xf32, #tpu.memory_space<vmem>>
      %dma_wait3A_82 = tpu.memref_squeeze %dma_wait3A_81 : memref<1x128x128xf32, #tpu.memory_space<vmem>> -> memref<128x128xf32, #tpu.memory_space<vmem>>
      tpu.wait_dma2 semaphore(%run_scoped3A_59 : memref<!tpu.dma_semaphore, #tpu.memory_space<semaphore_mem>>) src(%dma_wait3A_82 : memref<128x128xf32, #tpu.memory_space<vmem>>) dst(%dma_wait3A_78 : memref<128x128xf32, #tpu.memory_space<vmem_shared>>)
      tpu.yield
    }) : () -> ()
    %mul3A_16 = arith.constant 640 : i32
    %mul3A_17 = arith.muli %arg1, %mul3A_16 : i32
    %add3A_18 = arith.constant 384 : i32
    %add3A_19 = arith.addi %mul3A_17, %add3A_18 : i32
    %run_scoped3A_20 = arith.constant 0 : i32
    "tpu.region"() ({
      %run_scoped3A_59 = tpu.sem_alloc : memref<!tpu.dma_semaphore, #tpu.memory_space<semaphore_mem>>
      %dma_start3A_60 = arith.constant 0 : i32
      %dma_start3A_61 = arith.constant 0 : i32
      %dma_start3A_62 = tpu.memref_slice %arg9[%run_scoped3A_20, %dma_start3A_60, %dma_start3A_61] : memref<2x128x128xf32, #tpu.memory_space<vmem>> -> memref<1x128x128xf32, #tpu.memory_space<vmem>>
      %dma_start3A_63 = tpu.memref_squeeze %dma_start3A_62 : memref<1x128x128xf32, #tpu.memory_space<vmem>> -> memref<128x128xf32, #tpu.memory_space<vmem>>
      %dma_start3A_64 = arith.constant 0 : i32
      %dma_start3A_65 = tpu.memref_slice %arg10[%add3A_19, %dma_start3A_64] : memref<10240x128xf32, #tpu.memory_space<vmem_shared>> -> memref<128x128xf32, #tpu.memory_space<vmem_shared>>
      %dma_start3A_66 = arith.constant 0 : i32
      %dma_start3A_67 = tpu.memref_slice %arg10[%add3A_19, %dma_start3A_66] : memref<10240x128xf32, #tpu.memory_space<vmem_shared>> -> memref<128x128xf32, #tpu.memory_space<vmem_shared>>
      %dma_start3A_68 = arith.constant 0 : i32
      %dma_start3A_69 = arith.constant 0 : i32
      %dma_start3A_70 = tpu.memref_slice %arg9[%run_scoped3A_20, %dma_start3A_68, %dma_start3A_69] : memref<2x128x128xf32, #tpu.memory_space<vmem>> -> memref<1x128x128xf32, #tpu.memory_space<vmem>>
      %dma_start3A_71 = tpu.memref_squeeze %dma_start3A_70 : memref<1x128x128xf32, #tpu.memory_space<vmem>> -> memref<128x128xf32, #tpu.memory_space<vmem>>
      tpu.enqueue_dma source(%dma_start3A_71 : memref<128x128xf32, #tpu.memory_space<vmem>>) target(%dma_start3A_67 : memref<128x128xf32, #tpu.memory_space<vmem_shared>>) target_semaphore(%run_scoped3A_59 : memref<!tpu.dma_semaphore, #tpu.memory_space<semaphore_mem>>)
      %dma_wait3A = arith.constant 0 : i32
      %dma_wait3A_72 = arith.constant 0 : i32
      %dma_wait3A_73 = tpu.memref_slice %arg9[%run_scoped3A_20, %dma_wait3A, %dma_wait3A_72] : memref<2x128x128xf32, #tpu.memory_space<vmem>> -> memref<1x128x128xf32, #tpu.memory_space<vmem>>
      %dma_wait3A_74 = tpu.memref_squeeze %dma_wait3A_73 : memref<1x128x128xf32, #tpu.memory_space<vmem>> -> memref<128x128xf32, #tpu.memory_space<vmem>>
      %dma_wait3A_75 = arith.constant 0 : i32
      %dma_wait3A_76 = tpu.memref_slice %arg10[%add3A_19, %dma_wait3A_75] : memref<10240x128xf32, #tpu.memory_space<vmem_shared>> -> memref<128x128xf32, #tpu.memory_space<vmem_shared>>
      %dma_wait3A_77 = arith.constant 0 : i32
      %dma_wait3A_78 = tpu.memref_slice %arg10[%add3A_19, %dma_wait3A_77] : memref<10240x128xf32, #tpu.memory_space<vmem_shared>> -> memref<128x128xf32, #tpu.memory_space<vmem_shared>>
      %dma_wait3A_79 = arith.constant 0 : i32
      %dma_wait3A_80 = arith.constant 0 : i32
      %dma_wait3A_81 = tpu.memref_slice %arg9[%run_scoped3A_20, %dma_wait3A_79, %dma_wait3A_80] : memref<2x128x128xf32, #tpu.memory_space<vmem>> -> memref<1x128x128xf32, #tpu.memory_space<vmem>>
      %dma_wait3A_82 = tpu.memref_squeeze %dma_wait3A_81 : memref<1x128x128xf32, #tpu.memory_space<vmem>> -> memref<128x128xf32, #tpu.memory_space<vmem>>
      tpu.wait_dma2 semaphore(%run_scoped3A_59 : memref<!tpu.dma_semaphore, #tpu.memory_space<semaphore_mem>>) src(%dma_wait3A_82 : memref<128x128xf32, #tpu.memory_space<vmem>>) dst(%dma_wait3A_78 : memref<128x128xf32, #tpu.memory_space<vmem_shared>>)
      tpu.yield
    }) : () -> ()
    %mul3A_21 = arith.constant 640 : i32
    %mul3A_22 = arith.muli %arg1, %mul3A_21 : i32
    %add3A_23 = arith.constant 512 : i32
    %add3A_24 = arith.addi %mul3A_22, %add3A_23 : i32
    %run_scoped3A_25 = arith.constant 0 : i32
    "tpu.region"() ({
      %run_scoped3A_59 = tpu.sem_alloc : memref<!tpu.dma_semaphore, #tpu.memory_space<semaphore_mem>>
      %dma_start3A_60 = arith.constant 0 : i32
      %dma_start3A_61 = arith.constant 0 : i32
      %dma_start3A_62 = tpu.memref_slice %arg9[%run_scoped3A_25, %dma_start3A_60, %dma_start3A_61] : memref<2x128x128xf32, #tpu.memory_space<vmem>> -> memref<1x128x128xf32, #tpu.memory_space<vmem>>
      %dma_start3A_63 = tpu.memref_squeeze %dma_start3A_62 : memref<1x128x128xf32, #tpu.memory_space<vmem>> -> memref<128x128xf32, #tpu.memory_space<vmem>>
      %dma_start3A_64 = arith.constant 0 : i32
      %dma_start3A_65 = tpu.memref_slice %arg10[%add3A_24, %dma_start3A_64] : memref<10240x128xf32, #tpu.memory_space<vmem_shared>> -> memref<128x128xf32, #tpu.memory_space<vmem_shared>>
      %dma_start3A_66 = arith.constant 0 : i32
      %dma_start3A_67 = tpu.memref_slice %arg10[%add3A_24, %dma_start3A_66] : memref<10240x128xf32, #tpu.memory_space<vmem_shared>> -> memref<128x128xf32, #tpu.memory_space<vmem_shared>>
      %dma_start3A_68 = arith.constant 0 : i32
      %dma_start3A_69 = arith.constant 0 : i32
      %dma_start3A_70 = tpu.memref_slice %arg9[%run_scoped3A_25, %dma_start3A_68, %dma_start3A_69] : memref<2x128x128xf32, #tpu.memory_space<vmem>> -> memref<1x128x128xf32, #tpu.memory_space<vmem>>
      %dma_start3A_71 = tpu.memref_squeeze %dma_start3A_70 : memref<1x128x128xf32, #tpu.memory_space<vmem>> -> memref<128x128xf32, #tpu.memory_space<vmem>>
      tpu.enqueue_dma source(%dma_start3A_71 : memref<128x128xf32, #tpu.memory_space<vmem>>) target(%dma_start3A_67 : memref<128x128xf32, #tpu.memory_space<vmem_shared>>) target_semaphore(%run_scoped3A_59 : memref<!tpu.dma_semaphore, #tpu.memory_space<semaphore_mem>>)
      %dma_wait3A = arith.constant 0 : i32
      %dma_wait3A_72 = arith.constant 0 : i32
      %dma_wait3A_73 = tpu.memref_slice %arg9[%run_scoped3A_25, %dma_wait3A, %dma_wait3A_72] : memref<2x128x128xf32, #tpu.memory_space<vmem>> -> memref<1x128x128xf32, #tpu.memory_space<vmem>>
      %dma_wait3A_74 = tpu.memref_squeeze %dma_wait3A_73 : memref<1x128x128xf32, #tpu.memory_space<vmem>> -> memref<128x128xf32, #tpu.memory_space<vmem>>
      %dma_wait3A_75 = arith.constant 0 : i32
      %dma_wait3A_76 = tpu.memref_slice %arg10[%add3A_24, %dma_wait3A_75] : memref<10240x128xf32, #tpu.memory_space<vmem_shared>> -> memref<128x128xf32, #tpu.memory_space<vmem_shared>>
      %dma_wait3A_77 = arith.constant 0 : i32
      %dma_wait3A_78 = tpu.memref_slice %arg10[%add3A_24, %dma_wait3A_77] : memref<10240x128xf32, #tpu.memory_space<vmem_shared>> -> memref<128x128xf32, #tpu.memory_space<vmem_shared>>
      %dma_wait3A_79 = arith.constant 0 : i32
      %dma_wait3A_80 = arith.constant 0 : i32
      %dma_wait3A_81 = tpu.memref_slice %arg9[%run_scoped3A_25, %dma_wait3A_79, %dma_wait3A_80] : memref<2x128x128xf32, #tpu.memory_space<vmem>> -> memref<1x128x128xf32, #tpu.memory_space<vmem>>
      %dma_wait3A_82 = tpu.memref_squeeze %dma_wait3A_81 : memref<1x128x128xf32, #tpu.memory_space<vmem>> -> memref<128x128xf32, #tpu.memory_space<vmem>>
      tpu.wait_dma2 semaphore(%run_scoped3A_59 : memref<!tpu.dma_semaphore, #tpu.memory_space<semaphore_mem>>) src(%dma_wait3A_82 : memref<128x128xf32, #tpu.memory_space<vmem>>) dst(%dma_wait3A_78 : memref<128x128xf32, #tpu.memory_space<vmem_shared>>)
      tpu.yield
    }) : () -> ()
    %barrier3A = arith.constant 0 : index
    tpu.barrier barrier_id(%barrier3A)
    %dma_start3A = arith.constant 0 : i32
    %dma_start3A_26 = arith.constant 0 : i32
    %dma_start3A_27 = arith.constant 0 : i32
    %dma_start3A_28 = arith.constant 0 : i32
    %dma_start3A_29 = tpu.memref_slice %arg9[%dma_start3A_26, %dma_start3A_27, %dma_start3A_28] : memref<2x128x128xf32, #tpu.memory_space<vmem>> -> memref<1x128x128xf32, #tpu.memory_space<vmem>>
    %dma_start3A_30 = tpu.memref_squeeze %dma_start3A_29 : memref<1x128x128xf32, #tpu.memory_space<vmem>> -> memref<128x128xf32, #tpu.memory_space<vmem>>
    %dma_start3A_31 = arith.constant 0 : i32
    %dma_start3A_32 = tpu.memref_slice %arg7[%dma_start3A, %dma_start3A_31] : memref<80x128xi32, #tpu.memory_space<vmem>> -> memref<1x128xi32, #tpu.memory_space<vmem>>
    %dma_start3A_33 = tpu.memref_squeeze %dma_start3A_32 : memref<1x128xi32, #tpu.memory_space<vmem>> -> memref<128xi32, #tpu.memory_space<vmem>>
    %dma_start3A_34 = arith.constant 0 : i32
    %dma_start3A_35 = arith.constant 0 : i32
    %dma_start3A_36 = tpu.memref_slice %arg2[%dma_start3A_34, %dma_start3A_35] : memref<10000x128xf32, #tpu.memory_space<hbm>> -> memref<10000x128xf32, #tpu.memory_space<hbm>>
    tpu.enqueue_indirect_dma source(%dma_start3A_36 : memref<10000x128xf32, #tpu.memory_space<hbm>>) target(%dma_start3A_30 : memref<128x128xf32, #tpu.memory_space<vmem>>) offsets(%dma_start3A_33 : memref<128xi32, #tpu.memory_space<vmem>>) semaphore(%arg11 : memref<!tpu.dma_semaphore, #tpu.memory_space<semaphore_mem>>)
    %dma_start3A_37 = arith.constant 1 : i32
    %dma_start3A_38 = arith.constant 1 : i32
    %dma_start3A_39 = arith.constant 0 : i32
    %dma_start3A_40 = arith.constant 0 : i32
    %dma_start3A_41 = tpu.memref_slice %arg9[%dma_start3A_38, %dma_start3A_39, %dma_start3A_40] : memref<2x128x128xf32, #tpu.memory_space<vmem>> -> memref<1x128x128xf32, #tpu.memory_space<vmem>>
    %dma_start3A_42 = tpu.memref_squeeze %dma_start3A_41 : memref<1x128x128xf32, #tpu.memory_space<vmem>> -> memref<128x128xf32, #tpu.memory_space<vmem>>
    %dma_start3A_43 = arith.constant 0 : i32
    %dma_start3A_44 = tpu.memref_slice %arg7[%dma_start3A_37, %dma_start3A_43] : memref<80x128xi32, #tpu.memory_space<vmem>> -> memref<1x128xi32, #tpu.memory_space<vmem>>
    %dma_start3A_45 = tpu.memref_squeeze %dma_start3A_44 : memref<1x128xi32, #tpu.memory_space<vmem>> -> memref<128xi32, #tpu.memory_space<vmem>>
    %dma_start3A_46 = arith.constant 0 : i32
    %dma_start3A_47 = arith.constant 0 : i32
    %dma_start3A_48 = tpu.memref_slice %arg2[%dma_start3A_46, %dma_start3A_47] : memref<10000x128xf32, #tpu.memory_space<hbm>> -> memref<10000x128xf32, #tpu.memory_space<hbm>>
    tpu.enqueue_indirect_dma source(%dma_start3A_48 : memref<10000x128xf32, #tpu.memory_space<hbm>>) target(%dma_start3A_42 : memref<128x128xf32, #tpu.memory_space<vmem>>) offsets(%dma_start3A_45 : memref<128xi32, #tpu.memory_space<vmem>>) semaphore(%arg11 : memref<!tpu.dma_semaphore, #tpu.memory_space<semaphore_mem>>)
    %scan3A = arith.constant 0 : i32
    %scan3A_49 = arith.constant 0 : i32
    %scan3A_50 = arith.constant 5 : i32
    %scan3A_51 = arith.addi %scan3A_49, %scan3A_50 : i32
    %scan3A_52 = arith.constant 1 : i32
    scf.for %scan3A_59 = %scan3A_49 to %scan3A_51 step %scan3A_52  : i32 {
      %mul3A_60 = arith.constant 16 : i32
      %mul3A_61 = arith.muli %scan3A_59, %mul3A_60 : i32
      "tpu.region"() ({
        %run_scoped3A_442 = tpu.sem_alloc : memref<!tpu.dma_semaphore, #tpu.memory_space<semaphore_mem>>
        %dma_start3A_443 = arith.constant 0 : i32
        %dma_start3A_444 = tpu.memref_slice %arg4[%add3A, %mul3A_61, %dma_start3A_443] : memref<32x80x128xi32, #tpu.memory_space<hbm>> -> memref<1x16x128xi32, #tpu.memory_space<hbm>>
        %dma_start3A_445 = tpu.memref_squeeze %dma_start3A_444 : memref<1x16x128xi32, #tpu.memory_space<hbm>> -> memref<16x128xi32, #tpu.memory_space<hbm>>
        %dma_start3A_446 = arith.constant 0 : i32
        %dma_start3A_447 = tpu.memref_slice %arg4[%add3A, %mul3A_61, %dma_start3A_446] : memref<32x80x128xi32, #tpu.memory_space<hbm>> -> memref<1x16x128xi32, #tpu.memory_space<hbm>>
        %dma_start3A_448 = tpu.memref_squeeze %dma_start3A_447 : memref<1x16x128xi32, #tpu.memory_space<hbm>> -> memref<16x128xi32, #tpu.memory_space<hbm>>
        tpu.enqueue_dma source(%dma_start3A_448 : memref<16x128xi32, #tpu.memory_space<hbm>>) target(%arg8 : memref<16x128xi32, #tpu.memory_space<vmem>>) target_semaphore(%run_scoped3A_442 : memref<!tpu.dma_semaphore, #tpu.memory_space<semaphore_mem>>)
        %dma_wait3A_449 = arith.constant 0 : i32
        %dma_wait3A_450 = tpu.memref_slice %arg4[%add3A, %mul3A_61, %dma_wait3A_449] : memref<32x80x128xi32, #tpu.memory_space<hbm>> -> memref<1x16x128xi32, #tpu.memory_space<hbm>>
        %dma_wait3A_451 = tpu.memref_squeeze %dma_wait3A_450 : memref<1x16x128xi32, #tpu.memory_space<hbm>> -> memref<16x128xi32, #tpu.memory_space<hbm>>
        %dma_wait3A_452 = arith.constant 0 : i32
        %dma_wait3A_453 = tpu.memref_slice %arg4[%add3A, %mul3A_61, %dma_wait3A_452] : memref<32x80x128xi32, #tpu.memory_space<hbm>> -> memref<1x16x128xi32, #tpu.memory_space<hbm>>
        %dma_wait3A_454 = tpu.memref_squeeze %dma_wait3A_453 : memref<1x16x128xi32, #tpu.memory_space<hbm>> -> memref<16x128xi32, #tpu.memory_space<hbm>>
        tpu.wait_dma2 semaphore(%run_scoped3A_442 : memref<!tpu.dma_semaphore, #tpu.memory_space<semaphore_mem>>) src(%dma_wait3A_454 : memref<16x128xi32, #tpu.memory_space<hbm>>) dst(%arg8 : memref<16x128xi32, #tpu.memory_space<vmem>>)
        tpu.yield
      }) : () -> ()
      %mul3A_62 = arith.constant 16 : i32
      %mul3A_63 = arith.muli %scan3A_59, %mul3A_62 : i32
      %add3A_64 = arith.constant 0 : i32
      %add3A_65 = arith.addi %mul3A_63, %add3A_64 : i32
      %dma_wait3A = arith.constant 0 : i32
      %dma_wait3A_66 = arith.constant 0 : i32
      %dma_wait3A_67 = arith.constant 0 : i32
      %dma_wait3A_68 = tpu.memref_slice %arg9[%dma_wait3A, %dma_wait3A_66, %dma_wait3A_67] : memref<2x128x128xf32, #tpu.memory_space<vmem>> -> memref<1x128x128xf32, #tpu.memory_space<vmem>>
      %dma_wait3A_69 = tpu.memref_squeeze %dma_wait3A_68 : memref<1x128x128xf32, #tpu.memory_space<vmem>> -> memref<128x128xf32, #tpu.memory_space<vmem>>
      %dma_wait3A_70 = arith.constant 0 : i32
      %dma_wait3A_71 = tpu.memref_slice %arg7[%add3A_65, %dma_wait3A_70] : memref<80x128xi32, #tpu.memory_space<vmem>> -> memref<1x128xi32, #tpu.memory_space<vmem>>
      %dma_wait3A_72 = tpu.memref_squeeze %dma_wait3A_71 : memref<1x128xi32, #tpu.memory_space<vmem>> -> memref<128xi32, #tpu.memory_space<vmem>>
      %dma_wait3A_73 = arith.constant 0 : i32
      %dma_wait3A_74 = arith.constant 0 : i32
      %dma_wait3A_75 = tpu.memref_slice %arg2[%dma_wait3A_73, %dma_wait3A_74] : memref<10000x128xf32, #tpu.memory_space<hbm>> -> memref<10000x128xf32, #tpu.memory_space<hbm>>
      tpu.wait_indirect_dma semaphore(%arg11 : memref<!tpu.dma_semaphore, #tpu.memory_space<semaphore_mem>>) src(%dma_wait3A_75 : memref<10000x128xf32, #tpu.memory_space<hbm>>) dst(%dma_wait3A_69 : memref<128x128xf32, #tpu.memory_space<vmem>>)
      %run_scoped3A_76 = arith.constant 0 : i32
      %run_scoped3A_77 = arith.constant 0 : i32
      "tpu.region"() ({
        %run_scoped3A_442 = tpu.sem_alloc : memref<!tpu.dma_semaphore, #tpu.memory_space<semaphore_mem>>
        %dma_start3A_443 = arith.constant 0 : i32
        %dma_start3A_444 = arith.constant 0 : i32
        %dma_start3A_445 = tpu.memref_slice %arg9[%run_scoped3A_76, %dma_start3A_443, %dma_start3A_444] : memref<2x128x128xf32, #tpu.memory_space<vmem>> -> memref<1x128x128xf32, #tpu.memory_space<vmem>>
        %dma_start3A_446 = tpu.memref_squeeze %dma_start3A_445 : memref<1x128x128xf32, #tpu.memory_space<vmem>> -> memref<128x128xf32, #tpu.memory_space<vmem>>
        %dma_start3A_447 = arith.constant 0 : i32
        %dma_start3A_448 = tpu.memref_slice %arg8[%run_scoped3A_77, %dma_start3A_447] : memref<16x128xi32, #tpu.memory_space<vmem>> -> memref<1x128xi32, #tpu.memory_space<vmem>>
        %dma_start3A_449 = tpu.memref_squeeze %dma_start3A_448 : memref<1x128xi32, #tpu.memory_space<vmem>> -> memref<128xi32, #tpu.memory_space<vmem>>
        %dma_start3A_450 = arith.constant 0 : i32
        %dma_start3A_451 = arith.constant 0 : i32
        %dma_start3A_452 = tpu.memref_slice %arg10[%dma_start3A_450, %dma_start3A_451] : memref<10240x128xf32, #tpu.memory_space<vmem_shared>> -> memref<10240x128xf32, #tpu.memory_space<vmem_shared>>
        tpu.enqueue_indirect_dma source(%dma_start3A_446 : memref<128x128xf32, #tpu.memory_space<vmem>>) target(%dma_start3A_452 : memref<10240x128xf32, #tpu.memory_space<vmem_shared>>) offsets(%dma_start3A_449 : memref<128xi32, #tpu.memory_space<vmem>>) semaphore(%run_scoped3A_442 : memref<!tpu.dma_semaphore, #tpu.memory_space<semaphore_mem>>) {add = true}
        %dma_wait3A_453 = arith.constant 0 : i32
        %dma_wait3A_454 = arith.constant 0 : i32
        %dma_wait3A_455 = tpu.memref_slice %arg9[%run_scoped3A_76, %dma_wait3A_453, %dma_wait3A_454] : memref<2x128x128xf32, #tpu.memory_space<vmem>> -> memref<1x128x128xf32, #tpu.memory_space<vmem>>
        %dma_wait3A_456 = tpu.memref_squeeze %dma_wait3A_455 : memref<1x128x128xf32, #tpu.memory_space<vmem>> -> memref<128x128xf32, #tpu.memory_space<vmem>>
        %dma_wait3A_457 = arith.constant 0 : i32
        %dma_wait3A_458 = tpu.memref_slice %arg8[%run_scoped3A_77, %dma_wait3A_457] : memref<16x128xi32, #tpu.memory_space<vmem>> -> memref<1x128xi32, #tpu.memory_space<vmem>>
        %dma_wait3A_459 = tpu.memref_squeeze %dma_wait3A_458 : memref<1x128xi32, #tpu.memory_space<vmem>> -> memref<128xi32, #tpu.memory_space<vmem>>
        %dma_wait3A_460 = arith.constant 0 : i32
        %dma_wait3A_461 = arith.constant 0 : i32
        %dma_wait3A_462 = tpu.memref_slice %arg10[%dma_wait3A_460, %dma_wait3A_461] : memref<10240x128xf32, #tpu.memory_space<vmem_shared>> -> memref<10240x128xf32, #tpu.memory_space<vmem_shared>>
        tpu.wait_indirect_dma semaphore(%run_scoped3A_442 : memref<!tpu.dma_semaphore, #tpu.memory_space<semaphore_mem>>) src(%dma_wait3A_456 : memref<128x128xf32, #tpu.memory_space<vmem>>) dst(%dma_wait3A_462 : memref<10240x128xf32, #tpu.memory_space<vmem_shared>>)
        tpu.yield
      }) : () -> ()
      %add3A_78 = arith.constant 2 : i32
      %add3A_79 = arith.addi %add3A_65, %add3A_78 : i32
      %lt3A = arith.constant 80 : i32
      %lt3A_80 = arith.cmpi slt, %add3A_79, %lt3A : i32
      %convert_element_type3A = arith.extui %lt3A_80 : i1 to i32
      %cond3A = arith.constant 0 : i32
      %cond3A_81 = arith.cmpi ne, %convert_element_type3A, %cond3A : i32
      scf.if %cond3A_81 {
        %add3A_442 = arith.constant 2 : i32
        %add3A_443 = arith.addi %add3A_65, %add3A_442 : i32
        %dma_start3A_444 = arith.constant 0 : i32
        %dma_start3A_445 = arith.constant 0 : i32
        %dma_start3A_446 = arith.constant 0 : i32
        %dma_start3A_447 = tpu.memref_slice %arg9[%dma_start3A_444, %dma_start3A_445, %dma_start3A_446] : memref<2x128x128xf32, #tpu.memory_space<vmem>> -> memref<1x128x128xf32, #tpu.memory_space<vmem>>
        %dma_start3A_448 = tpu.memref_squeeze %dma_start3A_447 : memref<1x128x128xf32, #tpu.memory_space<vmem>> -> memref<128x128xf32, #tpu.memory_space<vmem>>
        %dma_start3A_449 = arith.constant 0 : i32
        %dma_start3A_450 = tpu.memref_slice %arg7[%add3A_443, %dma_start3A_449] : memref<80x128xi32, #tpu.memory_space<vmem>> -> memref<1x128xi32, #tpu.memory_space<vmem>>
        %dma_start3A_451 = tpu.memref_squeeze %dma_start3A_450 : memref<1x128xi32, #tpu.memory_space<vmem>> -> memref<128xi32, #tpu.memory_space<vmem>>
        %dma_start3A_452 = arith.constant 0 : i32
        %dma_start3A_453 = arith.constant 0 : i32
        %dma_start3A_454 = tpu.memref_slice %arg2[%dma_start3A_452, %dma_start3A_453] : memref<10000x128xf32, #tpu.memory_space<hbm>> -> memref<10000x128xf32, #tpu.memory_space<hbm>>
        tpu.enqueue_indirect_dma source(%dma_start3A_454 : memref<10000x128xf32, #tpu.memory_space<hbm>>) target(%dma_start3A_448 : memref<128x128xf32, #tpu.memory_space<vmem>>) offsets(%dma_start3A_451 : memref<128xi32, #tpu.memory_space<vmem>>) semaphore(%arg11 : memref<!tpu.dma_semaphore, #tpu.memory_space<semaphore_mem>>)
      } else {
      }
      %mul3A_82 = arith.constant 16 : i32
      %mul3A_83 = arith.muli %scan3A_59, %mul3A_82 : i32
      %add3A_84 = arith.constant 1 : i32
      %add3A_85 = arith.addi %mul3A_83, %add3A_84 : i32
      %dma_wait3A_86 = arith.constant 1 : i32
      %dma_wait3A_87 = arith.constant 0 : i32
      %dma_wait3A_88 = arith.constant 0 : i32
      %dma_wait3A_89 = tpu.memref_slice %arg9[%dma_wait3A_86, %dma_wait3A_87, %dma_wait3A_88] : memref<2x128x128xf32, #tpu.memory_space<vmem>> -> memref<1x128x128xf32, #tpu.memory_space<vmem>>
      %dma_wait3A_90 = tpu.memref_squeeze %dma_wait3A_89 : memref<1x128x128xf32, #tpu.memory_space<vmem>> -> memref<128x128xf32, #tpu.memory_space<vmem>>
      %dma_wait3A_91 = arith.constant 0 : i32
      %dma_wait3A_92 = tpu.memref_slice %arg7[%add3A_85, %dma_wait3A_91] : memref<80x128xi32, #tpu.memory_space<vmem>> -> memref<1x128xi32, #tpu.memory_space<vmem>>
      %dma_wait3A_93 = tpu.memref_squeeze %dma_wait3A_92 : memref<1x128xi32, #tpu.memory_space<vmem>> -> memref<128xi32, #tpu.memory_space<vmem>>
      %dma_wait3A_94 = arith.constant 0 : i32
      %dma_wait3A_95 = arith.constant 0 : i32
      %dma_wait3A_96 = tpu.memref_slice %arg2[%dma_wait3A_94, %dma_wait3A_95] : memref<10000x128xf32, #tpu.memory_space<hbm>> -> memref<10000x128xf32, #tpu.memory_space<hbm>>
      tpu.wait_indirect_dma semaphore(%arg11 : memref<!tpu.dma_semaphore, #tpu.memory_space<semaphore_mem>>) src(%dma_wait3A_96 : memref<10000x128xf32, #tpu.memory_space<hbm>>) dst(%dma_wait3A_90 : memref<128x128xf32, #tpu.memory_space<vmem>>)
      %run_scoped3A_97 = arith.constant 1 : i32
      %run_scoped3A_98 = arith.constant 1 : i32
      "tpu.region"() ({
        %run_scoped3A_442 = tpu.sem_alloc : memref<!tpu.dma_semaphore, #tpu.memory_space<semaphore_mem>>
        %dma_start3A_443 = arith.constant 0 : i32
        %dma_start3A_444 = arith.constant 0 : i32
        %dma_start3A_445 = tpu.memref_slice %arg9[%run_scoped3A_97, %dma_start3A_443, %dma_start3A_444] : memref<2x128x128xf32, #tpu.memory_space<vmem>> -> memref<1x128x128xf32, #tpu.memory_space<vmem>>
        %dma_start3A_446 = tpu.memref_squeeze %dma_start3A_445 : memref<1x128x128xf32, #tpu.memory_space<vmem>> -> memref<128x128xf32, #tpu.memory_space<vmem>>
        %dma_start3A_447 = arith.constant 0 : i32
        %dma_start3A_448 = tpu.memref_slice %arg8[%run_scoped3A_98, %dma_start3A_447] : memref<16x128xi32, #tpu.memory_space<vmem>> -> memref<1x128xi32, #tpu.memory_space<vmem>>
        %dma_start3A_449 = tpu.memref_squeeze %dma_start3A_448 : memref<1x128xi32, #tpu.memory_space<vmem>> -> memref<128xi32, #tpu.memory_space<vmem>>
        %dma_start3A_450 = arith.constant 0 : i32
        %dma_start3A_451 = arith.constant 0 : i32
        %dma_start3A_452 = tpu.memref_slice %arg10[%dma_start3A_450, %dma_start3A_451] : memref<10240x128xf32, #tpu.memory_space<vmem_shared>> -> memref<10240x128xf32, #tpu.memory_space<vmem_shared>>
        tpu.enqueue_indirect_dma source(%dma_start3A_446 : memref<128x128xf32, #tpu.memory_space<vmem>>) target(%dma_start3A_452 : memref<10240x128xf32, #tpu.memory_space<vmem_shared>>) offsets(%dma_start3A_449 : memref<128xi32, #tpu.memory_space<vmem>>) semaphore(%run_scoped3A_442 : memref<!tpu.dma_semaphore, #tpu.memory_space<semaphore_mem>>) {add = true}
        %dma_wait3A_453 = arith.constant 0 : i32
        %dma_wait3A_454 = arith.constant 0 : i32
        %dma_wait3A_455 = tpu.memref_slice %arg9[%run_scoped3A_97, %dma_wait3A_453, %dma_wait3A_454] : memref<2x128x128xf32, #tpu.memory_space<vmem>> -> memref<1x128x128xf32, #tpu.memory_space<vmem>>
        %dma_wait3A_456 = tpu.memref_squeeze %dma_wait3A_455 : memref<1x128x128xf32, #tpu.memory_space<vmem>> -> memref<128x128xf32, #tpu.memory_space<vmem>>
        %dma_wait3A_457 = arith.constant 0 : i32
        %dma_wait3A_458 = tpu.memref_slice %arg8[%run_scoped3A_98, %dma_wait3A_457] : memref<16x128xi32, #tpu.memory_space<vmem>> -> memref<1x128xi32, #tpu.memory_space<vmem>>
        %dma_wait3A_459 = tpu.memref_squeeze %dma_wait3A_458 : memref<1x128xi32, #tpu.memory_space<vmem>> -> memref<128xi32, #tpu.memory_space<vmem>>
        %dma_wait3A_460 = arith.constant 0 : i32
        %dma_wait3A_461 = arith.constant 0 : i32
        %dma_wait3A_462 = tpu.memref_slice %arg10[%dma_wait3A_460, %dma_wait3A_461] : memref<10240x128xf32, #tpu.memory_space<vmem_shared>> -> memref<10240x128xf32, #tpu.memory_space<vmem_shared>>
        tpu.wait_indirect_dma semaphore(%run_scoped3A_442 : memref<!tpu.dma_semaphore, #tpu.memory_space<semaphore_mem>>) src(%dma_wait3A_456 : memref<128x128xf32, #tpu.memory_space<vmem>>) dst(%dma_wait3A_462 : memref<10240x128xf32, #tpu.memory_space<vmem_shared>>)
        tpu.yield
      }) : () -> ()
      %add3A_99 = arith.constant 2 : i32
      %add3A_100 = arith.addi %add3A_85, %add3A_99 : i32
      %lt3A_101 = arith.constant 80 : i32
      %lt3A_102 = arith.cmpi slt, %add3A_100, %lt3A_101 : i32
      %convert_element_type3A_103 = arith.extui %lt3A_102 : i1 to i32
      %cond3A_104 = arith.constant 0 : i32
      %cond3A_105 = arith.cmpi ne, %convert_element_type3A_103, %cond3A_104 : i32
      scf.if %cond3A_105 {
        %add3A_442 = arith.constant 2 : i32
        %add3A_443 = arith.addi %add3A_85, %add3A_442 : i32
        %dma_start3A_444 = arith.constant 1 : i32
        %dma_start3A_445 = arith.constant 0 : i32
        %dma_start3A_446 = arith.constant 0 : i32
        %dma_start3A_447 = tpu.memref_slice %arg9[%dma_start3A_444, %dma_start3A_445, %dma_start3A_446] : memref<2x128x128xf32, #tpu.memory_space<vmem>> -> memref<1x128x128xf32, #tpu.memory_space<vmem>>
        %dma_start3A_448 = tpu.memref_squeeze %dma_start3A_447 : memref<1x128x128xf32, #tpu.memory_space<vmem>> -> memref<128x128xf32, #tpu.memory_space<vmem>>
        %dma_start3A_449 = arith.constant 0 : i32
        %dma_start3A_450 = tpu.memref_slice %arg7[%add3A_443, %dma_start3A_449] : memref<80x128xi32, #tpu.memory_space<vmem>> -> memref<1x128xi32, #tpu.memory_space<vmem>>
        %dma_start3A_451 = tpu.memref_squeeze %dma_start3A_450 : memref<1x128xi32, #tpu.memory_space<vmem>> -> memref<128xi32, #tpu.memory_space<vmem>>
        %dma_start3A_452 = arith.constant 0 : i32
        %dma_start3A_453 = arith.constant 0 : i32
        %dma_start3A_454 = tpu.memref_slice %arg2[%dma_start3A_452, %dma_start3A_453] : memref<10000x128xf32, #tpu.memory_space<hbm>> -> memref<10000x128xf32, #tpu.memory_space<hbm>>
        tpu.enqueue_indirect_dma source(%dma_start3A_454 : memref<10000x128xf32, #tpu.memory_space<hbm>>) target(%dma_start3A_448 : memref<128x128xf32, #tpu.memory_space<vmem>>) offsets(%dma_start3A_451 : memref<128xi32, #tpu.memory_space<vmem>>) semaphore(%arg11 : memref<!tpu.dma_semaphore, #tpu.memory_space<semaphore_mem>>)
      } else {
      }
      %mul3A_106 = arith.constant 16 : i32
      %mul3A_107 = arith.muli %scan3A_59, %mul3A_106 : i32
      %add3A_108 = arith.constant 2 : i32
      %add3A_109 = arith.addi %mul3A_107, %add3A_108 : i32
      %dma_wait3A_110 = arith.constant 0 : i32
      %dma_wait3A_111 = arith.constant 0 : i32
      %dma_wait3A_112 = arith.constant 0 : i32
      %dma_wait3A_113 = tpu.memref_slice %arg9[%dma_wait3A_110, %dma_wait3A_111, %dma_wait3A_112] : memref<2x128x128xf32, #tpu.memory_space<vmem>> -> memref<1x128x128xf32, #tpu.memory_space<vmem>>
      %dma_wait3A_114 = tpu.memref_squeeze %dma_wait3A_113 : memref<1x128x128xf32, #tpu.memory_space<vmem>> -> memref<128x128xf32, #tpu.memory_space<vmem>>
      %dma_wait3A_115 = arith.constant 0 : i32
      %dma_wait3A_116 = tpu.memref_slice %arg7[%add3A_109, %dma_wait3A_115] : memref<80x128xi32, #tpu.memory_space<vmem>> -> memref<1x128xi32, #tpu.memory_space<vmem>>
      %dma_wait3A_117 = tpu.memref_squeeze %dma_wait3A_116 : memref<1x128xi32, #tpu.memory_space<vmem>> -> memref<128xi32, #tpu.memory_space<vmem>>
      %dma_wait3A_118 = arith.constant 0 : i32
      %dma_wait3A_119 = arith.constant 0 : i32
      %dma_wait3A_120 = tpu.memref_slice %arg2[%dma_wait3A_118, %dma_wait3A_119] : memref<10000x128xf32, #tpu.memory_space<hbm>> -> memref<10000x128xf32, #tpu.memory_space<hbm>>
      tpu.wait_indirect_dma semaphore(%arg11 : memref<!tpu.dma_semaphore, #tpu.memory_space<semaphore_mem>>) src(%dma_wait3A_120 : memref<10000x128xf32, #tpu.memory_space<hbm>>) dst(%dma_wait3A_114 : memref<128x128xf32, #tpu.memory_space<vmem>>)
      %run_scoped3A_121 = arith.constant 0 : i32
      %run_scoped3A_122 = arith.constant 2 : i32
      "tpu.region"() ({
        %run_scoped3A_442 = tpu.sem_alloc : memref<!tpu.dma_semaphore, #tpu.memory_space<semaphore_mem>>
        %dma_start3A_443 = arith.constant 0 : i32
        %dma_start3A_444 = arith.constant 0 : i32
        %dma_start3A_445 = tpu.memref_slice %arg9[%run_scoped3A_121, %dma_start3A_443, %dma_start3A_444] : memref<2x128x128xf32, #tpu.memory_space<vmem>> -> memref<1x128x128xf32, #tpu.memory_space<vmem>>
        %dma_start3A_446 = tpu.memref_squeeze %dma_start3A_445 : memref<1x128x128xf32, #tpu.memory_space<vmem>> -> memref<128x128xf32, #tpu.memory_space<vmem>>
        %dma_start3A_447 = arith.constant 0 : i32
        %dma_start3A_448 = tpu.memref_slice %arg8[%run_scoped3A_122, %dma_start3A_447] : memref<16x128xi32, #tpu.memory_space<vmem>> -> memref<1x128xi32, #tpu.memory_space<vmem>>
        %dma_start3A_449 = tpu.memref_squeeze %dma_start3A_448 : memref<1x128xi32, #tpu.memory_space<vmem>> -> memref<128xi32, #tpu.memory_space<vmem>>
        %dma_start3A_450 = arith.constant 0 : i32
        %dma_start3A_451 = arith.constant 0 : i32
        %dma_start3A_452 = tpu.memref_slice %arg10[%dma_start3A_450, %dma_start3A_451] : memref<10240x128xf32, #tpu.memory_space<vmem_shared>> -> memref<10240x128xf32, #tpu.memory_space<vmem_shared>>
        tpu.enqueue_indirect_dma source(%dma_start3A_446 : memref<128x128xf32, #tpu.memory_space<vmem>>) target(%dma_start3A_452 : memref<10240x128xf32, #tpu.memory_space<vmem_shared>>) offsets(%dma_start3A_449 : memref<128xi32, #tpu.memory_space<vmem>>) semaphore(%run_scoped3A_442 : memref<!tpu.dma_semaphore, #tpu.memory_space<semaphore_mem>>) {add = true}
        %dma_wait3A_453 = arith.constant 0 : i32
        %dma_wait3A_454 = arith.constant 0 : i32
        %dma_wait3A_455 = tpu.memref_slice %arg9[%run_scoped3A_121, %dma_wait3A_453, %dma_wait3A_454] : memref<2x128x128xf32, #tpu.memory_space<vmem>> -> memref<1x128x128xf32, #tpu.memory_space<vmem>>
        %dma_wait3A_456 = tpu.memref_squeeze %dma_wait3A_455 : memref<1x128x128xf32, #tpu.memory_space<vmem>> -> memref<128x128xf32, #tpu.memory_space<vmem>>
        %dma_wait3A_457 = arith.constant 0 : i32
        %dma_wait3A_458 = tpu.memref_slice %arg8[%run_scoped3A_122, %dma_wait3A_457] : memref<16x128xi32, #tpu.memory_space<vmem>> -> memref<1x128xi32, #tpu.memory_space<vmem>>
        %dma_wait3A_459 = tpu.memref_squeeze %dma_wait3A_458 : memref<1x128xi32, #tpu.memory_space<vmem>> -> memref<128xi32, #tpu.memory_space<vmem>>
        %dma_wait3A_460 = arith.constant 0 : i32
        %dma_wait3A_461 = arith.constant 0 : i32
        %dma_wait3A_462 = tpu.memref_slice %arg10[%dma_wait3A_460, %dma_wait3A_461] : memref<10240x128xf32, #tpu.memory_space<vmem_shared>> -> memref<10240x128xf32, #tpu.memory_space<vmem_shared>>
        tpu.wait_indirect_dma semaphore(%run_scoped3A_442 : memref<!tpu.dma_semaphore, #tpu.memory_space<semaphore_mem>>) src(%dma_wait3A_456 : memref<128x128xf32, #tpu.memory_space<vmem>>) dst(%dma_wait3A_462 : memref<10240x128xf32, #tpu.memory_space<vmem_shared>>)
        tpu.yield
      }) : () -> ()
      %add3A_123 = arith.constant 2 : i32
      %add3A_124 = arith.addi %add3A_109, %add3A_123 : i32
      %lt3A_125 = arith.constant 80 : i32
      %lt3A_126 = arith.cmpi slt, %add3A_124, %lt3A_125 : i32
      %convert_element_type3A_127 = arith.extui %lt3A_126 : i1 to i32
      %cond3A_128 = arith.constant 0 : i32
      %cond3A_129 = arith.cmpi ne, %convert_element_type3A_127, %cond3A_128 : i32
      scf.if %cond3A_129 {
        %add3A_442 = arith.constant 2 : i32
        %add3A_443 = arith.addi %add3A_109, %add3A_442 : i32
        %dma_start3A_444 = arith.constant 0 : i32
        %dma_start3A_445 = arith.constant 0 : i32
        %dma_start3A_446 = arith.constant 0 : i32
        %dma_start3A_447 = tpu.memref_slice %arg9[%dma_start3A_444, %dma_start3A_445, %dma_start3A_446] : memref<2x128x128xf32, #tpu.memory_space<vmem>> -> memref<1x128x128xf32, #tpu.memory_space<vmem>>
        %dma_start3A_448 = tpu.memref_squeeze %dma_start3A_447 : memref<1x128x128xf32, #tpu.memory_space<vmem>> -> memref<128x128xf32, #tpu.memory_space<vmem>>
        %dma_start3A_449 = arith.constant 0 : i32
        %dma_start3A_450 = tpu.memref_slice %arg7[%add3A_443, %dma_start3A_449] : memref<80x128xi32, #tpu.memory_space<vmem>> -> memref<1x128xi32, #tpu.memory_space<vmem>>
        %dma_start3A_451 = tpu.memref_squeeze %dma_start3A_450 : memref<1x128xi32, #tpu.memory_space<vmem>> -> memref<128xi32, #tpu.memory_space<vmem>>
        %dma_start3A_452 = arith.constant 0 : i32
        %dma_start3A_453 = arith.constant 0 : i32
        %dma_start3A_454 = tpu.memref_slice %arg2[%dma_start3A_452, %dma_start3A_453] : memref<10000x128xf32, #tpu.memory_space<hbm>> -> memref<10000x128xf32, #tpu.memory_space<hbm>>
        tpu.enqueue_indirect_dma source(%dma_start3A_454 : memref<10000x128xf32, #tpu.memory_space<hbm>>) target(%dma_start3A_448 : memref<128x128xf32, #tpu.memory_space<vmem>>) offsets(%dma_start3A_451 : memref<128xi32, #tpu.memory_space<vmem>>) semaphore(%arg11 : memref<!tpu.dma_semaphore, #tpu.memory_space<semaphore_mem>>)
      } else {
      }
      %mul3A_130 = arith.constant 16 : i32
      %mul3A_131 = arith.muli %scan3A_59, %mul3A_130 : i32
      %add3A_132 = arith.constant 3 : i32
      %add3A_133 = arith.addi %mul3A_131, %add3A_132 : i32
      %dma_wait3A_134 = arith.constant 1 : i32
      %dma_wait3A_135 = arith.constant 0 : i32
      %dma_wait3A_136 = arith.constant 0 : i32
      %dma_wait3A_137 = tpu.memref_slice %arg9[%dma_wait3A_134, %dma_wait3A_135, %dma_wait3A_136] : memref<2x128x128xf32, #tpu.memory_space<vmem>> -> memref<1x128x128xf32, #tpu.memory_space<vmem>>
      %dma_wait3A_138 = tpu.memref_squeeze %dma_wait3A_137 : memref<1x128x128xf32, #tpu.memory_space<vmem>> -> memref<128x128xf32, #tpu.memory_space<vmem>>
      %dma_wait3A_139 = arith.constant 0 : i32
      %dma_wait3A_140 = tpu.memref_slice %arg7[%add3A_133, %dma_wait3A_139] : memref<80x128xi32, #tpu.memory_space<vmem>> -> memref<1x128xi32, #tpu.memory_space<vmem>>
      %dma_wait3A_141 = tpu.memref_squeeze %dma_wait3A_140 : memref<1x128xi32, #tpu.memory_space<vmem>> -> memref<128xi32, #tpu.memory_space<vmem>>
      %dma_wait3A_142 = arith.constant 0 : i32
      %dma_wait3A_143 = arith.constant 0 : i32
      %dma_wait3A_144 = tpu.memref_slice %arg2[%dma_wait3A_142, %dma_wait3A_143] : memref<10000x128xf32, #tpu.memory_space<hbm>> -> memref<10000x128xf32, #tpu.memory_space<hbm>>
      tpu.wait_indirect_dma semaphore(%arg11 : memref<!tpu.dma_semaphore, #tpu.memory_space<semaphore_mem>>) src(%dma_wait3A_144 : memref<10000x128xf32, #tpu.memory_space<hbm>>) dst(%dma_wait3A_138 : memref<128x128xf32, #tpu.memory_space<vmem>>)
      %run_scoped3A_145 = arith.constant 1 : i32
      %run_scoped3A_146 = arith.constant 3 : i32
      "tpu.region"() ({
        %run_scoped3A_442 = tpu.sem_alloc : memref<!tpu.dma_semaphore, #tpu.memory_space<semaphore_mem>>
        %dma_start3A_443 = arith.constant 0 : i32
        %dma_start3A_444 = arith.constant 0 : i32
        %dma_start3A_445 = tpu.memref_slice %arg9[%run_scoped3A_145, %dma_start3A_443, %dma_start3A_444] : memref<2x128x128xf32, #tpu.memory_space<vmem>> -> memref<1x128x128xf32, #tpu.memory_space<vmem>>
        %dma_start3A_446 = tpu.memref_squeeze %dma_start3A_445 : memref<1x128x128xf32, #tpu.memory_space<vmem>> -> memref<128x128xf32, #tpu.memory_space<vmem>>
        %dma_start3A_447 = arith.constant 0 : i32
        %dma_start3A_448 = tpu.memref_slice %arg8[%run_scoped3A_146, %dma_start3A_447] : memref<16x128xi32, #tpu.memory_space<vmem>> -> memref<1x128xi32, #tpu.memory_space<vmem>>
        %dma_start3A_449 = tpu.memref_squeeze %dma_start3A_448 : memref<1x128xi32, #tpu.memory_space<vmem>> -> memref<128xi32, #tpu.memory_space<vmem>>
        %dma_start3A_450 = arith.constant 0 : i32
        %dma_start3A_451 = arith.constant 0 : i32
        %dma_start3A_452 = tpu.memref_slice %arg10[%dma_start3A_450, %dma_start3A_451] : memref<10240x128xf32, #tpu.memory_space<vmem_shared>> -> memref<10240x128xf32, #tpu.memory_space<vmem_shared>>
        tpu.enqueue_indirect_dma source(%dma_start3A_446 : memref<128x128xf32, #tpu.memory_space<vmem>>) target(%dma_start3A_452 : memref<10240x128xf32, #tpu.memory_space<vmem_shared>>) offsets(%dma_start3A_449 : memref<128xi32, #tpu.memory_space<vmem>>) semaphore(%run_scoped3A_442 : memref<!tpu.dma_semaphore, #tpu.memory_space<semaphore_mem>>) {add = true}
        %dma_wait3A_453 = arith.constant 0 : i32
        %dma_wait3A_454 = arith.constant 0 : i32
        %dma_wait3A_455 = tpu.memref_slice %arg9[%run_scoped3A_145, %dma_wait3A_453, %dma_wait3A_454] : memref<2x128x128xf32, #tpu.memory_space<vmem>> -> memref<1x128x128xf32, #tpu.memory_space<vmem>>
        %dma_wait3A_456 = tpu.memref_squeeze %dma_wait3A_455 : memref<1x128x128xf32, #tpu.memory_space<vmem>> -> memref<128x128xf32, #tpu.memory_space<vmem>>
        %dma_wait3A_457 = arith.constant 0 : i32
        %dma_wait3A_458 = tpu.memref_slice %arg8[%run_scoped3A_146, %dma_wait3A_457] : memref<16x128xi32, #tpu.memory_space<vmem>> -> memref<1x128xi32, #tpu.memory_space<vmem>>
        %dma_wait3A_459 = tpu.memref_squeeze %dma_wait3A_458 : memref<1x128xi32, #tpu.memory_space<vmem>> -> memref<128xi32, #tpu.memory_space<vmem>>
        %dma_wait3A_460 = arith.constant 0 : i32
        %dma_wait3A_461 = arith.constant 0 : i32
        %dma_wait3A_462 = tpu.memref_slice %arg10[%dma_wait3A_460, %dma_wait3A_461] : memref<10240x128xf32, #tpu.memory_space<vmem_shared>> -> memref<10240x128xf32, #tpu.memory_space<vmem_shared>>
        tpu.wait_indirect_dma semaphore(%run_scoped3A_442 : memref<!tpu.dma_semaphore, #tpu.memory_space<semaphore_mem>>) src(%dma_wait3A_456 : memref<128x128xf32, #tpu.memory_space<vmem>>) dst(%dma_wait3A_462 : memref<10240x128xf32, #tpu.memory_space<vmem_shared>>)
        tpu.yield
      }) : () -> ()
      %add3A_147 = arith.constant 2 : i32
      %add3A_148 = arith.addi %add3A_133, %add3A_147 : i32
      %lt3A_149 = arith.constant 80 : i32
      %lt3A_150 = arith.cmpi slt, %add3A_148, %lt3A_149 : i32
      %convert_element_type3A_151 = arith.extui %lt3A_150 : i1 to i32
      %cond3A_152 = arith.constant 0 : i32
      %cond3A_153 = arith.cmpi ne, %convert_element_type3A_151, %cond3A_152 : i32
      scf.if %cond3A_153 {
        %add3A_442 = arith.constant 2 : i32
        %add3A_443 = arith.addi %add3A_133, %add3A_442 : i32
        %dma_start3A_444 = arith.constant 1 : i32
        %dma_start3A_445 = arith.constant 0 : i32
        %dma_start3A_446 = arith.constant 0 : i32
        %dma_start3A_447 = tpu.memref_slice %arg9[%dma_start3A_444, %dma_start3A_445, %dma_start3A_446] : memref<2x128x128xf32, #tpu.memory_space<vmem>> -> memref<1x128x128xf32, #tpu.memory_space<vmem>>
        %dma_start3A_448 = tpu.memref_squeeze %dma_start3A_447 : memref<1x128x128xf32, #tpu.memory_space<vmem>> -> memref<128x128xf32, #tpu.memory_space<vmem>>
        %dma_start3A_449 = arith.constant 0 : i32
        %dma_start3A_450 = tpu.memref_slice %arg7[%add3A_443, %dma_start3A_449] : memref<80x128xi32, #tpu.memory_space<vmem>> -> memref<1x128xi32, #tpu.memory_space<vmem>>
        %dma_start3A_451 = tpu.memref_squeeze %dma_start3A_450 : memref<1x128xi32, #tpu.memory_space<vmem>> -> memref<128xi32, #tpu.memory_space<vmem>>
        %dma_start3A_452 = arith.constant 0 : i32
        %dma_start3A_453 = arith.constant 0 : i32
        %dma_start3A_454 = tpu.memref_slice %arg2[%dma_start3A_452, %dma_start3A_453] : memref<10000x128xf32, #tpu.memory_space<hbm>> -> memref<10000x128xf32, #tpu.memory_space<hbm>>
        tpu.enqueue_indirect_dma source(%dma_start3A_454 : memref<10000x128xf32, #tpu.memory_space<hbm>>) target(%dma_start3A_448 : memref<128x128xf32, #tpu.memory_space<vmem>>) offsets(%dma_start3A_451 : memref<128xi32, #tpu.memory_space<vmem>>) semaphore(%arg11 : memref<!tpu.dma_semaphore, #tpu.memory_space<semaphore_mem>>)
      } else {
      }
      %mul3A_154 = arith.constant 16 : i32
      %mul3A_155 = arith.muli %scan3A_59, %mul3A_154 : i32
      %add3A_156 = arith.constant 4 : i32
      %add3A_157 = arith.addi %mul3A_155, %add3A_156 : i32
      %dma_wait3A_158 = arith.constant 0 : i32
      %dma_wait3A_159 = arith.constant 0 : i32
      %dma_wait3A_160 = arith.constant 0 : i32
      %dma_wait3A_161 = tpu.memref_slice %arg9[%dma_wait3A_158, %dma_wait3A_159, %dma_wait3A_160] : memref<2x128x128xf32, #tpu.memory_space<vmem>> -> memref<1x128x128xf32, #tpu.memory_space<vmem>>
      %dma_wait3A_162 = tpu.memref_squeeze %dma_wait3A_161 : memref<1x128x128xf32, #tpu.memory_space<vmem>> -> memref<128x128xf32, #tpu.memory_space<vmem>>
      %dma_wait3A_163 = arith.constant 0 : i32
      %dma_wait3A_164 = tpu.memref_slice %arg7[%add3A_157, %dma_wait3A_163] : memref<80x128xi32, #tpu.memory_space<vmem>> -> memref<1x128xi32, #tpu.memory_space<vmem>>
      %dma_wait3A_165 = tpu.memref_squeeze %dma_wait3A_164 : memref<1x128xi32, #tpu.memory_space<vmem>> -> memref<128xi32, #tpu.memory_space<vmem>>
      %dma_wait3A_166 = arith.constant 0 : i32
      %dma_wait3A_167 = arith.constant 0 : i32
      %dma_wait3A_168 = tpu.memref_slice %arg2[%dma_wait3A_166, %dma_wait3A_167] : memref<10000x128xf32, #tpu.memory_space<hbm>> -> memref<10000x128xf32, #tpu.memory_space<hbm>>
      tpu.wait_indirect_dma semaphore(%arg11 : memref<!tpu.dma_semaphore, #tpu.memory_space<semaphore_mem>>) src(%dma_wait3A_168 : memref<10000x128xf32, #tpu.memory_space<hbm>>) dst(%dma_wait3A_162 : memref<128x128xf32, #tpu.memory_space<vmem>>)
      %run_scoped3A_169 = arith.constant 0 : i32
      %run_scoped3A_170 = arith.constant 4 : i32
      "tpu.region"() ({
        %run_scoped3A_442 = tpu.sem_alloc : memref<!tpu.dma_semaphore, #tpu.memory_space<semaphore_mem>>
        %dma_start3A_443 = arith.constant 0 : i32
        %dma_start3A_444 = arith.constant 0 : i32
        %dma_start3A_445 = tpu.memref_slice %arg9[%run_scoped3A_169, %dma_start3A_443, %dma_start3A_444] : memref<2x128x128xf32, #tpu.memory_space<vmem>> -> memref<1x128x128xf32, #tpu.memory_space<vmem>>
        %dma_start3A_446 = tpu.memref_squeeze %dma_start3A_445 : memref<1x128x128xf32, #tpu.memory_space<vmem>> -> memref<128x128xf32, #tpu.memory_space<vmem>>
        %dma_start3A_447 = arith.constant 0 : i32
        %dma_start3A_448 = tpu.memref_slice %arg8[%run_scoped3A_170, %dma_start3A_447] : memref<16x128xi32, #tpu.memory_space<vmem>> -> memref<1x128xi32, #tpu.memory_space<vmem>>
        %dma_start3A_449 = tpu.memref_squeeze %dma_start3A_448 : memref<1x128xi32, #tpu.memory_space<vmem>> -> memref<128xi32, #tpu.memory_space<vmem>>
        %dma_start3A_450 = arith.constant 0 : i32
        %dma_start3A_451 = arith.constant 0 : i32
        %dma_start3A_452 = tpu.memref_slice %arg10[%dma_start3A_450, %dma_start3A_451] : memref<10240x128xf32, #tpu.memory_space<vmem_shared>> -> memref<10240x128xf32, #tpu.memory_space<vmem_shared>>
        tpu.enqueue_indirect_dma source(%dma_start3A_446 : memref<128x128xf32, #tpu.memory_space<vmem>>) target(%dma_start3A_452 : memref<10240x128xf32, #tpu.memory_space<vmem_shared>>) offsets(%dma_start3A_449 : memref<128xi32, #tpu.memory_space<vmem>>) semaphore(%run_scoped3A_442 : memref<!tpu.dma_semaphore, #tpu.memory_space<semaphore_mem>>) {add = true}
        %dma_wait3A_453 = arith.constant 0 : i32
        %dma_wait3A_454 = arith.constant 0 : i32
        %dma_wait3A_455 = tpu.memref_slice %arg9[%run_scoped3A_169, %dma_wait3A_453, %dma_wait3A_454] : memref<2x128x128xf32, #tpu.memory_space<vmem>> -> memref<1x128x128xf32, #tpu.memory_space<vmem>>
        %dma_wait3A_456 = tpu.memref_squeeze %dma_wait3A_455 : memref<1x128x128xf32, #tpu.memory_space<vmem>> -> memref<128x128xf32, #tpu.memory_space<vmem>>
        %dma_wait3A_457 = arith.constant 0 : i32
        %dma_wait3A_458 = tpu.memref_slice %arg8[%run_scoped3A_170, %dma_wait3A_457] : memref<16x128xi32, #tpu.memory_space<vmem>> -> memref<1x128xi32, #tpu.memory_space<vmem>>
        %dma_wait3A_459 = tpu.memref_squeeze %dma_wait3A_458 : memref<1x128xi32, #tpu.memory_space<vmem>> -> memref<128xi32, #tpu.memory_space<vmem>>
        %dma_wait3A_460 = arith.constant 0 : i32
        %dma_wait3A_461 = arith.constant 0 : i32
        %dma_wait3A_462 = tpu.memref_slice %arg10[%dma_wait3A_460, %dma_wait3A_461] : memref<10240x128xf32, #tpu.memory_space<vmem_shared>> -> memref<10240x128xf32, #tpu.memory_space<vmem_shared>>
        tpu.wait_indirect_dma semaphore(%run_scoped3A_442 : memref<!tpu.dma_semaphore, #tpu.memory_space<semaphore_mem>>) src(%dma_wait3A_456 : memref<128x128xf32, #tpu.memory_space<vmem>>) dst(%dma_wait3A_462 : memref<10240x128xf32, #tpu.memory_space<vmem_shared>>)
        tpu.yield
      }) : () -> ()
      %add3A_171 = arith.constant 2 : i32
      %add3A_172 = arith.addi %add3A_157, %add3A_171 : i32
      %lt3A_173 = arith.constant 80 : i32
      %lt3A_174 = arith.cmpi slt, %add3A_172, %lt3A_173 : i32
      %convert_element_type3A_175 = arith.extui %lt3A_174 : i1 to i32
      %cond3A_176 = arith.constant 0 : i32
      %cond3A_177 = arith.cmpi ne, %convert_element_type3A_175, %cond3A_176 : i32
      scf.if %cond3A_177 {
        %add3A_442 = arith.constant 2 : i32
        %add3A_443 = arith.addi %add3A_157, %add3A_442 : i32
        %dma_start3A_444 = arith.constant 0 : i32
        %dma_start3A_445 = arith.constant 0 : i32
        %dma_start3A_446 = arith.constant 0 : i32
        %dma_start3A_447 = tpu.memref_slice %arg9[%dma_start3A_444, %dma_start3A_445, %dma_start3A_446] : memref<2x128x128xf32, #tpu.memory_space<vmem>> -> memref<1x128x128xf32, #tpu.memory_space<vmem>>
        %dma_start3A_448 = tpu.memref_squeeze %dma_start3A_447 : memref<1x128x128xf32, #tpu.memory_space<vmem>> -> memref<128x128xf32, #tpu.memory_space<vmem>>
        %dma_start3A_449 = arith.constant 0 : i32
        %dma_start3A_450 = tpu.memref_slice %arg7[%add3A_443, %dma_start3A_449] : memref<80x128xi32, #tpu.memory_space<vmem>> -> memref<1x128xi32, #tpu.memory_space<vmem>>
        %dma_start3A_451 = tpu.memref_squeeze %dma_start3A_450 : memref<1x128xi32, #tpu.memory_space<vmem>> -> memref<128xi32, #tpu.memory_space<vmem>>
        %dma_start3A_452 = arith.constant 0 : i32
        %dma_start3A_453 = arith.constant 0 : i32
        %dma_start3A_454 = tpu.memref_slice %arg2[%dma_start3A_452, %dma_start3A_453] : memref<10000x128xf32, #tpu.memory_space<hbm>> -> memref<10000x128xf32, #tpu.memory_space<hbm>>
        tpu.enqueue_indirect_dma source(%dma_start3A_454 : memref<10000x128xf32, #tpu.memory_space<hbm>>) target(%dma_start3A_448 : memref<128x128xf32, #tpu.memory_space<vmem>>) offsets(%dma_start3A_451 : memref<128xi32, #tpu.memory_space<vmem>>) semaphore(%arg11 : memref<!tpu.dma_semaphore, #tpu.memory_space<semaphore_mem>>)
      } else {
      }
      %mul3A_178 = arith.constant 16 : i32
      %mul3A_179 = arith.muli %scan3A_59, %mul3A_178 : i32
      %add3A_180 = arith.constant 5 : i32
      %add3A_181 = arith.addi %mul3A_179, %add3A_180 : i32
      %dma_wait3A_182 = arith.constant 1 : i32
      %dma_wait3A_183 = arith.constant 0 : i32
      %dma_wait3A_184 = arith.constant 0 : i32
      %dma_wait3A_185 = tpu.memref_slice %arg9[%dma_wait3A_182, %dma_wait3A_183, %dma_wait3A_184] : memref<2x128x128xf32, #tpu.memory_space<vmem>> -> memref<1x128x128xf32, #tpu.memory_space<vmem>>
      %dma_wait3A_186 = tpu.memref_squeeze %dma_wait3A_185 : memref<1x128x128xf32, #tpu.memory_space<vmem>> -> memref<128x128xf32, #tpu.memory_space<vmem>>
      %dma_wait3A_187 = arith.constant 0 : i32
      %dma_wait3A_188 = tpu.memref_slice %arg7[%add3A_181, %dma_wait3A_187] : memref<80x128xi32, #tpu.memory_space<vmem>> -> memref<1x128xi32, #tpu.memory_space<vmem>>
      %dma_wait3A_189 = tpu.memref_squeeze %dma_wait3A_188 : memref<1x128xi32, #tpu.memory_space<vmem>> -> memref<128xi32, #tpu.memory_space<vmem>>
      %dma_wait3A_190 = arith.constant 0 : i32
      %dma_wait3A_191 = arith.constant 0 : i32
      %dma_wait3A_192 = tpu.memref_slice %arg2[%dma_wait3A_190, %dma_wait3A_191] : memref<10000x128xf32, #tpu.memory_space<hbm>> -> memref<10000x128xf32, #tpu.memory_space<hbm>>
      tpu.wait_indirect_dma semaphore(%arg11 : memref<!tpu.dma_semaphore, #tpu.memory_space<semaphore_mem>>) src(%dma_wait3A_192 : memref<10000x128xf32, #tpu.memory_space<hbm>>) dst(%dma_wait3A_186 : memref<128x128xf32, #tpu.memory_space<vmem>>)
      %run_scoped3A_193 = arith.constant 1 : i32
      %run_scoped3A_194 = arith.constant 5 : i32
      "tpu.region"() ({
        %run_scoped3A_442 = tpu.sem_alloc : memref<!tpu.dma_semaphore, #tpu.memory_space<semaphore_mem>>
        %dma_start3A_443 = arith.constant 0 : i32
        %dma_start3A_444 = arith.constant 0 : i32
        %dma_start3A_445 = tpu.memref_slice %arg9[%run_scoped3A_193, %dma_start3A_443, %dma_start3A_444] : memref<2x128x128xf32, #tpu.memory_space<vmem>> -> memref<1x128x128xf32, #tpu.memory_space<vmem>>
        %dma_start3A_446 = tpu.memref_squeeze %dma_start3A_445 : memref<1x128x128xf32, #tpu.memory_space<vmem>> -> memref<128x128xf32, #tpu.memory_space<vmem>>
        %dma_start3A_447 = arith.constant 0 : i32
        %dma_start3A_448 = tpu.memref_slice %arg8[%run_scoped3A_194, %dma_start3A_447] : memref<16x128xi32, #tpu.memory_space<vmem>> -> memref<1x128xi32, #tpu.memory_space<vmem>>
        %dma_start3A_449 = tpu.memref_squeeze %dma_start3A_448 : memref<1x128xi32, #tpu.memory_space<vmem>> -> memref<128xi32, #tpu.memory_space<vmem>>
        %dma_start3A_450 = arith.constant 0 : i32
        %dma_start3A_451 = arith.constant 0 : i32
        %dma_start3A_452 = tpu.memref_slice %arg10[%dma_start3A_450, %dma_start3A_451] : memref<10240x128xf32, #tpu.memory_space<vmem_shared>> -> memref<10240x128xf32, #tpu.memory_space<vmem_shared>>
        tpu.enqueue_indirect_dma source(%dma_start3A_446 : memref<128x128xf32, #tpu.memory_space<vmem>>) target(%dma_start3A_452 : memref<10240x128xf32, #tpu.memory_space<vmem_shared>>) offsets(%dma_start3A_449 : memref<128xi32, #tpu.memory_space<vmem>>) semaphore(%run_scoped3A_442 : memref<!tpu.dma_semaphore, #tpu.memory_space<semaphore_mem>>) {add = true}
        %dma_wait3A_453 = arith.constant 0 : i32
        %dma_wait3A_454 = arith.constant 0 : i32
        %dma_wait3A_455 = tpu.memref_slice %arg9[%run_scoped3A_193, %dma_wait3A_453, %dma_wait3A_454] : memref<2x128x128xf32, #tpu.memory_space<vmem>> -> memref<1x128x128xf32, #tpu.memory_space<vmem>>
        %dma_wait3A_456 = tpu.memref_squeeze %dma_wait3A_455 : memref<1x128x128xf32, #tpu.memory_space<vmem>> -> memref<128x128xf32, #tpu.memory_space<vmem>>
        %dma_wait3A_457 = arith.constant 0 : i32
        %dma_wait3A_458 = tpu.memref_slice %arg8[%run_scoped3A_194, %dma_wait3A_457] : memref<16x128xi32, #tpu.memory_space<vmem>> -> memref<1x128xi32, #tpu.memory_space<vmem>>
        %dma_wait3A_459 = tpu.memref_squeeze %dma_wait3A_458 : memref<1x128xi32, #tpu.memory_space<vmem>> -> memref<128xi32, #tpu.memory_space<vmem>>
        %dma_wait3A_460 = arith.constant 0 : i32
        %dma_wait3A_461 = arith.constant 0 : i32
        %dma_wait3A_462 = tpu.memref_slice %arg10[%dma_wait3A_460, %dma_wait3A_461] : memref<10240x128xf32, #tpu.memory_space<vmem_shared>> -> memref<10240x128xf32, #tpu.memory_space<vmem_shared>>
        tpu.wait_indirect_dma semaphore(%run_scoped3A_442 : memref<!tpu.dma_semaphore, #tpu.memory_space<semaphore_mem>>) src(%dma_wait3A_456 : memref<128x128xf32, #tpu.memory_space<vmem>>) dst(%dma_wait3A_462 : memref<10240x128xf32, #tpu.memory_space<vmem_shared>>)
        tpu.yield
      }) : () -> ()
      %add3A_195 = arith.constant 2 : i32
      %add3A_196 = arith.addi %add3A_181, %add3A_195 : i32
      %lt3A_197 = arith.constant 80 : i32
      %lt3A_198 = arith.cmpi slt, %add3A_196, %lt3A_197 : i32
      %convert_element_type3A_199 = arith.extui %lt3A_198 : i1 to i32
      %cond3A_200 = arith.constant 0 : i32
      %cond3A_201 = arith.cmpi ne, %convert_element_type3A_199, %cond3A_200 : i32
      scf.if %cond3A_201 {
        %add3A_442 = arith.constant 2 : i32
        %add3A_443 = arith.addi %add3A_181, %add3A_442 : i32
        %dma_start3A_444 = arith.constant 1 : i32
        %dma_start3A_445 = arith.constant 0 : i32
        %dma_start3A_446 = arith.constant 0 : i32
        %dma_start3A_447 = tpu.memref_slice %arg9[%dma_start3A_444, %dma_start3A_445, %dma_start3A_446] : memref<2x128x128xf32, #tpu.memory_space<vmem>> -> memref<1x128x128xf32, #tpu.memory_space<vmem>>
        %dma_start3A_448 = tpu.memref_squeeze %dma_start3A_447 : memref<1x128x128xf32, #tpu.memory_space<vmem>> -> memref<128x128xf32, #tpu.memory_space<vmem>>
        %dma_start3A_449 = arith.constant 0 : i32
        %dma_start3A_450 = tpu.memref_slice %arg7[%add3A_443, %dma_start3A_449] : memref<80x128xi32, #tpu.memory_space<vmem>> -> memref<1x128xi32, #tpu.memory_space<vmem>>
        %dma_start3A_451 = tpu.memref_squeeze %dma_start3A_450 : memref<1x128xi32, #tpu.memory_space<vmem>> -> memref<128xi32, #tpu.memory_space<vmem>>
        %dma_start3A_452 = arith.constant 0 : i32
        %dma_start3A_453 = arith.constant 0 : i32
        %dma_start3A_454 = tpu.memref_slice %arg2[%dma_start3A_452, %dma_start3A_453] : memref<10000x128xf32, #tpu.memory_space<hbm>> -> memref<10000x128xf32, #tpu.memory_space<hbm>>
        tpu.enqueue_indirect_dma source(%dma_start3A_454 : memref<10000x128xf32, #tpu.memory_space<hbm>>) target(%dma_start3A_448 : memref<128x128xf32, #tpu.memory_space<vmem>>) offsets(%dma_start3A_451 : memref<128xi32, #tpu.memory_space<vmem>>) semaphore(%arg11 : memref<!tpu.dma_semaphore, #tpu.memory_space<semaphore_mem>>)
      } else {
      }
      %mul3A_202 = arith.constant 16 : i32
      %mul3A_203 = arith.muli %scan3A_59, %mul3A_202 : i32
      %add3A_204 = arith.constant 6 : i32
      %add3A_205 = arith.addi %mul3A_203, %add3A_204 : i32
      %dma_wait3A_206 = arith.constant 0 : i32
      %dma_wait3A_207 = arith.constant 0 : i32
      %dma_wait3A_208 = arith.constant 0 : i32
      %dma_wait3A_209 = tpu.memref_slice %arg9[%dma_wait3A_206, %dma_wait3A_207, %dma_wait3A_208] : memref<2x128x128xf32, #tpu.memory_space<vmem>> -> memref<1x128x128xf32, #tpu.memory_space<vmem>>
      %dma_wait3A_210 = tpu.memref_squeeze %dma_wait3A_209 : memref<1x128x128xf32, #tpu.memory_space<vmem>> -> memref<128x128xf32, #tpu.memory_space<vmem>>
      %dma_wait3A_211 = arith.constant 0 : i32
      %dma_wait3A_212 = tpu.memref_slice %arg7[%add3A_205, %dma_wait3A_211] : memref<80x128xi32, #tpu.memory_space<vmem>> -> memref<1x128xi32, #tpu.memory_space<vmem>>
      %dma_wait3A_213 = tpu.memref_squeeze %dma_wait3A_212 : memref<1x128xi32, #tpu.memory_space<vmem>> -> memref<128xi32, #tpu.memory_space<vmem>>
      %dma_wait3A_214 = arith.constant 0 : i32
      %dma_wait3A_215 = arith.constant 0 : i32
      %dma_wait3A_216 = tpu.memref_slice %arg2[%dma_wait3A_214, %dma_wait3A_215] : memref<10000x128xf32, #tpu.memory_space<hbm>> -> memref<10000x128xf32, #tpu.memory_space<hbm>>
      tpu.wait_indirect_dma semaphore(%arg11 : memref<!tpu.dma_semaphore, #tpu.memory_space<semaphore_mem>>) src(%dma_wait3A_216 : memref<10000x128xf32, #tpu.memory_space<hbm>>) dst(%dma_wait3A_210 : memref<128x128xf32, #tpu.memory_space<vmem>>)
      %run_scoped3A_217 = arith.constant 0 : i32
      %run_scoped3A_218 = arith.constant 6 : i32
      "tpu.region"() ({
        %run_scoped3A_442 = tpu.sem_alloc : memref<!tpu.dma_semaphore, #tpu.memory_space<semaphore_mem>>
        %dma_start3A_443 = arith.constant 0 : i32
        %dma_start3A_444 = arith.constant 0 : i32
        %dma_start3A_445 = tpu.memref_slice %arg9[%run_scoped3A_217, %dma_start3A_443, %dma_start3A_444] : memref<2x128x128xf32, #tpu.memory_space<vmem>> -> memref<1x128x128xf32, #tpu.memory_space<vmem>>
        %dma_start3A_446 = tpu.memref_squeeze %dma_start3A_445 : memref<1x128x128xf32, #tpu.memory_space<vmem>> -> memref<128x128xf32, #tpu.memory_space<vmem>>
        %dma_start3A_447 = arith.constant 0 : i32
        %dma_start3A_448 = tpu.memref_slice %arg8[%run_scoped3A_218, %dma_start3A_447] : memref<16x128xi32, #tpu.memory_space<vmem>> -> memref<1x128xi32, #tpu.memory_space<vmem>>
        %dma_start3A_449 = tpu.memref_squeeze %dma_start3A_448 : memref<1x128xi32, #tpu.memory_space<vmem>> -> memref<128xi32, #tpu.memory_space<vmem>>
        %dma_start3A_450 = arith.constant 0 : i32
        %dma_start3A_451 = arith.constant 0 : i32
        %dma_start3A_452 = tpu.memref_slice %arg10[%dma_start3A_450, %dma_start3A_451] : memref<10240x128xf32, #tpu.memory_space<vmem_shared>> -> memref<10240x128xf32, #tpu.memory_space<vmem_shared>>
        tpu.enqueue_indirect_dma source(%dma_start3A_446 : memref<128x128xf32, #tpu.memory_space<vmem>>) target(%dma_start3A_452 : memref<10240x128xf32, #tpu.memory_space<vmem_shared>>) offsets(%dma_start3A_449 : memref<128xi32, #tpu.memory_space<vmem>>) semaphore(%run_scoped3A_442 : memref<!tpu.dma_semaphore, #tpu.memory_space<semaphore_mem>>) {add = true}
        %dma_wait3A_453 = arith.constant 0 : i32
        %dma_wait3A_454 = arith.constant 0 : i32
        %dma_wait3A_455 = tpu.memref_slice %arg9[%run_scoped3A_217, %dma_wait3A_453, %dma_wait3A_454] : memref<2x128x128xf32, #tpu.memory_space<vmem>> -> memref<1x128x128xf32, #tpu.memory_space<vmem>>
        %dma_wait3A_456 = tpu.memref_squeeze %dma_wait3A_455 : memref<1x128x128xf32, #tpu.memory_space<vmem>> -> memref<128x128xf32, #tpu.memory_space<vmem>>
        %dma_wait3A_457 = arith.constant 0 : i32
        %dma_wait3A_458 = tpu.memref_slice %arg8[%run_scoped3A_218, %dma_wait3A_457] : memref<16x128xi32, #tpu.memory_space<vmem>> -> memref<1x128xi32, #tpu.memory_space<vmem>>
        %dma_wait3A_459 = tpu.memref_squeeze %dma_wait3A_458 : memref<1x128xi32, #tpu.memory_space<vmem>> -> memref<128xi32, #tpu.memory_space<vmem>>
        %dma_wait3A_460 = arith.constant 0 : i32
        %dma_wait3A_461 = arith.constant 0 : i32
        %dma_wait3A_462 = tpu.memref_slice %arg10[%dma_wait3A_460, %dma_wait3A_461] : memref<10240x128xf32, #tpu.memory_space<vmem_shared>> -> memref<10240x128xf32, #tpu.memory_space<vmem_shared>>
        tpu.wait_indirect_dma semaphore(%run_scoped3A_442 : memref<!tpu.dma_semaphore, #tpu.memory_space<semaphore_mem>>) src(%dma_wait3A_456 : memref<128x128xf32, #tpu.memory_space<vmem>>) dst(%dma_wait3A_462 : memref<10240x128xf32, #tpu.memory_space<vmem_shared>>)
        tpu.yield
      }) : () -> ()
      %add3A_219 = arith.constant 2 : i32
      %add3A_220 = arith.addi %add3A_205, %add3A_219 : i32
      %lt3A_221 = arith.constant 80 : i32
      %lt3A_222 = arith.cmpi slt, %add3A_220, %lt3A_221 : i32
      %convert_element_type3A_223 = arith.extui %lt3A_222 : i1 to i32
      %cond3A_224 = arith.constant 0 : i32
      %cond3A_225 = arith.cmpi ne, %convert_element_type3A_223, %cond3A_224 : i32
      scf.if %cond3A_225 {
        %add3A_442 = arith.constant 2 : i32
        %add3A_443 = arith.addi %add3A_205, %add3A_442 : i32
        %dma_start3A_444 = arith.constant 0 : i32
        %dma_start3A_445 = arith.constant 0 : i32
        %dma_start3A_446 = arith.constant 0 : i32
        %dma_start3A_447 = tpu.memref_slice %arg9[%dma_start3A_444, %dma_start3A_445, %dma_start3A_446] : memref<2x128x128xf32, #tpu.memory_space<vmem>> -> memref<1x128x128xf32, #tpu.memory_space<vmem>>
        %dma_start3A_448 = tpu.memref_squeeze %dma_start3A_447 : memref<1x128x128xf32, #tpu.memory_space<vmem>> -> memref<128x128xf32, #tpu.memory_space<vmem>>
        %dma_start3A_449 = arith.constant 0 : i32
        %dma_start3A_450 = tpu.memref_slice %arg7[%add3A_443, %dma_start3A_449] : memref<80x128xi32, #tpu.memory_space<vmem>> -> memref<1x128xi32, #tpu.memory_space<vmem>>
        %dma_start3A_451 = tpu.memref_squeeze %dma_start3A_450 : memref<1x128xi32, #tpu.memory_space<vmem>> -> memref<128xi32, #tpu.memory_space<vmem>>
        %dma_start3A_452 = arith.constant 0 : i32
        %dma_start3A_453 = arith.constant 0 : i32
        %dma_start3A_454 = tpu.memref_slice %arg2[%dma_start3A_452, %dma_start3A_453] : memref<10000x128xf32, #tpu.memory_space<hbm>> -> memref<10000x128xf32, #tpu.memory_space<hbm>>
        tpu.enqueue_indirect_dma source(%dma_start3A_454 : memref<10000x128xf32, #tpu.memory_space<hbm>>) target(%dma_start3A_448 : memref<128x128xf32, #tpu.memory_space<vmem>>) offsets(%dma_start3A_451 : memref<128xi32, #tpu.memory_space<vmem>>) semaphore(%arg11 : memref<!tpu.dma_semaphore, #tpu.memory_space<semaphore_mem>>)
      } else {
      }
      %mul3A_226 = arith.constant 16 : i32
      %mul3A_227 = arith.muli %scan3A_59, %mul3A_226 : i32
      %add3A_228 = arith.constant 7 : i32
      %add3A_229 = arith.addi %mul3A_227, %add3A_228 : i32
      %dma_wait3A_230 = arith.constant 1 : i32
      %dma_wait3A_231 = arith.constant 0 : i32
      %dma_wait3A_232 = arith.constant 0 : i32
      %dma_wait3A_233 = tpu.memref_slice %arg9[%dma_wait3A_230, %dma_wait3A_231, %dma_wait3A_232] : memref<2x128x128xf32, #tpu.memory_space<vmem>> -> memref<1x128x128xf32, #tpu.memory_space<vmem>>
      %dma_wait3A_234 = tpu.memref_squeeze %dma_wait3A_233 : memref<1x128x128xf32, #tpu.memory_space<vmem>> -> memref<128x128xf32, #tpu.memory_space<vmem>>
      %dma_wait3A_235 = arith.constant 0 : i32
      %dma_wait3A_236 = tpu.memref_slice %arg7[%add3A_229, %dma_wait3A_235] : memref<80x128xi32, #tpu.memory_space<vmem>> -> memref<1x128xi32, #tpu.memory_space<vmem>>
      %dma_wait3A_237 = tpu.memref_squeeze %dma_wait3A_236 : memref<1x128xi32, #tpu.memory_space<vmem>> -> memref<128xi32, #tpu.memory_space<vmem>>
      %dma_wait3A_238 = arith.constant 0 : i32
      %dma_wait3A_239 = arith.constant 0 : i32
      %dma_wait3A_240 = tpu.memref_slice %arg2[%dma_wait3A_238, %dma_wait3A_239] : memref<10000x128xf32, #tpu.memory_space<hbm>> -> memref<10000x128xf32, #tpu.memory_space<hbm>>
      tpu.wait_indirect_dma semaphore(%arg11 : memref<!tpu.dma_semaphore, #tpu.memory_space<semaphore_mem>>) src(%dma_wait3A_240 : memref<10000x128xf32, #tpu.memory_space<hbm>>) dst(%dma_wait3A_234 : memref<128x128xf32, #tpu.memory_space<vmem>>)
      %run_scoped3A_241 = arith.constant 1 : i32
      %run_scoped3A_242 = arith.constant 7 : i32
      "tpu.region"() ({
        %run_scoped3A_442 = tpu.sem_alloc : memref<!tpu.dma_semaphore, #tpu.memory_space<semaphore_mem>>
        %dma_start3A_443 = arith.constant 0 : i32
        %dma_start3A_444 = arith.constant 0 : i32
        %dma_start3A_445 = tpu.memref_slice %arg9[%run_scoped3A_241, %dma_start3A_443, %dma_start3A_444] : memref<2x128x128xf32, #tpu.memory_space<vmem>> -> memref<1x128x128xf32, #tpu.memory_space<vmem>>
        %dma_start3A_446 = tpu.memref_squeeze %dma_start3A_445 : memref<1x128x128xf32, #tpu.memory_space<vmem>> -> memref<128x128xf32, #tpu.memory_space<vmem>>
        %dma_start3A_447 = arith.constant 0 : i32
        %dma_start3A_448 = tpu.memref_slice %arg8[%run_scoped3A_242, %dma_start3A_447] : memref<16x128xi32, #tpu.memory_space<vmem>> -> memref<1x128xi32, #tpu.memory_space<vmem>>
        %dma_start3A_449 = tpu.memref_squeeze %dma_start3A_448 : memref<1x128xi32, #tpu.memory_space<vmem>> -> memref<128xi32, #tpu.memory_space<vmem>>
        %dma_start3A_450 = arith.constant 0 : i32
        %dma_start3A_451 = arith.constant 0 : i32
        %dma_start3A_452 = tpu.memref_slice %arg10[%dma_start3A_450, %dma_start3A_451] : memref<10240x128xf32, #tpu.memory_space<vmem_shared>> -> memref<10240x128xf32, #tpu.memory_space<vmem_shared>>
        tpu.enqueue_indirect_dma source(%dma_start3A_446 : memref<128x128xf32, #tpu.memory_space<vmem>>) target(%dma_start3A_452 : memref<10240x128xf32, #tpu.memory_space<vmem_shared>>) offsets(%dma_start3A_449 : memref<128xi32, #tpu.memory_space<vmem>>) semaphore(%run_scoped3A_442 : memref<!tpu.dma_semaphore, #tpu.memory_space<semaphore_mem>>) {add = true}
        %dma_wait3A_453 = arith.constant 0 : i32
        %dma_wait3A_454 = arith.constant 0 : i32
        %dma_wait3A_455 = tpu.memref_slice %arg9[%run_scoped3A_241, %dma_wait3A_453, %dma_wait3A_454] : memref<2x128x128xf32, #tpu.memory_space<vmem>> -> memref<1x128x128xf32, #tpu.memory_space<vmem>>
        %dma_wait3A_456 = tpu.memref_squeeze %dma_wait3A_455 : memref<1x128x128xf32, #tpu.memory_space<vmem>> -> memref<128x128xf32, #tpu.memory_space<vmem>>
        %dma_wait3A_457 = arith.constant 0 : i32
        %dma_wait3A_458 = tpu.memref_slice %arg8[%run_scoped3A_242, %dma_wait3A_457] : memref<16x128xi32, #tpu.memory_space<vmem>> -> memref<1x128xi32, #tpu.memory_space<vmem>>
        %dma_wait3A_459 = tpu.memref_squeeze %dma_wait3A_458 : memref<1x128xi32, #tpu.memory_space<vmem>> -> memref<128xi32, #tpu.memory_space<vmem>>
        %dma_wait3A_460 = arith.constant 0 : i32
        %dma_wait3A_461 = arith.constant 0 : i32
        %dma_wait3A_462 = tpu.memref_slice %arg10[%dma_wait3A_460, %dma_wait3A_461] : memref<10240x128xf32, #tpu.memory_space<vmem_shared>> -> memref<10240x128xf32, #tpu.memory_space<vmem_shared>>
        tpu.wait_indirect_dma semaphore(%run_scoped3A_442 : memref<!tpu.dma_semaphore, #tpu.memory_space<semaphore_mem>>) src(%dma_wait3A_456 : memref<128x128xf32, #tpu.memory_space<vmem>>) dst(%dma_wait3A_462 : memref<10240x128xf32, #tpu.memory_space<vmem_shared>>)
        tpu.yield
      }) : () -> ()
      %add3A_243 = arith.constant 2 : i32
      %add3A_244 = arith.addi %add3A_229, %add3A_243 : i32
      %lt3A_245 = arith.constant 80 : i32
      %lt3A_246 = arith.cmpi slt, %add3A_244, %lt3A_245 : i32
      %convert_element_type3A_247 = arith.extui %lt3A_246 : i1 to i32
      %cond3A_248 = arith.constant 0 : i32
      %cond3A_249 = arith.cmpi ne, %convert_element_type3A_247, %cond3A_248 : i32
      scf.if %cond3A_249 {
        %add3A_442 = arith.constant 2 : i32
        %add3A_443 = arith.addi %add3A_229, %add3A_442 : i32
        %dma_start3A_444 = arith.constant 1 : i32
        %dma_start3A_445 = arith.constant 0 : i32
        %dma_start3A_446 = arith.constant 0 : i32
        %dma_start3A_447 = tpu.memref_slice %arg9[%dma_start3A_444, %dma_start3A_445, %dma_start3A_446] : memref<2x128x128xf32, #tpu.memory_space<vmem>> -> memref<1x128x128xf32, #tpu.memory_space<vmem>>
        %dma_start3A_448 = tpu.memref_squeeze %dma_start3A_447 : memref<1x128x128xf32, #tpu.memory_space<vmem>> -> memref<128x128xf32, #tpu.memory_space<vmem>>
        %dma_start3A_449 = arith.constant 0 : i32
        %dma_start3A_450 = tpu.memref_slice %arg7[%add3A_443, %dma_start3A_449] : memref<80x128xi32, #tpu.memory_space<vmem>> -> memref<1x128xi32, #tpu.memory_space<vmem>>
        %dma_start3A_451 = tpu.memref_squeeze %dma_start3A_450 : memref<1x128xi32, #tpu.memory_space<vmem>> -> memref<128xi32, #tpu.memory_space<vmem>>
        %dma_start3A_452 = arith.constant 0 : i32
        %dma_start3A_453 = arith.constant 0 : i32
        %dma_start3A_454 = tpu.memref_slice %arg2[%dma_start3A_452, %dma_start3A_453] : memref<10000x128xf32, #tpu.memory_space<hbm>> -> memref<10000x128xf32, #tpu.memory_space<hbm>>
        tpu.enqueue_indirect_dma source(%dma_start3A_454 : memref<10000x128xf32, #tpu.memory_space<hbm>>) target(%dma_start3A_448 : memref<128x128xf32, #tpu.memory_space<vmem>>) offsets(%dma_start3A_451 : memref<128xi32, #tpu.memory_space<vmem>>) semaphore(%arg11 : memref<!tpu.dma_semaphore, #tpu.memory_space<semaphore_mem>>)
      } else {
      }
      %mul3A_250 = arith.constant 16 : i32
      %mul3A_251 = arith.muli %scan3A_59, %mul3A_250 : i32
      %add3A_252 = arith.constant 8 : i32
      %add3A_253 = arith.addi %mul3A_251, %add3A_252 : i32
      %dma_wait3A_254 = arith.constant 0 : i32
      %dma_wait3A_255 = arith.constant 0 : i32
      %dma_wait3A_256 = arith.constant 0 : i32
      %dma_wait3A_257 = tpu.memref_slice %arg9[%dma_wait3A_254, %dma_wait3A_255, %dma_wait3A_256] : memref<2x128x128xf32, #tpu.memory_space<vmem>> -> memref<1x128x128xf32, #tpu.memory_space<vmem>>
      %dma_wait3A_258 = tpu.memref_squeeze %dma_wait3A_257 : memref<1x128x128xf32, #tpu.memory_space<vmem>> -> memref<128x128xf32, #tpu.memory_space<vmem>>
      %dma_wait3A_259 = arith.constant 0 : i32
      %dma_wait3A_260 = tpu.memref_slice %arg7[%add3A_253, %dma_wait3A_259] : memref<80x128xi32, #tpu.memory_space<vmem>> -> memref<1x128xi32, #tpu.memory_space<vmem>>
      %dma_wait3A_261 = tpu.memref_squeeze %dma_wait3A_260 : memref<1x128xi32, #tpu.memory_space<vmem>> -> memref<128xi32, #tpu.memory_space<vmem>>
      %dma_wait3A_262 = arith.constant 0 : i32
      %dma_wait3A_263 = arith.constant 0 : i32
      %dma_wait3A_264 = tpu.memref_slice %arg2[%dma_wait3A_262, %dma_wait3A_263] : memref<10000x128xf32, #tpu.memory_space<hbm>> -> memref<10000x128xf32, #tpu.memory_space<hbm>>
      tpu.wait_indirect_dma semaphore(%arg11 : memref<!tpu.dma_semaphore, #tpu.memory_space<semaphore_mem>>) src(%dma_wait3A_264 : memref<10000x128xf32, #tpu.memory_space<hbm>>) dst(%dma_wait3A_258 : memref<128x128xf32, #tpu.memory_space<vmem>>)
      %run_scoped3A_265 = arith.constant 0 : i32
      %run_scoped3A_266 = arith.constant 8 : i32
      "tpu.region"() ({
        %run_scoped3A_442 = tpu.sem_alloc : memref<!tpu.dma_semaphore, #tpu.memory_space<semaphore_mem>>
        %dma_start3A_443 = arith.constant 0 : i32
        %dma_start3A_444 = arith.constant 0 : i32
        %dma_start3A_445 = tpu.memref_slice %arg9[%run_scoped3A_265, %dma_start3A_443, %dma_start3A_444] : memref<2x128x128xf32, #tpu.memory_space<vmem>> -> memref<1x128x128xf32, #tpu.memory_space<vmem>>
        %dma_start3A_446 = tpu.memref_squeeze %dma_start3A_445 : memref<1x128x128xf32, #tpu.memory_space<vmem>> -> memref<128x128xf32, #tpu.memory_space<vmem>>
        %dma_start3A_447 = arith.constant 0 : i32
        %dma_start3A_448 = tpu.memref_slice %arg8[%run_scoped3A_266, %dma_start3A_447] : memref<16x128xi32, #tpu.memory_space<vmem>> -> memref<1x128xi32, #tpu.memory_space<vmem>>
        %dma_start3A_449 = tpu.memref_squeeze %dma_start3A_448 : memref<1x128xi32, #tpu.memory_space<vmem>> -> memref<128xi32, #tpu.memory_space<vmem>>
        %dma_start3A_450 = arith.constant 0 : i32
        %dma_start3A_451 = arith.constant 0 : i32
        %dma_start3A_452 = tpu.memref_slice %arg10[%dma_start3A_450, %dma_start3A_451] : memref<10240x128xf32, #tpu.memory_space<vmem_shared>> -> memref<10240x128xf32, #tpu.memory_space<vmem_shared>>
        tpu.enqueue_indirect_dma source(%dma_start3A_446 : memref<128x128xf32, #tpu.memory_space<vmem>>) target(%dma_start3A_452 : memref<10240x128xf32, #tpu.memory_space<vmem_shared>>) offsets(%dma_start3A_449 : memref<128xi32, #tpu.memory_space<vmem>>) semaphore(%run_scoped3A_442 : memref<!tpu.dma_semaphore, #tpu.memory_space<semaphore_mem>>) {add = true}
        %dma_wait3A_453 = arith.constant 0 : i32
        %dma_wait3A_454 = arith.constant 0 : i32
        %dma_wait3A_455 = tpu.memref_slice %arg9[%run_scoped3A_265, %dma_wait3A_453, %dma_wait3A_454] : memref<2x128x128xf32, #tpu.memory_space<vmem>> -> memref<1x128x128xf32, #tpu.memory_space<vmem>>
        %dma_wait3A_456 = tpu.memref_squeeze %dma_wait3A_455 : memref<1x128x128xf32, #tpu.memory_space<vmem>> -> memref<128x128xf32, #tpu.memory_space<vmem>>
        %dma_wait3A_457 = arith.constant 0 : i32
        %dma_wait3A_458 = tpu.memref_slice %arg8[%run_scoped3A_266, %dma_wait3A_457] : memref<16x128xi32, #tpu.memory_space<vmem>> -> memref<1x128xi32, #tpu.memory_space<vmem>>
        %dma_wait3A_459 = tpu.memref_squeeze %dma_wait3A_458 : memref<1x128xi32, #tpu.memory_space<vmem>> -> memref<128xi32, #tpu.memory_space<vmem>>
        %dma_wait3A_460 = arith.constant 0 : i32
        %dma_wait3A_461 = arith.constant 0 : i32
        %dma_wait3A_462 = tpu.memref_slice %arg10[%dma_wait3A_460, %dma_wait3A_461] : memref<10240x128xf32, #tpu.memory_space<vmem_shared>> -> memref<10240x128xf32, #tpu.memory_space<vmem_shared>>
        tpu.wait_indirect_dma semaphore(%run_scoped3A_442 : memref<!tpu.dma_semaphore, #tpu.memory_space<semaphore_mem>>) src(%dma_wait3A_456 : memref<128x128xf32, #tpu.memory_space<vmem>>) dst(%dma_wait3A_462 : memref<10240x128xf32, #tpu.memory_space<vmem_shared>>)
        tpu.yield
      }) : () -> ()
      %add3A_267 = arith.constant 2 : i32
      %add3A_268 = arith.addi %add3A_253, %add3A_267 : i32
      %lt3A_269 = arith.constant 80 : i32
      %lt3A_270 = arith.cmpi slt, %add3A_268, %lt3A_269 : i32
      %convert_element_type3A_271 = arith.extui %lt3A_270 : i1 to i32
      %cond3A_272 = arith.constant 0 : i32
      %cond3A_273 = arith.cmpi ne, %convert_element_type3A_271, %cond3A_272 : i32
      scf.if %cond3A_273 {
        %add3A_442 = arith.constant 2 : i32
        %add3A_443 = arith.addi %add3A_253, %add3A_442 : i32
        %dma_start3A_444 = arith.constant 0 : i32
        %dma_start3A_445 = arith.constant 0 : i32
        %dma_start3A_446 = arith.constant 0 : i32
        %dma_start3A_447 = tpu.memref_slice %arg9[%dma_start3A_444, %dma_start3A_445, %dma_start3A_446] : memref<2x128x128xf32, #tpu.memory_space<vmem>> -> memref<1x128x128xf32, #tpu.memory_space<vmem>>
        %dma_start3A_448 = tpu.memref_squeeze %dma_start3A_447 : memref<1x128x128xf32, #tpu.memory_space<vmem>> -> memref<128x128xf32, #tpu.memory_space<vmem>>
        %dma_start3A_449 = arith.constant 0 : i32
        %dma_start3A_450 = tpu.memref_slice %arg7[%add3A_443, %dma_start3A_449] : memref<80x128xi32, #tpu.memory_space<vmem>> -> memref<1x128xi32, #tpu.memory_space<vmem>>
        %dma_start3A_451 = tpu.memref_squeeze %dma_start3A_450 : memref<1x128xi32, #tpu.memory_space<vmem>> -> memref<128xi32, #tpu.memory_space<vmem>>
        %dma_start3A_452 = arith.constant 0 : i32
        %dma_start3A_453 = arith.constant 0 : i32
        %dma_start3A_454 = tpu.memref_slice %arg2[%dma_start3A_452, %dma_start3A_453] : memref<10000x128xf32, #tpu.memory_space<hbm>> -> memref<10000x128xf32, #tpu.memory_space<hbm>>
        tpu.enqueue_indirect_dma source(%dma_start3A_454 : memref<10000x128xf32, #tpu.memory_space<hbm>>) target(%dma_start3A_448 : memref<128x128xf32, #tpu.memory_space<vmem>>) offsets(%dma_start3A_451 : memref<128xi32, #tpu.memory_space<vmem>>) semaphore(%arg11 : memref<!tpu.dma_semaphore, #tpu.memory_space<semaphore_mem>>)
      } else {
      }
      %mul3A_274 = arith.constant 16 : i32
      %mul3A_275 = arith.muli %scan3A_59, %mul3A_274 : i32
      %add3A_276 = arith.constant 9 : i32
      %add3A_277 = arith.addi %mul3A_275, %add3A_276 : i32
      %dma_wait3A_278 = arith.constant 1 : i32
      %dma_wait3A_279 = arith.constant 0 : i32
      %dma_wait3A_280 = arith.constant 0 : i32
      %dma_wait3A_281 = tpu.memref_slice %arg9[%dma_wait3A_278, %dma_wait3A_279, %dma_wait3A_280] : memref<2x128x128xf32, #tpu.memory_space<vmem>> -> memref<1x128x128xf32, #tpu.memory_space<vmem>>
      %dma_wait3A_282 = tpu.memref_squeeze %dma_wait3A_281 : memref<1x128x128xf32, #tpu.memory_space<vmem>> -> memref<128x128xf32, #tpu.memory_space<vmem>>
      %dma_wait3A_283 = arith.constant 0 : i32
      %dma_wait3A_284 = tpu.memref_slice %arg7[%add3A_277, %dma_wait3A_283] : memref<80x128xi32, #tpu.memory_space<vmem>> -> memref<1x128xi32, #tpu.memory_space<vmem>>
      %dma_wait3A_285 = tpu.memref_squeeze %dma_wait3A_284 : memref<1x128xi32, #tpu.memory_space<vmem>> -> memref<128xi32, #tpu.memory_space<vmem>>
      %dma_wait3A_286 = arith.constant 0 : i32
      %dma_wait3A_287 = arith.constant 0 : i32
      %dma_wait3A_288 = tpu.memref_slice %arg2[%dma_wait3A_286, %dma_wait3A_287] : memref<10000x128xf32, #tpu.memory_space<hbm>> -> memref<10000x128xf32, #tpu.memory_space<hbm>>
      tpu.wait_indirect_dma semaphore(%arg11 : memref<!tpu.dma_semaphore, #tpu.memory_space<semaphore_mem>>) src(%dma_wait3A_288 : memref<10000x128xf32, #tpu.memory_space<hbm>>) dst(%dma_wait3A_282 : memref<128x128xf32, #tpu.memory_space<vmem>>)
      %run_scoped3A_289 = arith.constant 1 : i32
      %run_scoped3A_290 = arith.constant 9 : i32
      "tpu.region"() ({
        %run_scoped3A_442 = tpu.sem_alloc : memref<!tpu.dma_semaphore, #tpu.memory_space<semaphore_mem>>
        %dma_start3A_443 = arith.constant 0 : i32
        %dma_start3A_444 = arith.constant 0 : i32
        %dma_start3A_445 = tpu.memref_slice %arg9[%run_scoped3A_289, %dma_start3A_443, %dma_start3A_444] : memref<2x128x128xf32, #tpu.memory_space<vmem>> -> memref<1x128x128xf32, #tpu.memory_space<vmem>>
        %dma_start3A_446 = tpu.memref_squeeze %dma_start3A_445 : memref<1x128x128xf32, #tpu.memory_space<vmem>> -> memref<128x128xf32, #tpu.memory_space<vmem>>
        %dma_start3A_447 = arith.constant 0 : i32
        %dma_start3A_448 = tpu.memref_slice %arg8[%run_scoped3A_290, %dma_start3A_447] : memref<16x128xi32, #tpu.memory_space<vmem>> -> memref<1x128xi32, #tpu.memory_space<vmem>>
        %dma_start3A_449 = tpu.memref_squeeze %dma_start3A_448 : memref<1x128xi32, #tpu.memory_space<vmem>> -> memref<128xi32, #tpu.memory_space<vmem>>
        %dma_start3A_450 = arith.constant 0 : i32
        %dma_start3A_451 = arith.constant 0 : i32
        %dma_start3A_452 = tpu.memref_slice %arg10[%dma_start3A_450, %dma_start3A_451] : memref<10240x128xf32, #tpu.memory_space<vmem_shared>> -> memref<10240x128xf32, #tpu.memory_space<vmem_shared>>
        tpu.enqueue_indirect_dma source(%dma_start3A_446 : memref<128x128xf32, #tpu.memory_space<vmem>>) target(%dma_start3A_452 : memref<10240x128xf32, #tpu.memory_space<vmem_shared>>) offsets(%dma_start3A_449 : memref<128xi32, #tpu.memory_space<vmem>>) semaphore(%run_scoped3A_442 : memref<!tpu.dma_semaphore, #tpu.memory_space<semaphore_mem>>) {add = true}
        %dma_wait3A_453 = arith.constant 0 : i32
        %dma_wait3A_454 = arith.constant 0 : i32
        %dma_wait3A_455 = tpu.memref_slice %arg9[%run_scoped3A_289, %dma_wait3A_453, %dma_wait3A_454] : memref<2x128x128xf32, #tpu.memory_space<vmem>> -> memref<1x128x128xf32, #tpu.memory_space<vmem>>
        %dma_wait3A_456 = tpu.memref_squeeze %dma_wait3A_455 : memref<1x128x128xf32, #tpu.memory_space<vmem>> -> memref<128x128xf32, #tpu.memory_space<vmem>>
        %dma_wait3A_457 = arith.constant 0 : i32
        %dma_wait3A_458 = tpu.memref_slice %arg8[%run_scoped3A_290, %dma_wait3A_457] : memref<16x128xi32, #tpu.memory_space<vmem>> -> memref<1x128xi32, #tpu.memory_space<vmem>>
        %dma_wait3A_459 = tpu.memref_squeeze %dma_wait3A_458 : memref<1x128xi32, #tpu.memory_space<vmem>> -> memref<128xi32, #tpu.memory_space<vmem>>
        %dma_wait3A_460 = arith.constant 0 : i32
        %dma_wait3A_461 = arith.constant 0 : i32
        %dma_wait3A_462 = tpu.memref_slice %arg10[%dma_wait3A_460, %dma_wait3A_461] : memref<10240x128xf32, #tpu.memory_space<vmem_shared>> -> memref<10240x128xf32, #tpu.memory_space<vmem_shared>>
        tpu.wait_indirect_dma semaphore(%run_scoped3A_442 : memref<!tpu.dma_semaphore, #tpu.memory_space<semaphore_mem>>) src(%dma_wait3A_456 : memref<128x128xf32, #tpu.memory_space<vmem>>) dst(%dma_wait3A_462 : memref<10240x128xf32, #tpu.memory_space<vmem_shared>>)
        tpu.yield
      }) : () -> ()
      %add3A_291 = arith.constant 2 : i32
      %add3A_292 = arith.addi %add3A_277, %add3A_291 : i32
      %lt3A_293 = arith.constant 80 : i32
      %lt3A_294 = arith.cmpi slt, %add3A_292, %lt3A_293 : i32
      %convert_element_type3A_295 = arith.extui %lt3A_294 : i1 to i32
      %cond3A_296 = arith.constant 0 : i32
      %cond3A_297 = arith.cmpi ne, %convert_element_type3A_295, %cond3A_296 : i32
      scf.if %cond3A_297 {
        %add3A_442 = arith.constant 2 : i32
        %add3A_443 = arith.addi %add3A_277, %add3A_442 : i32
        %dma_start3A_444 = arith.constant 1 : i32
        %dma_start3A_445 = arith.constant 0 : i32
        %dma_start3A_446 = arith.constant 0 : i32
        %dma_start3A_447 = tpu.memref_slice %arg9[%dma_start3A_444, %dma_start3A_445, %dma_start3A_446] : memref<2x128x128xf32, #tpu.memory_space<vmem>> -> memref<1x128x128xf32, #tpu.memory_space<vmem>>
        %dma_start3A_448 = tpu.memref_squeeze %dma_start3A_447 : memref<1x128x128xf32, #tpu.memory_space<vmem>> -> memref<128x128xf32, #tpu.memory_space<vmem>>
        %dma_start3A_449 = arith.constant 0 : i32
        %dma_start3A_450 = tpu.memref_slice %arg7[%add3A_443, %dma_start3A_449] : memref<80x128xi32, #tpu.memory_space<vmem>> -> memref<1x128xi32, #tpu.memory_space<vmem>>
        %dma_start3A_451 = tpu.memref_squeeze %dma_start3A_450 : memref<1x128xi32, #tpu.memory_space<vmem>> -> memref<128xi32, #tpu.memory_space<vmem>>
        %dma_start3A_452 = arith.constant 0 : i32
        %dma_start3A_453 = arith.constant 0 : i32
        %dma_start3A_454 = tpu.memref_slice %arg2[%dma_start3A_452, %dma_start3A_453] : memref<10000x128xf32, #tpu.memory_space<hbm>> -> memref<10000x128xf32, #tpu.memory_space<hbm>>
        tpu.enqueue_indirect_dma source(%dma_start3A_454 : memref<10000x128xf32, #tpu.memory_space<hbm>>) target(%dma_start3A_448 : memref<128x128xf32, #tpu.memory_space<vmem>>) offsets(%dma_start3A_451 : memref<128xi32, #tpu.memory_space<vmem>>) semaphore(%arg11 : memref<!tpu.dma_semaphore, #tpu.memory_space<semaphore_mem>>)
      } else {
      }
      %mul3A_298 = arith.constant 16 : i32
      %mul3A_299 = arith.muli %scan3A_59, %mul3A_298 : i32
      %add3A_300 = arith.constant 10 : i32
      %add3A_301 = arith.addi %mul3A_299, %add3A_300 : i32
      %dma_wait3A_302 = arith.constant 0 : i32
      %dma_wait3A_303 = arith.constant 0 : i32
      %dma_wait3A_304 = arith.constant 0 : i32
      %dma_wait3A_305 = tpu.memref_slice %arg9[%dma_wait3A_302, %dma_wait3A_303, %dma_wait3A_304] : memref<2x128x128xf32, #tpu.memory_space<vmem>> -> memref<1x128x128xf32, #tpu.memory_space<vmem>>
      %dma_wait3A_306 = tpu.memref_squeeze %dma_wait3A_305 : memref<1x128x128xf32, #tpu.memory_space<vmem>> -> memref<128x128xf32, #tpu.memory_space<vmem>>
      %dma_wait3A_307 = arith.constant 0 : i32
      %dma_wait3A_308 = tpu.memref_slice %arg7[%add3A_301, %dma_wait3A_307] : memref<80x128xi32, #tpu.memory_space<vmem>> -> memref<1x128xi32, #tpu.memory_space<vmem>>
      %dma_wait3A_309 = tpu.memref_squeeze %dma_wait3A_308 : memref<1x128xi32, #tpu.memory_space<vmem>> -> memref<128xi32, #tpu.memory_space<vmem>>
      %dma_wait3A_310 = arith.constant 0 : i32
      %dma_wait3A_311 = arith.constant 0 : i32
      %dma_wait3A_312 = tpu.memref_slice %arg2[%dma_wait3A_310, %dma_wait3A_311] : memref<10000x128xf32, #tpu.memory_space<hbm>> -> memref<10000x128xf32, #tpu.memory_space<hbm>>
      tpu.wait_indirect_dma semaphore(%arg11 : memref<!tpu.dma_semaphore, #tpu.memory_space<semaphore_mem>>) src(%dma_wait3A_312 : memref<10000x128xf32, #tpu.memory_space<hbm>>) dst(%dma_wait3A_306 : memref<128x128xf32, #tpu.memory_space<vmem>>)
      %run_scoped3A_313 = arith.constant 0 : i32
      %run_scoped3A_314 = arith.constant 10 : i32
      "tpu.region"() ({
        %run_scoped3A_442 = tpu.sem_alloc : memref<!tpu.dma_semaphore, #tpu.memory_space<semaphore_mem>>
        %dma_start3A_443 = arith.constant 0 : i32
        %dma_start3A_444 = arith.constant 0 : i32
        %dma_start3A_445 = tpu.memref_slice %arg9[%run_scoped3A_313, %dma_start3A_443, %dma_start3A_444] : memref<2x128x128xf32, #tpu.memory_space<vmem>> -> memref<1x128x128xf32, #tpu.memory_space<vmem>>
        %dma_start3A_446 = tpu.memref_squeeze %dma_start3A_445 : memref<1x128x128xf32, #tpu.memory_space<vmem>> -> memref<128x128xf32, #tpu.memory_space<vmem>>
        %dma_start3A_447 = arith.constant 0 : i32
        %dma_start3A_448 = tpu.memref_slice %arg8[%run_scoped3A_314, %dma_start3A_447] : memref<16x128xi32, #tpu.memory_space<vmem>> -> memref<1x128xi32, #tpu.memory_space<vmem>>
        %dma_start3A_449 = tpu.memref_squeeze %dma_start3A_448 : memref<1x128xi32, #tpu.memory_space<vmem>> -> memref<128xi32, #tpu.memory_space<vmem>>
        %dma_start3A_450 = arith.constant 0 : i32
        %dma_start3A_451 = arith.constant 0 : i32
        %dma_start3A_452 = tpu.memref_slice %arg10[%dma_start3A_450, %dma_start3A_451] : memref<10240x128xf32, #tpu.memory_space<vmem_shared>> -> memref<10240x128xf32, #tpu.memory_space<vmem_shared>>
        tpu.enqueue_indirect_dma source(%dma_start3A_446 : memref<128x128xf32, #tpu.memory_space<vmem>>) target(%dma_start3A_452 : memref<10240x128xf32, #tpu.memory_space<vmem_shared>>) offsets(%dma_start3A_449 : memref<128xi32, #tpu.memory_space<vmem>>) semaphore(%run_scoped3A_442 : memref<!tpu.dma_semaphore, #tpu.memory_space<semaphore_mem>>) {add = true}
        %dma_wait3A_453 = arith.constant 0 : i32
        %dma_wait3A_454 = arith.constant 0 : i32
        %dma_wait3A_455 = tpu.memref_slice %arg9[%run_scoped3A_313, %dma_wait3A_453, %dma_wait3A_454] : memref<2x128x128xf32, #tpu.memory_space<vmem>> -> memref<1x128x128xf32, #tpu.memory_space<vmem>>
        %dma_wait3A_456 = tpu.memref_squeeze %dma_wait3A_455 : memref<1x128x128xf32, #tpu.memory_space<vmem>> -> memref<128x128xf32, #tpu.memory_space<vmem>>
        %dma_wait3A_457 = arith.constant 0 : i32
        %dma_wait3A_458 = tpu.memref_slice %arg8[%run_scoped3A_314, %dma_wait3A_457] : memref<16x128xi32, #tpu.memory_space<vmem>> -> memref<1x128xi32, #tpu.memory_space<vmem>>
        %dma_wait3A_459 = tpu.memref_squeeze %dma_wait3A_458 : memref<1x128xi32, #tpu.memory_space<vmem>> -> memref<128xi32, #tpu.memory_space<vmem>>
        %dma_wait3A_460 = arith.constant 0 : i32
        %dma_wait3A_461 = arith.constant 0 : i32
        %dma_wait3A_462 = tpu.memref_slice %arg10[%dma_wait3A_460, %dma_wait3A_461] : memref<10240x128xf32, #tpu.memory_space<vmem_shared>> -> memref<10240x128xf32, #tpu.memory_space<vmem_shared>>
        tpu.wait_indirect_dma semaphore(%run_scoped3A_442 : memref<!tpu.dma_semaphore, #tpu.memory_space<semaphore_mem>>) src(%dma_wait3A_456 : memref<128x128xf32, #tpu.memory_space<vmem>>) dst(%dma_wait3A_462 : memref<10240x128xf32, #tpu.memory_space<vmem_shared>>)
        tpu.yield
      }) : () -> ()
      %add3A_315 = arith.constant 2 : i32
      %add3A_316 = arith.addi %add3A_301, %add3A_315 : i32
      %lt3A_317 = arith.constant 80 : i32
      %lt3A_318 = arith.cmpi slt, %add3A_316, %lt3A_317 : i32
      %convert_element_type3A_319 = arith.extui %lt3A_318 : i1 to i32
      %cond3A_320 = arith.constant 0 : i32
      %cond3A_321 = arith.cmpi ne, %convert_element_type3A_319, %cond3A_320 : i32
      scf.if %cond3A_321 {
        %add3A_442 = arith.constant 2 : i32
        %add3A_443 = arith.addi %add3A_301, %add3A_442 : i32
        %dma_start3A_444 = arith.constant 0 : i32
        %dma_start3A_445 = arith.constant 0 : i32
        %dma_start3A_446 = arith.constant 0 : i32
        %dma_start3A_447 = tpu.memref_slice %arg9[%dma_start3A_444, %dma_start3A_445, %dma_start3A_446] : memref<2x128x128xf32, #tpu.memory_space<vmem>> -> memref<1x128x128xf32, #tpu.memory_space<vmem>>
        %dma_start3A_448 = tpu.memref_squeeze %dma_start3A_447 : memref<1x128x128xf32, #tpu.memory_space<vmem>> -> memref<128x128xf32, #tpu.memory_space<vmem>>
        %dma_start3A_449 = arith.constant 0 : i32
        %dma_start3A_450 = tpu.memref_slice %arg7[%add3A_443, %dma_start3A_449] : memref<80x128xi32, #tpu.memory_space<vmem>> -> memref<1x128xi32, #tpu.memory_space<vmem>>
        %dma_start3A_451 = tpu.memref_squeeze %dma_start3A_450 : memref<1x128xi32, #tpu.memory_space<vmem>> -> memref<128xi32, #tpu.memory_space<vmem>>
        %dma_start3A_452 = arith.constant 0 : i32
        %dma_start3A_453 = arith.constant 0 : i32
        %dma_start3A_454 = tpu.memref_slice %arg2[%dma_start3A_452, %dma_start3A_453] : memref<10000x128xf32, #tpu.memory_space<hbm>> -> memref<10000x128xf32, #tpu.memory_space<hbm>>
        tpu.enqueue_indirect_dma source(%dma_start3A_454 : memref<10000x128xf32, #tpu.memory_space<hbm>>) target(%dma_start3A_448 : memref<128x128xf32, #tpu.memory_space<vmem>>) offsets(%dma_start3A_451 : memref<128xi32, #tpu.memory_space<vmem>>) semaphore(%arg11 : memref<!tpu.dma_semaphore, #tpu.memory_space<semaphore_mem>>)
      } else {
      }
      %mul3A_322 = arith.constant 16 : i32
      %mul3A_323 = arith.muli %scan3A_59, %mul3A_322 : i32
      %add3A_324 = arith.constant 11 : i32
      %add3A_325 = arith.addi %mul3A_323, %add3A_324 : i32
      %dma_wait3A_326 = arith.constant 1 : i32
      %dma_wait3A_327 = arith.constant 0 : i32
      %dma_wait3A_328 = arith.constant 0 : i32
      %dma_wait3A_329 = tpu.memref_slice %arg9[%dma_wait3A_326, %dma_wait3A_327, %dma_wait3A_328] : memref<2x128x128xf32, #tpu.memory_space<vmem>> -> memref<1x128x128xf32, #tpu.memory_space<vmem>>
      %dma_wait3A_330 = tpu.memref_squeeze %dma_wait3A_329 : memref<1x128x128xf32, #tpu.memory_space<vmem>> -> memref<128x128xf32, #tpu.memory_space<vmem>>
      %dma_wait3A_331 = arith.constant 0 : i32
      %dma_wait3A_332 = tpu.memref_slice %arg7[%add3A_325, %dma_wait3A_331] : memref<80x128xi32, #tpu.memory_space<vmem>> -> memref<1x128xi32, #tpu.memory_space<vmem>>
      %dma_wait3A_333 = tpu.memref_squeeze %dma_wait3A_332 : memref<1x128xi32, #tpu.memory_space<vmem>> -> memref<128xi32, #tpu.memory_space<vmem>>
      %dma_wait3A_334 = arith.constant 0 : i32
      %dma_wait3A_335 = arith.constant 0 : i32
      %dma_wait3A_336 = tpu.memref_slice %arg2[%dma_wait3A_334, %dma_wait3A_335] : memref<10000x128xf32, #tpu.memory_space<hbm>> -> memref<10000x128xf32, #tpu.memory_space<hbm>>
      tpu.wait_indirect_dma semaphore(%arg11 : memref<!tpu.dma_semaphore, #tpu.memory_space<semaphore_mem>>) src(%dma_wait3A_336 : memref<10000x128xf32, #tpu.memory_space<hbm>>) dst(%dma_wait3A_330 : memref<128x128xf32, #tpu.memory_space<vmem>>)
      %run_scoped3A_337 = arith.constant 1 : i32
      %run_scoped3A_338 = arith.constant 11 : i32
      "tpu.region"() ({
        %run_scoped3A_442 = tpu.sem_alloc : memref<!tpu.dma_semaphore, #tpu.memory_space<semaphore_mem>>
        %dma_start3A_443 = arith.constant 0 : i32
        %dma_start3A_444 = arith.constant 0 : i32
        %dma_start3A_445 = tpu.memref_slice %arg9[%run_scoped3A_337, %dma_start3A_443, %dma_start3A_444] : memref<2x128x128xf32, #tpu.memory_space<vmem>> -> memref<1x128x128xf32, #tpu.memory_space<vmem>>
        %dma_start3A_446 = tpu.memref_squeeze %dma_start3A_445 : memref<1x128x128xf32, #tpu.memory_space<vmem>> -> memref<128x128xf32, #tpu.memory_space<vmem>>
        %dma_start3A_447 = arith.constant 0 : i32
        %dma_start3A_448 = tpu.memref_slice %arg8[%run_scoped3A_338, %dma_start3A_447] : memref<16x128xi32, #tpu.memory_space<vmem>> -> memref<1x128xi32, #tpu.memory_space<vmem>>
        %dma_start3A_449 = tpu.memref_squeeze %dma_start3A_448 : memref<1x128xi32, #tpu.memory_space<vmem>> -> memref<128xi32, #tpu.memory_space<vmem>>
        %dma_start3A_450 = arith.constant 0 : i32
        %dma_start3A_451 = arith.constant 0 : i32
        %dma_start3A_452 = tpu.memref_slice %arg10[%dma_start3A_450, %dma_start3A_451] : memref<10240x128xf32, #tpu.memory_space<vmem_shared>> -> memref<10240x128xf32, #tpu.memory_space<vmem_shared>>
        tpu.enqueue_indirect_dma source(%dma_start3A_446 : memref<128x128xf32, #tpu.memory_space<vmem>>) target(%dma_start3A_452 : memref<10240x128xf32, #tpu.memory_space<vmem_shared>>) offsets(%dma_start3A_449 : memref<128xi32, #tpu.memory_space<vmem>>) semaphore(%run_scoped3A_442 : memref<!tpu.dma_semaphore, #tpu.memory_space<semaphore_mem>>) {add = true}
        %dma_wait3A_453 = arith.constant 0 : i32
        %dma_wait3A_454 = arith.constant 0 : i32
        %dma_wait3A_455 = tpu.memref_slice %arg9[%run_scoped3A_337, %dma_wait3A_453, %dma_wait3A_454] : memref<2x128x128xf32, #tpu.memory_space<vmem>> -> memref<1x128x128xf32, #tpu.memory_space<vmem>>
        %dma_wait3A_456 = tpu.memref_squeeze %dma_wait3A_455 : memref<1x128x128xf32, #tpu.memory_space<vmem>> -> memref<128x128xf32, #tpu.memory_space<vmem>>
        %dma_wait3A_457 = arith.constant 0 : i32
        %dma_wait3A_458 = tpu.memref_slice %arg8[%run_scoped3A_338, %dma_wait3A_457] : memref<16x128xi32, #tpu.memory_space<vmem>> -> memref<1x128xi32, #tpu.memory_space<vmem>>
        %dma_wait3A_459 = tpu.memref_squeeze %dma_wait3A_458 : memref<1x128xi32, #tpu.memory_space<vmem>> -> memref<128xi32, #tpu.memory_space<vmem>>
        %dma_wait3A_460 = arith.constant 0 : i32
        %dma_wait3A_461 = arith.constant 0 : i32
        %dma_wait3A_462 = tpu.memref_slice %arg10[%dma_wait3A_460, %dma_wait3A_461] : memref<10240x128xf32, #tpu.memory_space<vmem_shared>> -> memref<10240x128xf32, #tpu.memory_space<vmem_shared>>
        tpu.wait_indirect_dma semaphore(%run_scoped3A_442 : memref<!tpu.dma_semaphore, #tpu.memory_space<semaphore_mem>>) src(%dma_wait3A_456 : memref<128x128xf32, #tpu.memory_space<vmem>>) dst(%dma_wait3A_462 : memref<10240x128xf32, #tpu.memory_space<vmem_shared>>)
        tpu.yield
      }) : () -> ()
      %add3A_339 = arith.constant 2 : i32
      %add3A_340 = arith.addi %add3A_325, %add3A_339 : i32
      %lt3A_341 = arith.constant 80 : i32
      %lt3A_342 = arith.cmpi slt, %add3A_340, %lt3A_341 : i32
      %convert_element_type3A_343 = arith.extui %lt3A_342 : i1 to i32
      %cond3A_344 = arith.constant 0 : i32
      %cond3A_345 = arith.cmpi ne, %convert_element_type3A_343, %cond3A_344 : i32
      scf.if %cond3A_345 {
        %add3A_442 = arith.constant 2 : i32
        %add3A_443 = arith.addi %add3A_325, %add3A_442 : i32
        %dma_start3A_444 = arith.constant 1 : i32
        %dma_start3A_445 = arith.constant 0 : i32
        %dma_start3A_446 = arith.constant 0 : i32
        %dma_start3A_447 = tpu.memref_slice %arg9[%dma_start3A_444, %dma_start3A_445, %dma_start3A_446] : memref<2x128x128xf32, #tpu.memory_space<vmem>> -> memref<1x128x128xf32, #tpu.memory_space<vmem>>
        %dma_start3A_448 = tpu.memref_squeeze %dma_start3A_447 : memref<1x128x128xf32, #tpu.memory_space<vmem>> -> memref<128x128xf32, #tpu.memory_space<vmem>>
        %dma_start3A_449 = arith.constant 0 : i32
        %dma_start3A_450 = tpu.memref_slice %arg7[%add3A_443, %dma_start3A_449] : memref<80x128xi32, #tpu.memory_space<vmem>> -> memref<1x128xi32, #tpu.memory_space<vmem>>
        %dma_start3A_451 = tpu.memref_squeeze %dma_start3A_450 : memref<1x128xi32, #tpu.memory_space<vmem>> -> memref<128xi32, #tpu.memory_space<vmem>>
        %dma_start3A_452 = arith.constant 0 : i32
        %dma_start3A_453 = arith.constant 0 : i32
        %dma_start3A_454 = tpu.memref_slice %arg2[%dma_start3A_452, %dma_start3A_453] : memref<10000x128xf32, #tpu.memory_space<hbm>> -> memref<10000x128xf32, #tpu.memory_space<hbm>>
        tpu.enqueue_indirect_dma source(%dma_start3A_454 : memref<10000x128xf32, #tpu.memory_space<hbm>>) target(%dma_start3A_448 : memref<128x128xf32, #tpu.memory_space<vmem>>) offsets(%dma_start3A_451 : memref<128xi32, #tpu.memory_space<vmem>>) semaphore(%arg11 : memref<!tpu.dma_semaphore, #tpu.memory_space<semaphore_mem>>)
      } else {
      }
      %mul3A_346 = arith.constant 16 : i32
      %mul3A_347 = arith.muli %scan3A_59, %mul3A_346 : i32
      %add3A_348 = arith.constant 12 : i32
      %add3A_349 = arith.addi %mul3A_347, %add3A_348 : i32
      %dma_wait3A_350 = arith.constant 0 : i32
      %dma_wait3A_351 = arith.constant 0 : i32
      %dma_wait3A_352 = arith.constant 0 : i32
      %dma_wait3A_353 = tpu.memref_slice %arg9[%dma_wait3A_350, %dma_wait3A_351, %dma_wait3A_352] : memref<2x128x128xf32, #tpu.memory_space<vmem>> -> memref<1x128x128xf32, #tpu.memory_space<vmem>>
      %dma_wait3A_354 = tpu.memref_squeeze %dma_wait3A_353 : memref<1x128x128xf32, #tpu.memory_space<vmem>> -> memref<128x128xf32, #tpu.memory_space<vmem>>
      %dma_wait3A_355 = arith.constant 0 : i32
      %dma_wait3A_356 = tpu.memref_slice %arg7[%add3A_349, %dma_wait3A_355] : memref<80x128xi32, #tpu.memory_space<vmem>> -> memref<1x128xi32, #tpu.memory_space<vmem>>
      %dma_wait3A_357 = tpu.memref_squeeze %dma_wait3A_356 : memref<1x128xi32, #tpu.memory_space<vmem>> -> memref<128xi32, #tpu.memory_space<vmem>>
      %dma_wait3A_358 = arith.constant 0 : i32
      %dma_wait3A_359 = arith.constant 0 : i32
      %dma_wait3A_360 = tpu.memref_slice %arg2[%dma_wait3A_358, %dma_wait3A_359] : memref<10000x128xf32, #tpu.memory_space<hbm>> -> memref<10000x128xf32, #tpu.memory_space<hbm>>
      tpu.wait_indirect_dma semaphore(%arg11 : memref<!tpu.dma_semaphore, #tpu.memory_space<semaphore_mem>>) src(%dma_wait3A_360 : memref<10000x128xf32, #tpu.memory_space<hbm>>) dst(%dma_wait3A_354 : memref<128x128xf32, #tpu.memory_space<vmem>>)
      %run_scoped3A_361 = arith.constant 0 : i32
      %run_scoped3A_362 = arith.constant 12 : i32
      "tpu.region"() ({
        %run_scoped3A_442 = tpu.sem_alloc : memref<!tpu.dma_semaphore, #tpu.memory_space<semaphore_mem>>
        %dma_start3A_443 = arith.constant 0 : i32
        %dma_start3A_444 = arith.constant 0 : i32
        %dma_start3A_445 = tpu.memref_slice %arg9[%run_scoped3A_361, %dma_start3A_443, %dma_start3A_444] : memref<2x128x128xf32, #tpu.memory_space<vmem>> -> memref<1x128x128xf32, #tpu.memory_space<vmem>>
        %dma_start3A_446 = tpu.memref_squeeze %dma_start3A_445 : memref<1x128x128xf32, #tpu.memory_space<vmem>> -> memref<128x128xf32, #tpu.memory_space<vmem>>
        %dma_start3A_447 = arith.constant 0 : i32
        %dma_start3A_448 = tpu.memref_slice %arg8[%run_scoped3A_362, %dma_start3A_447] : memref<16x128xi32, #tpu.memory_space<vmem>> -> memref<1x128xi32, #tpu.memory_space<vmem>>
        %dma_start3A_449 = tpu.memref_squeeze %dma_start3A_448 : memref<1x128xi32, #tpu.memory_space<vmem>> -> memref<128xi32, #tpu.memory_space<vmem>>
        %dma_start3A_450 = arith.constant 0 : i32
        %dma_start3A_451 = arith.constant 0 : i32
        %dma_start3A_452 = tpu.memref_slice %arg10[%dma_start3A_450, %dma_start3A_451] : memref<10240x128xf32, #tpu.memory_space<vmem_shared>> -> memref<10240x128xf32, #tpu.memory_space<vmem_shared>>
        tpu.enqueue_indirect_dma source(%dma_start3A_446 : memref<128x128xf32, #tpu.memory_space<vmem>>) target(%dma_start3A_452 : memref<10240x128xf32, #tpu.memory_space<vmem_shared>>) offsets(%dma_start3A_449 : memref<128xi32, #tpu.memory_space<vmem>>) semaphore(%run_scoped3A_442 : memref<!tpu.dma_semaphore, #tpu.memory_space<semaphore_mem>>) {add = true}
        %dma_wait3A_453 = arith.constant 0 : i32
        %dma_wait3A_454 = arith.constant 0 : i32
        %dma_wait3A_455 = tpu.memref_slice %arg9[%run_scoped3A_361, %dma_wait3A_453, %dma_wait3A_454] : memref<2x128x128xf32, #tpu.memory_space<vmem>> -> memref<1x128x128xf32, #tpu.memory_space<vmem>>
        %dma_wait3A_456 = tpu.memref_squeeze %dma_wait3A_455 : memref<1x128x128xf32, #tpu.memory_space<vmem>> -> memref<128x128xf32, #tpu.memory_space<vmem>>
        %dma_wait3A_457 = arith.constant 0 : i32
        %dma_wait3A_458 = tpu.memref_slice %arg8[%run_scoped3A_362, %dma_wait3A_457] : memref<16x128xi32, #tpu.memory_space<vmem>> -> memref<1x128xi32, #tpu.memory_space<vmem>>
        %dma_wait3A_459 = tpu.memref_squeeze %dma_wait3A_458 : memref<1x128xi32, #tpu.memory_space<vmem>> -> memref<128xi32, #tpu.memory_space<vmem>>
        %dma_wait3A_460 = arith.constant 0 : i32
        %dma_wait3A_461 = arith.constant 0 : i32
        %dma_wait3A_462 = tpu.memref_slice %arg10[%dma_wait3A_460, %dma_wait3A_461] : memref<10240x128xf32, #tpu.memory_space<vmem_shared>> -> memref<10240x128xf32, #tpu.memory_space<vmem_shared>>
        tpu.wait_indirect_dma semaphore(%run_scoped3A_442 : memref<!tpu.dma_semaphore, #tpu.memory_space<semaphore_mem>>) src(%dma_wait3A_456 : memref<128x128xf32, #tpu.memory_space<vmem>>) dst(%dma_wait3A_462 : memref<10240x128xf32, #tpu.memory_space<vmem_shared>>)
        tpu.yield
      }) : () -> ()
      %add3A_363 = arith.constant 2 : i32
      %add3A_364 = arith.addi %add3A_349, %add3A_363 : i32
      %lt3A_365 = arith.constant 80 : i32
      %lt3A_366 = arith.cmpi slt, %add3A_364, %lt3A_365 : i32
      %convert_element_type3A_367 = arith.extui %lt3A_366 : i1 to i32
      %cond3A_368 = arith.constant 0 : i32
      %cond3A_369 = arith.cmpi ne, %convert_element_type3A_367, %cond3A_368 : i32
      scf.if %cond3A_369 {
        %add3A_442 = arith.constant 2 : i32
        %add3A_443 = arith.addi %add3A_349, %add3A_442 : i32
        %dma_start3A_444 = arith.constant 0 : i32
        %dma_start3A_445 = arith.constant 0 : i32
        %dma_start3A_446 = arith.constant 0 : i32
        %dma_start3A_447 = tpu.memref_slice %arg9[%dma_start3A_444, %dma_start3A_445, %dma_start3A_446] : memref<2x128x128xf32, #tpu.memory_space<vmem>> -> memref<1x128x128xf32, #tpu.memory_space<vmem>>
        %dma_start3A_448 = tpu.memref_squeeze %dma_start3A_447 : memref<1x128x128xf32, #tpu.memory_space<vmem>> -> memref<128x128xf32, #tpu.memory_space<vmem>>
        %dma_start3A_449 = arith.constant 0 : i32
        %dma_start3A_450 = tpu.memref_slice %arg7[%add3A_443, %dma_start3A_449] : memref<80x128xi32, #tpu.memory_space<vmem>> -> memref<1x128xi32, #tpu.memory_space<vmem>>
        %dma_start3A_451 = tpu.memref_squeeze %dma_start3A_450 : memref<1x128xi32, #tpu.memory_space<vmem>> -> memref<128xi32, #tpu.memory_space<vmem>>
        %dma_start3A_452 = arith.constant 0 : i32
        %dma_start3A_453 = arith.constant 0 : i32
        %dma_start3A_454 = tpu.memref_slice %arg2[%dma_start3A_452, %dma_start3A_453] : memref<10000x128xf32, #tpu.memory_space<hbm>> -> memref<10000x128xf32, #tpu.memory_space<hbm>>
        tpu.enqueue_indirect_dma source(%dma_start3A_454 : memref<10000x128xf32, #tpu.memory_space<hbm>>) target(%dma_start3A_448 : memref<128x128xf32, #tpu.memory_space<vmem>>) offsets(%dma_start3A_451 : memref<128xi32, #tpu.memory_space<vmem>>) semaphore(%arg11 : memref<!tpu.dma_semaphore, #tpu.memory_space<semaphore_mem>>)
      } else {
      }
      %mul3A_370 = arith.constant 16 : i32
      %mul3A_371 = arith.muli %scan3A_59, %mul3A_370 : i32
      %add3A_372 = arith.constant 13 : i32
      %add3A_373 = arith.addi %mul3A_371, %add3A_372 : i32
      %dma_wait3A_374 = arith.constant 1 : i32
      %dma_wait3A_375 = arith.constant 0 : i32
      %dma_wait3A_376 = arith.constant 0 : i32
      %dma_wait3A_377 = tpu.memref_slice %arg9[%dma_wait3A_374, %dma_wait3A_375, %dma_wait3A_376] : memref<2x128x128xf32, #tpu.memory_space<vmem>> -> memref<1x128x128xf32, #tpu.memory_space<vmem>>
      %dma_wait3A_378 = tpu.memref_squeeze %dma_wait3A_377 : memref<1x128x128xf32, #tpu.memory_space<vmem>> -> memref<128x128xf32, #tpu.memory_space<vmem>>
      %dma_wait3A_379 = arith.constant 0 : i32
      %dma_wait3A_380 = tpu.memref_slice %arg7[%add3A_373, %dma_wait3A_379] : memref<80x128xi32, #tpu.memory_space<vmem>> -> memref<1x128xi32, #tpu.memory_space<vmem>>
      %dma_wait3A_381 = tpu.memref_squeeze %dma_wait3A_380 : memref<1x128xi32, #tpu.memory_space<vmem>> -> memref<128xi32, #tpu.memory_space<vmem>>
      %dma_wait3A_382 = arith.constant 0 : i32
      %dma_wait3A_383 = arith.constant 0 : i32
      %dma_wait3A_384 = tpu.memref_slice %arg2[%dma_wait3A_382, %dma_wait3A_383] : memref<10000x128xf32, #tpu.memory_space<hbm>> -> memref<10000x128xf32, #tpu.memory_space<hbm>>
      tpu.wait_indirect_dma semaphore(%arg11 : memref<!tpu.dma_semaphore, #tpu.memory_space<semaphore_mem>>) src(%dma_wait3A_384 : memref<10000x128xf32, #tpu.memory_space<hbm>>) dst(%dma_wait3A_378 : memref<128x128xf32, #tpu.memory_space<vmem>>)
      %run_scoped3A_385 = arith.constant 1 : i32
      %run_scoped3A_386 = arith.constant 13 : i32
      "tpu.region"() ({
        %run_scoped3A_442 = tpu.sem_alloc : memref<!tpu.dma_semaphore, #tpu.memory_space<semaphore_mem>>
        %dma_start3A_443 = arith.constant 0 : i32
        %dma_start3A_444 = arith.constant 0 : i32
        %dma_start3A_445 = tpu.memref_slice %arg9[%run_scoped3A_385, %dma_start3A_443, %dma_start3A_444] : memref<2x128x128xf32, #tpu.memory_space<vmem>> -> memref<1x128x128xf32, #tpu.memory_space<vmem>>
        %dma_start3A_446 = tpu.memref_squeeze %dma_start3A_445 : memref<1x128x128xf32, #tpu.memory_space<vmem>> -> memref<128x128xf32, #tpu.memory_space<vmem>>
        %dma_start3A_447 = arith.constant 0 : i32
        %dma_start3A_448 = tpu.memref_slice %arg8[%run_scoped3A_386, %dma_start3A_447] : memref<16x128xi32, #tpu.memory_space<vmem>> -> memref<1x128xi32, #tpu.memory_space<vmem>>
        %dma_start3A_449 = tpu.memref_squeeze %dma_start3A_448 : memref<1x128xi32, #tpu.memory_space<vmem>> -> memref<128xi32, #tpu.memory_space<vmem>>
        %dma_start3A_450 = arith.constant 0 : i32
        %dma_start3A_451 = arith.constant 0 : i32
        %dma_start3A_452 = tpu.memref_slice %arg10[%dma_start3A_450, %dma_start3A_451] : memref<10240x128xf32, #tpu.memory_space<vmem_shared>> -> memref<10240x128xf32, #tpu.memory_space<vmem_shared>>
        tpu.enqueue_indirect_dma source(%dma_start3A_446 : memref<128x128xf32, #tpu.memory_space<vmem>>) target(%dma_start3A_452 : memref<10240x128xf32, #tpu.memory_space<vmem_shared>>) offsets(%dma_start3A_449 : memref<128xi32, #tpu.memory_space<vmem>>) semaphore(%run_scoped3A_442 : memref<!tpu.dma_semaphore, #tpu.memory_space<semaphore_mem>>) {add = true}
        %dma_wait3A_453 = arith.constant 0 : i32
        %dma_wait3A_454 = arith.constant 0 : i32
        %dma_wait3A_455 = tpu.memref_slice %arg9[%run_scoped3A_385, %dma_wait3A_453, %dma_wait3A_454] : memref<2x128x128xf32, #tpu.memory_space<vmem>> -> memref<1x128x128xf32, #tpu.memory_space<vmem>>
        %dma_wait3A_456 = tpu.memref_squeeze %dma_wait3A_455 : memref<1x128x128xf32, #tpu.memory_space<vmem>> -> memref<128x128xf32, #tpu.memory_space<vmem>>
        %dma_wait3A_457 = arith.constant 0 : i32
        %dma_wait3A_458 = tpu.memref_slice %arg8[%run_scoped3A_386, %dma_wait3A_457] : memref<16x128xi32, #tpu.memory_space<vmem>> -> memref<1x128xi32, #tpu.memory_space<vmem>>
        %dma_wait3A_459 = tpu.memref_squeeze %dma_wait3A_458 : memref<1x128xi32, #tpu.memory_space<vmem>> -> memref<128xi32, #tpu.memory_space<vmem>>
        %dma_wait3A_460 = arith.constant 0 : i32
        %dma_wait3A_461 = arith.constant 0 : i32
        %dma_wait3A_462 = tpu.memref_slice %arg10[%dma_wait3A_460, %dma_wait3A_461] : memref<10240x128xf32, #tpu.memory_space<vmem_shared>> -> memref<10240x128xf32, #tpu.memory_space<vmem_shared>>
        tpu.wait_indirect_dma semaphore(%run_scoped3A_442 : memref<!tpu.dma_semaphore, #tpu.memory_space<semaphore_mem>>) src(%dma_wait3A_456 : memref<128x128xf32, #tpu.memory_space<vmem>>) dst(%dma_wait3A_462 : memref<10240x128xf32, #tpu.memory_space<vmem_shared>>)
        tpu.yield
      }) : () -> ()
      %add3A_387 = arith.constant 2 : i32
      %add3A_388 = arith.addi %add3A_373, %add3A_387 : i32
      %lt3A_389 = arith.constant 80 : i32
      %lt3A_390 = arith.cmpi slt, %add3A_388, %lt3A_389 : i32
      %convert_element_type3A_391 = arith.extui %lt3A_390 : i1 to i32
      %cond3A_392 = arith.constant 0 : i32
      %cond3A_393 = arith.cmpi ne, %convert_element_type3A_391, %cond3A_392 : i32
      scf.if %cond3A_393 {
        %add3A_442 = arith.constant 2 : i32
        %add3A_443 = arith.addi %add3A_373, %add3A_442 : i32
        %dma_start3A_444 = arith.constant 1 : i32
        %dma_start3A_445 = arith.constant 0 : i32
        %dma_start3A_446 = arith.constant 0 : i32
        %dma_start3A_447 = tpu.memref_slice %arg9[%dma_start3A_444, %dma_start3A_445, %dma_start3A_446] : memref<2x128x128xf32, #tpu.memory_space<vmem>> -> memref<1x128x128xf32, #tpu.memory_space<vmem>>
        %dma_start3A_448 = tpu.memref_squeeze %dma_start3A_447 : memref<1x128x128xf32, #tpu.memory_space<vmem>> -> memref<128x128xf32, #tpu.memory_space<vmem>>
        %dma_start3A_449 = arith.constant 0 : i32
        %dma_start3A_450 = tpu.memref_slice %arg7[%add3A_443, %dma_start3A_449] : memref<80x128xi32, #tpu.memory_space<vmem>> -> memref<1x128xi32, #tpu.memory_space<vmem>>
        %dma_start3A_451 = tpu.memref_squeeze %dma_start3A_450 : memref<1x128xi32, #tpu.memory_space<vmem>> -> memref<128xi32, #tpu.memory_space<vmem>>
        %dma_start3A_452 = arith.constant 0 : i32
        %dma_start3A_453 = arith.constant 0 : i32
        %dma_start3A_454 = tpu.memref_slice %arg2[%dma_start3A_452, %dma_start3A_453] : memref<10000x128xf32, #tpu.memory_space<hbm>> -> memref<10000x128xf32, #tpu.memory_space<hbm>>
        tpu.enqueue_indirect_dma source(%dma_start3A_454 : memref<10000x128xf32, #tpu.memory_space<hbm>>) target(%dma_start3A_448 : memref<128x128xf32, #tpu.memory_space<vmem>>) offsets(%dma_start3A_451 : memref<128xi32, #tpu.memory_space<vmem>>) semaphore(%arg11 : memref<!tpu.dma_semaphore, #tpu.memory_space<semaphore_mem>>)
      } else {
      }
      %mul3A_394 = arith.constant 16 : i32
      %mul3A_395 = arith.muli %scan3A_59, %mul3A_394 : i32
      %add3A_396 = arith.constant 14 : i32
      %add3A_397 = arith.addi %mul3A_395, %add3A_396 : i32
      %dma_wait3A_398 = arith.constant 0 : i32
      %dma_wait3A_399 = arith.constant 0 : i32
      %dma_wait3A_400 = arith.constant 0 : i32
      %dma_wait3A_401 = tpu.memref_slice %arg9[%dma_wait3A_398, %dma_wait3A_399, %dma_wait3A_400] : memref<2x128x128xf32, #tpu.memory_space<vmem>> -> memref<1x128x128xf32, #tpu.memory_space<vmem>>
      %dma_wait3A_402 = tpu.memref_squeeze %dma_wait3A_401 : memref<1x128x128xf32, #tpu.memory_space<vmem>> -> memref<128x128xf32, #tpu.memory_space<vmem>>
      %dma_wait3A_403 = arith.constant 0 : i32
      %dma_wait3A_404 = tpu.memref_slice %arg7[%add3A_397, %dma_wait3A_403] : memref<80x128xi32, #tpu.memory_space<vmem>> -> memref<1x128xi32, #tpu.memory_space<vmem>>
      %dma_wait3A_405 = tpu.memref_squeeze %dma_wait3A_404 : memref<1x128xi32, #tpu.memory_space<vmem>> -> memref<128xi32, #tpu.memory_space<vmem>>
      %dma_wait3A_406 = arith.constant 0 : i32
      %dma_wait3A_407 = arith.constant 0 : i32
      %dma_wait3A_408 = tpu.memref_slice %arg2[%dma_wait3A_406, %dma_wait3A_407] : memref<10000x128xf32, #tpu.memory_space<hbm>> -> memref<10000x128xf32, #tpu.memory_space<hbm>>
      tpu.wait_indirect_dma semaphore(%arg11 : memref<!tpu.dma_semaphore, #tpu.memory_space<semaphore_mem>>) src(%dma_wait3A_408 : memref<10000x128xf32, #tpu.memory_space<hbm>>) dst(%dma_wait3A_402 : memref<128x128xf32, #tpu.memory_space<vmem>>)
      %run_scoped3A_409 = arith.constant 0 : i32
      %run_scoped3A_410 = arith.constant 14 : i32
      "tpu.region"() ({
        %run_scoped3A_442 = tpu.sem_alloc : memref<!tpu.dma_semaphore, #tpu.memory_space<semaphore_mem>>
        %dma_start3A_443 = arith.constant 0 : i32
        %dma_start3A_444 = arith.constant 0 : i32
        %dma_start3A_445 = tpu.memref_slice %arg9[%run_scoped3A_409, %dma_start3A_443, %dma_start3A_444] : memref<2x128x128xf32, #tpu.memory_space<vmem>> -> memref<1x128x128xf32, #tpu.memory_space<vmem>>
        %dma_start3A_446 = tpu.memref_squeeze %dma_start3A_445 : memref<1x128x128xf32, #tpu.memory_space<vmem>> -> memref<128x128xf32, #tpu.memory_space<vmem>>
        %dma_start3A_447 = arith.constant 0 : i32
        %dma_start3A_448 = tpu.memref_slice %arg8[%run_scoped3A_410, %dma_start3A_447] : memref<16x128xi32, #tpu.memory_space<vmem>> -> memref<1x128xi32, #tpu.memory_space<vmem>>
        %dma_start3A_449 = tpu.memref_squeeze %dma_start3A_448 : memref<1x128xi32, #tpu.memory_space<vmem>> -> memref<128xi32, #tpu.memory_space<vmem>>
        %dma_start3A_450 = arith.constant 0 : i32
        %dma_start3A_451 = arith.constant 0 : i32
        %dma_start3A_452 = tpu.memref_slice %arg10[%dma_start3A_450, %dma_start3A_451] : memref<10240x128xf32, #tpu.memory_space<vmem_shared>> -> memref<10240x128xf32, #tpu.memory_space<vmem_shared>>
        tpu.enqueue_indirect_dma source(%dma_start3A_446 : memref<128x128xf32, #tpu.memory_space<vmem>>) target(%dma_start3A_452 : memref<10240x128xf32, #tpu.memory_space<vmem_shared>>) offsets(%dma_start3A_449 : memref<128xi32, #tpu.memory_space<vmem>>) semaphore(%run_scoped3A_442 : memref<!tpu.dma_semaphore, #tpu.memory_space<semaphore_mem>>) {add = true}
        %dma_wait3A_453 = arith.constant 0 : i32
        %dma_wait3A_454 = arith.constant 0 : i32
        %dma_wait3A_455 = tpu.memref_slice %arg9[%run_scoped3A_409, %dma_wait3A_453, %dma_wait3A_454] : memref<2x128x128xf32, #tpu.memory_space<vmem>> -> memref<1x128x128xf32, #tpu.memory_space<vmem>>
        %dma_wait3A_456 = tpu.memref_squeeze %dma_wait3A_455 : memref<1x128x128xf32, #tpu.memory_space<vmem>> -> memref<128x128xf32, #tpu.memory_space<vmem>>
        %dma_wait3A_457 = arith.constant 0 : i32
        %dma_wait3A_458 = tpu.memref_slice %arg8[%run_scoped3A_410, %dma_wait3A_457] : memref<16x128xi32, #tpu.memory_space<vmem>> -> memref<1x128xi32, #tpu.memory_space<vmem>>
        %dma_wait3A_459 = tpu.memref_squeeze %dma_wait3A_458 : memref<1x128xi32, #tpu.memory_space<vmem>> -> memref<128xi32, #tpu.memory_space<vmem>>
        %dma_wait3A_460 = arith.constant 0 : i32
        %dma_wait3A_461 = arith.constant 0 : i32
        %dma_wait3A_462 = tpu.memref_slice %arg10[%dma_wait3A_460, %dma_wait3A_461] : memref<10240x128xf32, #tpu.memory_space<vmem_shared>> -> memref<10240x128xf32, #tpu.memory_space<vmem_shared>>
        tpu.wait_indirect_dma semaphore(%run_scoped3A_442 : memref<!tpu.dma_semaphore, #tpu.memory_space<semaphore_mem>>) src(%dma_wait3A_456 : memref<128x128xf32, #tpu.memory_space<vmem>>) dst(%dma_wait3A_462 : memref<10240x128xf32, #tpu.memory_space<vmem_shared>>)
        tpu.yield
      }) : () -> ()
      %add3A_411 = arith.constant 2 : i32
      %add3A_412 = arith.addi %add3A_397, %add3A_411 : i32
      %lt3A_413 = arith.constant 80 : i32
      %lt3A_414 = arith.cmpi slt, %add3A_412, %lt3A_413 : i32
      %convert_element_type3A_415 = arith.extui %lt3A_414 : i1 to i32
      %cond3A_416 = arith.constant 0 : i32
      %cond3A_417 = arith.cmpi ne, %convert_element_type3A_415, %cond3A_416 : i32
      scf.if %cond3A_417 {
        %add3A_442 = arith.constant 2 : i32
        %add3A_443 = arith.addi %add3A_397, %add3A_442 : i32
        %dma_start3A_444 = arith.constant 0 : i32
        %dma_start3A_445 = arith.constant 0 : i32
        %dma_start3A_446 = arith.constant 0 : i32
        %dma_start3A_447 = tpu.memref_slice %arg9[%dma_start3A_444, %dma_start3A_445, %dma_start3A_446] : memref<2x128x128xf32, #tpu.memory_space<vmem>> -> memref<1x128x128xf32, #tpu.memory_space<vmem>>
        %dma_start3A_448 = tpu.memref_squeeze %dma_start3A_447 : memref<1x128x128xf32, #tpu.memory_space<vmem>> -> memref<128x128xf32, #tpu.memory_space<vmem>>
        %dma_start3A_449 = arith.constant 0 : i32
        %dma_start3A_450 = tpu.memref_slice %arg7[%add3A_443, %dma_start3A_449] : memref<80x128xi32, #tpu.memory_space<vmem>> -> memref<1x128xi32, #tpu.memory_space<vmem>>
        %dma_start3A_451 = tpu.memref_squeeze %dma_start3A_450 : memref<1x128xi32, #tpu.memory_space<vmem>> -> memref<128xi32, #tpu.memory_space<vmem>>
        %dma_start3A_452 = arith.constant 0 : i32
        %dma_start3A_453 = arith.constant 0 : i32
        %dma_start3A_454 = tpu.memref_slice %arg2[%dma_start3A_452, %dma_start3A_453] : memref<10000x128xf32, #tpu.memory_space<hbm>> -> memref<10000x128xf32, #tpu.memory_space<hbm>>
        tpu.enqueue_indirect_dma source(%dma_start3A_454 : memref<10000x128xf32, #tpu.memory_space<hbm>>) target(%dma_start3A_448 : memref<128x128xf32, #tpu.memory_space<vmem>>) offsets(%dma_start3A_451 : memref<128xi32, #tpu.memory_space<vmem>>) semaphore(%arg11 : memref<!tpu.dma_semaphore, #tpu.memory_space<semaphore_mem>>)
      } else {
      }
      %mul3A_418 = arith.constant 16 : i32
      %mul3A_419 = arith.muli %scan3A_59, %mul3A_418 : i32
      %add3A_420 = arith.constant 15 : i32
      %add3A_421 = arith.addi %mul3A_419, %add3A_420 : i32
      %dma_wait3A_422 = arith.constant 1 : i32
      %dma_wait3A_423 = arith.constant 0 : i32
      %dma_wait3A_424 = arith.constant 0 : i32
      %dma_wait3A_425 = tpu.memref_slice %arg9[%dma_wait3A_422, %dma_wait3A_423, %dma_wait3A_424] : memref<2x128x128xf32, #tpu.memory_space<vmem>> -> memref<1x128x128xf32, #tpu.memory_space<vmem>>
      %dma_wait3A_426 = tpu.memref_squeeze %dma_wait3A_425 : memref<1x128x128xf32, #tpu.memory_space<vmem>> -> memref<128x128xf32, #tpu.memory_space<vmem>>
      %dma_wait3A_427 = arith.constant 0 : i32
      %dma_wait3A_428 = tpu.memref_slice %arg7[%add3A_421, %dma_wait3A_427] : memref<80x128xi32, #tpu.memory_space<vmem>> -> memref<1x128xi32, #tpu.memory_space<vmem>>
      %dma_wait3A_429 = tpu.memref_squeeze %dma_wait3A_428 : memref<1x128xi32, #tpu.memory_space<vmem>> -> memref<128xi32, #tpu.memory_space<vmem>>
      %dma_wait3A_430 = arith.constant 0 : i32
      %dma_wait3A_431 = arith.constant 0 : i32
      %dma_wait3A_432 = tpu.memref_slice %arg2[%dma_wait3A_430, %dma_wait3A_431] : memref<10000x128xf32, #tpu.memory_space<hbm>> -> memref<10000x128xf32, #tpu.memory_space<hbm>>
      tpu.wait_indirect_dma semaphore(%arg11 : memref<!tpu.dma_semaphore, #tpu.memory_space<semaphore_mem>>) src(%dma_wait3A_432 : memref<10000x128xf32, #tpu.memory_space<hbm>>) dst(%dma_wait3A_426 : memref<128x128xf32, #tpu.memory_space<vmem>>)
      %run_scoped3A_433 = arith.constant 1 : i32
      %run_scoped3A_434 = arith.constant 15 : i32
      "tpu.region"() ({
        %run_scoped3A_442 = tpu.sem_alloc : memref<!tpu.dma_semaphore, #tpu.memory_space<semaphore_mem>>
        %dma_start3A_443 = arith.constant 0 : i32
        %dma_start3A_444 = arith.constant 0 : i32
        %dma_start3A_445 = tpu.memref_slice %arg9[%run_scoped3A_433, %dma_start3A_443, %dma_start3A_444] : memref<2x128x128xf32, #tpu.memory_space<vmem>> -> memref<1x128x128xf32, #tpu.memory_space<vmem>>
        %dma_start3A_446 = tpu.memref_squeeze %dma_start3A_445 : memref<1x128x128xf32, #tpu.memory_space<vmem>> -> memref<128x128xf32, #tpu.memory_space<vmem>>
        %dma_start3A_447 = arith.constant 0 : i32
        %dma_start3A_448 = tpu.memref_slice %arg8[%run_scoped3A_434, %dma_start3A_447] : memref<16x128xi32, #tpu.memory_space<vmem>> -> memref<1x128xi32, #tpu.memory_space<vmem>>
        %dma_start3A_449 = tpu.memref_squeeze %dma_start3A_448 : memref<1x128xi32, #tpu.memory_space<vmem>> -> memref<128xi32, #tpu.memory_space<vmem>>
        %dma_start3A_450 = arith.constant 0 : i32
        %dma_start3A_451 = arith.constant 0 : i32
        %dma_start3A_452 = tpu.memref_slice %arg10[%dma_start3A_450, %dma_start3A_451] : memref<10240x128xf32, #tpu.memory_space<vmem_shared>> -> memref<10240x128xf32, #tpu.memory_space<vmem_shared>>
        tpu.enqueue_indirect_dma source(%dma_start3A_446 : memref<128x128xf32, #tpu.memory_space<vmem>>) target(%dma_start3A_452 : memref<10240x128xf32, #tpu.memory_space<vmem_shared>>) offsets(%dma_start3A_449 : memref<128xi32, #tpu.memory_space<vmem>>) semaphore(%run_scoped3A_442 : memref<!tpu.dma_semaphore, #tpu.memory_space<semaphore_mem>>) {add = true}
        %dma_wait3A_453 = arith.constant 0 : i32
        %dma_wait3A_454 = arith.constant 0 : i32
        %dma_wait3A_455 = tpu.memref_slice %arg9[%run_scoped3A_433, %dma_wait3A_453, %dma_wait3A_454] : memref<2x128x128xf32, #tpu.memory_space<vmem>> -> memref<1x128x128xf32, #tpu.memory_space<vmem>>
        %dma_wait3A_456 = tpu.memref_squeeze %dma_wait3A_455 : memref<1x128x128xf32, #tpu.memory_space<vmem>> -> memref<128x128xf32, #tpu.memory_space<vmem>>
        %dma_wait3A_457 = arith.constant 0 : i32
        %dma_wait3A_458 = tpu.memref_slice %arg8[%run_scoped3A_434, %dma_wait3A_457] : memref<16x128xi32, #tpu.memory_space<vmem>> -> memref<1x128xi32, #tpu.memory_space<vmem>>
        %dma_wait3A_459 = tpu.memref_squeeze %dma_wait3A_458 : memref<1x128xi32, #tpu.memory_space<vmem>> -> memref<128xi32, #tpu.memory_space<vmem>>
        %dma_wait3A_460 = arith.constant 0 : i32
        %dma_wait3A_461 = arith.constant 0 : i32
        %dma_wait3A_462 = tpu.memref_slice %arg10[%dma_wait3A_460, %dma_wait3A_461] : memref<10240x128xf32, #tpu.memory_space<vmem_shared>> -> memref<10240x128xf32, #tpu.memory_space<vmem_shared>>
        tpu.wait_indirect_dma semaphore(%run_scoped3A_442 : memref<!tpu.dma_semaphore, #tpu.memory_space<semaphore_mem>>) src(%dma_wait3A_456 : memref<128x128xf32, #tpu.memory_space<vmem>>) dst(%dma_wait3A_462 : memref<10240x128xf32, #tpu.memory_space<vmem_shared>>)
        tpu.yield
      }) : () -> ()
      %add3A_435 = arith.constant 2 : i32
      %add3A_436 = arith.addi %add3A_421, %add3A_435 : i32
      %lt3A_437 = arith.constant 80 : i32
      %lt3A_438 = arith.cmpi slt, %add3A_436, %lt3A_437 : i32
      %convert_element_type3A_439 = arith.extui %lt3A_438 : i1 to i32
      %cond3A_440 = arith.constant 0 : i32
      %cond3A_441 = arith.cmpi ne, %convert_element_type3A_439, %cond3A_440 : i32
      scf.if %cond3A_441 {
        %add3A_442 = arith.constant 2 : i32
        %add3A_443 = arith.addi %add3A_421, %add3A_442 : i32
        %dma_start3A_444 = arith.constant 1 : i32
        %dma_start3A_445 = arith.constant 0 : i32
        %dma_start3A_446 = arith.constant 0 : i32
        %dma_start3A_447 = tpu.memref_slice %arg9[%dma_start3A_444, %dma_start3A_445, %dma_start3A_446] : memref<2x128x128xf32, #tpu.memory_space<vmem>> -> memref<1x128x128xf32, #tpu.memory_space<vmem>>
        %dma_start3A_448 = tpu.memref_squeeze %dma_start3A_447 : memref<1x128x128xf32, #tpu.memory_space<vmem>> -> memref<128x128xf32, #tpu.memory_space<vmem>>
        %dma_start3A_449 = arith.constant 0 : i32
        %dma_start3A_450 = tpu.memref_slice %arg7[%add3A_443, %dma_start3A_449] : memref<80x128xi32, #tpu.memory_space<vmem>> -> memref<1x128xi32, #tpu.memory_space<vmem>>
        %dma_start3A_451 = tpu.memref_squeeze %dma_start3A_450 : memref<1x128xi32, #tpu.memory_space<vmem>> -> memref<128xi32, #tpu.memory_space<vmem>>
        %dma_start3A_452 = arith.constant 0 : i32
        %dma_start3A_453 = arith.constant 0 : i32
        %dma_start3A_454 = tpu.memref_slice %arg2[%dma_start3A_452, %dma_start3A_453] : memref<10000x128xf32, #tpu.memory_space<hbm>> -> memref<10000x128xf32, #tpu.memory_space<hbm>>
        tpu.enqueue_indirect_dma source(%dma_start3A_454 : memref<10000x128xf32, #tpu.memory_space<hbm>>) target(%dma_start3A_448 : memref<128x128xf32, #tpu.memory_space<vmem>>) offsets(%dma_start3A_451 : memref<128xi32, #tpu.memory_space<vmem>>) semaphore(%arg11 : memref<!tpu.dma_semaphore, #tpu.memory_space<semaphore_mem>>)
      } else {
      }
    }
    %scan3A_53 = arith.constant 5 : i32
    %barrier3A_54 = arith.constant 0 : index
    tpu.barrier barrier_id(%barrier3A_54)
    %mul3A_55 = arith.constant 640 : i32
    %mul3A_56 = arith.muli %arg1, %mul3A_55 : i32
    %mul3A_57 = arith.constant 640 : i32
    %mul3A_58 = arith.muli %arg1, %mul3A_57 : i32
    "tpu.region"() ({
      %run_scoped3A_59 = tpu.sem_alloc : memref<!tpu.dma_semaphore, #tpu.memory_space<semaphore_mem>>
      %dma_start3A_60 = arith.constant 0 : i32
      %dma_start3A_61 = tpu.memref_slice %arg6[%arg0, %mul3A_58, %dma_start3A_60] : memref<2x10240x128xf32, #tpu.memory_space<hbm>> -> memref<1x640x128xf32, #tpu.memory_space<hbm>>
      %dma_start3A_62 = tpu.memref_squeeze %dma_start3A_61 : memref<1x640x128xf32, #tpu.memory_space<hbm>> -> memref<640x128xf32, #tpu.memory_space<hbm>>
      %dma_start3A_63 = arith.constant 0 : i32
      %dma_start3A_64 = tpu.memref_slice %arg10[%mul3A_56, %dma_start3A_63] : memref<10240x128xf32, #tpu.memory_space<vmem_shared>> -> memref<640x128xf32, #tpu.memory_space<vmem_shared>>
      tpu.enqueue_dma source(%dma_start3A_64 : memref<640x128xf32, #tpu.memory_space<vmem_shared>>) target(%dma_start3A_62 : memref<640x128xf32, #tpu.memory_space<hbm>>) target_semaphore(%run_scoped3A_59 : memref<!tpu.dma_semaphore, #tpu.memory_space<semaphore_mem>>)
      %dma_wait3A = arith.constant 0 : i32
      %dma_wait3A_65 = tpu.memref_slice %arg6[%arg0, %mul3A_58, %dma_wait3A] : memref<2x10240x128xf32, #tpu.memory_space<hbm>> -> memref<1x640x128xf32, #tpu.memory_space<hbm>>
      %dma_wait3A_66 = tpu.memref_squeeze %dma_wait3A_65 : memref<1x640x128xf32, #tpu.memory_space<hbm>> -> memref<640x128xf32, #tpu.memory_space<hbm>>
      %dma_wait3A_67 = arith.constant 0 : i32
      %dma_wait3A_68 = tpu.memref_slice %arg10[%mul3A_56, %dma_wait3A_67] : memref<10240x128xf32, #tpu.memory_space<vmem_shared>> -> memref<640x128xf32, #tpu.memory_space<vmem_shared>>
      tpu.wait_dma2 semaphore(%run_scoped3A_59 : memref<!tpu.dma_semaphore, #tpu.memory_space<semaphore_mem>>) src(%dma_wait3A_68 : memref<640x128xf32, #tpu.memory_space<vmem_shared>>) dst(%dma_wait3A_66 : memref<640x128xf32, #tpu.memory_space<hbm>>)
      tpu.yield
    }) : () -> ()
    return
  }
}

#map = affine_map<(d0, d1) -> (0, 0)>
#map1 = affine_map<(d0, d1) -> (0, 0, 0)>
module attributes {stable_mosaic.version = 14 : i64} {
  func.func @agg_kernel(%arg0: i32, %arg1: i32, %arg2: memref<10000x8xf32, #tpu.memory_space<hbm>>, %arg3: memref<32x80x128xi32, #tpu.memory_space<hbm>>, %arg4: memref<32x80x128xi32, #tpu.memory_space<hbm>>, %arg5: memref<128x8xf32, #tpu.memory_space<hbm>>, %arg6: memref<2x10240x8xf32, #tpu.memory_space<hbm>>, %arg7: memref<80x128xi32, #tpu.memory_space<vmem>>, %arg8: memref<16x128xi32, #tpu.memory_space<vmem>>, %arg9: memref<4x128x8xf32, #tpu.memory_space<vmem>>, %arg10: memref<10240x8xf32, #tpu.memory_space<vmem_shared>>, %arg11: memref<!tpu.dma_semaphore, #tpu.memory_space<semaphore_mem>>) attributes {dimension_semantics = [#tpu.dimension_semantics<core_parallel>, #tpu.dimension_semantics<subcore_parallel>], iteration_bounds = array<i64: 2, 16>, scalar_prefetch = 0 : i64, scratch_operands = 5 : i64, tpu.core_type = #tpu.core_type<sc_vector_subcore>, window_params = [{transform_indices = #map}, {transform_indices = #map1}, {transform_indices = #map1}, {transform_indices = #map}, {transform_indices = #map1}]} {
    %mul3A = arith.constant 2 : i32
    %mul3A_0 = arith.muli %arg1, %mul3A : i32
    %add3A = arith.addi %mul3A_0, %arg0 : i32
    "tpu.region"() ({
      %run_scoped3A_83 = tpu.sem_alloc : memref<!tpu.dma_semaphore, #tpu.memory_space<semaphore_mem>>
      %dma_start3A_84 = arith.constant 0 : i32
      %dma_start3A_85 = arith.constant 0 : i32
      %dma_start3A_86 = tpu.memref_slice %arg3[%add3A, %dma_start3A_84, %dma_start3A_85] : memref<32x80x128xi32, #tpu.memory_space<hbm>> -> memref<1x80x128xi32, #tpu.memory_space<hbm>>
      %dma_start3A_87 = tpu.memref_squeeze %dma_start3A_86 : memref<1x80x128xi32, #tpu.memory_space<hbm>> -> memref<80x128xi32, #tpu.memory_space<hbm>>
      %dma_start3A_88 = arith.constant 0 : i32
      %dma_start3A_89 = arith.constant 0 : i32
      %dma_start3A_90 = tpu.memref_slice %arg3[%add3A, %dma_start3A_88, %dma_start3A_89] : memref<32x80x128xi32, #tpu.memory_space<hbm>> -> memref<1x80x128xi32, #tpu.memory_space<hbm>>
      %dma_start3A_91 = tpu.memref_squeeze %dma_start3A_90 : memref<1x80x128xi32, #tpu.memory_space<hbm>> -> memref<80x128xi32, #tpu.memory_space<hbm>>
      tpu.enqueue_dma source(%dma_start3A_91 : memref<80x128xi32, #tpu.memory_space<hbm>>) target(%arg7 : memref<80x128xi32, #tpu.memory_space<vmem>>) target_semaphore(%run_scoped3A_83 : memref<!tpu.dma_semaphore, #tpu.memory_space<semaphore_mem>>)
      %dma_wait3A = arith.constant 0 : i32
      %dma_wait3A_92 = arith.constant 0 : i32
      %dma_wait3A_93 = tpu.memref_slice %arg3[%add3A, %dma_wait3A, %dma_wait3A_92] : memref<32x80x128xi32, #tpu.memory_space<hbm>> -> memref<1x80x128xi32, #tpu.memory_space<hbm>>
      %dma_wait3A_94 = tpu.memref_squeeze %dma_wait3A_93 : memref<1x80x128xi32, #tpu.memory_space<hbm>> -> memref<80x128xi32, #tpu.memory_space<hbm>>
      %dma_wait3A_95 = arith.constant 0 : i32
      %dma_wait3A_96 = arith.constant 0 : i32
      %dma_wait3A_97 = tpu.memref_slice %arg3[%add3A, %dma_wait3A_95, %dma_wait3A_96] : memref<32x80x128xi32, #tpu.memory_space<hbm>> -> memref<1x80x128xi32, #tpu.memory_space<hbm>>
      %dma_wait3A_98 = tpu.memref_squeeze %dma_wait3A_97 : memref<1x80x128xi32, #tpu.memory_space<hbm>> -> memref<80x128xi32, #tpu.memory_space<hbm>>
      tpu.wait_dma2 semaphore(%run_scoped3A_83 : memref<!tpu.dma_semaphore, #tpu.memory_space<semaphore_mem>>) src(%dma_wait3A_98 : memref<80x128xi32, #tpu.memory_space<hbm>>) dst(%arg7 : memref<80x128xi32, #tpu.memory_space<vmem>>)
      tpu.yield
    }) : () -> ()
    %run_scoped3A = arith.constant 0 : i32
    "tpu.region"() ({
      %run_scoped3A_83 = tpu.sem_alloc : memref<!tpu.dma_semaphore, #tpu.memory_space<semaphore_mem>>
      %dma_start3A_84 = arith.constant 0 : i32
      %dma_start3A_85 = arith.constant 0 : i32
      %dma_start3A_86 = tpu.memref_slice %arg9[%run_scoped3A, %dma_start3A_84, %dma_start3A_85] : memref<4x128x8xf32, #tpu.memory_space<vmem>> -> memref<1x128x8xf32, #tpu.memory_space<vmem>>
      %dma_start3A_87 = tpu.memref_squeeze %dma_start3A_86 : memref<1x128x8xf32, #tpu.memory_space<vmem>> -> memref<128x8xf32, #tpu.memory_space<vmem>>
      %dma_start3A_88 = arith.constant 0 : i32
      %dma_start3A_89 = arith.constant 0 : i32
      %dma_start3A_90 = tpu.memref_slice %arg9[%run_scoped3A, %dma_start3A_88, %dma_start3A_89] : memref<4x128x8xf32, #tpu.memory_space<vmem>> -> memref<1x128x8xf32, #tpu.memory_space<vmem>>
      %dma_start3A_91 = tpu.memref_squeeze %dma_start3A_90 : memref<1x128x8xf32, #tpu.memory_space<vmem>> -> memref<128x8xf32, #tpu.memory_space<vmem>>
      tpu.enqueue_dma source(%arg5 : memref<128x8xf32, #tpu.memory_space<hbm>>) target(%dma_start3A_91 : memref<128x8xf32, #tpu.memory_space<vmem>>) target_semaphore(%run_scoped3A_83 : memref<!tpu.dma_semaphore, #tpu.memory_space<semaphore_mem>>)
      %dma_wait3A = arith.constant 0 : i32
      %dma_wait3A_92 = arith.constant 0 : i32
      %dma_wait3A_93 = tpu.memref_slice %arg9[%run_scoped3A, %dma_wait3A, %dma_wait3A_92] : memref<4x128x8xf32, #tpu.memory_space<vmem>> -> memref<1x128x8xf32, #tpu.memory_space<vmem>>
      %dma_wait3A_94 = tpu.memref_squeeze %dma_wait3A_93 : memref<1x128x8xf32, #tpu.memory_space<vmem>> -> memref<128x8xf32, #tpu.memory_space<vmem>>
      %dma_wait3A_95 = arith.constant 0 : i32
      %dma_wait3A_96 = arith.constant 0 : i32
      %dma_wait3A_97 = tpu.memref_slice %arg9[%run_scoped3A, %dma_wait3A_95, %dma_wait3A_96] : memref<4x128x8xf32, #tpu.memory_space<vmem>> -> memref<1x128x8xf32, #tpu.memory_space<vmem>>
      %dma_wait3A_98 = tpu.memref_squeeze %dma_wait3A_97 : memref<1x128x8xf32, #tpu.memory_space<vmem>> -> memref<128x8xf32, #tpu.memory_space<vmem>>
      tpu.wait_dma2 semaphore(%run_scoped3A_83 : memref<!tpu.dma_semaphore, #tpu.memory_space<semaphore_mem>>) src(%arg5 : memref<128x8xf32, #tpu.memory_space<hbm>>) dst(%dma_wait3A_98 : memref<128x8xf32, #tpu.memory_space<vmem>>)
      tpu.yield
    }) : () -> ()
    %mul3A_1 = arith.constant 640 : i32
    %mul3A_2 = arith.muli %arg1, %mul3A_1 : i32
    %add3A_3 = arith.constant 0 : i32
    %add3A_4 = arith.addi %mul3A_2, %add3A_3 : i32
    %run_scoped3A_5 = arith.constant 0 : i32
    "tpu.region"() ({
      %run_scoped3A_83 = tpu.sem_alloc : memref<!tpu.dma_semaphore, #tpu.memory_space<semaphore_mem>>
      %dma_start3A_84 = arith.constant 0 : i32
      %dma_start3A_85 = arith.constant 0 : i32
      %dma_start3A_86 = tpu.memref_slice %arg9[%run_scoped3A_5, %dma_start3A_84, %dma_start3A_85] : memref<4x128x8xf32, #tpu.memory_space<vmem>> -> memref<1x128x8xf32, #tpu.memory_space<vmem>>
      %dma_start3A_87 = tpu.memref_squeeze %dma_start3A_86 : memref<1x128x8xf32, #tpu.memory_space<vmem>> -> memref<128x8xf32, #tpu.memory_space<vmem>>
      %dma_start3A_88 = arith.constant 0 : i32
      %dma_start3A_89 = tpu.memref_slice %arg10[%add3A_4, %dma_start3A_88] : memref<10240x8xf32, #tpu.memory_space<vmem_shared>> -> memref<128x8xf32, #tpu.memory_space<vmem_shared>>
      %dma_start3A_90 = arith.constant 0 : i32
      %dma_start3A_91 = tpu.memref_slice %arg10[%add3A_4, %dma_start3A_90] : memref<10240x8xf32, #tpu.memory_space<vmem_shared>> -> memref<128x8xf32, #tpu.memory_space<vmem_shared>>
      %dma_start3A_92 = arith.constant 0 : i32
      %dma_start3A_93 = arith.constant 0 : i32
      %dma_start3A_94 = tpu.memref_slice %arg9[%run_scoped3A_5, %dma_start3A_92, %dma_start3A_93] : memref<4x128x8xf32, #tpu.memory_space<vmem>> -> memref<1x128x8xf32, #tpu.memory_space<vmem>>
      %dma_start3A_95 = tpu.memref_squeeze %dma_start3A_94 : memref<1x128x8xf32, #tpu.memory_space<vmem>> -> memref<128x8xf32, #tpu.memory_space<vmem>>
      tpu.enqueue_dma source(%dma_start3A_95 : memref<128x8xf32, #tpu.memory_space<vmem>>) target(%dma_start3A_91 : memref<128x8xf32, #tpu.memory_space<vmem_shared>>) target_semaphore(%run_scoped3A_83 : memref<!tpu.dma_semaphore, #tpu.memory_space<semaphore_mem>>)
      %dma_wait3A = arith.constant 0 : i32
      %dma_wait3A_96 = arith.constant 0 : i32
      %dma_wait3A_97 = tpu.memref_slice %arg9[%run_scoped3A_5, %dma_wait3A, %dma_wait3A_96] : memref<4x128x8xf32, #tpu.memory_space<vmem>> -> memref<1x128x8xf32, #tpu.memory_space<vmem>>
      %dma_wait3A_98 = tpu.memref_squeeze %dma_wait3A_97 : memref<1x128x8xf32, #tpu.memory_space<vmem>> -> memref<128x8xf32, #tpu.memory_space<vmem>>
      %dma_wait3A_99 = arith.constant 0 : i32
      %dma_wait3A_100 = tpu.memref_slice %arg10[%add3A_4, %dma_wait3A_99] : memref<10240x8xf32, #tpu.memory_space<vmem_shared>> -> memref<128x8xf32, #tpu.memory_space<vmem_shared>>
      %dma_wait3A_101 = arith.constant 0 : i32
      %dma_wait3A_102 = tpu.memref_slice %arg10[%add3A_4, %dma_wait3A_101] : memref<10240x8xf32, #tpu.memory_space<vmem_shared>> -> memref<128x8xf32, #tpu.memory_space<vmem_shared>>
      %dma_wait3A_103 = arith.constant 0 : i32
      %dma_wait3A_104 = arith.constant 0 : i32
      %dma_wait3A_105 = tpu.memref_slice %arg9[%run_scoped3A_5, %dma_wait3A_103, %dma_wait3A_104] : memref<4x128x8xf32, #tpu.memory_space<vmem>> -> memref<1x128x8xf32, #tpu.memory_space<vmem>>
      %dma_wait3A_106 = tpu.memref_squeeze %dma_wait3A_105 : memref<1x128x8xf32, #tpu.memory_space<vmem>> -> memref<128x8xf32, #tpu.memory_space<vmem>>
      tpu.wait_dma2 semaphore(%run_scoped3A_83 : memref<!tpu.dma_semaphore, #tpu.memory_space<semaphore_mem>>) src(%dma_wait3A_106 : memref<128x8xf32, #tpu.memory_space<vmem>>) dst(%dma_wait3A_102 : memref<128x8xf32, #tpu.memory_space<vmem_shared>>)
      tpu.yield
    }) : () -> ()
    %mul3A_6 = arith.constant 640 : i32
    %mul3A_7 = arith.muli %arg1, %mul3A_6 : i32
    %add3A_8 = arith.constant 128 : i32
    %add3A_9 = arith.addi %mul3A_7, %add3A_8 : i32
    %run_scoped3A_10 = arith.constant 0 : i32
    "tpu.region"() ({
      %run_scoped3A_83 = tpu.sem_alloc : memref<!tpu.dma_semaphore, #tpu.memory_space<semaphore_mem>>
      %dma_start3A_84 = arith.constant 0 : i32
      %dma_start3A_85 = arith.constant 0 : i32
      %dma_start3A_86 = tpu.memref_slice %arg9[%run_scoped3A_10, %dma_start3A_84, %dma_start3A_85] : memref<4x128x8xf32, #tpu.memory_space<vmem>> -> memref<1x128x8xf32, #tpu.memory_space<vmem>>
      %dma_start3A_87 = tpu.memref_squeeze %dma_start3A_86 : memref<1x128x8xf32, #tpu.memory_space<vmem>> -> memref<128x8xf32, #tpu.memory_space<vmem>>
      %dma_start3A_88 = arith.constant 0 : i32
      %dma_start3A_89 = tpu.memref_slice %arg10[%add3A_9, %dma_start3A_88] : memref<10240x8xf32, #tpu.memory_space<vmem_shared>> -> memref<128x8xf32, #tpu.memory_space<vmem_shared>>
      %dma_start3A_90 = arith.constant 0 : i32
      %dma_start3A_91 = tpu.memref_slice %arg10[%add3A_9, %dma_start3A_90] : memref<10240x8xf32, #tpu.memory_space<vmem_shared>> -> memref<128x8xf32, #tpu.memory_space<vmem_shared>>
      %dma_start3A_92 = arith.constant 0 : i32
      %dma_start3A_93 = arith.constant 0 : i32
      %dma_start3A_94 = tpu.memref_slice %arg9[%run_scoped3A_10, %dma_start3A_92, %dma_start3A_93] : memref<4x128x8xf32, #tpu.memory_space<vmem>> -> memref<1x128x8xf32, #tpu.memory_space<vmem>>
      %dma_start3A_95 = tpu.memref_squeeze %dma_start3A_94 : memref<1x128x8xf32, #tpu.memory_space<vmem>> -> memref<128x8xf32, #tpu.memory_space<vmem>>
      tpu.enqueue_dma source(%dma_start3A_95 : memref<128x8xf32, #tpu.memory_space<vmem>>) target(%dma_start3A_91 : memref<128x8xf32, #tpu.memory_space<vmem_shared>>) target_semaphore(%run_scoped3A_83 : memref<!tpu.dma_semaphore, #tpu.memory_space<semaphore_mem>>)
      %dma_wait3A = arith.constant 0 : i32
      %dma_wait3A_96 = arith.constant 0 : i32
      %dma_wait3A_97 = tpu.memref_slice %arg9[%run_scoped3A_10, %dma_wait3A, %dma_wait3A_96] : memref<4x128x8xf32, #tpu.memory_space<vmem>> -> memref<1x128x8xf32, #tpu.memory_space<vmem>>
      %dma_wait3A_98 = tpu.memref_squeeze %dma_wait3A_97 : memref<1x128x8xf32, #tpu.memory_space<vmem>> -> memref<128x8xf32, #tpu.memory_space<vmem>>
      %dma_wait3A_99 = arith.constant 0 : i32
      %dma_wait3A_100 = tpu.memref_slice %arg10[%add3A_9, %dma_wait3A_99] : memref<10240x8xf32, #tpu.memory_space<vmem_shared>> -> memref<128x8xf32, #tpu.memory_space<vmem_shared>>
      %dma_wait3A_101 = arith.constant 0 : i32
      %dma_wait3A_102 = tpu.memref_slice %arg10[%add3A_9, %dma_wait3A_101] : memref<10240x8xf32, #tpu.memory_space<vmem_shared>> -> memref<128x8xf32, #tpu.memory_space<vmem_shared>>
      %dma_wait3A_103 = arith.constant 0 : i32
      %dma_wait3A_104 = arith.constant 0 : i32
      %dma_wait3A_105 = tpu.memref_slice %arg9[%run_scoped3A_10, %dma_wait3A_103, %dma_wait3A_104] : memref<4x128x8xf32, #tpu.memory_space<vmem>> -> memref<1x128x8xf32, #tpu.memory_space<vmem>>
      %dma_wait3A_106 = tpu.memref_squeeze %dma_wait3A_105 : memref<1x128x8xf32, #tpu.memory_space<vmem>> -> memref<128x8xf32, #tpu.memory_space<vmem>>
      tpu.wait_dma2 semaphore(%run_scoped3A_83 : memref<!tpu.dma_semaphore, #tpu.memory_space<semaphore_mem>>) src(%dma_wait3A_106 : memref<128x8xf32, #tpu.memory_space<vmem>>) dst(%dma_wait3A_102 : memref<128x8xf32, #tpu.memory_space<vmem_shared>>)
      tpu.yield
    }) : () -> ()
    %mul3A_11 = arith.constant 640 : i32
    %mul3A_12 = arith.muli %arg1, %mul3A_11 : i32
    %add3A_13 = arith.constant 256 : i32
    %add3A_14 = arith.addi %mul3A_12, %add3A_13 : i32
    %run_scoped3A_15 = arith.constant 0 : i32
    "tpu.region"() ({
      %run_scoped3A_83 = tpu.sem_alloc : memref<!tpu.dma_semaphore, #tpu.memory_space<semaphore_mem>>
      %dma_start3A_84 = arith.constant 0 : i32
      %dma_start3A_85 = arith.constant 0 : i32
      %dma_start3A_86 = tpu.memref_slice %arg9[%run_scoped3A_15, %dma_start3A_84, %dma_start3A_85] : memref<4x128x8xf32, #tpu.memory_space<vmem>> -> memref<1x128x8xf32, #tpu.memory_space<vmem>>
      %dma_start3A_87 = tpu.memref_squeeze %dma_start3A_86 : memref<1x128x8xf32, #tpu.memory_space<vmem>> -> memref<128x8xf32, #tpu.memory_space<vmem>>
      %dma_start3A_88 = arith.constant 0 : i32
      %dma_start3A_89 = tpu.memref_slice %arg10[%add3A_14, %dma_start3A_88] : memref<10240x8xf32, #tpu.memory_space<vmem_shared>> -> memref<128x8xf32, #tpu.memory_space<vmem_shared>>
      %dma_start3A_90 = arith.constant 0 : i32
      %dma_start3A_91 = tpu.memref_slice %arg10[%add3A_14, %dma_start3A_90] : memref<10240x8xf32, #tpu.memory_space<vmem_shared>> -> memref<128x8xf32, #tpu.memory_space<vmem_shared>>
      %dma_start3A_92 = arith.constant 0 : i32
      %dma_start3A_93 = arith.constant 0 : i32
      %dma_start3A_94 = tpu.memref_slice %arg9[%run_scoped3A_15, %dma_start3A_92, %dma_start3A_93] : memref<4x128x8xf32, #tpu.memory_space<vmem>> -> memref<1x128x8xf32, #tpu.memory_space<vmem>>
      %dma_start3A_95 = tpu.memref_squeeze %dma_start3A_94 : memref<1x128x8xf32, #tpu.memory_space<vmem>> -> memref<128x8xf32, #tpu.memory_space<vmem>>
      tpu.enqueue_dma source(%dma_start3A_95 : memref<128x8xf32, #tpu.memory_space<vmem>>) target(%dma_start3A_91 : memref<128x8xf32, #tpu.memory_space<vmem_shared>>) target_semaphore(%run_scoped3A_83 : memref<!tpu.dma_semaphore, #tpu.memory_space<semaphore_mem>>)
      %dma_wait3A = arith.constant 0 : i32
      %dma_wait3A_96 = arith.constant 0 : i32
      %dma_wait3A_97 = tpu.memref_slice %arg9[%run_scoped3A_15, %dma_wait3A, %dma_wait3A_96] : memref<4x128x8xf32, #tpu.memory_space<vmem>> -> memref<1x128x8xf32, #tpu.memory_space<vmem>>
      %dma_wait3A_98 = tpu.memref_squeeze %dma_wait3A_97 : memref<1x128x8xf32, #tpu.memory_space<vmem>> -> memref<128x8xf32, #tpu.memory_space<vmem>>
      %dma_wait3A_99 = arith.constant 0 : i32
      %dma_wait3A_100 = tpu.memref_slice %arg10[%add3A_14, %dma_wait3A_99] : memref<10240x8xf32, #tpu.memory_space<vmem_shared>> -> memref<128x8xf32, #tpu.memory_space<vmem_shared>>
      %dma_wait3A_101 = arith.constant 0 : i32
      %dma_wait3A_102 = tpu.memref_slice %arg10[%add3A_14, %dma_wait3A_101] : memref<10240x8xf32, #tpu.memory_space<vmem_shared>> -> memref<128x8xf32, #tpu.memory_space<vmem_shared>>
      %dma_wait3A_103 = arith.constant 0 : i32
      %dma_wait3A_104 = arith.constant 0 : i32
      %dma_wait3A_105 = tpu.memref_slice %arg9[%run_scoped3A_15, %dma_wait3A_103, %dma_wait3A_104] : memref<4x128x8xf32, #tpu.memory_space<vmem>> -> memref<1x128x8xf32, #tpu.memory_space<vmem>>
      %dma_wait3A_106 = tpu.memref_squeeze %dma_wait3A_105 : memref<1x128x8xf32, #tpu.memory_space<vmem>> -> memref<128x8xf32, #tpu.memory_space<vmem>>
      tpu.wait_dma2 semaphore(%run_scoped3A_83 : memref<!tpu.dma_semaphore, #tpu.memory_space<semaphore_mem>>) src(%dma_wait3A_106 : memref<128x8xf32, #tpu.memory_space<vmem>>) dst(%dma_wait3A_102 : memref<128x8xf32, #tpu.memory_space<vmem_shared>>)
      tpu.yield
    }) : () -> ()
    %mul3A_16 = arith.constant 640 : i32
    %mul3A_17 = arith.muli %arg1, %mul3A_16 : i32
    %add3A_18 = arith.constant 384 : i32
    %add3A_19 = arith.addi %mul3A_17, %add3A_18 : i32
    %run_scoped3A_20 = arith.constant 0 : i32
    "tpu.region"() ({
      %run_scoped3A_83 = tpu.sem_alloc : memref<!tpu.dma_semaphore, #tpu.memory_space<semaphore_mem>>
      %dma_start3A_84 = arith.constant 0 : i32
      %dma_start3A_85 = arith.constant 0 : i32
      %dma_start3A_86 = tpu.memref_slice %arg9[%run_scoped3A_20, %dma_start3A_84, %dma_start3A_85] : memref<4x128x8xf32, #tpu.memory_space<vmem>> -> memref<1x128x8xf32, #tpu.memory_space<vmem>>
      %dma_start3A_87 = tpu.memref_squeeze %dma_start3A_86 : memref<1x128x8xf32, #tpu.memory_space<vmem>> -> memref<128x8xf32, #tpu.memory_space<vmem>>
      %dma_start3A_88 = arith.constant 0 : i32
      %dma_start3A_89 = tpu.memref_slice %arg10[%add3A_19, %dma_start3A_88] : memref<10240x8xf32, #tpu.memory_space<vmem_shared>> -> memref<128x8xf32, #tpu.memory_space<vmem_shared>>
      %dma_start3A_90 = arith.constant 0 : i32
      %dma_start3A_91 = tpu.memref_slice %arg10[%add3A_19, %dma_start3A_90] : memref<10240x8xf32, #tpu.memory_space<vmem_shared>> -> memref<128x8xf32, #tpu.memory_space<vmem_shared>>
      %dma_start3A_92 = arith.constant 0 : i32
      %dma_start3A_93 = arith.constant 0 : i32
      %dma_start3A_94 = tpu.memref_slice %arg9[%run_scoped3A_20, %dma_start3A_92, %dma_start3A_93] : memref<4x128x8xf32, #tpu.memory_space<vmem>> -> memref<1x128x8xf32, #tpu.memory_space<vmem>>
      %dma_start3A_95 = tpu.memref_squeeze %dma_start3A_94 : memref<1x128x8xf32, #tpu.memory_space<vmem>> -> memref<128x8xf32, #tpu.memory_space<vmem>>
      tpu.enqueue_dma source(%dma_start3A_95 : memref<128x8xf32, #tpu.memory_space<vmem>>) target(%dma_start3A_91 : memref<128x8xf32, #tpu.memory_space<vmem_shared>>) target_semaphore(%run_scoped3A_83 : memref<!tpu.dma_semaphore, #tpu.memory_space<semaphore_mem>>)
      %dma_wait3A = arith.constant 0 : i32
      %dma_wait3A_96 = arith.constant 0 : i32
      %dma_wait3A_97 = tpu.memref_slice %arg9[%run_scoped3A_20, %dma_wait3A, %dma_wait3A_96] : memref<4x128x8xf32, #tpu.memory_space<vmem>> -> memref<1x128x8xf32, #tpu.memory_space<vmem>>
      %dma_wait3A_98 = tpu.memref_squeeze %dma_wait3A_97 : memref<1x128x8xf32, #tpu.memory_space<vmem>> -> memref<128x8xf32, #tpu.memory_space<vmem>>
      %dma_wait3A_99 = arith.constant 0 : i32
      %dma_wait3A_100 = tpu.memref_slice %arg10[%add3A_19, %dma_wait3A_99] : memref<10240x8xf32, #tpu.memory_space<vmem_shared>> -> memref<128x8xf32, #tpu.memory_space<vmem_shared>>
      %dma_wait3A_101 = arith.constant 0 : i32
      %dma_wait3A_102 = tpu.memref_slice %arg10[%add3A_19, %dma_wait3A_101] : memref<10240x8xf32, #tpu.memory_space<vmem_shared>> -> memref<128x8xf32, #tpu.memory_space<vmem_shared>>
      %dma_wait3A_103 = arith.constant 0 : i32
      %dma_wait3A_104 = arith.constant 0 : i32
      %dma_wait3A_105 = tpu.memref_slice %arg9[%run_scoped3A_20, %dma_wait3A_103, %dma_wait3A_104] : memref<4x128x8xf32, #tpu.memory_space<vmem>> -> memref<1x128x8xf32, #tpu.memory_space<vmem>>
      %dma_wait3A_106 = tpu.memref_squeeze %dma_wait3A_105 : memref<1x128x8xf32, #tpu.memory_space<vmem>> -> memref<128x8xf32, #tpu.memory_space<vmem>>
      tpu.wait_dma2 semaphore(%run_scoped3A_83 : memref<!tpu.dma_semaphore, #tpu.memory_space<semaphore_mem>>) src(%dma_wait3A_106 : memref<128x8xf32, #tpu.memory_space<vmem>>) dst(%dma_wait3A_102 : memref<128x8xf32, #tpu.memory_space<vmem_shared>>)
      tpu.yield
    }) : () -> ()
    %mul3A_21 = arith.constant 640 : i32
    %mul3A_22 = arith.muli %arg1, %mul3A_21 : i32
    %add3A_23 = arith.constant 512 : i32
    %add3A_24 = arith.addi %mul3A_22, %add3A_23 : i32
    %run_scoped3A_25 = arith.constant 0 : i32
    "tpu.region"() ({
      %run_scoped3A_83 = tpu.sem_alloc : memref<!tpu.dma_semaphore, #tpu.memory_space<semaphore_mem>>
      %dma_start3A_84 = arith.constant 0 : i32
      %dma_start3A_85 = arith.constant 0 : i32
      %dma_start3A_86 = tpu.memref_slice %arg9[%run_scoped3A_25, %dma_start3A_84, %dma_start3A_85] : memref<4x128x8xf32, #tpu.memory_space<vmem>> -> memref<1x128x8xf32, #tpu.memory_space<vmem>>
      %dma_start3A_87 = tpu.memref_squeeze %dma_start3A_86 : memref<1x128x8xf32, #tpu.memory_space<vmem>> -> memref<128x8xf32, #tpu.memory_space<vmem>>
      %dma_start3A_88 = arith.constant 0 : i32
      %dma_start3A_89 = tpu.memref_slice %arg10[%add3A_24, %dma_start3A_88] : memref<10240x8xf32, #tpu.memory_space<vmem_shared>> -> memref<128x8xf32, #tpu.memory_space<vmem_shared>>
      %dma_start3A_90 = arith.constant 0 : i32
      %dma_start3A_91 = tpu.memref_slice %arg10[%add3A_24, %dma_start3A_90] : memref<10240x8xf32, #tpu.memory_space<vmem_shared>> -> memref<128x8xf32, #tpu.memory_space<vmem_shared>>
      %dma_start3A_92 = arith.constant 0 : i32
      %dma_start3A_93 = arith.constant 0 : i32
      %dma_start3A_94 = tpu.memref_slice %arg9[%run_scoped3A_25, %dma_start3A_92, %dma_start3A_93] : memref<4x128x8xf32, #tpu.memory_space<vmem>> -> memref<1x128x8xf32, #tpu.memory_space<vmem>>
      %dma_start3A_95 = tpu.memref_squeeze %dma_start3A_94 : memref<1x128x8xf32, #tpu.memory_space<vmem>> -> memref<128x8xf32, #tpu.memory_space<vmem>>
      tpu.enqueue_dma source(%dma_start3A_95 : memref<128x8xf32, #tpu.memory_space<vmem>>) target(%dma_start3A_91 : memref<128x8xf32, #tpu.memory_space<vmem_shared>>) target_semaphore(%run_scoped3A_83 : memref<!tpu.dma_semaphore, #tpu.memory_space<semaphore_mem>>)
      %dma_wait3A = arith.constant 0 : i32
      %dma_wait3A_96 = arith.constant 0 : i32
      %dma_wait3A_97 = tpu.memref_slice %arg9[%run_scoped3A_25, %dma_wait3A, %dma_wait3A_96] : memref<4x128x8xf32, #tpu.memory_space<vmem>> -> memref<1x128x8xf32, #tpu.memory_space<vmem>>
      %dma_wait3A_98 = tpu.memref_squeeze %dma_wait3A_97 : memref<1x128x8xf32, #tpu.memory_space<vmem>> -> memref<128x8xf32, #tpu.memory_space<vmem>>
      %dma_wait3A_99 = arith.constant 0 : i32
      %dma_wait3A_100 = tpu.memref_slice %arg10[%add3A_24, %dma_wait3A_99] : memref<10240x8xf32, #tpu.memory_space<vmem_shared>> -> memref<128x8xf32, #tpu.memory_space<vmem_shared>>
      %dma_wait3A_101 = arith.constant 0 : i32
      %dma_wait3A_102 = tpu.memref_slice %arg10[%add3A_24, %dma_wait3A_101] : memref<10240x8xf32, #tpu.memory_space<vmem_shared>> -> memref<128x8xf32, #tpu.memory_space<vmem_shared>>
      %dma_wait3A_103 = arith.constant 0 : i32
      %dma_wait3A_104 = arith.constant 0 : i32
      %dma_wait3A_105 = tpu.memref_slice %arg9[%run_scoped3A_25, %dma_wait3A_103, %dma_wait3A_104] : memref<4x128x8xf32, #tpu.memory_space<vmem>> -> memref<1x128x8xf32, #tpu.memory_space<vmem>>
      %dma_wait3A_106 = tpu.memref_squeeze %dma_wait3A_105 : memref<1x128x8xf32, #tpu.memory_space<vmem>> -> memref<128x8xf32, #tpu.memory_space<vmem>>
      tpu.wait_dma2 semaphore(%run_scoped3A_83 : memref<!tpu.dma_semaphore, #tpu.memory_space<semaphore_mem>>) src(%dma_wait3A_106 : memref<128x8xf32, #tpu.memory_space<vmem>>) dst(%dma_wait3A_102 : memref<128x8xf32, #tpu.memory_space<vmem_shared>>)
      tpu.yield
    }) : () -> ()
    %barrier3A = arith.constant 0 : index
    tpu.barrier barrier_id(%barrier3A)
    %dma_start3A = arith.constant 0 : i32
    %dma_start3A_26 = arith.constant 0 : i32
    %dma_start3A_27 = arith.constant 0 : i32
    %dma_start3A_28 = arith.constant 0 : i32
    %dma_start3A_29 = tpu.memref_slice %arg9[%dma_start3A_26, %dma_start3A_27, %dma_start3A_28] : memref<4x128x8xf32, #tpu.memory_space<vmem>> -> memref<1x128x8xf32, #tpu.memory_space<vmem>>
    %dma_start3A_30 = tpu.memref_squeeze %dma_start3A_29 : memref<1x128x8xf32, #tpu.memory_space<vmem>> -> memref<128x8xf32, #tpu.memory_space<vmem>>
    %dma_start3A_31 = arith.constant 0 : i32
    %dma_start3A_32 = tpu.memref_slice %arg7[%dma_start3A, %dma_start3A_31] : memref<80x128xi32, #tpu.memory_space<vmem>> -> memref<1x128xi32, #tpu.memory_space<vmem>>
    %dma_start3A_33 = tpu.memref_squeeze %dma_start3A_32 : memref<1x128xi32, #tpu.memory_space<vmem>> -> memref<128xi32, #tpu.memory_space<vmem>>
    %dma_start3A_34 = arith.constant 0 : i32
    %dma_start3A_35 = arith.constant 0 : i32
    %dma_start3A_36 = tpu.memref_slice %arg2[%dma_start3A_34, %dma_start3A_35] : memref<10000x8xf32, #tpu.memory_space<hbm>> -> memref<10000x8xf32, #tpu.memory_space<hbm>>
    tpu.enqueue_indirect_dma source(%dma_start3A_36 : memref<10000x8xf32, #tpu.memory_space<hbm>>) target(%dma_start3A_30 : memref<128x8xf32, #tpu.memory_space<vmem>>) offsets(%dma_start3A_33 : memref<128xi32, #tpu.memory_space<vmem>>) semaphore(%arg11 : memref<!tpu.dma_semaphore, #tpu.memory_space<semaphore_mem>>)
    %dma_start3A_37 = arith.constant 1 : i32
    %dma_start3A_38 = arith.constant 1 : i32
    %dma_start3A_39 = arith.constant 0 : i32
    %dma_start3A_40 = arith.constant 0 : i32
    %dma_start3A_41 = tpu.memref_slice %arg9[%dma_start3A_38, %dma_start3A_39, %dma_start3A_40] : memref<4x128x8xf32, #tpu.memory_space<vmem>> -> memref<1x128x8xf32, #tpu.memory_space<vmem>>
    %dma_start3A_42 = tpu.memref_squeeze %dma_start3A_41 : memref<1x128x8xf32, #tpu.memory_space<vmem>> -> memref<128x8xf32, #tpu.memory_space<vmem>>
    %dma_start3A_43 = arith.constant 0 : i32
    %dma_start3A_44 = tpu.memref_slice %arg7[%dma_start3A_37, %dma_start3A_43] : memref<80x128xi32, #tpu.memory_space<vmem>> -> memref<1x128xi32, #tpu.memory_space<vmem>>
    %dma_start3A_45 = tpu.memref_squeeze %dma_start3A_44 : memref<1x128xi32, #tpu.memory_space<vmem>> -> memref<128xi32, #tpu.memory_space<vmem>>
    %dma_start3A_46 = arith.constant 0 : i32
    %dma_start3A_47 = arith.constant 0 : i32
    %dma_start3A_48 = tpu.memref_slice %arg2[%dma_start3A_46, %dma_start3A_47] : memref<10000x8xf32, #tpu.memory_space<hbm>> -> memref<10000x8xf32, #tpu.memory_space<hbm>>
    tpu.enqueue_indirect_dma source(%dma_start3A_48 : memref<10000x8xf32, #tpu.memory_space<hbm>>) target(%dma_start3A_42 : memref<128x8xf32, #tpu.memory_space<vmem>>) offsets(%dma_start3A_45 : memref<128xi32, #tpu.memory_space<vmem>>) semaphore(%arg11 : memref<!tpu.dma_semaphore, #tpu.memory_space<semaphore_mem>>)
    %dma_start3A_49 = arith.constant 2 : i32
    %dma_start3A_50 = arith.constant 2 : i32
    %dma_start3A_51 = arith.constant 0 : i32
    %dma_start3A_52 = arith.constant 0 : i32
    %dma_start3A_53 = tpu.memref_slice %arg9[%dma_start3A_50, %dma_start3A_51, %dma_start3A_52] : memref<4x128x8xf32, #tpu.memory_space<vmem>> -> memref<1x128x8xf32, #tpu.memory_space<vmem>>
    %dma_start3A_54 = tpu.memref_squeeze %dma_start3A_53 : memref<1x128x8xf32, #tpu.memory_space<vmem>> -> memref<128x8xf32, #tpu.memory_space<vmem>>
    %dma_start3A_55 = arith.constant 0 : i32
    %dma_start3A_56 = tpu.memref_slice %arg7[%dma_start3A_49, %dma_start3A_55] : memref<80x128xi32, #tpu.memory_space<vmem>> -> memref<1x128xi32, #tpu.memory_space<vmem>>
    %dma_start3A_57 = tpu.memref_squeeze %dma_start3A_56 : memref<1x128xi32, #tpu.memory_space<vmem>> -> memref<128xi32, #tpu.memory_space<vmem>>
    %dma_start3A_58 = arith.constant 0 : i32
    %dma_start3A_59 = arith.constant 0 : i32
    %dma_start3A_60 = tpu.memref_slice %arg2[%dma_start3A_58, %dma_start3A_59] : memref<10000x8xf32, #tpu.memory_space<hbm>> -> memref<10000x8xf32, #tpu.memory_space<hbm>>
    tpu.enqueue_indirect_dma source(%dma_start3A_60 : memref<10000x8xf32, #tpu.memory_space<hbm>>) target(%dma_start3A_54 : memref<128x8xf32, #tpu.memory_space<vmem>>) offsets(%dma_start3A_57 : memref<128xi32, #tpu.memory_space<vmem>>) semaphore(%arg11 : memref<!tpu.dma_semaphore, #tpu.memory_space<semaphore_mem>>)
    %dma_start3A_61 = arith.constant 3 : i32
    %dma_start3A_62 = arith.constant 3 : i32
    %dma_start3A_63 = arith.constant 0 : i32
    %dma_start3A_64 = arith.constant 0 : i32
    %dma_start3A_65 = tpu.memref_slice %arg9[%dma_start3A_62, %dma_start3A_63, %dma_start3A_64] : memref<4x128x8xf32, #tpu.memory_space<vmem>> -> memref<1x128x8xf32, #tpu.memory_space<vmem>>
    %dma_start3A_66 = tpu.memref_squeeze %dma_start3A_65 : memref<1x128x8xf32, #tpu.memory_space<vmem>> -> memref<128x8xf32, #tpu.memory_space<vmem>>
    %dma_start3A_67 = arith.constant 0 : i32
    %dma_start3A_68 = tpu.memref_slice %arg7[%dma_start3A_61, %dma_start3A_67] : memref<80x128xi32, #tpu.memory_space<vmem>> -> memref<1x128xi32, #tpu.memory_space<vmem>>
    %dma_start3A_69 = tpu.memref_squeeze %dma_start3A_68 : memref<1x128xi32, #tpu.memory_space<vmem>> -> memref<128xi32, #tpu.memory_space<vmem>>
    %dma_start3A_70 = arith.constant 0 : i32
    %dma_start3A_71 = arith.constant 0 : i32
    %dma_start3A_72 = tpu.memref_slice %arg2[%dma_start3A_70, %dma_start3A_71] : memref<10000x8xf32, #tpu.memory_space<hbm>> -> memref<10000x8xf32, #tpu.memory_space<hbm>>
    tpu.enqueue_indirect_dma source(%dma_start3A_72 : memref<10000x8xf32, #tpu.memory_space<hbm>>) target(%dma_start3A_66 : memref<128x8xf32, #tpu.memory_space<vmem>>) offsets(%dma_start3A_69 : memref<128xi32, #tpu.memory_space<vmem>>) semaphore(%arg11 : memref<!tpu.dma_semaphore, #tpu.memory_space<semaphore_mem>>)
    %scan3A = arith.constant 0 : i32
    %scan3A_73 = arith.constant 0 : i32
    %scan3A_74 = arith.constant 5 : i32
    %scan3A_75 = arith.addi %scan3A_73, %scan3A_74 : i32
    %scan3A_76 = arith.constant 1 : i32
    scf.for %scan3A_83 = %scan3A_73 to %scan3A_75 step %scan3A_76  : i32 {
      %mul3A_84 = arith.constant 16 : i32
      %mul3A_85 = arith.muli %scan3A_83, %mul3A_84 : i32
      "tpu.region"() ({
        %run_scoped3A_466 = tpu.sem_alloc : memref<!tpu.dma_semaphore, #tpu.memory_space<semaphore_mem>>
        %dma_start3A_467 = arith.constant 0 : i32
        %dma_start3A_468 = tpu.memref_slice %arg4[%add3A, %mul3A_85, %dma_start3A_467] : memref<32x80x128xi32, #tpu.memory_space<hbm>> -> memref<1x16x128xi32, #tpu.memory_space<hbm>>
        %dma_start3A_469 = tpu.memref_squeeze %dma_start3A_468 : memref<1x16x128xi32, #tpu.memory_space<hbm>> -> memref<16x128xi32, #tpu.memory_space<hbm>>
        %dma_start3A_470 = arith.constant 0 : i32
        %dma_start3A_471 = tpu.memref_slice %arg4[%add3A, %mul3A_85, %dma_start3A_470] : memref<32x80x128xi32, #tpu.memory_space<hbm>> -> memref<1x16x128xi32, #tpu.memory_space<hbm>>
        %dma_start3A_472 = tpu.memref_squeeze %dma_start3A_471 : memref<1x16x128xi32, #tpu.memory_space<hbm>> -> memref<16x128xi32, #tpu.memory_space<hbm>>
        tpu.enqueue_dma source(%dma_start3A_472 : memref<16x128xi32, #tpu.memory_space<hbm>>) target(%arg8 : memref<16x128xi32, #tpu.memory_space<vmem>>) target_semaphore(%run_scoped3A_466 : memref<!tpu.dma_semaphore, #tpu.memory_space<semaphore_mem>>)
        %dma_wait3A_473 = arith.constant 0 : i32
        %dma_wait3A_474 = tpu.memref_slice %arg4[%add3A, %mul3A_85, %dma_wait3A_473] : memref<32x80x128xi32, #tpu.memory_space<hbm>> -> memref<1x16x128xi32, #tpu.memory_space<hbm>>
        %dma_wait3A_475 = tpu.memref_squeeze %dma_wait3A_474 : memref<1x16x128xi32, #tpu.memory_space<hbm>> -> memref<16x128xi32, #tpu.memory_space<hbm>>
        %dma_wait3A_476 = arith.constant 0 : i32
        %dma_wait3A_477 = tpu.memref_slice %arg4[%add3A, %mul3A_85, %dma_wait3A_476] : memref<32x80x128xi32, #tpu.memory_space<hbm>> -> memref<1x16x128xi32, #tpu.memory_space<hbm>>
        %dma_wait3A_478 = tpu.memref_squeeze %dma_wait3A_477 : memref<1x16x128xi32, #tpu.memory_space<hbm>> -> memref<16x128xi32, #tpu.memory_space<hbm>>
        tpu.wait_dma2 semaphore(%run_scoped3A_466 : memref<!tpu.dma_semaphore, #tpu.memory_space<semaphore_mem>>) src(%dma_wait3A_478 : memref<16x128xi32, #tpu.memory_space<hbm>>) dst(%arg8 : memref<16x128xi32, #tpu.memory_space<vmem>>)
        tpu.yield
      }) : () -> ()
      %mul3A_86 = arith.constant 16 : i32
      %mul3A_87 = arith.muli %scan3A_83, %mul3A_86 : i32
      %add3A_88 = arith.constant 0 : i32
      %add3A_89 = arith.addi %mul3A_87, %add3A_88 : i32
      %dma_wait3A = arith.constant 0 : i32
      %dma_wait3A_90 = arith.constant 0 : i32
      %dma_wait3A_91 = arith.constant 0 : i32
      %dma_wait3A_92 = tpu.memref_slice %arg9[%dma_wait3A, %dma_wait3A_90, %dma_wait3A_91] : memref<4x128x8xf32, #tpu.memory_space<vmem>> -> memref<1x128x8xf32, #tpu.memory_space<vmem>>
      %dma_wait3A_93 = tpu.memref_squeeze %dma_wait3A_92 : memref<1x128x8xf32, #tpu.memory_space<vmem>> -> memref<128x8xf32, #tpu.memory_space<vmem>>
      %dma_wait3A_94 = arith.constant 0 : i32
      %dma_wait3A_95 = tpu.memref_slice %arg7[%add3A_89, %dma_wait3A_94] : memref<80x128xi32, #tpu.memory_space<vmem>> -> memref<1x128xi32, #tpu.memory_space<vmem>>
      %dma_wait3A_96 = tpu.memref_squeeze %dma_wait3A_95 : memref<1x128xi32, #tpu.memory_space<vmem>> -> memref<128xi32, #tpu.memory_space<vmem>>
      %dma_wait3A_97 = arith.constant 0 : i32
      %dma_wait3A_98 = arith.constant 0 : i32
      %dma_wait3A_99 = tpu.memref_slice %arg2[%dma_wait3A_97, %dma_wait3A_98] : memref<10000x8xf32, #tpu.memory_space<hbm>> -> memref<10000x8xf32, #tpu.memory_space<hbm>>
      tpu.wait_indirect_dma semaphore(%arg11 : memref<!tpu.dma_semaphore, #tpu.memory_space<semaphore_mem>>) src(%dma_wait3A_99 : memref<10000x8xf32, #tpu.memory_space<hbm>>) dst(%dma_wait3A_93 : memref<128x8xf32, #tpu.memory_space<vmem>>)
      %run_scoped3A_100 = arith.constant 0 : i32
      %run_scoped3A_101 = arith.constant 0 : i32
      "tpu.region"() ({
        %run_scoped3A_466 = tpu.sem_alloc : memref<!tpu.dma_semaphore, #tpu.memory_space<semaphore_mem>>
        %dma_start3A_467 = arith.constant 0 : i32
        %dma_start3A_468 = arith.constant 0 : i32
        %dma_start3A_469 = tpu.memref_slice %arg9[%run_scoped3A_100, %dma_start3A_467, %dma_start3A_468] : memref<4x128x8xf32, #tpu.memory_space<vmem>> -> memref<1x128x8xf32, #tpu.memory_space<vmem>>
        %dma_start3A_470 = tpu.memref_squeeze %dma_start3A_469 : memref<1x128x8xf32, #tpu.memory_space<vmem>> -> memref<128x8xf32, #tpu.memory_space<vmem>>
        %dma_start3A_471 = arith.constant 0 : i32
        %dma_start3A_472 = tpu.memref_slice %arg8[%run_scoped3A_101, %dma_start3A_471] : memref<16x128xi32, #tpu.memory_space<vmem>> -> memref<1x128xi32, #tpu.memory_space<vmem>>
        %dma_start3A_473 = tpu.memref_squeeze %dma_start3A_472 : memref<1x128xi32, #tpu.memory_space<vmem>> -> memref<128xi32, #tpu.memory_space<vmem>>
        %dma_start3A_474 = arith.constant 0 : i32
        %dma_start3A_475 = arith.constant 0 : i32
        %dma_start3A_476 = tpu.memref_slice %arg10[%dma_start3A_474, %dma_start3A_475] : memref<10240x8xf32, #tpu.memory_space<vmem_shared>> -> memref<10240x8xf32, #tpu.memory_space<vmem_shared>>
        tpu.enqueue_indirect_dma source(%dma_start3A_470 : memref<128x8xf32, #tpu.memory_space<vmem>>) target(%dma_start3A_476 : memref<10240x8xf32, #tpu.memory_space<vmem_shared>>) offsets(%dma_start3A_473 : memref<128xi32, #tpu.memory_space<vmem>>) semaphore(%run_scoped3A_466 : memref<!tpu.dma_semaphore, #tpu.memory_space<semaphore_mem>>) {add = true}
        %dma_wait3A_477 = arith.constant 0 : i32
        %dma_wait3A_478 = arith.constant 0 : i32
        %dma_wait3A_479 = tpu.memref_slice %arg9[%run_scoped3A_100, %dma_wait3A_477, %dma_wait3A_478] : memref<4x128x8xf32, #tpu.memory_space<vmem>> -> memref<1x128x8xf32, #tpu.memory_space<vmem>>
        %dma_wait3A_480 = tpu.memref_squeeze %dma_wait3A_479 : memref<1x128x8xf32, #tpu.memory_space<vmem>> -> memref<128x8xf32, #tpu.memory_space<vmem>>
        %dma_wait3A_481 = arith.constant 0 : i32
        %dma_wait3A_482 = tpu.memref_slice %arg8[%run_scoped3A_101, %dma_wait3A_481] : memref<16x128xi32, #tpu.memory_space<vmem>> -> memref<1x128xi32, #tpu.memory_space<vmem>>
        %dma_wait3A_483 = tpu.memref_squeeze %dma_wait3A_482 : memref<1x128xi32, #tpu.memory_space<vmem>> -> memref<128xi32, #tpu.memory_space<vmem>>
        %dma_wait3A_484 = arith.constant 0 : i32
        %dma_wait3A_485 = arith.constant 0 : i32
        %dma_wait3A_486 = tpu.memref_slice %arg10[%dma_wait3A_484, %dma_wait3A_485] : memref<10240x8xf32, #tpu.memory_space<vmem_shared>> -> memref<10240x8xf32, #tpu.memory_space<vmem_shared>>
        tpu.wait_indirect_dma semaphore(%run_scoped3A_466 : memref<!tpu.dma_semaphore, #tpu.memory_space<semaphore_mem>>) src(%dma_wait3A_480 : memref<128x8xf32, #tpu.memory_space<vmem>>) dst(%dma_wait3A_486 : memref<10240x8xf32, #tpu.memory_space<vmem_shared>>)
        tpu.yield
      }) : () -> ()
      %add3A_102 = arith.constant 4 : i32
      %add3A_103 = arith.addi %add3A_89, %add3A_102 : i32
      %lt3A = arith.constant 80 : i32
      %lt3A_104 = arith.cmpi slt, %add3A_103, %lt3A : i32
      %convert_element_type3A = arith.extui %lt3A_104 : i1 to i32
      %cond3A = arith.constant 0 : i32
      %cond3A_105 = arith.cmpi ne, %convert_element_type3A, %cond3A : i32
      scf.if %cond3A_105 {
        %add3A_466 = arith.constant 4 : i32
        %add3A_467 = arith.addi %add3A_89, %add3A_466 : i32
        %dma_start3A_468 = arith.constant 0 : i32
        %dma_start3A_469 = arith.constant 0 : i32
        %dma_start3A_470 = arith.constant 0 : i32
        %dma_start3A_471 = tpu.memref_slice %arg9[%dma_start3A_468, %dma_start3A_469, %dma_start3A_470] : memref<4x128x8xf32, #tpu.memory_space<vmem>> -> memref<1x128x8xf32, #tpu.memory_space<vmem>>
        %dma_start3A_472 = tpu.memref_squeeze %dma_start3A_471 : memref<1x128x8xf32, #tpu.memory_space<vmem>> -> memref<128x8xf32, #tpu.memory_space<vmem>>
        %dma_start3A_473 = arith.constant 0 : i32
        %dma_start3A_474 = tpu.memref_slice %arg7[%add3A_467, %dma_start3A_473] : memref<80x128xi32, #tpu.memory_space<vmem>> -> memref<1x128xi32, #tpu.memory_space<vmem>>
        %dma_start3A_475 = tpu.memref_squeeze %dma_start3A_474 : memref<1x128xi32, #tpu.memory_space<vmem>> -> memref<128xi32, #tpu.memory_space<vmem>>
        %dma_start3A_476 = arith.constant 0 : i32
        %dma_start3A_477 = arith.constant 0 : i32
        %dma_start3A_478 = tpu.memref_slice %arg2[%dma_start3A_476, %dma_start3A_477] : memref<10000x8xf32, #tpu.memory_space<hbm>> -> memref<10000x8xf32, #tpu.memory_space<hbm>>
        tpu.enqueue_indirect_dma source(%dma_start3A_478 : memref<10000x8xf32, #tpu.memory_space<hbm>>) target(%dma_start3A_472 : memref<128x8xf32, #tpu.memory_space<vmem>>) offsets(%dma_start3A_475 : memref<128xi32, #tpu.memory_space<vmem>>) semaphore(%arg11 : memref<!tpu.dma_semaphore, #tpu.memory_space<semaphore_mem>>)
      } else {
      }
      %mul3A_106 = arith.constant 16 : i32
      %mul3A_107 = arith.muli %scan3A_83, %mul3A_106 : i32
      %add3A_108 = arith.constant 1 : i32
      %add3A_109 = arith.addi %mul3A_107, %add3A_108 : i32
      %dma_wait3A_110 = arith.constant 1 : i32
      %dma_wait3A_111 = arith.constant 0 : i32
      %dma_wait3A_112 = arith.constant 0 : i32
      %dma_wait3A_113 = tpu.memref_slice %arg9[%dma_wait3A_110, %dma_wait3A_111, %dma_wait3A_112] : memref<4x128x8xf32, #tpu.memory_space<vmem>> -> memref<1x128x8xf32, #tpu.memory_space<vmem>>
      %dma_wait3A_114 = tpu.memref_squeeze %dma_wait3A_113 : memref<1x128x8xf32, #tpu.memory_space<vmem>> -> memref<128x8xf32, #tpu.memory_space<vmem>>
      %dma_wait3A_115 = arith.constant 0 : i32
      %dma_wait3A_116 = tpu.memref_slice %arg7[%add3A_109, %dma_wait3A_115] : memref<80x128xi32, #tpu.memory_space<vmem>> -> memref<1x128xi32, #tpu.memory_space<vmem>>
      %dma_wait3A_117 = tpu.memref_squeeze %dma_wait3A_116 : memref<1x128xi32, #tpu.memory_space<vmem>> -> memref<128xi32, #tpu.memory_space<vmem>>
      %dma_wait3A_118 = arith.constant 0 : i32
      %dma_wait3A_119 = arith.constant 0 : i32
      %dma_wait3A_120 = tpu.memref_slice %arg2[%dma_wait3A_118, %dma_wait3A_119] : memref<10000x8xf32, #tpu.memory_space<hbm>> -> memref<10000x8xf32, #tpu.memory_space<hbm>>
      tpu.wait_indirect_dma semaphore(%arg11 : memref<!tpu.dma_semaphore, #tpu.memory_space<semaphore_mem>>) src(%dma_wait3A_120 : memref<10000x8xf32, #tpu.memory_space<hbm>>) dst(%dma_wait3A_114 : memref<128x8xf32, #tpu.memory_space<vmem>>)
      %run_scoped3A_121 = arith.constant 1 : i32
      %run_scoped3A_122 = arith.constant 1 : i32
      "tpu.region"() ({
        %run_scoped3A_466 = tpu.sem_alloc : memref<!tpu.dma_semaphore, #tpu.memory_space<semaphore_mem>>
        %dma_start3A_467 = arith.constant 0 : i32
        %dma_start3A_468 = arith.constant 0 : i32
        %dma_start3A_469 = tpu.memref_slice %arg9[%run_scoped3A_121, %dma_start3A_467, %dma_start3A_468] : memref<4x128x8xf32, #tpu.memory_space<vmem>> -> memref<1x128x8xf32, #tpu.memory_space<vmem>>
        %dma_start3A_470 = tpu.memref_squeeze %dma_start3A_469 : memref<1x128x8xf32, #tpu.memory_space<vmem>> -> memref<128x8xf32, #tpu.memory_space<vmem>>
        %dma_start3A_471 = arith.constant 0 : i32
        %dma_start3A_472 = tpu.memref_slice %arg8[%run_scoped3A_122, %dma_start3A_471] : memref<16x128xi32, #tpu.memory_space<vmem>> -> memref<1x128xi32, #tpu.memory_space<vmem>>
        %dma_start3A_473 = tpu.memref_squeeze %dma_start3A_472 : memref<1x128xi32, #tpu.memory_space<vmem>> -> memref<128xi32, #tpu.memory_space<vmem>>
        %dma_start3A_474 = arith.constant 0 : i32
        %dma_start3A_475 = arith.constant 0 : i32
        %dma_start3A_476 = tpu.memref_slice %arg10[%dma_start3A_474, %dma_start3A_475] : memref<10240x8xf32, #tpu.memory_space<vmem_shared>> -> memref<10240x8xf32, #tpu.memory_space<vmem_shared>>
        tpu.enqueue_indirect_dma source(%dma_start3A_470 : memref<128x8xf32, #tpu.memory_space<vmem>>) target(%dma_start3A_476 : memref<10240x8xf32, #tpu.memory_space<vmem_shared>>) offsets(%dma_start3A_473 : memref<128xi32, #tpu.memory_space<vmem>>) semaphore(%run_scoped3A_466 : memref<!tpu.dma_semaphore, #tpu.memory_space<semaphore_mem>>) {add = true}
        %dma_wait3A_477 = arith.constant 0 : i32
        %dma_wait3A_478 = arith.constant 0 : i32
        %dma_wait3A_479 = tpu.memref_slice %arg9[%run_scoped3A_121, %dma_wait3A_477, %dma_wait3A_478] : memref<4x128x8xf32, #tpu.memory_space<vmem>> -> memref<1x128x8xf32, #tpu.memory_space<vmem>>
        %dma_wait3A_480 = tpu.memref_squeeze %dma_wait3A_479 : memref<1x128x8xf32, #tpu.memory_space<vmem>> -> memref<128x8xf32, #tpu.memory_space<vmem>>
        %dma_wait3A_481 = arith.constant 0 : i32
        %dma_wait3A_482 = tpu.memref_slice %arg8[%run_scoped3A_122, %dma_wait3A_481] : memref<16x128xi32, #tpu.memory_space<vmem>> -> memref<1x128xi32, #tpu.memory_space<vmem>>
        %dma_wait3A_483 = tpu.memref_squeeze %dma_wait3A_482 : memref<1x128xi32, #tpu.memory_space<vmem>> -> memref<128xi32, #tpu.memory_space<vmem>>
        %dma_wait3A_484 = arith.constant 0 : i32
        %dma_wait3A_485 = arith.constant 0 : i32
        %dma_wait3A_486 = tpu.memref_slice %arg10[%dma_wait3A_484, %dma_wait3A_485] : memref<10240x8xf32, #tpu.memory_space<vmem_shared>> -> memref<10240x8xf32, #tpu.memory_space<vmem_shared>>
        tpu.wait_indirect_dma semaphore(%run_scoped3A_466 : memref<!tpu.dma_semaphore, #tpu.memory_space<semaphore_mem>>) src(%dma_wait3A_480 : memref<128x8xf32, #tpu.memory_space<vmem>>) dst(%dma_wait3A_486 : memref<10240x8xf32, #tpu.memory_space<vmem_shared>>)
        tpu.yield
      }) : () -> ()
      %add3A_123 = arith.constant 4 : i32
      %add3A_124 = arith.addi %add3A_109, %add3A_123 : i32
      %lt3A_125 = arith.constant 80 : i32
      %lt3A_126 = arith.cmpi slt, %add3A_124, %lt3A_125 : i32
      %convert_element_type3A_127 = arith.extui %lt3A_126 : i1 to i32
      %cond3A_128 = arith.constant 0 : i32
      %cond3A_129 = arith.cmpi ne, %convert_element_type3A_127, %cond3A_128 : i32
      scf.if %cond3A_129 {
        %add3A_466 = arith.constant 4 : i32
        %add3A_467 = arith.addi %add3A_109, %add3A_466 : i32
        %dma_start3A_468 = arith.constant 1 : i32
        %dma_start3A_469 = arith.constant 0 : i32
        %dma_start3A_470 = arith.constant 0 : i32
        %dma_start3A_471 = tpu.memref_slice %arg9[%dma_start3A_468, %dma_start3A_469, %dma_start3A_470] : memref<4x128x8xf32, #tpu.memory_space<vmem>> -> memref<1x128x8xf32, #tpu.memory_space<vmem>>
        %dma_start3A_472 = tpu.memref_squeeze %dma_start3A_471 : memref<1x128x8xf32, #tpu.memory_space<vmem>> -> memref<128x8xf32, #tpu.memory_space<vmem>>
        %dma_start3A_473 = arith.constant 0 : i32
        %dma_start3A_474 = tpu.memref_slice %arg7[%add3A_467, %dma_start3A_473] : memref<80x128xi32, #tpu.memory_space<vmem>> -> memref<1x128xi32, #tpu.memory_space<vmem>>
        %dma_start3A_475 = tpu.memref_squeeze %dma_start3A_474 : memref<1x128xi32, #tpu.memory_space<vmem>> -> memref<128xi32, #tpu.memory_space<vmem>>
        %dma_start3A_476 = arith.constant 0 : i32
        %dma_start3A_477 = arith.constant 0 : i32
        %dma_start3A_478 = tpu.memref_slice %arg2[%dma_start3A_476, %dma_start3A_477] : memref<10000x8xf32, #tpu.memory_space<hbm>> -> memref<10000x8xf32, #tpu.memory_space<hbm>>
        tpu.enqueue_indirect_dma source(%dma_start3A_478 : memref<10000x8xf32, #tpu.memory_space<hbm>>) target(%dma_start3A_472 : memref<128x8xf32, #tpu.memory_space<vmem>>) offsets(%dma_start3A_475 : memref<128xi32, #tpu.memory_space<vmem>>) semaphore(%arg11 : memref<!tpu.dma_semaphore, #tpu.memory_space<semaphore_mem>>)
      } else {
      }
      %mul3A_130 = arith.constant 16 : i32
      %mul3A_131 = arith.muli %scan3A_83, %mul3A_130 : i32
      %add3A_132 = arith.constant 2 : i32
      %add3A_133 = arith.addi %mul3A_131, %add3A_132 : i32
      %dma_wait3A_134 = arith.constant 2 : i32
      %dma_wait3A_135 = arith.constant 0 : i32
      %dma_wait3A_136 = arith.constant 0 : i32
      %dma_wait3A_137 = tpu.memref_slice %arg9[%dma_wait3A_134, %dma_wait3A_135, %dma_wait3A_136] : memref<4x128x8xf32, #tpu.memory_space<vmem>> -> memref<1x128x8xf32, #tpu.memory_space<vmem>>
      %dma_wait3A_138 = tpu.memref_squeeze %dma_wait3A_137 : memref<1x128x8xf32, #tpu.memory_space<vmem>> -> memref<128x8xf32, #tpu.memory_space<vmem>>
      %dma_wait3A_139 = arith.constant 0 : i32
      %dma_wait3A_140 = tpu.memref_slice %arg7[%add3A_133, %dma_wait3A_139] : memref<80x128xi32, #tpu.memory_space<vmem>> -> memref<1x128xi32, #tpu.memory_space<vmem>>
      %dma_wait3A_141 = tpu.memref_squeeze %dma_wait3A_140 : memref<1x128xi32, #tpu.memory_space<vmem>> -> memref<128xi32, #tpu.memory_space<vmem>>
      %dma_wait3A_142 = arith.constant 0 : i32
      %dma_wait3A_143 = arith.constant 0 : i32
      %dma_wait3A_144 = tpu.memref_slice %arg2[%dma_wait3A_142, %dma_wait3A_143] : memref<10000x8xf32, #tpu.memory_space<hbm>> -> memref<10000x8xf32, #tpu.memory_space<hbm>>
      tpu.wait_indirect_dma semaphore(%arg11 : memref<!tpu.dma_semaphore, #tpu.memory_space<semaphore_mem>>) src(%dma_wait3A_144 : memref<10000x8xf32, #tpu.memory_space<hbm>>) dst(%dma_wait3A_138 : memref<128x8xf32, #tpu.memory_space<vmem>>)
      %run_scoped3A_145 = arith.constant 2 : i32
      %run_scoped3A_146 = arith.constant 2 : i32
      "tpu.region"() ({
        %run_scoped3A_466 = tpu.sem_alloc : memref<!tpu.dma_semaphore, #tpu.memory_space<semaphore_mem>>
        %dma_start3A_467 = arith.constant 0 : i32
        %dma_start3A_468 = arith.constant 0 : i32
        %dma_start3A_469 = tpu.memref_slice %arg9[%run_scoped3A_145, %dma_start3A_467, %dma_start3A_468] : memref<4x128x8xf32, #tpu.memory_space<vmem>> -> memref<1x128x8xf32, #tpu.memory_space<vmem>>
        %dma_start3A_470 = tpu.memref_squeeze %dma_start3A_469 : memref<1x128x8xf32, #tpu.memory_space<vmem>> -> memref<128x8xf32, #tpu.memory_space<vmem>>
        %dma_start3A_471 = arith.constant 0 : i32
        %dma_start3A_472 = tpu.memref_slice %arg8[%run_scoped3A_146, %dma_start3A_471] : memref<16x128xi32, #tpu.memory_space<vmem>> -> memref<1x128xi32, #tpu.memory_space<vmem>>
        %dma_start3A_473 = tpu.memref_squeeze %dma_start3A_472 : memref<1x128xi32, #tpu.memory_space<vmem>> -> memref<128xi32, #tpu.memory_space<vmem>>
        %dma_start3A_474 = arith.constant 0 : i32
        %dma_start3A_475 = arith.constant 0 : i32
        %dma_start3A_476 = tpu.memref_slice %arg10[%dma_start3A_474, %dma_start3A_475] : memref<10240x8xf32, #tpu.memory_space<vmem_shared>> -> memref<10240x8xf32, #tpu.memory_space<vmem_shared>>
        tpu.enqueue_indirect_dma source(%dma_start3A_470 : memref<128x8xf32, #tpu.memory_space<vmem>>) target(%dma_start3A_476 : memref<10240x8xf32, #tpu.memory_space<vmem_shared>>) offsets(%dma_start3A_473 : memref<128xi32, #tpu.memory_space<vmem>>) semaphore(%run_scoped3A_466 : memref<!tpu.dma_semaphore, #tpu.memory_space<semaphore_mem>>) {add = true}
        %dma_wait3A_477 = arith.constant 0 : i32
        %dma_wait3A_478 = arith.constant 0 : i32
        %dma_wait3A_479 = tpu.memref_slice %arg9[%run_scoped3A_145, %dma_wait3A_477, %dma_wait3A_478] : memref<4x128x8xf32, #tpu.memory_space<vmem>> -> memref<1x128x8xf32, #tpu.memory_space<vmem>>
        %dma_wait3A_480 = tpu.memref_squeeze %dma_wait3A_479 : memref<1x128x8xf32, #tpu.memory_space<vmem>> -> memref<128x8xf32, #tpu.memory_space<vmem>>
        %dma_wait3A_481 = arith.constant 0 : i32
        %dma_wait3A_482 = tpu.memref_slice %arg8[%run_scoped3A_146, %dma_wait3A_481] : memref<16x128xi32, #tpu.memory_space<vmem>> -> memref<1x128xi32, #tpu.memory_space<vmem>>
        %dma_wait3A_483 = tpu.memref_squeeze %dma_wait3A_482 : memref<1x128xi32, #tpu.memory_space<vmem>> -> memref<128xi32, #tpu.memory_space<vmem>>
        %dma_wait3A_484 = arith.constant 0 : i32
        %dma_wait3A_485 = arith.constant 0 : i32
        %dma_wait3A_486 = tpu.memref_slice %arg10[%dma_wait3A_484, %dma_wait3A_485] : memref<10240x8xf32, #tpu.memory_space<vmem_shared>> -> memref<10240x8xf32, #tpu.memory_space<vmem_shared>>
        tpu.wait_indirect_dma semaphore(%run_scoped3A_466 : memref<!tpu.dma_semaphore, #tpu.memory_space<semaphore_mem>>) src(%dma_wait3A_480 : memref<128x8xf32, #tpu.memory_space<vmem>>) dst(%dma_wait3A_486 : memref<10240x8xf32, #tpu.memory_space<vmem_shared>>)
        tpu.yield
      }) : () -> ()
      %add3A_147 = arith.constant 4 : i32
      %add3A_148 = arith.addi %add3A_133, %add3A_147 : i32
      %lt3A_149 = arith.constant 80 : i32
      %lt3A_150 = arith.cmpi slt, %add3A_148, %lt3A_149 : i32
      %convert_element_type3A_151 = arith.extui %lt3A_150 : i1 to i32
      %cond3A_152 = arith.constant 0 : i32
      %cond3A_153 = arith.cmpi ne, %convert_element_type3A_151, %cond3A_152 : i32
      scf.if %cond3A_153 {
        %add3A_466 = arith.constant 4 : i32
        %add3A_467 = arith.addi %add3A_133, %add3A_466 : i32
        %dma_start3A_468 = arith.constant 2 : i32
        %dma_start3A_469 = arith.constant 0 : i32
        %dma_start3A_470 = arith.constant 0 : i32
        %dma_start3A_471 = tpu.memref_slice %arg9[%dma_start3A_468, %dma_start3A_469, %dma_start3A_470] : memref<4x128x8xf32, #tpu.memory_space<vmem>> -> memref<1x128x8xf32, #tpu.memory_space<vmem>>
        %dma_start3A_472 = tpu.memref_squeeze %dma_start3A_471 : memref<1x128x8xf32, #tpu.memory_space<vmem>> -> memref<128x8xf32, #tpu.memory_space<vmem>>
        %dma_start3A_473 = arith.constant 0 : i32
        %dma_start3A_474 = tpu.memref_slice %arg7[%add3A_467, %dma_start3A_473] : memref<80x128xi32, #tpu.memory_space<vmem>> -> memref<1x128xi32, #tpu.memory_space<vmem>>
        %dma_start3A_475 = tpu.memref_squeeze %dma_start3A_474 : memref<1x128xi32, #tpu.memory_space<vmem>> -> memref<128xi32, #tpu.memory_space<vmem>>
        %dma_start3A_476 = arith.constant 0 : i32
        %dma_start3A_477 = arith.constant 0 : i32
        %dma_start3A_478 = tpu.memref_slice %arg2[%dma_start3A_476, %dma_start3A_477] : memref<10000x8xf32, #tpu.memory_space<hbm>> -> memref<10000x8xf32, #tpu.memory_space<hbm>>
        tpu.enqueue_indirect_dma source(%dma_start3A_478 : memref<10000x8xf32, #tpu.memory_space<hbm>>) target(%dma_start3A_472 : memref<128x8xf32, #tpu.memory_space<vmem>>) offsets(%dma_start3A_475 : memref<128xi32, #tpu.memory_space<vmem>>) semaphore(%arg11 : memref<!tpu.dma_semaphore, #tpu.memory_space<semaphore_mem>>)
      } else {
      }
      %mul3A_154 = arith.constant 16 : i32
      %mul3A_155 = arith.muli %scan3A_83, %mul3A_154 : i32
      %add3A_156 = arith.constant 3 : i32
      %add3A_157 = arith.addi %mul3A_155, %add3A_156 : i32
      %dma_wait3A_158 = arith.constant 3 : i32
      %dma_wait3A_159 = arith.constant 0 : i32
      %dma_wait3A_160 = arith.constant 0 : i32
      %dma_wait3A_161 = tpu.memref_slice %arg9[%dma_wait3A_158, %dma_wait3A_159, %dma_wait3A_160] : memref<4x128x8xf32, #tpu.memory_space<vmem>> -> memref<1x128x8xf32, #tpu.memory_space<vmem>>
      %dma_wait3A_162 = tpu.memref_squeeze %dma_wait3A_161 : memref<1x128x8xf32, #tpu.memory_space<vmem>> -> memref<128x8xf32, #tpu.memory_space<vmem>>
      %dma_wait3A_163 = arith.constant 0 : i32
      %dma_wait3A_164 = tpu.memref_slice %arg7[%add3A_157, %dma_wait3A_163] : memref<80x128xi32, #tpu.memory_space<vmem>> -> memref<1x128xi32, #tpu.memory_space<vmem>>
      %dma_wait3A_165 = tpu.memref_squeeze %dma_wait3A_164 : memref<1x128xi32, #tpu.memory_space<vmem>> -> memref<128xi32, #tpu.memory_space<vmem>>
      %dma_wait3A_166 = arith.constant 0 : i32
      %dma_wait3A_167 = arith.constant 0 : i32
      %dma_wait3A_168 = tpu.memref_slice %arg2[%dma_wait3A_166, %dma_wait3A_167] : memref<10000x8xf32, #tpu.memory_space<hbm>> -> memref<10000x8xf32, #tpu.memory_space<hbm>>
      tpu.wait_indirect_dma semaphore(%arg11 : memref<!tpu.dma_semaphore, #tpu.memory_space<semaphore_mem>>) src(%dma_wait3A_168 : memref<10000x8xf32, #tpu.memory_space<hbm>>) dst(%dma_wait3A_162 : memref<128x8xf32, #tpu.memory_space<vmem>>)
      %run_scoped3A_169 = arith.constant 3 : i32
      %run_scoped3A_170 = arith.constant 3 : i32
      "tpu.region"() ({
        %run_scoped3A_466 = tpu.sem_alloc : memref<!tpu.dma_semaphore, #tpu.memory_space<semaphore_mem>>
        %dma_start3A_467 = arith.constant 0 : i32
        %dma_start3A_468 = arith.constant 0 : i32
        %dma_start3A_469 = tpu.memref_slice %arg9[%run_scoped3A_169, %dma_start3A_467, %dma_start3A_468] : memref<4x128x8xf32, #tpu.memory_space<vmem>> -> memref<1x128x8xf32, #tpu.memory_space<vmem>>
        %dma_start3A_470 = tpu.memref_squeeze %dma_start3A_469 : memref<1x128x8xf32, #tpu.memory_space<vmem>> -> memref<128x8xf32, #tpu.memory_space<vmem>>
        %dma_start3A_471 = arith.constant 0 : i32
        %dma_start3A_472 = tpu.memref_slice %arg8[%run_scoped3A_170, %dma_start3A_471] : memref<16x128xi32, #tpu.memory_space<vmem>> -> memref<1x128xi32, #tpu.memory_space<vmem>>
        %dma_start3A_473 = tpu.memref_squeeze %dma_start3A_472 : memref<1x128xi32, #tpu.memory_space<vmem>> -> memref<128xi32, #tpu.memory_space<vmem>>
        %dma_start3A_474 = arith.constant 0 : i32
        %dma_start3A_475 = arith.constant 0 : i32
        %dma_start3A_476 = tpu.memref_slice %arg10[%dma_start3A_474, %dma_start3A_475] : memref<10240x8xf32, #tpu.memory_space<vmem_shared>> -> memref<10240x8xf32, #tpu.memory_space<vmem_shared>>
        tpu.enqueue_indirect_dma source(%dma_start3A_470 : memref<128x8xf32, #tpu.memory_space<vmem>>) target(%dma_start3A_476 : memref<10240x8xf32, #tpu.memory_space<vmem_shared>>) offsets(%dma_start3A_473 : memref<128xi32, #tpu.memory_space<vmem>>) semaphore(%run_scoped3A_466 : memref<!tpu.dma_semaphore, #tpu.memory_space<semaphore_mem>>) {add = true}
        %dma_wait3A_477 = arith.constant 0 : i32
        %dma_wait3A_478 = arith.constant 0 : i32
        %dma_wait3A_479 = tpu.memref_slice %arg9[%run_scoped3A_169, %dma_wait3A_477, %dma_wait3A_478] : memref<4x128x8xf32, #tpu.memory_space<vmem>> -> memref<1x128x8xf32, #tpu.memory_space<vmem>>
        %dma_wait3A_480 = tpu.memref_squeeze %dma_wait3A_479 : memref<1x128x8xf32, #tpu.memory_space<vmem>> -> memref<128x8xf32, #tpu.memory_space<vmem>>
        %dma_wait3A_481 = arith.constant 0 : i32
        %dma_wait3A_482 = tpu.memref_slice %arg8[%run_scoped3A_170, %dma_wait3A_481] : memref<16x128xi32, #tpu.memory_space<vmem>> -> memref<1x128xi32, #tpu.memory_space<vmem>>
        %dma_wait3A_483 = tpu.memref_squeeze %dma_wait3A_482 : memref<1x128xi32, #tpu.memory_space<vmem>> -> memref<128xi32, #tpu.memory_space<vmem>>
        %dma_wait3A_484 = arith.constant 0 : i32
        %dma_wait3A_485 = arith.constant 0 : i32
        %dma_wait3A_486 = tpu.memref_slice %arg10[%dma_wait3A_484, %dma_wait3A_485] : memref<10240x8xf32, #tpu.memory_space<vmem_shared>> -> memref<10240x8xf32, #tpu.memory_space<vmem_shared>>
        tpu.wait_indirect_dma semaphore(%run_scoped3A_466 : memref<!tpu.dma_semaphore, #tpu.memory_space<semaphore_mem>>) src(%dma_wait3A_480 : memref<128x8xf32, #tpu.memory_space<vmem>>) dst(%dma_wait3A_486 : memref<10240x8xf32, #tpu.memory_space<vmem_shared>>)
        tpu.yield
      }) : () -> ()
      %add3A_171 = arith.constant 4 : i32
      %add3A_172 = arith.addi %add3A_157, %add3A_171 : i32
      %lt3A_173 = arith.constant 80 : i32
      %lt3A_174 = arith.cmpi slt, %add3A_172, %lt3A_173 : i32
      %convert_element_type3A_175 = arith.extui %lt3A_174 : i1 to i32
      %cond3A_176 = arith.constant 0 : i32
      %cond3A_177 = arith.cmpi ne, %convert_element_type3A_175, %cond3A_176 : i32
      scf.if %cond3A_177 {
        %add3A_466 = arith.constant 4 : i32
        %add3A_467 = arith.addi %add3A_157, %add3A_466 : i32
        %dma_start3A_468 = arith.constant 3 : i32
        %dma_start3A_469 = arith.constant 0 : i32
        %dma_start3A_470 = arith.constant 0 : i32
        %dma_start3A_471 = tpu.memref_slice %arg9[%dma_start3A_468, %dma_start3A_469, %dma_start3A_470] : memref<4x128x8xf32, #tpu.memory_space<vmem>> -> memref<1x128x8xf32, #tpu.memory_space<vmem>>
        %dma_start3A_472 = tpu.memref_squeeze %dma_start3A_471 : memref<1x128x8xf32, #tpu.memory_space<vmem>> -> memref<128x8xf32, #tpu.memory_space<vmem>>
        %dma_start3A_473 = arith.constant 0 : i32
        %dma_start3A_474 = tpu.memref_slice %arg7[%add3A_467, %dma_start3A_473] : memref<80x128xi32, #tpu.memory_space<vmem>> -> memref<1x128xi32, #tpu.memory_space<vmem>>
        %dma_start3A_475 = tpu.memref_squeeze %dma_start3A_474 : memref<1x128xi32, #tpu.memory_space<vmem>> -> memref<128xi32, #tpu.memory_space<vmem>>
        %dma_start3A_476 = arith.constant 0 : i32
        %dma_start3A_477 = arith.constant 0 : i32
        %dma_start3A_478 = tpu.memref_slice %arg2[%dma_start3A_476, %dma_start3A_477] : memref<10000x8xf32, #tpu.memory_space<hbm>> -> memref<10000x8xf32, #tpu.memory_space<hbm>>
        tpu.enqueue_indirect_dma source(%dma_start3A_478 : memref<10000x8xf32, #tpu.memory_space<hbm>>) target(%dma_start3A_472 : memref<128x8xf32, #tpu.memory_space<vmem>>) offsets(%dma_start3A_475 : memref<128xi32, #tpu.memory_space<vmem>>) semaphore(%arg11 : memref<!tpu.dma_semaphore, #tpu.memory_space<semaphore_mem>>)
      } else {
      }
      %mul3A_178 = arith.constant 16 : i32
      %mul3A_179 = arith.muli %scan3A_83, %mul3A_178 : i32
      %add3A_180 = arith.constant 4 : i32
      %add3A_181 = arith.addi %mul3A_179, %add3A_180 : i32
      %dma_wait3A_182 = arith.constant 0 : i32
      %dma_wait3A_183 = arith.constant 0 : i32
      %dma_wait3A_184 = arith.constant 0 : i32
      %dma_wait3A_185 = tpu.memref_slice %arg9[%dma_wait3A_182, %dma_wait3A_183, %dma_wait3A_184] : memref<4x128x8xf32, #tpu.memory_space<vmem>> -> memref<1x128x8xf32, #tpu.memory_space<vmem>>
      %dma_wait3A_186 = tpu.memref_squeeze %dma_wait3A_185 : memref<1x128x8xf32, #tpu.memory_space<vmem>> -> memref<128x8xf32, #tpu.memory_space<vmem>>
      %dma_wait3A_187 = arith.constant 0 : i32
      %dma_wait3A_188 = tpu.memref_slice %arg7[%add3A_181, %dma_wait3A_187] : memref<80x128xi32, #tpu.memory_space<vmem>> -> memref<1x128xi32, #tpu.memory_space<vmem>>
      %dma_wait3A_189 = tpu.memref_squeeze %dma_wait3A_188 : memref<1x128xi32, #tpu.memory_space<vmem>> -> memref<128xi32, #tpu.memory_space<vmem>>
      %dma_wait3A_190 = arith.constant 0 : i32
      %dma_wait3A_191 = arith.constant 0 : i32
      %dma_wait3A_192 = tpu.memref_slice %arg2[%dma_wait3A_190, %dma_wait3A_191] : memref<10000x8xf32, #tpu.memory_space<hbm>> -> memref<10000x8xf32, #tpu.memory_space<hbm>>
      tpu.wait_indirect_dma semaphore(%arg11 : memref<!tpu.dma_semaphore, #tpu.memory_space<semaphore_mem>>) src(%dma_wait3A_192 : memref<10000x8xf32, #tpu.memory_space<hbm>>) dst(%dma_wait3A_186 : memref<128x8xf32, #tpu.memory_space<vmem>>)
      %run_scoped3A_193 = arith.constant 0 : i32
      %run_scoped3A_194 = arith.constant 4 : i32
      "tpu.region"() ({
        %run_scoped3A_466 = tpu.sem_alloc : memref<!tpu.dma_semaphore, #tpu.memory_space<semaphore_mem>>
        %dma_start3A_467 = arith.constant 0 : i32
        %dma_start3A_468 = arith.constant 0 : i32
        %dma_start3A_469 = tpu.memref_slice %arg9[%run_scoped3A_193, %dma_start3A_467, %dma_start3A_468] : memref<4x128x8xf32, #tpu.memory_space<vmem>> -> memref<1x128x8xf32, #tpu.memory_space<vmem>>
        %dma_start3A_470 = tpu.memref_squeeze %dma_start3A_469 : memref<1x128x8xf32, #tpu.memory_space<vmem>> -> memref<128x8xf32, #tpu.memory_space<vmem>>
        %dma_start3A_471 = arith.constant 0 : i32
        %dma_start3A_472 = tpu.memref_slice %arg8[%run_scoped3A_194, %dma_start3A_471] : memref<16x128xi32, #tpu.memory_space<vmem>> -> memref<1x128xi32, #tpu.memory_space<vmem>>
        %dma_start3A_473 = tpu.memref_squeeze %dma_start3A_472 : memref<1x128xi32, #tpu.memory_space<vmem>> -> memref<128xi32, #tpu.memory_space<vmem>>
        %dma_start3A_474 = arith.constant 0 : i32
        %dma_start3A_475 = arith.constant 0 : i32
        %dma_start3A_476 = tpu.memref_slice %arg10[%dma_start3A_474, %dma_start3A_475] : memref<10240x8xf32, #tpu.memory_space<vmem_shared>> -> memref<10240x8xf32, #tpu.memory_space<vmem_shared>>
        tpu.enqueue_indirect_dma source(%dma_start3A_470 : memref<128x8xf32, #tpu.memory_space<vmem>>) target(%dma_start3A_476 : memref<10240x8xf32, #tpu.memory_space<vmem_shared>>) offsets(%dma_start3A_473 : memref<128xi32, #tpu.memory_space<vmem>>) semaphore(%run_scoped3A_466 : memref<!tpu.dma_semaphore, #tpu.memory_space<semaphore_mem>>) {add = true}
        %dma_wait3A_477 = arith.constant 0 : i32
        %dma_wait3A_478 = arith.constant 0 : i32
        %dma_wait3A_479 = tpu.memref_slice %arg9[%run_scoped3A_193, %dma_wait3A_477, %dma_wait3A_478] : memref<4x128x8xf32, #tpu.memory_space<vmem>> -> memref<1x128x8xf32, #tpu.memory_space<vmem>>
        %dma_wait3A_480 = tpu.memref_squeeze %dma_wait3A_479 : memref<1x128x8xf32, #tpu.memory_space<vmem>> -> memref<128x8xf32, #tpu.memory_space<vmem>>
        %dma_wait3A_481 = arith.constant 0 : i32
        %dma_wait3A_482 = tpu.memref_slice %arg8[%run_scoped3A_194, %dma_wait3A_481] : memref<16x128xi32, #tpu.memory_space<vmem>> -> memref<1x128xi32, #tpu.memory_space<vmem>>
        %dma_wait3A_483 = tpu.memref_squeeze %dma_wait3A_482 : memref<1x128xi32, #tpu.memory_space<vmem>> -> memref<128xi32, #tpu.memory_space<vmem>>
        %dma_wait3A_484 = arith.constant 0 : i32
        %dma_wait3A_485 = arith.constant 0 : i32
        %dma_wait3A_486 = tpu.memref_slice %arg10[%dma_wait3A_484, %dma_wait3A_485] : memref<10240x8xf32, #tpu.memory_space<vmem_shared>> -> memref<10240x8xf32, #tpu.memory_space<vmem_shared>>
        tpu.wait_indirect_dma semaphore(%run_scoped3A_466 : memref<!tpu.dma_semaphore, #tpu.memory_space<semaphore_mem>>) src(%dma_wait3A_480 : memref<128x8xf32, #tpu.memory_space<vmem>>) dst(%dma_wait3A_486 : memref<10240x8xf32, #tpu.memory_space<vmem_shared>>)
        tpu.yield
      }) : () -> ()
      %add3A_195 = arith.constant 4 : i32
      %add3A_196 = arith.addi %add3A_181, %add3A_195 : i32
      %lt3A_197 = arith.constant 80 : i32
      %lt3A_198 = arith.cmpi slt, %add3A_196, %lt3A_197 : i32
      %convert_element_type3A_199 = arith.extui %lt3A_198 : i1 to i32
      %cond3A_200 = arith.constant 0 : i32
      %cond3A_201 = arith.cmpi ne, %convert_element_type3A_199, %cond3A_200 : i32
      scf.if %cond3A_201 {
        %add3A_466 = arith.constant 4 : i32
        %add3A_467 = arith.addi %add3A_181, %add3A_466 : i32
        %dma_start3A_468 = arith.constant 0 : i32
        %dma_start3A_469 = arith.constant 0 : i32
        %dma_start3A_470 = arith.constant 0 : i32
        %dma_start3A_471 = tpu.memref_slice %arg9[%dma_start3A_468, %dma_start3A_469, %dma_start3A_470] : memref<4x128x8xf32, #tpu.memory_space<vmem>> -> memref<1x128x8xf32, #tpu.memory_space<vmem>>
        %dma_start3A_472 = tpu.memref_squeeze %dma_start3A_471 : memref<1x128x8xf32, #tpu.memory_space<vmem>> -> memref<128x8xf32, #tpu.memory_space<vmem>>
        %dma_start3A_473 = arith.constant 0 : i32
        %dma_start3A_474 = tpu.memref_slice %arg7[%add3A_467, %dma_start3A_473] : memref<80x128xi32, #tpu.memory_space<vmem>> -> memref<1x128xi32, #tpu.memory_space<vmem>>
        %dma_start3A_475 = tpu.memref_squeeze %dma_start3A_474 : memref<1x128xi32, #tpu.memory_space<vmem>> -> memref<128xi32, #tpu.memory_space<vmem>>
        %dma_start3A_476 = arith.constant 0 : i32
        %dma_start3A_477 = arith.constant 0 : i32
        %dma_start3A_478 = tpu.memref_slice %arg2[%dma_start3A_476, %dma_start3A_477] : memref<10000x8xf32, #tpu.memory_space<hbm>> -> memref<10000x8xf32, #tpu.memory_space<hbm>>
        tpu.enqueue_indirect_dma source(%dma_start3A_478 : memref<10000x8xf32, #tpu.memory_space<hbm>>) target(%dma_start3A_472 : memref<128x8xf32, #tpu.memory_space<vmem>>) offsets(%dma_start3A_475 : memref<128xi32, #tpu.memory_space<vmem>>) semaphore(%arg11 : memref<!tpu.dma_semaphore, #tpu.memory_space<semaphore_mem>>)
      } else {
      }
      %mul3A_202 = arith.constant 16 : i32
      %mul3A_203 = arith.muli %scan3A_83, %mul3A_202 : i32
      %add3A_204 = arith.constant 5 : i32
      %add3A_205 = arith.addi %mul3A_203, %add3A_204 : i32
      %dma_wait3A_206 = arith.constant 1 : i32
      %dma_wait3A_207 = arith.constant 0 : i32
      %dma_wait3A_208 = arith.constant 0 : i32
      %dma_wait3A_209 = tpu.memref_slice %arg9[%dma_wait3A_206, %dma_wait3A_207, %dma_wait3A_208] : memref<4x128x8xf32, #tpu.memory_space<vmem>> -> memref<1x128x8xf32, #tpu.memory_space<vmem>>
      %dma_wait3A_210 = tpu.memref_squeeze %dma_wait3A_209 : memref<1x128x8xf32, #tpu.memory_space<vmem>> -> memref<128x8xf32, #tpu.memory_space<vmem>>
      %dma_wait3A_211 = arith.constant 0 : i32
      %dma_wait3A_212 = tpu.memref_slice %arg7[%add3A_205, %dma_wait3A_211] : memref<80x128xi32, #tpu.memory_space<vmem>> -> memref<1x128xi32, #tpu.memory_space<vmem>>
      %dma_wait3A_213 = tpu.memref_squeeze %dma_wait3A_212 : memref<1x128xi32, #tpu.memory_space<vmem>> -> memref<128xi32, #tpu.memory_space<vmem>>
      %dma_wait3A_214 = arith.constant 0 : i32
      %dma_wait3A_215 = arith.constant 0 : i32
      %dma_wait3A_216 = tpu.memref_slice %arg2[%dma_wait3A_214, %dma_wait3A_215] : memref<10000x8xf32, #tpu.memory_space<hbm>> -> memref<10000x8xf32, #tpu.memory_space<hbm>>
      tpu.wait_indirect_dma semaphore(%arg11 : memref<!tpu.dma_semaphore, #tpu.memory_space<semaphore_mem>>) src(%dma_wait3A_216 : memref<10000x8xf32, #tpu.memory_space<hbm>>) dst(%dma_wait3A_210 : memref<128x8xf32, #tpu.memory_space<vmem>>)
      %run_scoped3A_217 = arith.constant 1 : i32
      %run_scoped3A_218 = arith.constant 5 : i32
      "tpu.region"() ({
        %run_scoped3A_466 = tpu.sem_alloc : memref<!tpu.dma_semaphore, #tpu.memory_space<semaphore_mem>>
        %dma_start3A_467 = arith.constant 0 : i32
        %dma_start3A_468 = arith.constant 0 : i32
        %dma_start3A_469 = tpu.memref_slice %arg9[%run_scoped3A_217, %dma_start3A_467, %dma_start3A_468] : memref<4x128x8xf32, #tpu.memory_space<vmem>> -> memref<1x128x8xf32, #tpu.memory_space<vmem>>
        %dma_start3A_470 = tpu.memref_squeeze %dma_start3A_469 : memref<1x128x8xf32, #tpu.memory_space<vmem>> -> memref<128x8xf32, #tpu.memory_space<vmem>>
        %dma_start3A_471 = arith.constant 0 : i32
        %dma_start3A_472 = tpu.memref_slice %arg8[%run_scoped3A_218, %dma_start3A_471] : memref<16x128xi32, #tpu.memory_space<vmem>> -> memref<1x128xi32, #tpu.memory_space<vmem>>
        %dma_start3A_473 = tpu.memref_squeeze %dma_start3A_472 : memref<1x128xi32, #tpu.memory_space<vmem>> -> memref<128xi32, #tpu.memory_space<vmem>>
        %dma_start3A_474 = arith.constant 0 : i32
        %dma_start3A_475 = arith.constant 0 : i32
        %dma_start3A_476 = tpu.memref_slice %arg10[%dma_start3A_474, %dma_start3A_475] : memref<10240x8xf32, #tpu.memory_space<vmem_shared>> -> memref<10240x8xf32, #tpu.memory_space<vmem_shared>>
        tpu.enqueue_indirect_dma source(%dma_start3A_470 : memref<128x8xf32, #tpu.memory_space<vmem>>) target(%dma_start3A_476 : memref<10240x8xf32, #tpu.memory_space<vmem_shared>>) offsets(%dma_start3A_473 : memref<128xi32, #tpu.memory_space<vmem>>) semaphore(%run_scoped3A_466 : memref<!tpu.dma_semaphore, #tpu.memory_space<semaphore_mem>>) {add = true}
        %dma_wait3A_477 = arith.constant 0 : i32
        %dma_wait3A_478 = arith.constant 0 : i32
        %dma_wait3A_479 = tpu.memref_slice %arg9[%run_scoped3A_217, %dma_wait3A_477, %dma_wait3A_478] : memref<4x128x8xf32, #tpu.memory_space<vmem>> -> memref<1x128x8xf32, #tpu.memory_space<vmem>>
        %dma_wait3A_480 = tpu.memref_squeeze %dma_wait3A_479 : memref<1x128x8xf32, #tpu.memory_space<vmem>> -> memref<128x8xf32, #tpu.memory_space<vmem>>
        %dma_wait3A_481 = arith.constant 0 : i32
        %dma_wait3A_482 = tpu.memref_slice %arg8[%run_scoped3A_218, %dma_wait3A_481] : memref<16x128xi32, #tpu.memory_space<vmem>> -> memref<1x128xi32, #tpu.memory_space<vmem>>
        %dma_wait3A_483 = tpu.memref_squeeze %dma_wait3A_482 : memref<1x128xi32, #tpu.memory_space<vmem>> -> memref<128xi32, #tpu.memory_space<vmem>>
        %dma_wait3A_484 = arith.constant 0 : i32
        %dma_wait3A_485 = arith.constant 0 : i32
        %dma_wait3A_486 = tpu.memref_slice %arg10[%dma_wait3A_484, %dma_wait3A_485] : memref<10240x8xf32, #tpu.memory_space<vmem_shared>> -> memref<10240x8xf32, #tpu.memory_space<vmem_shared>>
        tpu.wait_indirect_dma semaphore(%run_scoped3A_466 : memref<!tpu.dma_semaphore, #tpu.memory_space<semaphore_mem>>) src(%dma_wait3A_480 : memref<128x8xf32, #tpu.memory_space<vmem>>) dst(%dma_wait3A_486 : memref<10240x8xf32, #tpu.memory_space<vmem_shared>>)
        tpu.yield
      }) : () -> ()
      %add3A_219 = arith.constant 4 : i32
      %add3A_220 = arith.addi %add3A_205, %add3A_219 : i32
      %lt3A_221 = arith.constant 80 : i32
      %lt3A_222 = arith.cmpi slt, %add3A_220, %lt3A_221 : i32
      %convert_element_type3A_223 = arith.extui %lt3A_222 : i1 to i32
      %cond3A_224 = arith.constant 0 : i32
      %cond3A_225 = arith.cmpi ne, %convert_element_type3A_223, %cond3A_224 : i32
      scf.if %cond3A_225 {
        %add3A_466 = arith.constant 4 : i32
        %add3A_467 = arith.addi %add3A_205, %add3A_466 : i32
        %dma_start3A_468 = arith.constant 1 : i32
        %dma_start3A_469 = arith.constant 0 : i32
        %dma_start3A_470 = arith.constant 0 : i32
        %dma_start3A_471 = tpu.memref_slice %arg9[%dma_start3A_468, %dma_start3A_469, %dma_start3A_470] : memref<4x128x8xf32, #tpu.memory_space<vmem>> -> memref<1x128x8xf32, #tpu.memory_space<vmem>>
        %dma_start3A_472 = tpu.memref_squeeze %dma_start3A_471 : memref<1x128x8xf32, #tpu.memory_space<vmem>> -> memref<128x8xf32, #tpu.memory_space<vmem>>
        %dma_start3A_473 = arith.constant 0 : i32
        %dma_start3A_474 = tpu.memref_slice %arg7[%add3A_467, %dma_start3A_473] : memref<80x128xi32, #tpu.memory_space<vmem>> -> memref<1x128xi32, #tpu.memory_space<vmem>>
        %dma_start3A_475 = tpu.memref_squeeze %dma_start3A_474 : memref<1x128xi32, #tpu.memory_space<vmem>> -> memref<128xi32, #tpu.memory_space<vmem>>
        %dma_start3A_476 = arith.constant 0 : i32
        %dma_start3A_477 = arith.constant 0 : i32
        %dma_start3A_478 = tpu.memref_slice %arg2[%dma_start3A_476, %dma_start3A_477] : memref<10000x8xf32, #tpu.memory_space<hbm>> -> memref<10000x8xf32, #tpu.memory_space<hbm>>
        tpu.enqueue_indirect_dma source(%dma_start3A_478 : memref<10000x8xf32, #tpu.memory_space<hbm>>) target(%dma_start3A_472 : memref<128x8xf32, #tpu.memory_space<vmem>>) offsets(%dma_start3A_475 : memref<128xi32, #tpu.memory_space<vmem>>) semaphore(%arg11 : memref<!tpu.dma_semaphore, #tpu.memory_space<semaphore_mem>>)
      } else {
      }
      %mul3A_226 = arith.constant 16 : i32
      %mul3A_227 = arith.muli %scan3A_83, %mul3A_226 : i32
      %add3A_228 = arith.constant 6 : i32
      %add3A_229 = arith.addi %mul3A_227, %add3A_228 : i32
      %dma_wait3A_230 = arith.constant 2 : i32
      %dma_wait3A_231 = arith.constant 0 : i32
      %dma_wait3A_232 = arith.constant 0 : i32
      %dma_wait3A_233 = tpu.memref_slice %arg9[%dma_wait3A_230, %dma_wait3A_231, %dma_wait3A_232] : memref<4x128x8xf32, #tpu.memory_space<vmem>> -> memref<1x128x8xf32, #tpu.memory_space<vmem>>
      %dma_wait3A_234 = tpu.memref_squeeze %dma_wait3A_233 : memref<1x128x8xf32, #tpu.memory_space<vmem>> -> memref<128x8xf32, #tpu.memory_space<vmem>>
      %dma_wait3A_235 = arith.constant 0 : i32
      %dma_wait3A_236 = tpu.memref_slice %arg7[%add3A_229, %dma_wait3A_235] : memref<80x128xi32, #tpu.memory_space<vmem>> -> memref<1x128xi32, #tpu.memory_space<vmem>>
      %dma_wait3A_237 = tpu.memref_squeeze %dma_wait3A_236 : memref<1x128xi32, #tpu.memory_space<vmem>> -> memref<128xi32, #tpu.memory_space<vmem>>
      %dma_wait3A_238 = arith.constant 0 : i32
      %dma_wait3A_239 = arith.constant 0 : i32
      %dma_wait3A_240 = tpu.memref_slice %arg2[%dma_wait3A_238, %dma_wait3A_239] : memref<10000x8xf32, #tpu.memory_space<hbm>> -> memref<10000x8xf32, #tpu.memory_space<hbm>>
      tpu.wait_indirect_dma semaphore(%arg11 : memref<!tpu.dma_semaphore, #tpu.memory_space<semaphore_mem>>) src(%dma_wait3A_240 : memref<10000x8xf32, #tpu.memory_space<hbm>>) dst(%dma_wait3A_234 : memref<128x8xf32, #tpu.memory_space<vmem>>)
      %run_scoped3A_241 = arith.constant 2 : i32
      %run_scoped3A_242 = arith.constant 6 : i32
      "tpu.region"() ({
        %run_scoped3A_466 = tpu.sem_alloc : memref<!tpu.dma_semaphore, #tpu.memory_space<semaphore_mem>>
        %dma_start3A_467 = arith.constant 0 : i32
        %dma_start3A_468 = arith.constant 0 : i32
        %dma_start3A_469 = tpu.memref_slice %arg9[%run_scoped3A_241, %dma_start3A_467, %dma_start3A_468] : memref<4x128x8xf32, #tpu.memory_space<vmem>> -> memref<1x128x8xf32, #tpu.memory_space<vmem>>
        %dma_start3A_470 = tpu.memref_squeeze %dma_start3A_469 : memref<1x128x8xf32, #tpu.memory_space<vmem>> -> memref<128x8xf32, #tpu.memory_space<vmem>>
        %dma_start3A_471 = arith.constant 0 : i32
        %dma_start3A_472 = tpu.memref_slice %arg8[%run_scoped3A_242, %dma_start3A_471] : memref<16x128xi32, #tpu.memory_space<vmem>> -> memref<1x128xi32, #tpu.memory_space<vmem>>
        %dma_start3A_473 = tpu.memref_squeeze %dma_start3A_472 : memref<1x128xi32, #tpu.memory_space<vmem>> -> memref<128xi32, #tpu.memory_space<vmem>>
        %dma_start3A_474 = arith.constant 0 : i32
        %dma_start3A_475 = arith.constant 0 : i32
        %dma_start3A_476 = tpu.memref_slice %arg10[%dma_start3A_474, %dma_start3A_475] : memref<10240x8xf32, #tpu.memory_space<vmem_shared>> -> memref<10240x8xf32, #tpu.memory_space<vmem_shared>>
        tpu.enqueue_indirect_dma source(%dma_start3A_470 : memref<128x8xf32, #tpu.memory_space<vmem>>) target(%dma_start3A_476 : memref<10240x8xf32, #tpu.memory_space<vmem_shared>>) offsets(%dma_start3A_473 : memref<128xi32, #tpu.memory_space<vmem>>) semaphore(%run_scoped3A_466 : memref<!tpu.dma_semaphore, #tpu.memory_space<semaphore_mem>>) {add = true}
        %dma_wait3A_477 = arith.constant 0 : i32
        %dma_wait3A_478 = arith.constant 0 : i32
        %dma_wait3A_479 = tpu.memref_slice %arg9[%run_scoped3A_241, %dma_wait3A_477, %dma_wait3A_478] : memref<4x128x8xf32, #tpu.memory_space<vmem>> -> memref<1x128x8xf32, #tpu.memory_space<vmem>>
        %dma_wait3A_480 = tpu.memref_squeeze %dma_wait3A_479 : memref<1x128x8xf32, #tpu.memory_space<vmem>> -> memref<128x8xf32, #tpu.memory_space<vmem>>
        %dma_wait3A_481 = arith.constant 0 : i32
        %dma_wait3A_482 = tpu.memref_slice %arg8[%run_scoped3A_242, %dma_wait3A_481] : memref<16x128xi32, #tpu.memory_space<vmem>> -> memref<1x128xi32, #tpu.memory_space<vmem>>
        %dma_wait3A_483 = tpu.memref_squeeze %dma_wait3A_482 : memref<1x128xi32, #tpu.memory_space<vmem>> -> memref<128xi32, #tpu.memory_space<vmem>>
        %dma_wait3A_484 = arith.constant 0 : i32
        %dma_wait3A_485 = arith.constant 0 : i32
        %dma_wait3A_486 = tpu.memref_slice %arg10[%dma_wait3A_484, %dma_wait3A_485] : memref<10240x8xf32, #tpu.memory_space<vmem_shared>> -> memref<10240x8xf32, #tpu.memory_space<vmem_shared>>
        tpu.wait_indirect_dma semaphore(%run_scoped3A_466 : memref<!tpu.dma_semaphore, #tpu.memory_space<semaphore_mem>>) src(%dma_wait3A_480 : memref<128x8xf32, #tpu.memory_space<vmem>>) dst(%dma_wait3A_486 : memref<10240x8xf32, #tpu.memory_space<vmem_shared>>)
        tpu.yield
      }) : () -> ()
      %add3A_243 = arith.constant 4 : i32
      %add3A_244 = arith.addi %add3A_229, %add3A_243 : i32
      %lt3A_245 = arith.constant 80 : i32
      %lt3A_246 = arith.cmpi slt, %add3A_244, %lt3A_245 : i32
      %convert_element_type3A_247 = arith.extui %lt3A_246 : i1 to i32
      %cond3A_248 = arith.constant 0 : i32
      %cond3A_249 = arith.cmpi ne, %convert_element_type3A_247, %cond3A_248 : i32
      scf.if %cond3A_249 {
        %add3A_466 = arith.constant 4 : i32
        %add3A_467 = arith.addi %add3A_229, %add3A_466 : i32
        %dma_start3A_468 = arith.constant 2 : i32
        %dma_start3A_469 = arith.constant 0 : i32
        %dma_start3A_470 = arith.constant 0 : i32
        %dma_start3A_471 = tpu.memref_slice %arg9[%dma_start3A_468, %dma_start3A_469, %dma_start3A_470] : memref<4x128x8xf32, #tpu.memory_space<vmem>> -> memref<1x128x8xf32, #tpu.memory_space<vmem>>
        %dma_start3A_472 = tpu.memref_squeeze %dma_start3A_471 : memref<1x128x8xf32, #tpu.memory_space<vmem>> -> memref<128x8xf32, #tpu.memory_space<vmem>>
        %dma_start3A_473 = arith.constant 0 : i32
        %dma_start3A_474 = tpu.memref_slice %arg7[%add3A_467, %dma_start3A_473] : memref<80x128xi32, #tpu.memory_space<vmem>> -> memref<1x128xi32, #tpu.memory_space<vmem>>
        %dma_start3A_475 = tpu.memref_squeeze %dma_start3A_474 : memref<1x128xi32, #tpu.memory_space<vmem>> -> memref<128xi32, #tpu.memory_space<vmem>>
        %dma_start3A_476 = arith.constant 0 : i32
        %dma_start3A_477 = arith.constant 0 : i32
        %dma_start3A_478 = tpu.memref_slice %arg2[%dma_start3A_476, %dma_start3A_477] : memref<10000x8xf32, #tpu.memory_space<hbm>> -> memref<10000x8xf32, #tpu.memory_space<hbm>>
        tpu.enqueue_indirect_dma source(%dma_start3A_478 : memref<10000x8xf32, #tpu.memory_space<hbm>>) target(%dma_start3A_472 : memref<128x8xf32, #tpu.memory_space<vmem>>) offsets(%dma_start3A_475 : memref<128xi32, #tpu.memory_space<vmem>>) semaphore(%arg11 : memref<!tpu.dma_semaphore, #tpu.memory_space<semaphore_mem>>)
      } else {
      }
      %mul3A_250 = arith.constant 16 : i32
      %mul3A_251 = arith.muli %scan3A_83, %mul3A_250 : i32
      %add3A_252 = arith.constant 7 : i32
      %add3A_253 = arith.addi %mul3A_251, %add3A_252 : i32
      %dma_wait3A_254 = arith.constant 3 : i32
      %dma_wait3A_255 = arith.constant 0 : i32
      %dma_wait3A_256 = arith.constant 0 : i32
      %dma_wait3A_257 = tpu.memref_slice %arg9[%dma_wait3A_254, %dma_wait3A_255, %dma_wait3A_256] : memref<4x128x8xf32, #tpu.memory_space<vmem>> -> memref<1x128x8xf32, #tpu.memory_space<vmem>>
      %dma_wait3A_258 = tpu.memref_squeeze %dma_wait3A_257 : memref<1x128x8xf32, #tpu.memory_space<vmem>> -> memref<128x8xf32, #tpu.memory_space<vmem>>
      %dma_wait3A_259 = arith.constant 0 : i32
      %dma_wait3A_260 = tpu.memref_slice %arg7[%add3A_253, %dma_wait3A_259] : memref<80x128xi32, #tpu.memory_space<vmem>> -> memref<1x128xi32, #tpu.memory_space<vmem>>
      %dma_wait3A_261 = tpu.memref_squeeze %dma_wait3A_260 : memref<1x128xi32, #tpu.memory_space<vmem>> -> memref<128xi32, #tpu.memory_space<vmem>>
      %dma_wait3A_262 = arith.constant 0 : i32
      %dma_wait3A_263 = arith.constant 0 : i32
      %dma_wait3A_264 = tpu.memref_slice %arg2[%dma_wait3A_262, %dma_wait3A_263] : memref<10000x8xf32, #tpu.memory_space<hbm>> -> memref<10000x8xf32, #tpu.memory_space<hbm>>
      tpu.wait_indirect_dma semaphore(%arg11 : memref<!tpu.dma_semaphore, #tpu.memory_space<semaphore_mem>>) src(%dma_wait3A_264 : memref<10000x8xf32, #tpu.memory_space<hbm>>) dst(%dma_wait3A_258 : memref<128x8xf32, #tpu.memory_space<vmem>>)
      %run_scoped3A_265 = arith.constant 3 : i32
      %run_scoped3A_266 = arith.constant 7 : i32
      "tpu.region"() ({
        %run_scoped3A_466 = tpu.sem_alloc : memref<!tpu.dma_semaphore, #tpu.memory_space<semaphore_mem>>
        %dma_start3A_467 = arith.constant 0 : i32
        %dma_start3A_468 = arith.constant 0 : i32
        %dma_start3A_469 = tpu.memref_slice %arg9[%run_scoped3A_265, %dma_start3A_467, %dma_start3A_468] : memref<4x128x8xf32, #tpu.memory_space<vmem>> -> memref<1x128x8xf32, #tpu.memory_space<vmem>>
        %dma_start3A_470 = tpu.memref_squeeze %dma_start3A_469 : memref<1x128x8xf32, #tpu.memory_space<vmem>> -> memref<128x8xf32, #tpu.memory_space<vmem>>
        %dma_start3A_471 = arith.constant 0 : i32
        %dma_start3A_472 = tpu.memref_slice %arg8[%run_scoped3A_266, %dma_start3A_471] : memref<16x128xi32, #tpu.memory_space<vmem>> -> memref<1x128xi32, #tpu.memory_space<vmem>>
        %dma_start3A_473 = tpu.memref_squeeze %dma_start3A_472 : memref<1x128xi32, #tpu.memory_space<vmem>> -> memref<128xi32, #tpu.memory_space<vmem>>
        %dma_start3A_474 = arith.constant 0 : i32
        %dma_start3A_475 = arith.constant 0 : i32
        %dma_start3A_476 = tpu.memref_slice %arg10[%dma_start3A_474, %dma_start3A_475] : memref<10240x8xf32, #tpu.memory_space<vmem_shared>> -> memref<10240x8xf32, #tpu.memory_space<vmem_shared>>
        tpu.enqueue_indirect_dma source(%dma_start3A_470 : memref<128x8xf32, #tpu.memory_space<vmem>>) target(%dma_start3A_476 : memref<10240x8xf32, #tpu.memory_space<vmem_shared>>) offsets(%dma_start3A_473 : memref<128xi32, #tpu.memory_space<vmem>>) semaphore(%run_scoped3A_466 : memref<!tpu.dma_semaphore, #tpu.memory_space<semaphore_mem>>) {add = true}
        %dma_wait3A_477 = arith.constant 0 : i32
        %dma_wait3A_478 = arith.constant 0 : i32
        %dma_wait3A_479 = tpu.memref_slice %arg9[%run_scoped3A_265, %dma_wait3A_477, %dma_wait3A_478] : memref<4x128x8xf32, #tpu.memory_space<vmem>> -> memref<1x128x8xf32, #tpu.memory_space<vmem>>
        %dma_wait3A_480 = tpu.memref_squeeze %dma_wait3A_479 : memref<1x128x8xf32, #tpu.memory_space<vmem>> -> memref<128x8xf32, #tpu.memory_space<vmem>>
        %dma_wait3A_481 = arith.constant 0 : i32
        %dma_wait3A_482 = tpu.memref_slice %arg8[%run_scoped3A_266, %dma_wait3A_481] : memref<16x128xi32, #tpu.memory_space<vmem>> -> memref<1x128xi32, #tpu.memory_space<vmem>>
        %dma_wait3A_483 = tpu.memref_squeeze %dma_wait3A_482 : memref<1x128xi32, #tpu.memory_space<vmem>> -> memref<128xi32, #tpu.memory_space<vmem>>
        %dma_wait3A_484 = arith.constant 0 : i32
        %dma_wait3A_485 = arith.constant 0 : i32
        %dma_wait3A_486 = tpu.memref_slice %arg10[%dma_wait3A_484, %dma_wait3A_485] : memref<10240x8xf32, #tpu.memory_space<vmem_shared>> -> memref<10240x8xf32, #tpu.memory_space<vmem_shared>>
        tpu.wait_indirect_dma semaphore(%run_scoped3A_466 : memref<!tpu.dma_semaphore, #tpu.memory_space<semaphore_mem>>) src(%dma_wait3A_480 : memref<128x8xf32, #tpu.memory_space<vmem>>) dst(%dma_wait3A_486 : memref<10240x8xf32, #tpu.memory_space<vmem_shared>>)
        tpu.yield
      }) : () -> ()
      %add3A_267 = arith.constant 4 : i32
      %add3A_268 = arith.addi %add3A_253, %add3A_267 : i32
      %lt3A_269 = arith.constant 80 : i32
      %lt3A_270 = arith.cmpi slt, %add3A_268, %lt3A_269 : i32
      %convert_element_type3A_271 = arith.extui %lt3A_270 : i1 to i32
      %cond3A_272 = arith.constant 0 : i32
      %cond3A_273 = arith.cmpi ne, %convert_element_type3A_271, %cond3A_272 : i32
      scf.if %cond3A_273 {
        %add3A_466 = arith.constant 4 : i32
        %add3A_467 = arith.addi %add3A_253, %add3A_466 : i32
        %dma_start3A_468 = arith.constant 3 : i32
        %dma_start3A_469 = arith.constant 0 : i32
        %dma_start3A_470 = arith.constant 0 : i32
        %dma_start3A_471 = tpu.memref_slice %arg9[%dma_start3A_468, %dma_start3A_469, %dma_start3A_470] : memref<4x128x8xf32, #tpu.memory_space<vmem>> -> memref<1x128x8xf32, #tpu.memory_space<vmem>>
        %dma_start3A_472 = tpu.memref_squeeze %dma_start3A_471 : memref<1x128x8xf32, #tpu.memory_space<vmem>> -> memref<128x8xf32, #tpu.memory_space<vmem>>
        %dma_start3A_473 = arith.constant 0 : i32
        %dma_start3A_474 = tpu.memref_slice %arg7[%add3A_467, %dma_start3A_473] : memref<80x128xi32, #tpu.memory_space<vmem>> -> memref<1x128xi32, #tpu.memory_space<vmem>>
        %dma_start3A_475 = tpu.memref_squeeze %dma_start3A_474 : memref<1x128xi32, #tpu.memory_space<vmem>> -> memref<128xi32, #tpu.memory_space<vmem>>
        %dma_start3A_476 = arith.constant 0 : i32
        %dma_start3A_477 = arith.constant 0 : i32
        %dma_start3A_478 = tpu.memref_slice %arg2[%dma_start3A_476, %dma_start3A_477] : memref<10000x8xf32, #tpu.memory_space<hbm>> -> memref<10000x8xf32, #tpu.memory_space<hbm>>
        tpu.enqueue_indirect_dma source(%dma_start3A_478 : memref<10000x8xf32, #tpu.memory_space<hbm>>) target(%dma_start3A_472 : memref<128x8xf32, #tpu.memory_space<vmem>>) offsets(%dma_start3A_475 : memref<128xi32, #tpu.memory_space<vmem>>) semaphore(%arg11 : memref<!tpu.dma_semaphore, #tpu.memory_space<semaphore_mem>>)
      } else {
      }
      %mul3A_274 = arith.constant 16 : i32
      %mul3A_275 = arith.muli %scan3A_83, %mul3A_274 : i32
      %add3A_276 = arith.constant 8 : i32
      %add3A_277 = arith.addi %mul3A_275, %add3A_276 : i32
      %dma_wait3A_278 = arith.constant 0 : i32
      %dma_wait3A_279 = arith.constant 0 : i32
      %dma_wait3A_280 = arith.constant 0 : i32
      %dma_wait3A_281 = tpu.memref_slice %arg9[%dma_wait3A_278, %dma_wait3A_279, %dma_wait3A_280] : memref<4x128x8xf32, #tpu.memory_space<vmem>> -> memref<1x128x8xf32, #tpu.memory_space<vmem>>
      %dma_wait3A_282 = tpu.memref_squeeze %dma_wait3A_281 : memref<1x128x8xf32, #tpu.memory_space<vmem>> -> memref<128x8xf32, #tpu.memory_space<vmem>>
      %dma_wait3A_283 = arith.constant 0 : i32
      %dma_wait3A_284 = tpu.memref_slice %arg7[%add3A_277, %dma_wait3A_283] : memref<80x128xi32, #tpu.memory_space<vmem>> -> memref<1x128xi32, #tpu.memory_space<vmem>>
      %dma_wait3A_285 = tpu.memref_squeeze %dma_wait3A_284 : memref<1x128xi32, #tpu.memory_space<vmem>> -> memref<128xi32, #tpu.memory_space<vmem>>
      %dma_wait3A_286 = arith.constant 0 : i32
      %dma_wait3A_287 = arith.constant 0 : i32
      %dma_wait3A_288 = tpu.memref_slice %arg2[%dma_wait3A_286, %dma_wait3A_287] : memref<10000x8xf32, #tpu.memory_space<hbm>> -> memref<10000x8xf32, #tpu.memory_space<hbm>>
      tpu.wait_indirect_dma semaphore(%arg11 : memref<!tpu.dma_semaphore, #tpu.memory_space<semaphore_mem>>) src(%dma_wait3A_288 : memref<10000x8xf32, #tpu.memory_space<hbm>>) dst(%dma_wait3A_282 : memref<128x8xf32, #tpu.memory_space<vmem>>)
      %run_scoped3A_289 = arith.constant 0 : i32
      %run_scoped3A_290 = arith.constant 8 : i32
      "tpu.region"() ({
        %run_scoped3A_466 = tpu.sem_alloc : memref<!tpu.dma_semaphore, #tpu.memory_space<semaphore_mem>>
        %dma_start3A_467 = arith.constant 0 : i32
        %dma_start3A_468 = arith.constant 0 : i32
        %dma_start3A_469 = tpu.memref_slice %arg9[%run_scoped3A_289, %dma_start3A_467, %dma_start3A_468] : memref<4x128x8xf32, #tpu.memory_space<vmem>> -> memref<1x128x8xf32, #tpu.memory_space<vmem>>
        %dma_start3A_470 = tpu.memref_squeeze %dma_start3A_469 : memref<1x128x8xf32, #tpu.memory_space<vmem>> -> memref<128x8xf32, #tpu.memory_space<vmem>>
        %dma_start3A_471 = arith.constant 0 : i32
        %dma_start3A_472 = tpu.memref_slice %arg8[%run_scoped3A_290, %dma_start3A_471] : memref<16x128xi32, #tpu.memory_space<vmem>> -> memref<1x128xi32, #tpu.memory_space<vmem>>
        %dma_start3A_473 = tpu.memref_squeeze %dma_start3A_472 : memref<1x128xi32, #tpu.memory_space<vmem>> -> memref<128xi32, #tpu.memory_space<vmem>>
        %dma_start3A_474 = arith.constant 0 : i32
        %dma_start3A_475 = arith.constant 0 : i32
        %dma_start3A_476 = tpu.memref_slice %arg10[%dma_start3A_474, %dma_start3A_475] : memref<10240x8xf32, #tpu.memory_space<vmem_shared>> -> memref<10240x8xf32, #tpu.memory_space<vmem_shared>>
        tpu.enqueue_indirect_dma source(%dma_start3A_470 : memref<128x8xf32, #tpu.memory_space<vmem>>) target(%dma_start3A_476 : memref<10240x8xf32, #tpu.memory_space<vmem_shared>>) offsets(%dma_start3A_473 : memref<128xi32, #tpu.memory_space<vmem>>) semaphore(%run_scoped3A_466 : memref<!tpu.dma_semaphore, #tpu.memory_space<semaphore_mem>>) {add = true}
        %dma_wait3A_477 = arith.constant 0 : i32
        %dma_wait3A_478 = arith.constant 0 : i32
        %dma_wait3A_479 = tpu.memref_slice %arg9[%run_scoped3A_289, %dma_wait3A_477, %dma_wait3A_478] : memref<4x128x8xf32, #tpu.memory_space<vmem>> -> memref<1x128x8xf32, #tpu.memory_space<vmem>>
        %dma_wait3A_480 = tpu.memref_squeeze %dma_wait3A_479 : memref<1x128x8xf32, #tpu.memory_space<vmem>> -> memref<128x8xf32, #tpu.memory_space<vmem>>
        %dma_wait3A_481 = arith.constant 0 : i32
        %dma_wait3A_482 = tpu.memref_slice %arg8[%run_scoped3A_290, %dma_wait3A_481] : memref<16x128xi32, #tpu.memory_space<vmem>> -> memref<1x128xi32, #tpu.memory_space<vmem>>
        %dma_wait3A_483 = tpu.memref_squeeze %dma_wait3A_482 : memref<1x128xi32, #tpu.memory_space<vmem>> -> memref<128xi32, #tpu.memory_space<vmem>>
        %dma_wait3A_484 = arith.constant 0 : i32
        %dma_wait3A_485 = arith.constant 0 : i32
        %dma_wait3A_486 = tpu.memref_slice %arg10[%dma_wait3A_484, %dma_wait3A_485] : memref<10240x8xf32, #tpu.memory_space<vmem_shared>> -> memref<10240x8xf32, #tpu.memory_space<vmem_shared>>
        tpu.wait_indirect_dma semaphore(%run_scoped3A_466 : memref<!tpu.dma_semaphore, #tpu.memory_space<semaphore_mem>>) src(%dma_wait3A_480 : memref<128x8xf32, #tpu.memory_space<vmem>>) dst(%dma_wait3A_486 : memref<10240x8xf32, #tpu.memory_space<vmem_shared>>)
        tpu.yield
      }) : () -> ()
      %add3A_291 = arith.constant 4 : i32
      %add3A_292 = arith.addi %add3A_277, %add3A_291 : i32
      %lt3A_293 = arith.constant 80 : i32
      %lt3A_294 = arith.cmpi slt, %add3A_292, %lt3A_293 : i32
      %convert_element_type3A_295 = arith.extui %lt3A_294 : i1 to i32
      %cond3A_296 = arith.constant 0 : i32
      %cond3A_297 = arith.cmpi ne, %convert_element_type3A_295, %cond3A_296 : i32
      scf.if %cond3A_297 {
        %add3A_466 = arith.constant 4 : i32
        %add3A_467 = arith.addi %add3A_277, %add3A_466 : i32
        %dma_start3A_468 = arith.constant 0 : i32
        %dma_start3A_469 = arith.constant 0 : i32
        %dma_start3A_470 = arith.constant 0 : i32
        %dma_start3A_471 = tpu.memref_slice %arg9[%dma_start3A_468, %dma_start3A_469, %dma_start3A_470] : memref<4x128x8xf32, #tpu.memory_space<vmem>> -> memref<1x128x8xf32, #tpu.memory_space<vmem>>
        %dma_start3A_472 = tpu.memref_squeeze %dma_start3A_471 : memref<1x128x8xf32, #tpu.memory_space<vmem>> -> memref<128x8xf32, #tpu.memory_space<vmem>>
        %dma_start3A_473 = arith.constant 0 : i32
        %dma_start3A_474 = tpu.memref_slice %arg7[%add3A_467, %dma_start3A_473] : memref<80x128xi32, #tpu.memory_space<vmem>> -> memref<1x128xi32, #tpu.memory_space<vmem>>
        %dma_start3A_475 = tpu.memref_squeeze %dma_start3A_474 : memref<1x128xi32, #tpu.memory_space<vmem>> -> memref<128xi32, #tpu.memory_space<vmem>>
        %dma_start3A_476 = arith.constant 0 : i32
        %dma_start3A_477 = arith.constant 0 : i32
        %dma_start3A_478 = tpu.memref_slice %arg2[%dma_start3A_476, %dma_start3A_477] : memref<10000x8xf32, #tpu.memory_space<hbm>> -> memref<10000x8xf32, #tpu.memory_space<hbm>>
        tpu.enqueue_indirect_dma source(%dma_start3A_478 : memref<10000x8xf32, #tpu.memory_space<hbm>>) target(%dma_start3A_472 : memref<128x8xf32, #tpu.memory_space<vmem>>) offsets(%dma_start3A_475 : memref<128xi32, #tpu.memory_space<vmem>>) semaphore(%arg11 : memref<!tpu.dma_semaphore, #tpu.memory_space<semaphore_mem>>)
      } else {
      }
      %mul3A_298 = arith.constant 16 : i32
      %mul3A_299 = arith.muli %scan3A_83, %mul3A_298 : i32
      %add3A_300 = arith.constant 9 : i32
      %add3A_301 = arith.addi %mul3A_299, %add3A_300 : i32
      %dma_wait3A_302 = arith.constant 1 : i32
      %dma_wait3A_303 = arith.constant 0 : i32
      %dma_wait3A_304 = arith.constant 0 : i32
      %dma_wait3A_305 = tpu.memref_slice %arg9[%dma_wait3A_302, %dma_wait3A_303, %dma_wait3A_304] : memref<4x128x8xf32, #tpu.memory_space<vmem>> -> memref<1x128x8xf32, #tpu.memory_space<vmem>>
      %dma_wait3A_306 = tpu.memref_squeeze %dma_wait3A_305 : memref<1x128x8xf32, #tpu.memory_space<vmem>> -> memref<128x8xf32, #tpu.memory_space<vmem>>
      %dma_wait3A_307 = arith.constant 0 : i32
      %dma_wait3A_308 = tpu.memref_slice %arg7[%add3A_301, %dma_wait3A_307] : memref<80x128xi32, #tpu.memory_space<vmem>> -> memref<1x128xi32, #tpu.memory_space<vmem>>
      %dma_wait3A_309 = tpu.memref_squeeze %dma_wait3A_308 : memref<1x128xi32, #tpu.memory_space<vmem>> -> memref<128xi32, #tpu.memory_space<vmem>>
      %dma_wait3A_310 = arith.constant 0 : i32
      %dma_wait3A_311 = arith.constant 0 : i32
      %dma_wait3A_312 = tpu.memref_slice %arg2[%dma_wait3A_310, %dma_wait3A_311] : memref<10000x8xf32, #tpu.memory_space<hbm>> -> memref<10000x8xf32, #tpu.memory_space<hbm>>
      tpu.wait_indirect_dma semaphore(%arg11 : memref<!tpu.dma_semaphore, #tpu.memory_space<semaphore_mem>>) src(%dma_wait3A_312 : memref<10000x8xf32, #tpu.memory_space<hbm>>) dst(%dma_wait3A_306 : memref<128x8xf32, #tpu.memory_space<vmem>>)
      %run_scoped3A_313 = arith.constant 1 : i32
      %run_scoped3A_314 = arith.constant 9 : i32
      "tpu.region"() ({
        %run_scoped3A_466 = tpu.sem_alloc : memref<!tpu.dma_semaphore, #tpu.memory_space<semaphore_mem>>
        %dma_start3A_467 = arith.constant 0 : i32
        %dma_start3A_468 = arith.constant 0 : i32
        %dma_start3A_469 = tpu.memref_slice %arg9[%run_scoped3A_313, %dma_start3A_467, %dma_start3A_468] : memref<4x128x8xf32, #tpu.memory_space<vmem>> -> memref<1x128x8xf32, #tpu.memory_space<vmem>>
        %dma_start3A_470 = tpu.memref_squeeze %dma_start3A_469 : memref<1x128x8xf32, #tpu.memory_space<vmem>> -> memref<128x8xf32, #tpu.memory_space<vmem>>
        %dma_start3A_471 = arith.constant 0 : i32
        %dma_start3A_472 = tpu.memref_slice %arg8[%run_scoped3A_314, %dma_start3A_471] : memref<16x128xi32, #tpu.memory_space<vmem>> -> memref<1x128xi32, #tpu.memory_space<vmem>>
        %dma_start3A_473 = tpu.memref_squeeze %dma_start3A_472 : memref<1x128xi32, #tpu.memory_space<vmem>> -> memref<128xi32, #tpu.memory_space<vmem>>
        %dma_start3A_474 = arith.constant 0 : i32
        %dma_start3A_475 = arith.constant 0 : i32
        %dma_start3A_476 = tpu.memref_slice %arg10[%dma_start3A_474, %dma_start3A_475] : memref<10240x8xf32, #tpu.memory_space<vmem_shared>> -> memref<10240x8xf32, #tpu.memory_space<vmem_shared>>
        tpu.enqueue_indirect_dma source(%dma_start3A_470 : memref<128x8xf32, #tpu.memory_space<vmem>>) target(%dma_start3A_476 : memref<10240x8xf32, #tpu.memory_space<vmem_shared>>) offsets(%dma_start3A_473 : memref<128xi32, #tpu.memory_space<vmem>>) semaphore(%run_scoped3A_466 : memref<!tpu.dma_semaphore, #tpu.memory_space<semaphore_mem>>) {add = true}
        %dma_wait3A_477 = arith.constant 0 : i32
        %dma_wait3A_478 = arith.constant 0 : i32
        %dma_wait3A_479 = tpu.memref_slice %arg9[%run_scoped3A_313, %dma_wait3A_477, %dma_wait3A_478] : memref<4x128x8xf32, #tpu.memory_space<vmem>> -> memref<1x128x8xf32, #tpu.memory_space<vmem>>
        %dma_wait3A_480 = tpu.memref_squeeze %dma_wait3A_479 : memref<1x128x8xf32, #tpu.memory_space<vmem>> -> memref<128x8xf32, #tpu.memory_space<vmem>>
        %dma_wait3A_481 = arith.constant 0 : i32
        %dma_wait3A_482 = tpu.memref_slice %arg8[%run_scoped3A_314, %dma_wait3A_481] : memref<16x128xi32, #tpu.memory_space<vmem>> -> memref<1x128xi32, #tpu.memory_space<vmem>>
        %dma_wait3A_483 = tpu.memref_squeeze %dma_wait3A_482 : memref<1x128xi32, #tpu.memory_space<vmem>> -> memref<128xi32, #tpu.memory_space<vmem>>
        %dma_wait3A_484 = arith.constant 0 : i32
        %dma_wait3A_485 = arith.constant 0 : i32
        %dma_wait3A_486 = tpu.memref_slice %arg10[%dma_wait3A_484, %dma_wait3A_485] : memref<10240x8xf32, #tpu.memory_space<vmem_shared>> -> memref<10240x8xf32, #tpu.memory_space<vmem_shared>>
        tpu.wait_indirect_dma semaphore(%run_scoped3A_466 : memref<!tpu.dma_semaphore, #tpu.memory_space<semaphore_mem>>) src(%dma_wait3A_480 : memref<128x8xf32, #tpu.memory_space<vmem>>) dst(%dma_wait3A_486 : memref<10240x8xf32, #tpu.memory_space<vmem_shared>>)
        tpu.yield
      }) : () -> ()
      %add3A_315 = arith.constant 4 : i32
      %add3A_316 = arith.addi %add3A_301, %add3A_315 : i32
      %lt3A_317 = arith.constant 80 : i32
      %lt3A_318 = arith.cmpi slt, %add3A_316, %lt3A_317 : i32
      %convert_element_type3A_319 = arith.extui %lt3A_318 : i1 to i32
      %cond3A_320 = arith.constant 0 : i32
      %cond3A_321 = arith.cmpi ne, %convert_element_type3A_319, %cond3A_320 : i32
      scf.if %cond3A_321 {
        %add3A_466 = arith.constant 4 : i32
        %add3A_467 = arith.addi %add3A_301, %add3A_466 : i32
        %dma_start3A_468 = arith.constant 1 : i32
        %dma_start3A_469 = arith.constant 0 : i32
        %dma_start3A_470 = arith.constant 0 : i32
        %dma_start3A_471 = tpu.memref_slice %arg9[%dma_start3A_468, %dma_start3A_469, %dma_start3A_470] : memref<4x128x8xf32, #tpu.memory_space<vmem>> -> memref<1x128x8xf32, #tpu.memory_space<vmem>>
        %dma_start3A_472 = tpu.memref_squeeze %dma_start3A_471 : memref<1x128x8xf32, #tpu.memory_space<vmem>> -> memref<128x8xf32, #tpu.memory_space<vmem>>
        %dma_start3A_473 = arith.constant 0 : i32
        %dma_start3A_474 = tpu.memref_slice %arg7[%add3A_467, %dma_start3A_473] : memref<80x128xi32, #tpu.memory_space<vmem>> -> memref<1x128xi32, #tpu.memory_space<vmem>>
        %dma_start3A_475 = tpu.memref_squeeze %dma_start3A_474 : memref<1x128xi32, #tpu.memory_space<vmem>> -> memref<128xi32, #tpu.memory_space<vmem>>
        %dma_start3A_476 = arith.constant 0 : i32
        %dma_start3A_477 = arith.constant 0 : i32
        %dma_start3A_478 = tpu.memref_slice %arg2[%dma_start3A_476, %dma_start3A_477] : memref<10000x8xf32, #tpu.memory_space<hbm>> -> memref<10000x8xf32, #tpu.memory_space<hbm>>
        tpu.enqueue_indirect_dma source(%dma_start3A_478 : memref<10000x8xf32, #tpu.memory_space<hbm>>) target(%dma_start3A_472 : memref<128x8xf32, #tpu.memory_space<vmem>>) offsets(%dma_start3A_475 : memref<128xi32, #tpu.memory_space<vmem>>) semaphore(%arg11 : memref<!tpu.dma_semaphore, #tpu.memory_space<semaphore_mem>>)
      } else {
      }
      %mul3A_322 = arith.constant 16 : i32
      %mul3A_323 = arith.muli %scan3A_83, %mul3A_322 : i32
      %add3A_324 = arith.constant 10 : i32
      %add3A_325 = arith.addi %mul3A_323, %add3A_324 : i32
      %dma_wait3A_326 = arith.constant 2 : i32
      %dma_wait3A_327 = arith.constant 0 : i32
      %dma_wait3A_328 = arith.constant 0 : i32
      %dma_wait3A_329 = tpu.memref_slice %arg9[%dma_wait3A_326, %dma_wait3A_327, %dma_wait3A_328] : memref<4x128x8xf32, #tpu.memory_space<vmem>> -> memref<1x128x8xf32, #tpu.memory_space<vmem>>
      %dma_wait3A_330 = tpu.memref_squeeze %dma_wait3A_329 : memref<1x128x8xf32, #tpu.memory_space<vmem>> -> memref<128x8xf32, #tpu.memory_space<vmem>>
      %dma_wait3A_331 = arith.constant 0 : i32
      %dma_wait3A_332 = tpu.memref_slice %arg7[%add3A_325, %dma_wait3A_331] : memref<80x128xi32, #tpu.memory_space<vmem>> -> memref<1x128xi32, #tpu.memory_space<vmem>>
      %dma_wait3A_333 = tpu.memref_squeeze %dma_wait3A_332 : memref<1x128xi32, #tpu.memory_space<vmem>> -> memref<128xi32, #tpu.memory_space<vmem>>
      %dma_wait3A_334 = arith.constant 0 : i32
      %dma_wait3A_335 = arith.constant 0 : i32
      %dma_wait3A_336 = tpu.memref_slice %arg2[%dma_wait3A_334, %dma_wait3A_335] : memref<10000x8xf32, #tpu.memory_space<hbm>> -> memref<10000x8xf32, #tpu.memory_space<hbm>>
      tpu.wait_indirect_dma semaphore(%arg11 : memref<!tpu.dma_semaphore, #tpu.memory_space<semaphore_mem>>) src(%dma_wait3A_336 : memref<10000x8xf32, #tpu.memory_space<hbm>>) dst(%dma_wait3A_330 : memref<128x8xf32, #tpu.memory_space<vmem>>)
      %run_scoped3A_337 = arith.constant 2 : i32
      %run_scoped3A_338 = arith.constant 10 : i32
      "tpu.region"() ({
        %run_scoped3A_466 = tpu.sem_alloc : memref<!tpu.dma_semaphore, #tpu.memory_space<semaphore_mem>>
        %dma_start3A_467 = arith.constant 0 : i32
        %dma_start3A_468 = arith.constant 0 : i32
        %dma_start3A_469 = tpu.memref_slice %arg9[%run_scoped3A_337, %dma_start3A_467, %dma_start3A_468] : memref<4x128x8xf32, #tpu.memory_space<vmem>> -> memref<1x128x8xf32, #tpu.memory_space<vmem>>
        %dma_start3A_470 = tpu.memref_squeeze %dma_start3A_469 : memref<1x128x8xf32, #tpu.memory_space<vmem>> -> memref<128x8xf32, #tpu.memory_space<vmem>>
        %dma_start3A_471 = arith.constant 0 : i32
        %dma_start3A_472 = tpu.memref_slice %arg8[%run_scoped3A_338, %dma_start3A_471] : memref<16x128xi32, #tpu.memory_space<vmem>> -> memref<1x128xi32, #tpu.memory_space<vmem>>
        %dma_start3A_473 = tpu.memref_squeeze %dma_start3A_472 : memref<1x128xi32, #tpu.memory_space<vmem>> -> memref<128xi32, #tpu.memory_space<vmem>>
        %dma_start3A_474 = arith.constant 0 : i32
        %dma_start3A_475 = arith.constant 0 : i32
        %dma_start3A_476 = tpu.memref_slice %arg10[%dma_start3A_474, %dma_start3A_475] : memref<10240x8xf32, #tpu.memory_space<vmem_shared>> -> memref<10240x8xf32, #tpu.memory_space<vmem_shared>>
        tpu.enqueue_indirect_dma source(%dma_start3A_470 : memref<128x8xf32, #tpu.memory_space<vmem>>) target(%dma_start3A_476 : memref<10240x8xf32, #tpu.memory_space<vmem_shared>>) offsets(%dma_start3A_473 : memref<128xi32, #tpu.memory_space<vmem>>) semaphore(%run_scoped3A_466 : memref<!tpu.dma_semaphore, #tpu.memory_space<semaphore_mem>>) {add = true}
        %dma_wait3A_477 = arith.constant 0 : i32
        %dma_wait3A_478 = arith.constant 0 : i32
        %dma_wait3A_479 = tpu.memref_slice %arg9[%run_scoped3A_337, %dma_wait3A_477, %dma_wait3A_478] : memref<4x128x8xf32, #tpu.memory_space<vmem>> -> memref<1x128x8xf32, #tpu.memory_space<vmem>>
        %dma_wait3A_480 = tpu.memref_squeeze %dma_wait3A_479 : memref<1x128x8xf32, #tpu.memory_space<vmem>> -> memref<128x8xf32, #tpu.memory_space<vmem>>
        %dma_wait3A_481 = arith.constant 0 : i32
        %dma_wait3A_482 = tpu.memref_slice %arg8[%run_scoped3A_338, %dma_wait3A_481] : memref<16x128xi32, #tpu.memory_space<vmem>> -> memref<1x128xi32, #tpu.memory_space<vmem>>
        %dma_wait3A_483 = tpu.memref_squeeze %dma_wait3A_482 : memref<1x128xi32, #tpu.memory_space<vmem>> -> memref<128xi32, #tpu.memory_space<vmem>>
        %dma_wait3A_484 = arith.constant 0 : i32
        %dma_wait3A_485 = arith.constant 0 : i32
        %dma_wait3A_486 = tpu.memref_slice %arg10[%dma_wait3A_484, %dma_wait3A_485] : memref<10240x8xf32, #tpu.memory_space<vmem_shared>> -> memref<10240x8xf32, #tpu.memory_space<vmem_shared>>
        tpu.wait_indirect_dma semaphore(%run_scoped3A_466 : memref<!tpu.dma_semaphore, #tpu.memory_space<semaphore_mem>>) src(%dma_wait3A_480 : memref<128x8xf32, #tpu.memory_space<vmem>>) dst(%dma_wait3A_486 : memref<10240x8xf32, #tpu.memory_space<vmem_shared>>)
        tpu.yield
      }) : () -> ()
      %add3A_339 = arith.constant 4 : i32
      %add3A_340 = arith.addi %add3A_325, %add3A_339 : i32
      %lt3A_341 = arith.constant 80 : i32
      %lt3A_342 = arith.cmpi slt, %add3A_340, %lt3A_341 : i32
      %convert_element_type3A_343 = arith.extui %lt3A_342 : i1 to i32
      %cond3A_344 = arith.constant 0 : i32
      %cond3A_345 = arith.cmpi ne, %convert_element_type3A_343, %cond3A_344 : i32
      scf.if %cond3A_345 {
        %add3A_466 = arith.constant 4 : i32
        %add3A_467 = arith.addi %add3A_325, %add3A_466 : i32
        %dma_start3A_468 = arith.constant 2 : i32
        %dma_start3A_469 = arith.constant 0 : i32
        %dma_start3A_470 = arith.constant 0 : i32
        %dma_start3A_471 = tpu.memref_slice %arg9[%dma_start3A_468, %dma_start3A_469, %dma_start3A_470] : memref<4x128x8xf32, #tpu.memory_space<vmem>> -> memref<1x128x8xf32, #tpu.memory_space<vmem>>
        %dma_start3A_472 = tpu.memref_squeeze %dma_start3A_471 : memref<1x128x8xf32, #tpu.memory_space<vmem>> -> memref<128x8xf32, #tpu.memory_space<vmem>>
        %dma_start3A_473 = arith.constant 0 : i32
        %dma_start3A_474 = tpu.memref_slice %arg7[%add3A_467, %dma_start3A_473] : memref<80x128xi32, #tpu.memory_space<vmem>> -> memref<1x128xi32, #tpu.memory_space<vmem>>
        %dma_start3A_475 = tpu.memref_squeeze %dma_start3A_474 : memref<1x128xi32, #tpu.memory_space<vmem>> -> memref<128xi32, #tpu.memory_space<vmem>>
        %dma_start3A_476 = arith.constant 0 : i32
        %dma_start3A_477 = arith.constant 0 : i32
        %dma_start3A_478 = tpu.memref_slice %arg2[%dma_start3A_476, %dma_start3A_477] : memref<10000x8xf32, #tpu.memory_space<hbm>> -> memref<10000x8xf32, #tpu.memory_space<hbm>>
        tpu.enqueue_indirect_dma source(%dma_start3A_478 : memref<10000x8xf32, #tpu.memory_space<hbm>>) target(%dma_start3A_472 : memref<128x8xf32, #tpu.memory_space<vmem>>) offsets(%dma_start3A_475 : memref<128xi32, #tpu.memory_space<vmem>>) semaphore(%arg11 : memref<!tpu.dma_semaphore, #tpu.memory_space<semaphore_mem>>)
      } else {
      }
      %mul3A_346 = arith.constant 16 : i32
      %mul3A_347 = arith.muli %scan3A_83, %mul3A_346 : i32
      %add3A_348 = arith.constant 11 : i32
      %add3A_349 = arith.addi %mul3A_347, %add3A_348 : i32
      %dma_wait3A_350 = arith.constant 3 : i32
      %dma_wait3A_351 = arith.constant 0 : i32
      %dma_wait3A_352 = arith.constant 0 : i32
      %dma_wait3A_353 = tpu.memref_slice %arg9[%dma_wait3A_350, %dma_wait3A_351, %dma_wait3A_352] : memref<4x128x8xf32, #tpu.memory_space<vmem>> -> memref<1x128x8xf32, #tpu.memory_space<vmem>>
      %dma_wait3A_354 = tpu.memref_squeeze %dma_wait3A_353 : memref<1x128x8xf32, #tpu.memory_space<vmem>> -> memref<128x8xf32, #tpu.memory_space<vmem>>
      %dma_wait3A_355 = arith.constant 0 : i32
      %dma_wait3A_356 = tpu.memref_slice %arg7[%add3A_349, %dma_wait3A_355] : memref<80x128xi32, #tpu.memory_space<vmem>> -> memref<1x128xi32, #tpu.memory_space<vmem>>
      %dma_wait3A_357 = tpu.memref_squeeze %dma_wait3A_356 : memref<1x128xi32, #tpu.memory_space<vmem>> -> memref<128xi32, #tpu.memory_space<vmem>>
      %dma_wait3A_358 = arith.constant 0 : i32
      %dma_wait3A_359 = arith.constant 0 : i32
      %dma_wait3A_360 = tpu.memref_slice %arg2[%dma_wait3A_358, %dma_wait3A_359] : memref<10000x8xf32, #tpu.memory_space<hbm>> -> memref<10000x8xf32, #tpu.memory_space<hbm>>
      tpu.wait_indirect_dma semaphore(%arg11 : memref<!tpu.dma_semaphore, #tpu.memory_space<semaphore_mem>>) src(%dma_wait3A_360 : memref<10000x8xf32, #tpu.memory_space<hbm>>) dst(%dma_wait3A_354 : memref<128x8xf32, #tpu.memory_space<vmem>>)
      %run_scoped3A_361 = arith.constant 3 : i32
      %run_scoped3A_362 = arith.constant 11 : i32
      "tpu.region"() ({
        %run_scoped3A_466 = tpu.sem_alloc : memref<!tpu.dma_semaphore, #tpu.memory_space<semaphore_mem>>
        %dma_start3A_467 = arith.constant 0 : i32
        %dma_start3A_468 = arith.constant 0 : i32
        %dma_start3A_469 = tpu.memref_slice %arg9[%run_scoped3A_361, %dma_start3A_467, %dma_start3A_468] : memref<4x128x8xf32, #tpu.memory_space<vmem>> -> memref<1x128x8xf32, #tpu.memory_space<vmem>>
        %dma_start3A_470 = tpu.memref_squeeze %dma_start3A_469 : memref<1x128x8xf32, #tpu.memory_space<vmem>> -> memref<128x8xf32, #tpu.memory_space<vmem>>
        %dma_start3A_471 = arith.constant 0 : i32
        %dma_start3A_472 = tpu.memref_slice %arg8[%run_scoped3A_362, %dma_start3A_471] : memref<16x128xi32, #tpu.memory_space<vmem>> -> memref<1x128xi32, #tpu.memory_space<vmem>>
        %dma_start3A_473 = tpu.memref_squeeze %dma_start3A_472 : memref<1x128xi32, #tpu.memory_space<vmem>> -> memref<128xi32, #tpu.memory_space<vmem>>
        %dma_start3A_474 = arith.constant 0 : i32
        %dma_start3A_475 = arith.constant 0 : i32
        %dma_start3A_476 = tpu.memref_slice %arg10[%dma_start3A_474, %dma_start3A_475] : memref<10240x8xf32, #tpu.memory_space<vmem_shared>> -> memref<10240x8xf32, #tpu.memory_space<vmem_shared>>
        tpu.enqueue_indirect_dma source(%dma_start3A_470 : memref<128x8xf32, #tpu.memory_space<vmem>>) target(%dma_start3A_476 : memref<10240x8xf32, #tpu.memory_space<vmem_shared>>) offsets(%dma_start3A_473 : memref<128xi32, #tpu.memory_space<vmem>>) semaphore(%run_scoped3A_466 : memref<!tpu.dma_semaphore, #tpu.memory_space<semaphore_mem>>) {add = true}
        %dma_wait3A_477 = arith.constant 0 : i32
        %dma_wait3A_478 = arith.constant 0 : i32
        %dma_wait3A_479 = tpu.memref_slice %arg9[%run_scoped3A_361, %dma_wait3A_477, %dma_wait3A_478] : memref<4x128x8xf32, #tpu.memory_space<vmem>> -> memref<1x128x8xf32, #tpu.memory_space<vmem>>
        %dma_wait3A_480 = tpu.memref_squeeze %dma_wait3A_479 : memref<1x128x8xf32, #tpu.memory_space<vmem>> -> memref<128x8xf32, #tpu.memory_space<vmem>>
        %dma_wait3A_481 = arith.constant 0 : i32
        %dma_wait3A_482 = tpu.memref_slice %arg8[%run_scoped3A_362, %dma_wait3A_481] : memref<16x128xi32, #tpu.memory_space<vmem>> -> memref<1x128xi32, #tpu.memory_space<vmem>>
        %dma_wait3A_483 = tpu.memref_squeeze %dma_wait3A_482 : memref<1x128xi32, #tpu.memory_space<vmem>> -> memref<128xi32, #tpu.memory_space<vmem>>
        %dma_wait3A_484 = arith.constant 0 : i32
        %dma_wait3A_485 = arith.constant 0 : i32
        %dma_wait3A_486 = tpu.memref_slice %arg10[%dma_wait3A_484, %dma_wait3A_485] : memref<10240x8xf32, #tpu.memory_space<vmem_shared>> -> memref<10240x8xf32, #tpu.memory_space<vmem_shared>>
        tpu.wait_indirect_dma semaphore(%run_scoped3A_466 : memref<!tpu.dma_semaphore, #tpu.memory_space<semaphore_mem>>) src(%dma_wait3A_480 : memref<128x8xf32, #tpu.memory_space<vmem>>) dst(%dma_wait3A_486 : memref<10240x8xf32, #tpu.memory_space<vmem_shared>>)
        tpu.yield
      }) : () -> ()
      %add3A_363 = arith.constant 4 : i32
      %add3A_364 = arith.addi %add3A_349, %add3A_363 : i32
      %lt3A_365 = arith.constant 80 : i32
      %lt3A_366 = arith.cmpi slt, %add3A_364, %lt3A_365 : i32
      %convert_element_type3A_367 = arith.extui %lt3A_366 : i1 to i32
      %cond3A_368 = arith.constant 0 : i32
      %cond3A_369 = arith.cmpi ne, %convert_element_type3A_367, %cond3A_368 : i32
      scf.if %cond3A_369 {
        %add3A_466 = arith.constant 4 : i32
        %add3A_467 = arith.addi %add3A_349, %add3A_466 : i32
        %dma_start3A_468 = arith.constant 3 : i32
        %dma_start3A_469 = arith.constant 0 : i32
        %dma_start3A_470 = arith.constant 0 : i32
        %dma_start3A_471 = tpu.memref_slice %arg9[%dma_start3A_468, %dma_start3A_469, %dma_start3A_470] : memref<4x128x8xf32, #tpu.memory_space<vmem>> -> memref<1x128x8xf32, #tpu.memory_space<vmem>>
        %dma_start3A_472 = tpu.memref_squeeze %dma_start3A_471 : memref<1x128x8xf32, #tpu.memory_space<vmem>> -> memref<128x8xf32, #tpu.memory_space<vmem>>
        %dma_start3A_473 = arith.constant 0 : i32
        %dma_start3A_474 = tpu.memref_slice %arg7[%add3A_467, %dma_start3A_473] : memref<80x128xi32, #tpu.memory_space<vmem>> -> memref<1x128xi32, #tpu.memory_space<vmem>>
        %dma_start3A_475 = tpu.memref_squeeze %dma_start3A_474 : memref<1x128xi32, #tpu.memory_space<vmem>> -> memref<128xi32, #tpu.memory_space<vmem>>
        %dma_start3A_476 = arith.constant 0 : i32
        %dma_start3A_477 = arith.constant 0 : i32
        %dma_start3A_478 = tpu.memref_slice %arg2[%dma_start3A_476, %dma_start3A_477] : memref<10000x8xf32, #tpu.memory_space<hbm>> -> memref<10000x8xf32, #tpu.memory_space<hbm>>
        tpu.enqueue_indirect_dma source(%dma_start3A_478 : memref<10000x8xf32, #tpu.memory_space<hbm>>) target(%dma_start3A_472 : memref<128x8xf32, #tpu.memory_space<vmem>>) offsets(%dma_start3A_475 : memref<128xi32, #tpu.memory_space<vmem>>) semaphore(%arg11 : memref<!tpu.dma_semaphore, #tpu.memory_space<semaphore_mem>>)
      } else {
      }
      %mul3A_370 = arith.constant 16 : i32
      %mul3A_371 = arith.muli %scan3A_83, %mul3A_370 : i32
      %add3A_372 = arith.constant 12 : i32
      %add3A_373 = arith.addi %mul3A_371, %add3A_372 : i32
      %dma_wait3A_374 = arith.constant 0 : i32
      %dma_wait3A_375 = arith.constant 0 : i32
      %dma_wait3A_376 = arith.constant 0 : i32
      %dma_wait3A_377 = tpu.memref_slice %arg9[%dma_wait3A_374, %dma_wait3A_375, %dma_wait3A_376] : memref<4x128x8xf32, #tpu.memory_space<vmem>> -> memref<1x128x8xf32, #tpu.memory_space<vmem>>
      %dma_wait3A_378 = tpu.memref_squeeze %dma_wait3A_377 : memref<1x128x8xf32, #tpu.memory_space<vmem>> -> memref<128x8xf32, #tpu.memory_space<vmem>>
      %dma_wait3A_379 = arith.constant 0 : i32
      %dma_wait3A_380 = tpu.memref_slice %arg7[%add3A_373, %dma_wait3A_379] : memref<80x128xi32, #tpu.memory_space<vmem>> -> memref<1x128xi32, #tpu.memory_space<vmem>>
      %dma_wait3A_381 = tpu.memref_squeeze %dma_wait3A_380 : memref<1x128xi32, #tpu.memory_space<vmem>> -> memref<128xi32, #tpu.memory_space<vmem>>
      %dma_wait3A_382 = arith.constant 0 : i32
      %dma_wait3A_383 = arith.constant 0 : i32
      %dma_wait3A_384 = tpu.memref_slice %arg2[%dma_wait3A_382, %dma_wait3A_383] : memref<10000x8xf32, #tpu.memory_space<hbm>> -> memref<10000x8xf32, #tpu.memory_space<hbm>>
      tpu.wait_indirect_dma semaphore(%arg11 : memref<!tpu.dma_semaphore, #tpu.memory_space<semaphore_mem>>) src(%dma_wait3A_384 : memref<10000x8xf32, #tpu.memory_space<hbm>>) dst(%dma_wait3A_378 : memref<128x8xf32, #tpu.memory_space<vmem>>)
      %run_scoped3A_385 = arith.constant 0 : i32
      %run_scoped3A_386 = arith.constant 12 : i32
      "tpu.region"() ({
        %run_scoped3A_466 = tpu.sem_alloc : memref<!tpu.dma_semaphore, #tpu.memory_space<semaphore_mem>>
        %dma_start3A_467 = arith.constant 0 : i32
        %dma_start3A_468 = arith.constant 0 : i32
        %dma_start3A_469 = tpu.memref_slice %arg9[%run_scoped3A_385, %dma_start3A_467, %dma_start3A_468] : memref<4x128x8xf32, #tpu.memory_space<vmem>> -> memref<1x128x8xf32, #tpu.memory_space<vmem>>
        %dma_start3A_470 = tpu.memref_squeeze %dma_start3A_469 : memref<1x128x8xf32, #tpu.memory_space<vmem>> -> memref<128x8xf32, #tpu.memory_space<vmem>>
        %dma_start3A_471 = arith.constant 0 : i32
        %dma_start3A_472 = tpu.memref_slice %arg8[%run_scoped3A_386, %dma_start3A_471] : memref<16x128xi32, #tpu.memory_space<vmem>> -> memref<1x128xi32, #tpu.memory_space<vmem>>
        %dma_start3A_473 = tpu.memref_squeeze %dma_start3A_472 : memref<1x128xi32, #tpu.memory_space<vmem>> -> memref<128xi32, #tpu.memory_space<vmem>>
        %dma_start3A_474 = arith.constant 0 : i32
        %dma_start3A_475 = arith.constant 0 : i32
        %dma_start3A_476 = tpu.memref_slice %arg10[%dma_start3A_474, %dma_start3A_475] : memref<10240x8xf32, #tpu.memory_space<vmem_shared>> -> memref<10240x8xf32, #tpu.memory_space<vmem_shared>>
        tpu.enqueue_indirect_dma source(%dma_start3A_470 : memref<128x8xf32, #tpu.memory_space<vmem>>) target(%dma_start3A_476 : memref<10240x8xf32, #tpu.memory_space<vmem_shared>>) offsets(%dma_start3A_473 : memref<128xi32, #tpu.memory_space<vmem>>) semaphore(%run_scoped3A_466 : memref<!tpu.dma_semaphore, #tpu.memory_space<semaphore_mem>>) {add = true}
        %dma_wait3A_477 = arith.constant 0 : i32
        %dma_wait3A_478 = arith.constant 0 : i32
        %dma_wait3A_479 = tpu.memref_slice %arg9[%run_scoped3A_385, %dma_wait3A_477, %dma_wait3A_478] : memref<4x128x8xf32, #tpu.memory_space<vmem>> -> memref<1x128x8xf32, #tpu.memory_space<vmem>>
        %dma_wait3A_480 = tpu.memref_squeeze %dma_wait3A_479 : memref<1x128x8xf32, #tpu.memory_space<vmem>> -> memref<128x8xf32, #tpu.memory_space<vmem>>
        %dma_wait3A_481 = arith.constant 0 : i32
        %dma_wait3A_482 = tpu.memref_slice %arg8[%run_scoped3A_386, %dma_wait3A_481] : memref<16x128xi32, #tpu.memory_space<vmem>> -> memref<1x128xi32, #tpu.memory_space<vmem>>
        %dma_wait3A_483 = tpu.memref_squeeze %dma_wait3A_482 : memref<1x128xi32, #tpu.memory_space<vmem>> -> memref<128xi32, #tpu.memory_space<vmem>>
        %dma_wait3A_484 = arith.constant 0 : i32
        %dma_wait3A_485 = arith.constant 0 : i32
        %dma_wait3A_486 = tpu.memref_slice %arg10[%dma_wait3A_484, %dma_wait3A_485] : memref<10240x8xf32, #tpu.memory_space<vmem_shared>> -> memref<10240x8xf32, #tpu.memory_space<vmem_shared>>
        tpu.wait_indirect_dma semaphore(%run_scoped3A_466 : memref<!tpu.dma_semaphore, #tpu.memory_space<semaphore_mem>>) src(%dma_wait3A_480 : memref<128x8xf32, #tpu.memory_space<vmem>>) dst(%dma_wait3A_486 : memref<10240x8xf32, #tpu.memory_space<vmem_shared>>)
        tpu.yield
      }) : () -> ()
      %add3A_387 = arith.constant 4 : i32
      %add3A_388 = arith.addi %add3A_373, %add3A_387 : i32
      %lt3A_389 = arith.constant 80 : i32
      %lt3A_390 = arith.cmpi slt, %add3A_388, %lt3A_389 : i32
      %convert_element_type3A_391 = arith.extui %lt3A_390 : i1 to i32
      %cond3A_392 = arith.constant 0 : i32
      %cond3A_393 = arith.cmpi ne, %convert_element_type3A_391, %cond3A_392 : i32
      scf.if %cond3A_393 {
        %add3A_466 = arith.constant 4 : i32
        %add3A_467 = arith.addi %add3A_373, %add3A_466 : i32
        %dma_start3A_468 = arith.constant 0 : i32
        %dma_start3A_469 = arith.constant 0 : i32
        %dma_start3A_470 = arith.constant 0 : i32
        %dma_start3A_471 = tpu.memref_slice %arg9[%dma_start3A_468, %dma_start3A_469, %dma_start3A_470] : memref<4x128x8xf32, #tpu.memory_space<vmem>> -> memref<1x128x8xf32, #tpu.memory_space<vmem>>
        %dma_start3A_472 = tpu.memref_squeeze %dma_start3A_471 : memref<1x128x8xf32, #tpu.memory_space<vmem>> -> memref<128x8xf32, #tpu.memory_space<vmem>>
        %dma_start3A_473 = arith.constant 0 : i32
        %dma_start3A_474 = tpu.memref_slice %arg7[%add3A_467, %dma_start3A_473] : memref<80x128xi32, #tpu.memory_space<vmem>> -> memref<1x128xi32, #tpu.memory_space<vmem>>
        %dma_start3A_475 = tpu.memref_squeeze %dma_start3A_474 : memref<1x128xi32, #tpu.memory_space<vmem>> -> memref<128xi32, #tpu.memory_space<vmem>>
        %dma_start3A_476 = arith.constant 0 : i32
        %dma_start3A_477 = arith.constant 0 : i32
        %dma_start3A_478 = tpu.memref_slice %arg2[%dma_start3A_476, %dma_start3A_477] : memref<10000x8xf32, #tpu.memory_space<hbm>> -> memref<10000x8xf32, #tpu.memory_space<hbm>>
        tpu.enqueue_indirect_dma source(%dma_start3A_478 : memref<10000x8xf32, #tpu.memory_space<hbm>>) target(%dma_start3A_472 : memref<128x8xf32, #tpu.memory_space<vmem>>) offsets(%dma_start3A_475 : memref<128xi32, #tpu.memory_space<vmem>>) semaphore(%arg11 : memref<!tpu.dma_semaphore, #tpu.memory_space<semaphore_mem>>)
      } else {
      }
      %mul3A_394 = arith.constant 16 : i32
      %mul3A_395 = arith.muli %scan3A_83, %mul3A_394 : i32
      %add3A_396 = arith.constant 13 : i32
      %add3A_397 = arith.addi %mul3A_395, %add3A_396 : i32
      %dma_wait3A_398 = arith.constant 1 : i32
      %dma_wait3A_399 = arith.constant 0 : i32
      %dma_wait3A_400 = arith.constant 0 : i32
      %dma_wait3A_401 = tpu.memref_slice %arg9[%dma_wait3A_398, %dma_wait3A_399, %dma_wait3A_400] : memref<4x128x8xf32, #tpu.memory_space<vmem>> -> memref<1x128x8xf32, #tpu.memory_space<vmem>>
      %dma_wait3A_402 = tpu.memref_squeeze %dma_wait3A_401 : memref<1x128x8xf32, #tpu.memory_space<vmem>> -> memref<128x8xf32, #tpu.memory_space<vmem>>
      %dma_wait3A_403 = arith.constant 0 : i32
      %dma_wait3A_404 = tpu.memref_slice %arg7[%add3A_397, %dma_wait3A_403] : memref<80x128xi32, #tpu.memory_space<vmem>> -> memref<1x128xi32, #tpu.memory_space<vmem>>
      %dma_wait3A_405 = tpu.memref_squeeze %dma_wait3A_404 : memref<1x128xi32, #tpu.memory_space<vmem>> -> memref<128xi32, #tpu.memory_space<vmem>>
      %dma_wait3A_406 = arith.constant 0 : i32
      %dma_wait3A_407 = arith.constant 0 : i32
      %dma_wait3A_408 = tpu.memref_slice %arg2[%dma_wait3A_406, %dma_wait3A_407] : memref<10000x8xf32, #tpu.memory_space<hbm>> -> memref<10000x8xf32, #tpu.memory_space<hbm>>
      tpu.wait_indirect_dma semaphore(%arg11 : memref<!tpu.dma_semaphore, #tpu.memory_space<semaphore_mem>>) src(%dma_wait3A_408 : memref<10000x8xf32, #tpu.memory_space<hbm>>) dst(%dma_wait3A_402 : memref<128x8xf32, #tpu.memory_space<vmem>>)
      %run_scoped3A_409 = arith.constant 1 : i32
      %run_scoped3A_410 = arith.constant 13 : i32
      "tpu.region"() ({
        %run_scoped3A_466 = tpu.sem_alloc : memref<!tpu.dma_semaphore, #tpu.memory_space<semaphore_mem>>
        %dma_start3A_467 = arith.constant 0 : i32
        %dma_start3A_468 = arith.constant 0 : i32
        %dma_start3A_469 = tpu.memref_slice %arg9[%run_scoped3A_409, %dma_start3A_467, %dma_start3A_468] : memref<4x128x8xf32, #tpu.memory_space<vmem>> -> memref<1x128x8xf32, #tpu.memory_space<vmem>>
        %dma_start3A_470 = tpu.memref_squeeze %dma_start3A_469 : memref<1x128x8xf32, #tpu.memory_space<vmem>> -> memref<128x8xf32, #tpu.memory_space<vmem>>
        %dma_start3A_471 = arith.constant 0 : i32
        %dma_start3A_472 = tpu.memref_slice %arg8[%run_scoped3A_410, %dma_start3A_471] : memref<16x128xi32, #tpu.memory_space<vmem>> -> memref<1x128xi32, #tpu.memory_space<vmem>>
        %dma_start3A_473 = tpu.memref_squeeze %dma_start3A_472 : memref<1x128xi32, #tpu.memory_space<vmem>> -> memref<128xi32, #tpu.memory_space<vmem>>
        %dma_start3A_474 = arith.constant 0 : i32
        %dma_start3A_475 = arith.constant 0 : i32
        %dma_start3A_476 = tpu.memref_slice %arg10[%dma_start3A_474, %dma_start3A_475] : memref<10240x8xf32, #tpu.memory_space<vmem_shared>> -> memref<10240x8xf32, #tpu.memory_space<vmem_shared>>
        tpu.enqueue_indirect_dma source(%dma_start3A_470 : memref<128x8xf32, #tpu.memory_space<vmem>>) target(%dma_start3A_476 : memref<10240x8xf32, #tpu.memory_space<vmem_shared>>) offsets(%dma_start3A_473 : memref<128xi32, #tpu.memory_space<vmem>>) semaphore(%run_scoped3A_466 : memref<!tpu.dma_semaphore, #tpu.memory_space<semaphore_mem>>) {add = true}
        %dma_wait3A_477 = arith.constant 0 : i32
        %dma_wait3A_478 = arith.constant 0 : i32
        %dma_wait3A_479 = tpu.memref_slice %arg9[%run_scoped3A_409, %dma_wait3A_477, %dma_wait3A_478] : memref<4x128x8xf32, #tpu.memory_space<vmem>> -> memref<1x128x8xf32, #tpu.memory_space<vmem>>
        %dma_wait3A_480 = tpu.memref_squeeze %dma_wait3A_479 : memref<1x128x8xf32, #tpu.memory_space<vmem>> -> memref<128x8xf32, #tpu.memory_space<vmem>>
        %dma_wait3A_481 = arith.constant 0 : i32
        %dma_wait3A_482 = tpu.memref_slice %arg8[%run_scoped3A_410, %dma_wait3A_481] : memref<16x128xi32, #tpu.memory_space<vmem>> -> memref<1x128xi32, #tpu.memory_space<vmem>>
        %dma_wait3A_483 = tpu.memref_squeeze %dma_wait3A_482 : memref<1x128xi32, #tpu.memory_space<vmem>> -> memref<128xi32, #tpu.memory_space<vmem>>
        %dma_wait3A_484 = arith.constant 0 : i32
        %dma_wait3A_485 = arith.constant 0 : i32
        %dma_wait3A_486 = tpu.memref_slice %arg10[%dma_wait3A_484, %dma_wait3A_485] : memref<10240x8xf32, #tpu.memory_space<vmem_shared>> -> memref<10240x8xf32, #tpu.memory_space<vmem_shared>>
        tpu.wait_indirect_dma semaphore(%run_scoped3A_466 : memref<!tpu.dma_semaphore, #tpu.memory_space<semaphore_mem>>) src(%dma_wait3A_480 : memref<128x8xf32, #tpu.memory_space<vmem>>) dst(%dma_wait3A_486 : memref<10240x8xf32, #tpu.memory_space<vmem_shared>>)
        tpu.yield
      }) : () -> ()
      %add3A_411 = arith.constant 4 : i32
      %add3A_412 = arith.addi %add3A_397, %add3A_411 : i32
      %lt3A_413 = arith.constant 80 : i32
      %lt3A_414 = arith.cmpi slt, %add3A_412, %lt3A_413 : i32
      %convert_element_type3A_415 = arith.extui %lt3A_414 : i1 to i32
      %cond3A_416 = arith.constant 0 : i32
      %cond3A_417 = arith.cmpi ne, %convert_element_type3A_415, %cond3A_416 : i32
      scf.if %cond3A_417 {
        %add3A_466 = arith.constant 4 : i32
        %add3A_467 = arith.addi %add3A_397, %add3A_466 : i32
        %dma_start3A_468 = arith.constant 1 : i32
        %dma_start3A_469 = arith.constant 0 : i32
        %dma_start3A_470 = arith.constant 0 : i32
        %dma_start3A_471 = tpu.memref_slice %arg9[%dma_start3A_468, %dma_start3A_469, %dma_start3A_470] : memref<4x128x8xf32, #tpu.memory_space<vmem>> -> memref<1x128x8xf32, #tpu.memory_space<vmem>>
        %dma_start3A_472 = tpu.memref_squeeze %dma_start3A_471 : memref<1x128x8xf32, #tpu.memory_space<vmem>> -> memref<128x8xf32, #tpu.memory_space<vmem>>
        %dma_start3A_473 = arith.constant 0 : i32
        %dma_start3A_474 = tpu.memref_slice %arg7[%add3A_467, %dma_start3A_473] : memref<80x128xi32, #tpu.memory_space<vmem>> -> memref<1x128xi32, #tpu.memory_space<vmem>>
        %dma_start3A_475 = tpu.memref_squeeze %dma_start3A_474 : memref<1x128xi32, #tpu.memory_space<vmem>> -> memref<128xi32, #tpu.memory_space<vmem>>
        %dma_start3A_476 = arith.constant 0 : i32
        %dma_start3A_477 = arith.constant 0 : i32
        %dma_start3A_478 = tpu.memref_slice %arg2[%dma_start3A_476, %dma_start3A_477] : memref<10000x8xf32, #tpu.memory_space<hbm>> -> memref<10000x8xf32, #tpu.memory_space<hbm>>
        tpu.enqueue_indirect_dma source(%dma_start3A_478 : memref<10000x8xf32, #tpu.memory_space<hbm>>) target(%dma_start3A_472 : memref<128x8xf32, #tpu.memory_space<vmem>>) offsets(%dma_start3A_475 : memref<128xi32, #tpu.memory_space<vmem>>) semaphore(%arg11 : memref<!tpu.dma_semaphore, #tpu.memory_space<semaphore_mem>>)
      } else {
      }
      %mul3A_418 = arith.constant 16 : i32
      %mul3A_419 = arith.muli %scan3A_83, %mul3A_418 : i32
      %add3A_420 = arith.constant 14 : i32
      %add3A_421 = arith.addi %mul3A_419, %add3A_420 : i32
      %dma_wait3A_422 = arith.constant 2 : i32
      %dma_wait3A_423 = arith.constant 0 : i32
      %dma_wait3A_424 = arith.constant 0 : i32
      %dma_wait3A_425 = tpu.memref_slice %arg9[%dma_wait3A_422, %dma_wait3A_423, %dma_wait3A_424] : memref<4x128x8xf32, #tpu.memory_space<vmem>> -> memref<1x128x8xf32, #tpu.memory_space<vmem>>
      %dma_wait3A_426 = tpu.memref_squeeze %dma_wait3A_425 : memref<1x128x8xf32, #tpu.memory_space<vmem>> -> memref<128x8xf32, #tpu.memory_space<vmem>>
      %dma_wait3A_427 = arith.constant 0 : i32
      %dma_wait3A_428 = tpu.memref_slice %arg7[%add3A_421, %dma_wait3A_427] : memref<80x128xi32, #tpu.memory_space<vmem>> -> memref<1x128xi32, #tpu.memory_space<vmem>>
      %dma_wait3A_429 = tpu.memref_squeeze %dma_wait3A_428 : memref<1x128xi32, #tpu.memory_space<vmem>> -> memref<128xi32, #tpu.memory_space<vmem>>
      %dma_wait3A_430 = arith.constant 0 : i32
      %dma_wait3A_431 = arith.constant 0 : i32
      %dma_wait3A_432 = tpu.memref_slice %arg2[%dma_wait3A_430, %dma_wait3A_431] : memref<10000x8xf32, #tpu.memory_space<hbm>> -> memref<10000x8xf32, #tpu.memory_space<hbm>>
      tpu.wait_indirect_dma semaphore(%arg11 : memref<!tpu.dma_semaphore, #tpu.memory_space<semaphore_mem>>) src(%dma_wait3A_432 : memref<10000x8xf32, #tpu.memory_space<hbm>>) dst(%dma_wait3A_426 : memref<128x8xf32, #tpu.memory_space<vmem>>)
      %run_scoped3A_433 = arith.constant 2 : i32
      %run_scoped3A_434 = arith.constant 14 : i32
      "tpu.region"() ({
        %run_scoped3A_466 = tpu.sem_alloc : memref<!tpu.dma_semaphore, #tpu.memory_space<semaphore_mem>>
        %dma_start3A_467 = arith.constant 0 : i32
        %dma_start3A_468 = arith.constant 0 : i32
        %dma_start3A_469 = tpu.memref_slice %arg9[%run_scoped3A_433, %dma_start3A_467, %dma_start3A_468] : memref<4x128x8xf32, #tpu.memory_space<vmem>> -> memref<1x128x8xf32, #tpu.memory_space<vmem>>
        %dma_start3A_470 = tpu.memref_squeeze %dma_start3A_469 : memref<1x128x8xf32, #tpu.memory_space<vmem>> -> memref<128x8xf32, #tpu.memory_space<vmem>>
        %dma_start3A_471 = arith.constant 0 : i32
        %dma_start3A_472 = tpu.memref_slice %arg8[%run_scoped3A_434, %dma_start3A_471] : memref<16x128xi32, #tpu.memory_space<vmem>> -> memref<1x128xi32, #tpu.memory_space<vmem>>
        %dma_start3A_473 = tpu.memref_squeeze %dma_start3A_472 : memref<1x128xi32, #tpu.memory_space<vmem>> -> memref<128xi32, #tpu.memory_space<vmem>>
        %dma_start3A_474 = arith.constant 0 : i32
        %dma_start3A_475 = arith.constant 0 : i32
        %dma_start3A_476 = tpu.memref_slice %arg10[%dma_start3A_474, %dma_start3A_475] : memref<10240x8xf32, #tpu.memory_space<vmem_shared>> -> memref<10240x8xf32, #tpu.memory_space<vmem_shared>>
        tpu.enqueue_indirect_dma source(%dma_start3A_470 : memref<128x8xf32, #tpu.memory_space<vmem>>) target(%dma_start3A_476 : memref<10240x8xf32, #tpu.memory_space<vmem_shared>>) offsets(%dma_start3A_473 : memref<128xi32, #tpu.memory_space<vmem>>) semaphore(%run_scoped3A_466 : memref<!tpu.dma_semaphore, #tpu.memory_space<semaphore_mem>>) {add = true}
        %dma_wait3A_477 = arith.constant 0 : i32
        %dma_wait3A_478 = arith.constant 0 : i32
        %dma_wait3A_479 = tpu.memref_slice %arg9[%run_scoped3A_433, %dma_wait3A_477, %dma_wait3A_478] : memref<4x128x8xf32, #tpu.memory_space<vmem>> -> memref<1x128x8xf32, #tpu.memory_space<vmem>>
        %dma_wait3A_480 = tpu.memref_squeeze %dma_wait3A_479 : memref<1x128x8xf32, #tpu.memory_space<vmem>> -> memref<128x8xf32, #tpu.memory_space<vmem>>
        %dma_wait3A_481 = arith.constant 0 : i32
        %dma_wait3A_482 = tpu.memref_slice %arg8[%run_scoped3A_434, %dma_wait3A_481] : memref<16x128xi32, #tpu.memory_space<vmem>> -> memref<1x128xi32, #tpu.memory_space<vmem>>
        %dma_wait3A_483 = tpu.memref_squeeze %dma_wait3A_482 : memref<1x128xi32, #tpu.memory_space<vmem>> -> memref<128xi32, #tpu.memory_space<vmem>>
        %dma_wait3A_484 = arith.constant 0 : i32
        %dma_wait3A_485 = arith.constant 0 : i32
        %dma_wait3A_486 = tpu.memref_slice %arg10[%dma_wait3A_484, %dma_wait3A_485] : memref<10240x8xf32, #tpu.memory_space<vmem_shared>> -> memref<10240x8xf32, #tpu.memory_space<vmem_shared>>
        tpu.wait_indirect_dma semaphore(%run_scoped3A_466 : memref<!tpu.dma_semaphore, #tpu.memory_space<semaphore_mem>>) src(%dma_wait3A_480 : memref<128x8xf32, #tpu.memory_space<vmem>>) dst(%dma_wait3A_486 : memref<10240x8xf32, #tpu.memory_space<vmem_shared>>)
        tpu.yield
      }) : () -> ()
      %add3A_435 = arith.constant 4 : i32
      %add3A_436 = arith.addi %add3A_421, %add3A_435 : i32
      %lt3A_437 = arith.constant 80 : i32
      %lt3A_438 = arith.cmpi slt, %add3A_436, %lt3A_437 : i32
      %convert_element_type3A_439 = arith.extui %lt3A_438 : i1 to i32
      %cond3A_440 = arith.constant 0 : i32
      %cond3A_441 = arith.cmpi ne, %convert_element_type3A_439, %cond3A_440 : i32
      scf.if %cond3A_441 {
        %add3A_466 = arith.constant 4 : i32
        %add3A_467 = arith.addi %add3A_421, %add3A_466 : i32
        %dma_start3A_468 = arith.constant 2 : i32
        %dma_start3A_469 = arith.constant 0 : i32
        %dma_start3A_470 = arith.constant 0 : i32
        %dma_start3A_471 = tpu.memref_slice %arg9[%dma_start3A_468, %dma_start3A_469, %dma_start3A_470] : memref<4x128x8xf32, #tpu.memory_space<vmem>> -> memref<1x128x8xf32, #tpu.memory_space<vmem>>
        %dma_start3A_472 = tpu.memref_squeeze %dma_start3A_471 : memref<1x128x8xf32, #tpu.memory_space<vmem>> -> memref<128x8xf32, #tpu.memory_space<vmem>>
        %dma_start3A_473 = arith.constant 0 : i32
        %dma_start3A_474 = tpu.memref_slice %arg7[%add3A_467, %dma_start3A_473] : memref<80x128xi32, #tpu.memory_space<vmem>> -> memref<1x128xi32, #tpu.memory_space<vmem>>
        %dma_start3A_475 = tpu.memref_squeeze %dma_start3A_474 : memref<1x128xi32, #tpu.memory_space<vmem>> -> memref<128xi32, #tpu.memory_space<vmem>>
        %dma_start3A_476 = arith.constant 0 : i32
        %dma_start3A_477 = arith.constant 0 : i32
        %dma_start3A_478 = tpu.memref_slice %arg2[%dma_start3A_476, %dma_start3A_477] : memref<10000x8xf32, #tpu.memory_space<hbm>> -> memref<10000x8xf32, #tpu.memory_space<hbm>>
        tpu.enqueue_indirect_dma source(%dma_start3A_478 : memref<10000x8xf32, #tpu.memory_space<hbm>>) target(%dma_start3A_472 : memref<128x8xf32, #tpu.memory_space<vmem>>) offsets(%dma_start3A_475 : memref<128xi32, #tpu.memory_space<vmem>>) semaphore(%arg11 : memref<!tpu.dma_semaphore, #tpu.memory_space<semaphore_mem>>)
      } else {
      }
      %mul3A_442 = arith.constant 16 : i32
      %mul3A_443 = arith.muli %scan3A_83, %mul3A_442 : i32
      %add3A_444 = arith.constant 15 : i32
      %add3A_445 = arith.addi %mul3A_443, %add3A_444 : i32
      %dma_wait3A_446 = arith.constant 3 : i32
      %dma_wait3A_447 = arith.constant 0 : i32
      %dma_wait3A_448 = arith.constant 0 : i32
      %dma_wait3A_449 = tpu.memref_slice %arg9[%dma_wait3A_446, %dma_wait3A_447, %dma_wait3A_448] : memref<4x128x8xf32, #tpu.memory_space<vmem>> -> memref<1x128x8xf32, #tpu.memory_space<vmem>>
      %dma_wait3A_450 = tpu.memref_squeeze %dma_wait3A_449 : memref<1x128x8xf32, #tpu.memory_space<vmem>> -> memref<128x8xf32, #tpu.memory_space<vmem>>
      %dma_wait3A_451 = arith.constant 0 : i32
      %dma_wait3A_452 = tpu.memref_slice %arg7[%add3A_445, %dma_wait3A_451] : memref<80x128xi32, #tpu.memory_space<vmem>> -> memref<1x128xi32, #tpu.memory_space<vmem>>
      %dma_wait3A_453 = tpu.memref_squeeze %dma_wait3A_452 : memref<1x128xi32, #tpu.memory_space<vmem>> -> memref<128xi32, #tpu.memory_space<vmem>>
      %dma_wait3A_454 = arith.constant 0 : i32
      %dma_wait3A_455 = arith.constant 0 : i32
      %dma_wait3A_456 = tpu.memref_slice %arg2[%dma_wait3A_454, %dma_wait3A_455] : memref<10000x8xf32, #tpu.memory_space<hbm>> -> memref<10000x8xf32, #tpu.memory_space<hbm>>
      tpu.wait_indirect_dma semaphore(%arg11 : memref<!tpu.dma_semaphore, #tpu.memory_space<semaphore_mem>>) src(%dma_wait3A_456 : memref<10000x8xf32, #tpu.memory_space<hbm>>) dst(%dma_wait3A_450 : memref<128x8xf32, #tpu.memory_space<vmem>>)
      %run_scoped3A_457 = arith.constant 3 : i32
      %run_scoped3A_458 = arith.constant 15 : i32
      "tpu.region"() ({
        %run_scoped3A_466 = tpu.sem_alloc : memref<!tpu.dma_semaphore, #tpu.memory_space<semaphore_mem>>
        %dma_start3A_467 = arith.constant 0 : i32
        %dma_start3A_468 = arith.constant 0 : i32
        %dma_start3A_469 = tpu.memref_slice %arg9[%run_scoped3A_457, %dma_start3A_467, %dma_start3A_468] : memref<4x128x8xf32, #tpu.memory_space<vmem>> -> memref<1x128x8xf32, #tpu.memory_space<vmem>>
        %dma_start3A_470 = tpu.memref_squeeze %dma_start3A_469 : memref<1x128x8xf32, #tpu.memory_space<vmem>> -> memref<128x8xf32, #tpu.memory_space<vmem>>
        %dma_start3A_471 = arith.constant 0 : i32
        %dma_start3A_472 = tpu.memref_slice %arg8[%run_scoped3A_458, %dma_start3A_471] : memref<16x128xi32, #tpu.memory_space<vmem>> -> memref<1x128xi32, #tpu.memory_space<vmem>>
        %dma_start3A_473 = tpu.memref_squeeze %dma_start3A_472 : memref<1x128xi32, #tpu.memory_space<vmem>> -> memref<128xi32, #tpu.memory_space<vmem>>
        %dma_start3A_474 = arith.constant 0 : i32
        %dma_start3A_475 = arith.constant 0 : i32
        %dma_start3A_476 = tpu.memref_slice %arg10[%dma_start3A_474, %dma_start3A_475] : memref<10240x8xf32, #tpu.memory_space<vmem_shared>> -> memref<10240x8xf32, #tpu.memory_space<vmem_shared>>
        tpu.enqueue_indirect_dma source(%dma_start3A_470 : memref<128x8xf32, #tpu.memory_space<vmem>>) target(%dma_start3A_476 : memref<10240x8xf32, #tpu.memory_space<vmem_shared>>) offsets(%dma_start3A_473 : memref<128xi32, #tpu.memory_space<vmem>>) semaphore(%run_scoped3A_466 : memref<!tpu.dma_semaphore, #tpu.memory_space<semaphore_mem>>) {add = true}
        %dma_wait3A_477 = arith.constant 0 : i32
        %dma_wait3A_478 = arith.constant 0 : i32
        %dma_wait3A_479 = tpu.memref_slice %arg9[%run_scoped3A_457, %dma_wait3A_477, %dma_wait3A_478] : memref<4x128x8xf32, #tpu.memory_space<vmem>> -> memref<1x128x8xf32, #tpu.memory_space<vmem>>
        %dma_wait3A_480 = tpu.memref_squeeze %dma_wait3A_479 : memref<1x128x8xf32, #tpu.memory_space<vmem>> -> memref<128x8xf32, #tpu.memory_space<vmem>>
        %dma_wait3A_481 = arith.constant 0 : i32
        %dma_wait3A_482 = tpu.memref_slice %arg8[%run_scoped3A_458, %dma_wait3A_481] : memref<16x128xi32, #tpu.memory_space<vmem>> -> memref<1x128xi32, #tpu.memory_space<vmem>>
        %dma_wait3A_483 = tpu.memref_squeeze %dma_wait3A_482 : memref<1x128xi32, #tpu.memory_space<vmem>> -> memref<128xi32, #tpu.memory_space<vmem>>
        %dma_wait3A_484 = arith.constant 0 : i32
        %dma_wait3A_485 = arith.constant 0 : i32
        %dma_wait3A_486 = tpu.memref_slice %arg10[%dma_wait3A_484, %dma_wait3A_485] : memref<10240x8xf32, #tpu.memory_space<vmem_shared>> -> memref<10240x8xf32, #tpu.memory_space<vmem_shared>>
        tpu.wait_indirect_dma semaphore(%run_scoped3A_466 : memref<!tpu.dma_semaphore, #tpu.memory_space<semaphore_mem>>) src(%dma_wait3A_480 : memref<128x8xf32, #tpu.memory_space<vmem>>) dst(%dma_wait3A_486 : memref<10240x8xf32, #tpu.memory_space<vmem_shared>>)
        tpu.yield
      }) : () -> ()
      %add3A_459 = arith.constant 4 : i32
      %add3A_460 = arith.addi %add3A_445, %add3A_459 : i32
      %lt3A_461 = arith.constant 80 : i32
      %lt3A_462 = arith.cmpi slt, %add3A_460, %lt3A_461 : i32
      %convert_element_type3A_463 = arith.extui %lt3A_462 : i1 to i32
      %cond3A_464 = arith.constant 0 : i32
      %cond3A_465 = arith.cmpi ne, %convert_element_type3A_463, %cond3A_464 : i32
      scf.if %cond3A_465 {
        %add3A_466 = arith.constant 4 : i32
        %add3A_467 = arith.addi %add3A_445, %add3A_466 : i32
        %dma_start3A_468 = arith.constant 3 : i32
        %dma_start3A_469 = arith.constant 0 : i32
        %dma_start3A_470 = arith.constant 0 : i32
        %dma_start3A_471 = tpu.memref_slice %arg9[%dma_start3A_468, %dma_start3A_469, %dma_start3A_470] : memref<4x128x8xf32, #tpu.memory_space<vmem>> -> memref<1x128x8xf32, #tpu.memory_space<vmem>>
        %dma_start3A_472 = tpu.memref_squeeze %dma_start3A_471 : memref<1x128x8xf32, #tpu.memory_space<vmem>> -> memref<128x8xf32, #tpu.memory_space<vmem>>
        %dma_start3A_473 = arith.constant 0 : i32
        %dma_start3A_474 = tpu.memref_slice %arg7[%add3A_467, %dma_start3A_473] : memref<80x128xi32, #tpu.memory_space<vmem>> -> memref<1x128xi32, #tpu.memory_space<vmem>>
        %dma_start3A_475 = tpu.memref_squeeze %dma_start3A_474 : memref<1x128xi32, #tpu.memory_space<vmem>> -> memref<128xi32, #tpu.memory_space<vmem>>
        %dma_start3A_476 = arith.constant 0 : i32
        %dma_start3A_477 = arith.constant 0 : i32
        %dma_start3A_478 = tpu.memref_slice %arg2[%dma_start3A_476, %dma_start3A_477] : memref<10000x8xf32, #tpu.memory_space<hbm>> -> memref<10000x8xf32, #tpu.memory_space<hbm>>
        tpu.enqueue_indirect_dma source(%dma_start3A_478 : memref<10000x8xf32, #tpu.memory_space<hbm>>) target(%dma_start3A_472 : memref<128x8xf32, #tpu.memory_space<vmem>>) offsets(%dma_start3A_475 : memref<128xi32, #tpu.memory_space<vmem>>) semaphore(%arg11 : memref<!tpu.dma_semaphore, #tpu.memory_space<semaphore_mem>>)
      } else {
      }
    }
    %scan3A_77 = arith.constant 5 : i32
    %barrier3A_78 = arith.constant 0 : index
    tpu.barrier barrier_id(%barrier3A_78)
    %mul3A_79 = arith.constant 640 : i32
    %mul3A_80 = arith.muli %arg1, %mul3A_79 : i32
    %mul3A_81 = arith.constant 640 : i32
    %mul3A_82 = arith.muli %arg1, %mul3A_81 : i32
    "tpu.region"() ({
      %run_scoped3A_83 = tpu.sem_alloc : memref<!tpu.dma_semaphore, #tpu.memory_space<semaphore_mem>>
      %dma_start3A_84 = arith.constant 0 : i32
      %dma_start3A_85 = tpu.memref_slice %arg6[%arg0, %mul3A_82, %dma_start3A_84] : memref<2x10240x8xf32, #tpu.memory_space<hbm>> -> memref<1x640x8xf32, #tpu.memory_space<hbm>>
      %dma_start3A_86 = tpu.memref_squeeze %dma_start3A_85 : memref<1x640x8xf32, #tpu.memory_space<hbm>> -> memref<640x8xf32, #tpu.memory_space<hbm>>
      %dma_start3A_87 = arith.constant 0 : i32
      %dma_start3A_88 = tpu.memref_slice %arg10[%mul3A_80, %dma_start3A_87] : memref<10240x8xf32, #tpu.memory_space<vmem_shared>> -> memref<640x8xf32, #tpu.memory_space<vmem_shared>>
      tpu.enqueue_dma source(%dma_start3A_88 : memref<640x8xf32, #tpu.memory_space<vmem_shared>>) target(%dma_start3A_86 : memref<640x8xf32, #tpu.memory_space<hbm>>) target_semaphore(%run_scoped3A_83 : memref<!tpu.dma_semaphore, #tpu.memory_space<semaphore_mem>>)
      %dma_wait3A = arith.constant 0 : i32
      %dma_wait3A_89 = tpu.memref_slice %arg6[%arg0, %mul3A_82, %dma_wait3A] : memref<2x10240x8xf32, #tpu.memory_space<hbm>> -> memref<1x640x8xf32, #tpu.memory_space<hbm>>
      %dma_wait3A_90 = tpu.memref_squeeze %dma_wait3A_89 : memref<1x640x8xf32, #tpu.memory_space<hbm>> -> memref<640x8xf32, #tpu.memory_space<hbm>>
      %dma_wait3A_91 = arith.constant 0 : i32
      %dma_wait3A_92 = tpu.memref_slice %arg10[%mul3A_80, %dma_wait3A_91] : memref<10240x8xf32, #tpu.memory_space<vmem_shared>> -> memref<640x8xf32, #tpu.memory_space<vmem_shared>>
      tpu.wait_dma2 semaphore(%run_scoped3A_83 : memref<!tpu.dma_semaphore, #tpu.memory_space<semaphore_mem>>) src(%dma_wait3A_92 : memref<640x8xf32, #tpu.memory_space<vmem_shared>>) dst(%dma_wait3A_90 : memref<640x8xf32, #tpu.memory_space<hbm>>)
      tpu.yield
    }) : () -> ()
    return
  }
}

#map = affine_map<(d0, d1) -> (0, 0, 0)>
#map1 = affine_map<(d0, d1) -> (0, 0)>
module attributes {stable_mosaic.version = 14 : i64} {
  func.func @deg_kernel(%arg0: i32, %arg1: i32, %arg2: memref<32x80x128xi32, #tpu.memory_space<hbm>>, %arg3: memref<128x8xf32, #tpu.memory_space<hbm>>, %arg4: memref<128x8xf32, #tpu.memory_space<hbm>>, %arg5: memref<2x10240x8xf32, #tpu.memory_space<hbm>>, %arg6: memref<80x128xi32, #tpu.memory_space<vmem>>, %arg7: memref<128x8xf32, #tpu.memory_space<vmem>>, %arg8: memref<10240x8xf32, #tpu.memory_space<vmem_shared>>, %arg9: memref<!tpu.dma_semaphore, #tpu.memory_space<semaphore_mem>>) attributes {dimension_semantics = [#tpu.dimension_semantics<core_parallel>, #tpu.dimension_semantics<subcore_parallel>], iteration_bounds = array<i64: 2, 16>, scalar_prefetch = 0 : i64, scratch_operands = 4 : i64, tpu.core_type = #tpu.core_type<sc_vector_subcore>, window_params = [{transform_indices = #map}, {transform_indices = #map1}, {transform_indices = #map1}, {transform_indices = #map}]} {
    %mul3A = arith.constant 2 : i32
    %mul3A_0 = arith.muli %arg1, %mul3A : i32
    %add3A = arith.addi %mul3A_0, %arg0 : i32
    "tpu.region"() ({
      %run_scoped3A = tpu.sem_alloc : memref<!tpu.dma_semaphore, #tpu.memory_space<semaphore_mem>>
      %dma_start3A = arith.constant 0 : i32
      %dma_start3A_31 = arith.constant 0 : i32
      %dma_start3A_32 = tpu.memref_slice %arg2[%add3A, %dma_start3A, %dma_start3A_31] : memref<32x80x128xi32, #tpu.memory_space<hbm>> -> memref<1x80x128xi32, #tpu.memory_space<hbm>>
      %dma_start3A_33 = tpu.memref_squeeze %dma_start3A_32 : memref<1x80x128xi32, #tpu.memory_space<hbm>> -> memref<80x128xi32, #tpu.memory_space<hbm>>
      %dma_start3A_34 = arith.constant 0 : i32
      %dma_start3A_35 = arith.constant 0 : i32
      %dma_start3A_36 = tpu.memref_slice %arg2[%add3A, %dma_start3A_34, %dma_start3A_35] : memref<32x80x128xi32, #tpu.memory_space<hbm>> -> memref<1x80x128xi32, #tpu.memory_space<hbm>>
      %dma_start3A_37 = tpu.memref_squeeze %dma_start3A_36 : memref<1x80x128xi32, #tpu.memory_space<hbm>> -> memref<80x128xi32, #tpu.memory_space<hbm>>
      tpu.enqueue_dma source(%dma_start3A_37 : memref<80x128xi32, #tpu.memory_space<hbm>>) target(%arg6 : memref<80x128xi32, #tpu.memory_space<vmem>>) target_semaphore(%run_scoped3A : memref<!tpu.dma_semaphore, #tpu.memory_space<semaphore_mem>>)
      %dma_wait3A = arith.constant 0 : i32
      %dma_wait3A_38 = arith.constant 0 : i32
      %dma_wait3A_39 = tpu.memref_slice %arg2[%add3A, %dma_wait3A, %dma_wait3A_38] : memref<32x80x128xi32, #tpu.memory_space<hbm>> -> memref<1x80x128xi32, #tpu.memory_space<hbm>>
      %dma_wait3A_40 = tpu.memref_squeeze %dma_wait3A_39 : memref<1x80x128xi32, #tpu.memory_space<hbm>> -> memref<80x128xi32, #tpu.memory_space<hbm>>
      %dma_wait3A_41 = arith.constant 0 : i32
      %dma_wait3A_42 = arith.constant 0 : i32
      %dma_wait3A_43 = tpu.memref_slice %arg2[%add3A, %dma_wait3A_41, %dma_wait3A_42] : memref<32x80x128xi32, #tpu.memory_space<hbm>> -> memref<1x80x128xi32, #tpu.memory_space<hbm>>
      %dma_wait3A_44 = tpu.memref_squeeze %dma_wait3A_43 : memref<1x80x128xi32, #tpu.memory_space<hbm>> -> memref<80x128xi32, #tpu.memory_space<hbm>>
      tpu.wait_dma2 semaphore(%run_scoped3A : memref<!tpu.dma_semaphore, #tpu.memory_space<semaphore_mem>>) src(%dma_wait3A_44 : memref<80x128xi32, #tpu.memory_space<hbm>>) dst(%arg6 : memref<80x128xi32, #tpu.memory_space<vmem>>)
      tpu.yield
    }) : () -> ()
    "tpu.region"() ({
      %run_scoped3A = tpu.sem_alloc : memref<!tpu.dma_semaphore, #tpu.memory_space<semaphore_mem>>
      tpu.enqueue_dma source(%arg3 : memref<128x8xf32, #tpu.memory_space<hbm>>) target(%arg7 : memref<128x8xf32, #tpu.memory_space<vmem>>) target_semaphore(%run_scoped3A : memref<!tpu.dma_semaphore, #tpu.memory_space<semaphore_mem>>)
      tpu.wait_dma2 semaphore(%run_scoped3A : memref<!tpu.dma_semaphore, #tpu.memory_space<semaphore_mem>>) src(%arg3 : memref<128x8xf32, #tpu.memory_space<hbm>>) dst(%arg7 : memref<128x8xf32, #tpu.memory_space<vmem>>)
      tpu.yield
    }) : () -> ()
    %mul3A_1 = arith.constant 640 : i32
    %mul3A_2 = arith.muli %arg1, %mul3A_1 : i32
    %add3A_3 = arith.constant 0 : i32
    %add3A_4 = arith.addi %mul3A_2, %add3A_3 : i32
    "tpu.region"() ({
      %run_scoped3A = tpu.sem_alloc : memref<!tpu.dma_semaphore, #tpu.memory_space<semaphore_mem>>
      %dma_start3A = arith.constant 0 : i32
      %dma_start3A_31 = tpu.memref_slice %arg8[%add3A_4, %dma_start3A] : memref<10240x8xf32, #tpu.memory_space<vmem_shared>> -> memref<128x8xf32, #tpu.memory_space<vmem_shared>>
      %dma_start3A_32 = arith.constant 0 : i32
      %dma_start3A_33 = tpu.memref_slice %arg8[%add3A_4, %dma_start3A_32] : memref<10240x8xf32, #tpu.memory_space<vmem_shared>> -> memref<128x8xf32, #tpu.memory_space<vmem_shared>>
      tpu.enqueue_dma source(%arg7 : memref<128x8xf32, #tpu.memory_space<vmem>>) target(%dma_start3A_33 : memref<128x8xf32, #tpu.memory_space<vmem_shared>>) target_semaphore(%run_scoped3A : memref<!tpu.dma_semaphore, #tpu.memory_space<semaphore_mem>>)
      %dma_wait3A = arith.constant 0 : i32
      %dma_wait3A_34 = tpu.memref_slice %arg8[%add3A_4, %dma_wait3A] : memref<10240x8xf32, #tpu.memory_space<vmem_shared>> -> memref<128x8xf32, #tpu.memory_space<vmem_shared>>
      %dma_wait3A_35 = arith.constant 0 : i32
      %dma_wait3A_36 = tpu.memref_slice %arg8[%add3A_4, %dma_wait3A_35] : memref<10240x8xf32, #tpu.memory_space<vmem_shared>> -> memref<128x8xf32, #tpu.memory_space<vmem_shared>>
      tpu.wait_dma2 semaphore(%run_scoped3A : memref<!tpu.dma_semaphore, #tpu.memory_space<semaphore_mem>>) src(%arg7 : memref<128x8xf32, #tpu.memory_space<vmem>>) dst(%dma_wait3A_36 : memref<128x8xf32, #tpu.memory_space<vmem_shared>>)
      tpu.yield
    }) : () -> ()
    %mul3A_5 = arith.constant 640 : i32
    %mul3A_6 = arith.muli %arg1, %mul3A_5 : i32
    %add3A_7 = arith.constant 128 : i32
    %add3A_8 = arith.addi %mul3A_6, %add3A_7 : i32
    "tpu.region"() ({
      %run_scoped3A = tpu.sem_alloc : memref<!tpu.dma_semaphore, #tpu.memory_space<semaphore_mem>>
      %dma_start3A = arith.constant 0 : i32
      %dma_start3A_31 = tpu.memref_slice %arg8[%add3A_8, %dma_start3A] : memref<10240x8xf32, #tpu.memory_space<vmem_shared>> -> memref<128x8xf32, #tpu.memory_space<vmem_shared>>
      %dma_start3A_32 = arith.constant 0 : i32
      %dma_start3A_33 = tpu.memref_slice %arg8[%add3A_8, %dma_start3A_32] : memref<10240x8xf32, #tpu.memory_space<vmem_shared>> -> memref<128x8xf32, #tpu.memory_space<vmem_shared>>
      tpu.enqueue_dma source(%arg7 : memref<128x8xf32, #tpu.memory_space<vmem>>) target(%dma_start3A_33 : memref<128x8xf32, #tpu.memory_space<vmem_shared>>) target_semaphore(%run_scoped3A : memref<!tpu.dma_semaphore, #tpu.memory_space<semaphore_mem>>)
      %dma_wait3A = arith.constant 0 : i32
      %dma_wait3A_34 = tpu.memref_slice %arg8[%add3A_8, %dma_wait3A] : memref<10240x8xf32, #tpu.memory_space<vmem_shared>> -> memref<128x8xf32, #tpu.memory_space<vmem_shared>>
      %dma_wait3A_35 = arith.constant 0 : i32
      %dma_wait3A_36 = tpu.memref_slice %arg8[%add3A_8, %dma_wait3A_35] : memref<10240x8xf32, #tpu.memory_space<vmem_shared>> -> memref<128x8xf32, #tpu.memory_space<vmem_shared>>
      tpu.wait_dma2 semaphore(%run_scoped3A : memref<!tpu.dma_semaphore, #tpu.memory_space<semaphore_mem>>) src(%arg7 : memref<128x8xf32, #tpu.memory_space<vmem>>) dst(%dma_wait3A_36 : memref<128x8xf32, #tpu.memory_space<vmem_shared>>)
      tpu.yield
    }) : () -> ()
    %mul3A_9 = arith.constant 640 : i32
    %mul3A_10 = arith.muli %arg1, %mul3A_9 : i32
    %add3A_11 = arith.constant 256 : i32
    %add3A_12 = arith.addi %mul3A_10, %add3A_11 : i32
    "tpu.region"() ({
      %run_scoped3A = tpu.sem_alloc : memref<!tpu.dma_semaphore, #tpu.memory_space<semaphore_mem>>
      %dma_start3A = arith.constant 0 : i32
      %dma_start3A_31 = tpu.memref_slice %arg8[%add3A_12, %dma_start3A] : memref<10240x8xf32, #tpu.memory_space<vmem_shared>> -> memref<128x8xf32, #tpu.memory_space<vmem_shared>>
      %dma_start3A_32 = arith.constant 0 : i32
      %dma_start3A_33 = tpu.memref_slice %arg8[%add3A_12, %dma_start3A_32] : memref<10240x8xf32, #tpu.memory_space<vmem_shared>> -> memref<128x8xf32, #tpu.memory_space<vmem_shared>>
      tpu.enqueue_dma source(%arg7 : memref<128x8xf32, #tpu.memory_space<vmem>>) target(%dma_start3A_33 : memref<128x8xf32, #tpu.memory_space<vmem_shared>>) target_semaphore(%run_scoped3A : memref<!tpu.dma_semaphore, #tpu.memory_space<semaphore_mem>>)
      %dma_wait3A = arith.constant 0 : i32
      %dma_wait3A_34 = tpu.memref_slice %arg8[%add3A_12, %dma_wait3A] : memref<10240x8xf32, #tpu.memory_space<vmem_shared>> -> memref<128x8xf32, #tpu.memory_space<vmem_shared>>
      %dma_wait3A_35 = arith.constant 0 : i32
      %dma_wait3A_36 = tpu.memref_slice %arg8[%add3A_12, %dma_wait3A_35] : memref<10240x8xf32, #tpu.memory_space<vmem_shared>> -> memref<128x8xf32, #tpu.memory_space<vmem_shared>>
      tpu.wait_dma2 semaphore(%run_scoped3A : memref<!tpu.dma_semaphore, #tpu.memory_space<semaphore_mem>>) src(%arg7 : memref<128x8xf32, #tpu.memory_space<vmem>>) dst(%dma_wait3A_36 : memref<128x8xf32, #tpu.memory_space<vmem_shared>>)
      tpu.yield
    }) : () -> ()
    %mul3A_13 = arith.constant 640 : i32
    %mul3A_14 = arith.muli %arg1, %mul3A_13 : i32
    %add3A_15 = arith.constant 384 : i32
    %add3A_16 = arith.addi %mul3A_14, %add3A_15 : i32
    "tpu.region"() ({
      %run_scoped3A = tpu.sem_alloc : memref<!tpu.dma_semaphore, #tpu.memory_space<semaphore_mem>>
      %dma_start3A = arith.constant 0 : i32
      %dma_start3A_31 = tpu.memref_slice %arg8[%add3A_16, %dma_start3A] : memref<10240x8xf32, #tpu.memory_space<vmem_shared>> -> memref<128x8xf32, #tpu.memory_space<vmem_shared>>
      %dma_start3A_32 = arith.constant 0 : i32
      %dma_start3A_33 = tpu.memref_slice %arg8[%add3A_16, %dma_start3A_32] : memref<10240x8xf32, #tpu.memory_space<vmem_shared>> -> memref<128x8xf32, #tpu.memory_space<vmem_shared>>
      tpu.enqueue_dma source(%arg7 : memref<128x8xf32, #tpu.memory_space<vmem>>) target(%dma_start3A_33 : memref<128x8xf32, #tpu.memory_space<vmem_shared>>) target_semaphore(%run_scoped3A : memref<!tpu.dma_semaphore, #tpu.memory_space<semaphore_mem>>)
      %dma_wait3A = arith.constant 0 : i32
      %dma_wait3A_34 = tpu.memref_slice %arg8[%add3A_16, %dma_wait3A] : memref<10240x8xf32, #tpu.memory_space<vmem_shared>> -> memref<128x8xf32, #tpu.memory_space<vmem_shared>>
      %dma_wait3A_35 = arith.constant 0 : i32
      %dma_wait3A_36 = tpu.memref_slice %arg8[%add3A_16, %dma_wait3A_35] : memref<10240x8xf32, #tpu.memory_space<vmem_shared>> -> memref<128x8xf32, #tpu.memory_space<vmem_shared>>
      tpu.wait_dma2 semaphore(%run_scoped3A : memref<!tpu.dma_semaphore, #tpu.memory_space<semaphore_mem>>) src(%arg7 : memref<128x8xf32, #tpu.memory_space<vmem>>) dst(%dma_wait3A_36 : memref<128x8xf32, #tpu.memory_space<vmem_shared>>)
      tpu.yield
    }) : () -> ()
    %mul3A_17 = arith.constant 640 : i32
    %mul3A_18 = arith.muli %arg1, %mul3A_17 : i32
    %add3A_19 = arith.constant 512 : i32
    %add3A_20 = arith.addi %mul3A_18, %add3A_19 : i32
    "tpu.region"() ({
      %run_scoped3A = tpu.sem_alloc : memref<!tpu.dma_semaphore, #tpu.memory_space<semaphore_mem>>
      %dma_start3A = arith.constant 0 : i32
      %dma_start3A_31 = tpu.memref_slice %arg8[%add3A_20, %dma_start3A] : memref<10240x8xf32, #tpu.memory_space<vmem_shared>> -> memref<128x8xf32, #tpu.memory_space<vmem_shared>>
      %dma_start3A_32 = arith.constant 0 : i32
      %dma_start3A_33 = tpu.memref_slice %arg8[%add3A_20, %dma_start3A_32] : memref<10240x8xf32, #tpu.memory_space<vmem_shared>> -> memref<128x8xf32, #tpu.memory_space<vmem_shared>>
      tpu.enqueue_dma source(%arg7 : memref<128x8xf32, #tpu.memory_space<vmem>>) target(%dma_start3A_33 : memref<128x8xf32, #tpu.memory_space<vmem_shared>>) target_semaphore(%run_scoped3A : memref<!tpu.dma_semaphore, #tpu.memory_space<semaphore_mem>>)
      %dma_wait3A = arith.constant 0 : i32
      %dma_wait3A_34 = tpu.memref_slice %arg8[%add3A_20, %dma_wait3A] : memref<10240x8xf32, #tpu.memory_space<vmem_shared>> -> memref<128x8xf32, #tpu.memory_space<vmem_shared>>
      %dma_wait3A_35 = arith.constant 0 : i32
      %dma_wait3A_36 = tpu.memref_slice %arg8[%add3A_20, %dma_wait3A_35] : memref<10240x8xf32, #tpu.memory_space<vmem_shared>> -> memref<128x8xf32, #tpu.memory_space<vmem_shared>>
      tpu.wait_dma2 semaphore(%run_scoped3A : memref<!tpu.dma_semaphore, #tpu.memory_space<semaphore_mem>>) src(%arg7 : memref<128x8xf32, #tpu.memory_space<vmem>>) dst(%dma_wait3A_36 : memref<128x8xf32, #tpu.memory_space<vmem_shared>>)
      tpu.yield
    }) : () -> ()
    %barrier3A = arith.constant 0 : index
    tpu.barrier barrier_id(%barrier3A)
    "tpu.region"() ({
      %run_scoped3A = tpu.sem_alloc : memref<!tpu.dma_semaphore, #tpu.memory_space<semaphore_mem>>
      tpu.enqueue_dma source(%arg4 : memref<128x8xf32, #tpu.memory_space<hbm>>) target(%arg7 : memref<128x8xf32, #tpu.memory_space<vmem>>) target_semaphore(%run_scoped3A : memref<!tpu.dma_semaphore, #tpu.memory_space<semaphore_mem>>)
      tpu.wait_dma2 semaphore(%run_scoped3A : memref<!tpu.dma_semaphore, #tpu.memory_space<semaphore_mem>>) src(%arg4 : memref<128x8xf32, #tpu.memory_space<hbm>>) dst(%arg7 : memref<128x8xf32, #tpu.memory_space<vmem>>)
      tpu.yield
    }) : () -> ()
    %scan3A = arith.constant 0 : i32
    %scan3A_21 = arith.constant 0 : i32
    %scan3A_22 = arith.constant 5 : i32
    %scan3A_23 = arith.addi %scan3A_21, %scan3A_22 : i32
    %scan3A_24 = arith.constant 1 : i32
    scf.for %scan3A_31 = %scan3A_21 to %scan3A_23 step %scan3A_24  : i32 {
      %mul3A_32 = arith.constant 16 : i32
      %mul3A_33 = arith.muli %scan3A_31, %mul3A_32 : i32
      %add3A_34 = arith.constant 0 : i32
      %add3A_35 = arith.addi %mul3A_33, %add3A_34 : i32
      %dma_start3A = arith.constant 0 : i32
      %dma_start3A_36 = tpu.memref_slice %arg6[%add3A_35, %dma_start3A] : memref<80x128xi32, #tpu.memory_space<vmem>> -> memref<1x128xi32, #tpu.memory_space<vmem>>
      %dma_start3A_37 = tpu.memref_squeeze %dma_start3A_36 : memref<1x128xi32, #tpu.memory_space<vmem>> -> memref<128xi32, #tpu.memory_space<vmem>>
      %dma_start3A_38 = arith.constant 0 : i32
      %dma_start3A_39 = arith.constant 0 : i32
      %dma_start3A_40 = tpu.memref_slice %arg8[%dma_start3A_38, %dma_start3A_39] : memref<10240x8xf32, #tpu.memory_space<vmem_shared>> -> memref<10240x8xf32, #tpu.memory_space<vmem_shared>>
      tpu.enqueue_indirect_dma source(%arg7 : memref<128x8xf32, #tpu.memory_space<vmem>>) target(%dma_start3A_40 : memref<10240x8xf32, #tpu.memory_space<vmem_shared>>) offsets(%dma_start3A_37 : memref<128xi32, #tpu.memory_space<vmem>>) semaphore(%arg9 : memref<!tpu.dma_semaphore, #tpu.memory_space<semaphore_mem>>) {add = true}
      %mul3A_41 = arith.constant 16 : i32
      %mul3A_42 = arith.muli %scan3A_31, %mul3A_41 : i32
      %add3A_43 = arith.constant 1 : i32
      %add3A_44 = arith.addi %mul3A_42, %add3A_43 : i32
      %dma_start3A_45 = arith.constant 0 : i32
      %dma_start3A_46 = tpu.memref_slice %arg6[%add3A_44, %dma_start3A_45] : memref<80x128xi32, #tpu.memory_space<vmem>> -> memref<1x128xi32, #tpu.memory_space<vmem>>
      %dma_start3A_47 = tpu.memref_squeeze %dma_start3A_46 : memref<1x128xi32, #tpu.memory_space<vmem>> -> memref<128xi32, #tpu.memory_space<vmem>>
      %dma_start3A_48 = arith.constant 0 : i32
      %dma_start3A_49 = arith.constant 0 : i32
      %dma_start3A_50 = tpu.memref_slice %arg8[%dma_start3A_48, %dma_start3A_49] : memref<10240x8xf32, #tpu.memory_space<vmem_shared>> -> memref<10240x8xf32, #tpu.memory_space<vmem_shared>>
      tpu.enqueue_indirect_dma source(%arg7 : memref<128x8xf32, #tpu.memory_space<vmem>>) target(%dma_start3A_50 : memref<10240x8xf32, #tpu.memory_space<vmem_shared>>) offsets(%dma_start3A_47 : memref<128xi32, #tpu.memory_space<vmem>>) semaphore(%arg9 : memref<!tpu.dma_semaphore, #tpu.memory_space<semaphore_mem>>) {add = true}
      %mul3A_51 = arith.constant 16 : i32
      %mul3A_52 = arith.muli %scan3A_31, %mul3A_51 : i32
      %add3A_53 = arith.constant 2 : i32
      %add3A_54 = arith.addi %mul3A_52, %add3A_53 : i32
      %dma_start3A_55 = arith.constant 0 : i32
      %dma_start3A_56 = tpu.memref_slice %arg6[%add3A_54, %dma_start3A_55] : memref<80x128xi32, #tpu.memory_space<vmem>> -> memref<1x128xi32, #tpu.memory_space<vmem>>
      %dma_start3A_57 = tpu.memref_squeeze %dma_start3A_56 : memref<1x128xi32, #tpu.memory_space<vmem>> -> memref<128xi32, #tpu.memory_space<vmem>>
      %dma_start3A_58 = arith.constant 0 : i32
      %dma_start3A_59 = arith.constant 0 : i32
      %dma_start3A_60 = tpu.memref_slice %arg8[%dma_start3A_58, %dma_start3A_59] : memref<10240x8xf32, #tpu.memory_space<vmem_shared>> -> memref<10240x8xf32, #tpu.memory_space<vmem_shared>>
      tpu.enqueue_indirect_dma source(%arg7 : memref<128x8xf32, #tpu.memory_space<vmem>>) target(%dma_start3A_60 : memref<10240x8xf32, #tpu.memory_space<vmem_shared>>) offsets(%dma_start3A_57 : memref<128xi32, #tpu.memory_space<vmem>>) semaphore(%arg9 : memref<!tpu.dma_semaphore, #tpu.memory_space<semaphore_mem>>) {add = true}
      %mul3A_61 = arith.constant 16 : i32
      %mul3A_62 = arith.muli %scan3A_31, %mul3A_61 : i32
      %add3A_63 = arith.constant 3 : i32
      %add3A_64 = arith.addi %mul3A_62, %add3A_63 : i32
      %dma_start3A_65 = arith.constant 0 : i32
      %dma_start3A_66 = tpu.memref_slice %arg6[%add3A_64, %dma_start3A_65] : memref<80x128xi32, #tpu.memory_space<vmem>> -> memref<1x128xi32, #tpu.memory_space<vmem>>
      %dma_start3A_67 = tpu.memref_squeeze %dma_start3A_66 : memref<1x128xi32, #tpu.memory_space<vmem>> -> memref<128xi32, #tpu.memory_space<vmem>>
      %dma_start3A_68 = arith.constant 0 : i32
      %dma_start3A_69 = arith.constant 0 : i32
      %dma_start3A_70 = tpu.memref_slice %arg8[%dma_start3A_68, %dma_start3A_69] : memref<10240x8xf32, #tpu.memory_space<vmem_shared>> -> memref<10240x8xf32, #tpu.memory_space<vmem_shared>>
      tpu.enqueue_indirect_dma source(%arg7 : memref<128x8xf32, #tpu.memory_space<vmem>>) target(%dma_start3A_70 : memref<10240x8xf32, #tpu.memory_space<vmem_shared>>) offsets(%dma_start3A_67 : memref<128xi32, #tpu.memory_space<vmem>>) semaphore(%arg9 : memref<!tpu.dma_semaphore, #tpu.memory_space<semaphore_mem>>) {add = true}
      %mul3A_71 = arith.constant 16 : i32
      %mul3A_72 = arith.muli %scan3A_31, %mul3A_71 : i32
      %add3A_73 = arith.constant 4 : i32
      %add3A_74 = arith.addi %mul3A_72, %add3A_73 : i32
      %dma_start3A_75 = arith.constant 0 : i32
      %dma_start3A_76 = tpu.memref_slice %arg6[%add3A_74, %dma_start3A_75] : memref<80x128xi32, #tpu.memory_space<vmem>> -> memref<1x128xi32, #tpu.memory_space<vmem>>
      %dma_start3A_77 = tpu.memref_squeeze %dma_start3A_76 : memref<1x128xi32, #tpu.memory_space<vmem>> -> memref<128xi32, #tpu.memory_space<vmem>>
      %dma_start3A_78 = arith.constant 0 : i32
      %dma_start3A_79 = arith.constant 0 : i32
      %dma_start3A_80 = tpu.memref_slice %arg8[%dma_start3A_78, %dma_start3A_79] : memref<10240x8xf32, #tpu.memory_space<vmem_shared>> -> memref<10240x8xf32, #tpu.memory_space<vmem_shared>>
      tpu.enqueue_indirect_dma source(%arg7 : memref<128x8xf32, #tpu.memory_space<vmem>>) target(%dma_start3A_80 : memref<10240x8xf32, #tpu.memory_space<vmem_shared>>) offsets(%dma_start3A_77 : memref<128xi32, #tpu.memory_space<vmem>>) semaphore(%arg9 : memref<!tpu.dma_semaphore, #tpu.memory_space<semaphore_mem>>) {add = true}
      %mul3A_81 = arith.constant 16 : i32
      %mul3A_82 = arith.muli %scan3A_31, %mul3A_81 : i32
      %add3A_83 = arith.constant 5 : i32
      %add3A_84 = arith.addi %mul3A_82, %add3A_83 : i32
      %dma_start3A_85 = arith.constant 0 : i32
      %dma_start3A_86 = tpu.memref_slice %arg6[%add3A_84, %dma_start3A_85] : memref<80x128xi32, #tpu.memory_space<vmem>> -> memref<1x128xi32, #tpu.memory_space<vmem>>
      %dma_start3A_87 = tpu.memref_squeeze %dma_start3A_86 : memref<1x128xi32, #tpu.memory_space<vmem>> -> memref<128xi32, #tpu.memory_space<vmem>>
      %dma_start3A_88 = arith.constant 0 : i32
      %dma_start3A_89 = arith.constant 0 : i32
      %dma_start3A_90 = tpu.memref_slice %arg8[%dma_start3A_88, %dma_start3A_89] : memref<10240x8xf32, #tpu.memory_space<vmem_shared>> -> memref<10240x8xf32, #tpu.memory_space<vmem_shared>>
      tpu.enqueue_indirect_dma source(%arg7 : memref<128x8xf32, #tpu.memory_space<vmem>>) target(%dma_start3A_90 : memref<10240x8xf32, #tpu.memory_space<vmem_shared>>) offsets(%dma_start3A_87 : memref<128xi32, #tpu.memory_space<vmem>>) semaphore(%arg9 : memref<!tpu.dma_semaphore, #tpu.memory_space<semaphore_mem>>) {add = true}
      %mul3A_91 = arith.constant 16 : i32
      %mul3A_92 = arith.muli %scan3A_31, %mul3A_91 : i32
      %add3A_93 = arith.constant 6 : i32
      %add3A_94 = arith.addi %mul3A_92, %add3A_93 : i32
      %dma_start3A_95 = arith.constant 0 : i32
      %dma_start3A_96 = tpu.memref_slice %arg6[%add3A_94, %dma_start3A_95] : memref<80x128xi32, #tpu.memory_space<vmem>> -> memref<1x128xi32, #tpu.memory_space<vmem>>
      %dma_start3A_97 = tpu.memref_squeeze %dma_start3A_96 : memref<1x128xi32, #tpu.memory_space<vmem>> -> memref<128xi32, #tpu.memory_space<vmem>>
      %dma_start3A_98 = arith.constant 0 : i32
      %dma_start3A_99 = arith.constant 0 : i32
      %dma_start3A_100 = tpu.memref_slice %arg8[%dma_start3A_98, %dma_start3A_99] : memref<10240x8xf32, #tpu.memory_space<vmem_shared>> -> memref<10240x8xf32, #tpu.memory_space<vmem_shared>>
      tpu.enqueue_indirect_dma source(%arg7 : memref<128x8xf32, #tpu.memory_space<vmem>>) target(%dma_start3A_100 : memref<10240x8xf32, #tpu.memory_space<vmem_shared>>) offsets(%dma_start3A_97 : memref<128xi32, #tpu.memory_space<vmem>>) semaphore(%arg9 : memref<!tpu.dma_semaphore, #tpu.memory_space<semaphore_mem>>) {add = true}
      %mul3A_101 = arith.constant 16 : i32
      %mul3A_102 = arith.muli %scan3A_31, %mul3A_101 : i32
      %add3A_103 = arith.constant 7 : i32
      %add3A_104 = arith.addi %mul3A_102, %add3A_103 : i32
      %dma_start3A_105 = arith.constant 0 : i32
      %dma_start3A_106 = tpu.memref_slice %arg6[%add3A_104, %dma_start3A_105] : memref<80x128xi32, #tpu.memory_space<vmem>> -> memref<1x128xi32, #tpu.memory_space<vmem>>
      %dma_start3A_107 = tpu.memref_squeeze %dma_start3A_106 : memref<1x128xi32, #tpu.memory_space<vmem>> -> memref<128xi32, #tpu.memory_space<vmem>>
      %dma_start3A_108 = arith.constant 0 : i32
      %dma_start3A_109 = arith.constant 0 : i32
      %dma_start3A_110 = tpu.memref_slice %arg8[%dma_start3A_108, %dma_start3A_109] : memref<10240x8xf32, #tpu.memory_space<vmem_shared>> -> memref<10240x8xf32, #tpu.memory_space<vmem_shared>>
      tpu.enqueue_indirect_dma source(%arg7 : memref<128x8xf32, #tpu.memory_space<vmem>>) target(%dma_start3A_110 : memref<10240x8xf32, #tpu.memory_space<vmem_shared>>) offsets(%dma_start3A_107 : memref<128xi32, #tpu.memory_space<vmem>>) semaphore(%arg9 : memref<!tpu.dma_semaphore, #tpu.memory_space<semaphore_mem>>) {add = true}
      %mul3A_111 = arith.constant 16 : i32
      %mul3A_112 = arith.muli %scan3A_31, %mul3A_111 : i32
      %add3A_113 = arith.constant 8 : i32
      %add3A_114 = arith.addi %mul3A_112, %add3A_113 : i32
      %dma_start3A_115 = arith.constant 0 : i32
      %dma_start3A_116 = tpu.memref_slice %arg6[%add3A_114, %dma_start3A_115] : memref<80x128xi32, #tpu.memory_space<vmem>> -> memref<1x128xi32, #tpu.memory_space<vmem>>
      %dma_start3A_117 = tpu.memref_squeeze %dma_start3A_116 : memref<1x128xi32, #tpu.memory_space<vmem>> -> memref<128xi32, #tpu.memory_space<vmem>>
      %dma_start3A_118 = arith.constant 0 : i32
      %dma_start3A_119 = arith.constant 0 : i32
      %dma_start3A_120 = tpu.memref_slice %arg8[%dma_start3A_118, %dma_start3A_119] : memref<10240x8xf32, #tpu.memory_space<vmem_shared>> -> memref<10240x8xf32, #tpu.memory_space<vmem_shared>>
      tpu.enqueue_indirect_dma source(%arg7 : memref<128x8xf32, #tpu.memory_space<vmem>>) target(%dma_start3A_120 : memref<10240x8xf32, #tpu.memory_space<vmem_shared>>) offsets(%dma_start3A_117 : memref<128xi32, #tpu.memory_space<vmem>>) semaphore(%arg9 : memref<!tpu.dma_semaphore, #tpu.memory_space<semaphore_mem>>) {add = true}
      %mul3A_121 = arith.constant 16 : i32
      %mul3A_122 = arith.muli %scan3A_31, %mul3A_121 : i32
      %add3A_123 = arith.constant 9 : i32
      %add3A_124 = arith.addi %mul3A_122, %add3A_123 : i32
      %dma_start3A_125 = arith.constant 0 : i32
      %dma_start3A_126 = tpu.memref_slice %arg6[%add3A_124, %dma_start3A_125] : memref<80x128xi32, #tpu.memory_space<vmem>> -> memref<1x128xi32, #tpu.memory_space<vmem>>
      %dma_start3A_127 = tpu.memref_squeeze %dma_start3A_126 : memref<1x128xi32, #tpu.memory_space<vmem>> -> memref<128xi32, #tpu.memory_space<vmem>>
      %dma_start3A_128 = arith.constant 0 : i32
      %dma_start3A_129 = arith.constant 0 : i32
      %dma_start3A_130 = tpu.memref_slice %arg8[%dma_start3A_128, %dma_start3A_129] : memref<10240x8xf32, #tpu.memory_space<vmem_shared>> -> memref<10240x8xf32, #tpu.memory_space<vmem_shared>>
      tpu.enqueue_indirect_dma source(%arg7 : memref<128x8xf32, #tpu.memory_space<vmem>>) target(%dma_start3A_130 : memref<10240x8xf32, #tpu.memory_space<vmem_shared>>) offsets(%dma_start3A_127 : memref<128xi32, #tpu.memory_space<vmem>>) semaphore(%arg9 : memref<!tpu.dma_semaphore, #tpu.memory_space<semaphore_mem>>) {add = true}
      %mul3A_131 = arith.constant 16 : i32
      %mul3A_132 = arith.muli %scan3A_31, %mul3A_131 : i32
      %add3A_133 = arith.constant 10 : i32
      %add3A_134 = arith.addi %mul3A_132, %add3A_133 : i32
      %dma_start3A_135 = arith.constant 0 : i32
      %dma_start3A_136 = tpu.memref_slice %arg6[%add3A_134, %dma_start3A_135] : memref<80x128xi32, #tpu.memory_space<vmem>> -> memref<1x128xi32, #tpu.memory_space<vmem>>
      %dma_start3A_137 = tpu.memref_squeeze %dma_start3A_136 : memref<1x128xi32, #tpu.memory_space<vmem>> -> memref<128xi32, #tpu.memory_space<vmem>>
      %dma_start3A_138 = arith.constant 0 : i32
      %dma_start3A_139 = arith.constant 0 : i32
      %dma_start3A_140 = tpu.memref_slice %arg8[%dma_start3A_138, %dma_start3A_139] : memref<10240x8xf32, #tpu.memory_space<vmem_shared>> -> memref<10240x8xf32, #tpu.memory_space<vmem_shared>>
      tpu.enqueue_indirect_dma source(%arg7 : memref<128x8xf32, #tpu.memory_space<vmem>>) target(%dma_start3A_140 : memref<10240x8xf32, #tpu.memory_space<vmem_shared>>) offsets(%dma_start3A_137 : memref<128xi32, #tpu.memory_space<vmem>>) semaphore(%arg9 : memref<!tpu.dma_semaphore, #tpu.memory_space<semaphore_mem>>) {add = true}
      %mul3A_141 = arith.constant 16 : i32
      %mul3A_142 = arith.muli %scan3A_31, %mul3A_141 : i32
      %add3A_143 = arith.constant 11 : i32
      %add3A_144 = arith.addi %mul3A_142, %add3A_143 : i32
      %dma_start3A_145 = arith.constant 0 : i32
      %dma_start3A_146 = tpu.memref_slice %arg6[%add3A_144, %dma_start3A_145] : memref<80x128xi32, #tpu.memory_space<vmem>> -> memref<1x128xi32, #tpu.memory_space<vmem>>
      %dma_start3A_147 = tpu.memref_squeeze %dma_start3A_146 : memref<1x128xi32, #tpu.memory_space<vmem>> -> memref<128xi32, #tpu.memory_space<vmem>>
      %dma_start3A_148 = arith.constant 0 : i32
      %dma_start3A_149 = arith.constant 0 : i32
      %dma_start3A_150 = tpu.memref_slice %arg8[%dma_start3A_148, %dma_start3A_149] : memref<10240x8xf32, #tpu.memory_space<vmem_shared>> -> memref<10240x8xf32, #tpu.memory_space<vmem_shared>>
      tpu.enqueue_indirect_dma source(%arg7 : memref<128x8xf32, #tpu.memory_space<vmem>>) target(%dma_start3A_150 : memref<10240x8xf32, #tpu.memory_space<vmem_shared>>) offsets(%dma_start3A_147 : memref<128xi32, #tpu.memory_space<vmem>>) semaphore(%arg9 : memref<!tpu.dma_semaphore, #tpu.memory_space<semaphore_mem>>) {add = true}
      %mul3A_151 = arith.constant 16 : i32
      %mul3A_152 = arith.muli %scan3A_31, %mul3A_151 : i32
      %add3A_153 = arith.constant 12 : i32
      %add3A_154 = arith.addi %mul3A_152, %add3A_153 : i32
      %dma_start3A_155 = arith.constant 0 : i32
      %dma_start3A_156 = tpu.memref_slice %arg6[%add3A_154, %dma_start3A_155] : memref<80x128xi32, #tpu.memory_space<vmem>> -> memref<1x128xi32, #tpu.memory_space<vmem>>
      %dma_start3A_157 = tpu.memref_squeeze %dma_start3A_156 : memref<1x128xi32, #tpu.memory_space<vmem>> -> memref<128xi32, #tpu.memory_space<vmem>>
      %dma_start3A_158 = arith.constant 0 : i32
      %dma_start3A_159 = arith.constant 0 : i32
      %dma_start3A_160 = tpu.memref_slice %arg8[%dma_start3A_158, %dma_start3A_159] : memref<10240x8xf32, #tpu.memory_space<vmem_shared>> -> memref<10240x8xf32, #tpu.memory_space<vmem_shared>>
      tpu.enqueue_indirect_dma source(%arg7 : memref<128x8xf32, #tpu.memory_space<vmem>>) target(%dma_start3A_160 : memref<10240x8xf32, #tpu.memory_space<vmem_shared>>) offsets(%dma_start3A_157 : memref<128xi32, #tpu.memory_space<vmem>>) semaphore(%arg9 : memref<!tpu.dma_semaphore, #tpu.memory_space<semaphore_mem>>) {add = true}
      %mul3A_161 = arith.constant 16 : i32
      %mul3A_162 = arith.muli %scan3A_31, %mul3A_161 : i32
      %add3A_163 = arith.constant 13 : i32
      %add3A_164 = arith.addi %mul3A_162, %add3A_163 : i32
      %dma_start3A_165 = arith.constant 0 : i32
      %dma_start3A_166 = tpu.memref_slice %arg6[%add3A_164, %dma_start3A_165] : memref<80x128xi32, #tpu.memory_space<vmem>> -> memref<1x128xi32, #tpu.memory_space<vmem>>
      %dma_start3A_167 = tpu.memref_squeeze %dma_start3A_166 : memref<1x128xi32, #tpu.memory_space<vmem>> -> memref<128xi32, #tpu.memory_space<vmem>>
      %dma_start3A_168 = arith.constant 0 : i32
      %dma_start3A_169 = arith.constant 0 : i32
      %dma_start3A_170 = tpu.memref_slice %arg8[%dma_start3A_168, %dma_start3A_169] : memref<10240x8xf32, #tpu.memory_space<vmem_shared>> -> memref<10240x8xf32, #tpu.memory_space<vmem_shared>>
      tpu.enqueue_indirect_dma source(%arg7 : memref<128x8xf32, #tpu.memory_space<vmem>>) target(%dma_start3A_170 : memref<10240x8xf32, #tpu.memory_space<vmem_shared>>) offsets(%dma_start3A_167 : memref<128xi32, #tpu.memory_space<vmem>>) semaphore(%arg9 : memref<!tpu.dma_semaphore, #tpu.memory_space<semaphore_mem>>) {add = true}
      %mul3A_171 = arith.constant 16 : i32
      %mul3A_172 = arith.muli %scan3A_31, %mul3A_171 : i32
      %add3A_173 = arith.constant 14 : i32
      %add3A_174 = arith.addi %mul3A_172, %add3A_173 : i32
      %dma_start3A_175 = arith.constant 0 : i32
      %dma_start3A_176 = tpu.memref_slice %arg6[%add3A_174, %dma_start3A_175] : memref<80x128xi32, #tpu.memory_space<vmem>> -> memref<1x128xi32, #tpu.memory_space<vmem>>
      %dma_start3A_177 = tpu.memref_squeeze %dma_start3A_176 : memref<1x128xi32, #tpu.memory_space<vmem>> -> memref<128xi32, #tpu.memory_space<vmem>>
      %dma_start3A_178 = arith.constant 0 : i32
      %dma_start3A_179 = arith.constant 0 : i32
      %dma_start3A_180 = tpu.memref_slice %arg8[%dma_start3A_178, %dma_start3A_179] : memref<10240x8xf32, #tpu.memory_space<vmem_shared>> -> memref<10240x8xf32, #tpu.memory_space<vmem_shared>>
      tpu.enqueue_indirect_dma source(%arg7 : memref<128x8xf32, #tpu.memory_space<vmem>>) target(%dma_start3A_180 : memref<10240x8xf32, #tpu.memory_space<vmem_shared>>) offsets(%dma_start3A_177 : memref<128xi32, #tpu.memory_space<vmem>>) semaphore(%arg9 : memref<!tpu.dma_semaphore, #tpu.memory_space<semaphore_mem>>) {add = true}
      %mul3A_181 = arith.constant 16 : i32
      %mul3A_182 = arith.muli %scan3A_31, %mul3A_181 : i32
      %add3A_183 = arith.constant 15 : i32
      %add3A_184 = arith.addi %mul3A_182, %add3A_183 : i32
      %dma_start3A_185 = arith.constant 0 : i32
      %dma_start3A_186 = tpu.memref_slice %arg6[%add3A_184, %dma_start3A_185] : memref<80x128xi32, #tpu.memory_space<vmem>> -> memref<1x128xi32, #tpu.memory_space<vmem>>
      %dma_start3A_187 = tpu.memref_squeeze %dma_start3A_186 : memref<1x128xi32, #tpu.memory_space<vmem>> -> memref<128xi32, #tpu.memory_space<vmem>>
      %dma_start3A_188 = arith.constant 0 : i32
      %dma_start3A_189 = arith.constant 0 : i32
      %dma_start3A_190 = tpu.memref_slice %arg8[%dma_start3A_188, %dma_start3A_189] : memref<10240x8xf32, #tpu.memory_space<vmem_shared>> -> memref<10240x8xf32, #tpu.memory_space<vmem_shared>>
      tpu.enqueue_indirect_dma source(%arg7 : memref<128x8xf32, #tpu.memory_space<vmem>>) target(%dma_start3A_190 : memref<10240x8xf32, #tpu.memory_space<vmem_shared>>) offsets(%dma_start3A_187 : memref<128xi32, #tpu.memory_space<vmem>>) semaphore(%arg9 : memref<!tpu.dma_semaphore, #tpu.memory_space<semaphore_mem>>) {add = true}
      %mul3A_191 = arith.constant 16 : i32
      %mul3A_192 = arith.muli %scan3A_31, %mul3A_191 : i32
      %add3A_193 = arith.constant 0 : i32
      %add3A_194 = arith.addi %mul3A_192, %add3A_193 : i32
      %dma_wait3A = arith.constant 0 : i32
      %dma_wait3A_195 = tpu.memref_slice %arg6[%add3A_194, %dma_wait3A] : memref<80x128xi32, #tpu.memory_space<vmem>> -> memref<1x128xi32, #tpu.memory_space<vmem>>
      %dma_wait3A_196 = tpu.memref_squeeze %dma_wait3A_195 : memref<1x128xi32, #tpu.memory_space<vmem>> -> memref<128xi32, #tpu.memory_space<vmem>>
      %dma_wait3A_197 = arith.constant 0 : i32
      %dma_wait3A_198 = arith.constant 0 : i32
      %dma_wait3A_199 = tpu.memref_slice %arg8[%dma_wait3A_197, %dma_wait3A_198] : memref<10240x8xf32, #tpu.memory_space<vmem_shared>> -> memref<10240x8xf32, #tpu.memory_space<vmem_shared>>
      tpu.wait_indirect_dma semaphore(%arg9 : memref<!tpu.dma_semaphore, #tpu.memory_space<semaphore_mem>>) src(%arg7 : memref<128x8xf32, #tpu.memory_space<vmem>>) dst(%dma_wait3A_199 : memref<10240x8xf32, #tpu.memory_space<vmem_shared>>)
      %mul3A_200 = arith.constant 16 : i32
      %mul3A_201 = arith.muli %scan3A_31, %mul3A_200 : i32
      %add3A_202 = arith.constant 1 : i32
      %add3A_203 = arith.addi %mul3A_201, %add3A_202 : i32
      %dma_wait3A_204 = arith.constant 0 : i32
      %dma_wait3A_205 = tpu.memref_slice %arg6[%add3A_203, %dma_wait3A_204] : memref<80x128xi32, #tpu.memory_space<vmem>> -> memref<1x128xi32, #tpu.memory_space<vmem>>
      %dma_wait3A_206 = tpu.memref_squeeze %dma_wait3A_205 : memref<1x128xi32, #tpu.memory_space<vmem>> -> memref<128xi32, #tpu.memory_space<vmem>>
      %dma_wait3A_207 = arith.constant 0 : i32
      %dma_wait3A_208 = arith.constant 0 : i32
      %dma_wait3A_209 = tpu.memref_slice %arg8[%dma_wait3A_207, %dma_wait3A_208] : memref<10240x8xf32, #tpu.memory_space<vmem_shared>> -> memref<10240x8xf32, #tpu.memory_space<vmem_shared>>
      tpu.wait_indirect_dma semaphore(%arg9 : memref<!tpu.dma_semaphore, #tpu.memory_space<semaphore_mem>>) src(%arg7 : memref<128x8xf32, #tpu.memory_space<vmem>>) dst(%dma_wait3A_209 : memref<10240x8xf32, #tpu.memory_space<vmem_shared>>)
      %mul3A_210 = arith.constant 16 : i32
      %mul3A_211 = arith.muli %scan3A_31, %mul3A_210 : i32
      %add3A_212 = arith.constant 2 : i32
      %add3A_213 = arith.addi %mul3A_211, %add3A_212 : i32
      %dma_wait3A_214 = arith.constant 0 : i32
      %dma_wait3A_215 = tpu.memref_slice %arg6[%add3A_213, %dma_wait3A_214] : memref<80x128xi32, #tpu.memory_space<vmem>> -> memref<1x128xi32, #tpu.memory_space<vmem>>
      %dma_wait3A_216 = tpu.memref_squeeze %dma_wait3A_215 : memref<1x128xi32, #tpu.memory_space<vmem>> -> memref<128xi32, #tpu.memory_space<vmem>>
      %dma_wait3A_217 = arith.constant 0 : i32
      %dma_wait3A_218 = arith.constant 0 : i32
      %dma_wait3A_219 = tpu.memref_slice %arg8[%dma_wait3A_217, %dma_wait3A_218] : memref<10240x8xf32, #tpu.memory_space<vmem_shared>> -> memref<10240x8xf32, #tpu.memory_space<vmem_shared>>
      tpu.wait_indirect_dma semaphore(%arg9 : memref<!tpu.dma_semaphore, #tpu.memory_space<semaphore_mem>>) src(%arg7 : memref<128x8xf32, #tpu.memory_space<vmem>>) dst(%dma_wait3A_219 : memref<10240x8xf32, #tpu.memory_space<vmem_shared>>)
      %mul3A_220 = arith.constant 16 : i32
      %mul3A_221 = arith.muli %scan3A_31, %mul3A_220 : i32
      %add3A_222 = arith.constant 3 : i32
      %add3A_223 = arith.addi %mul3A_221, %add3A_222 : i32
      %dma_wait3A_224 = arith.constant 0 : i32
      %dma_wait3A_225 = tpu.memref_slice %arg6[%add3A_223, %dma_wait3A_224] : memref<80x128xi32, #tpu.memory_space<vmem>> -> memref<1x128xi32, #tpu.memory_space<vmem>>
      %dma_wait3A_226 = tpu.memref_squeeze %dma_wait3A_225 : memref<1x128xi32, #tpu.memory_space<vmem>> -> memref<128xi32, #tpu.memory_space<vmem>>
      %dma_wait3A_227 = arith.constant 0 : i32
      %dma_wait3A_228 = arith.constant 0 : i32
      %dma_wait3A_229 = tpu.memref_slice %arg8[%dma_wait3A_227, %dma_wait3A_228] : memref<10240x8xf32, #tpu.memory_space<vmem_shared>> -> memref<10240x8xf32, #tpu.memory_space<vmem_shared>>
      tpu.wait_indirect_dma semaphore(%arg9 : memref<!tpu.dma_semaphore, #tpu.memory_space<semaphore_mem>>) src(%arg7 : memref<128x8xf32, #tpu.memory_space<vmem>>) dst(%dma_wait3A_229 : memref<10240x8xf32, #tpu.memory_space<vmem_shared>>)
      %mul3A_230 = arith.constant 16 : i32
      %mul3A_231 = arith.muli %scan3A_31, %mul3A_230 : i32
      %add3A_232 = arith.constant 4 : i32
      %add3A_233 = arith.addi %mul3A_231, %add3A_232 : i32
      %dma_wait3A_234 = arith.constant 0 : i32
      %dma_wait3A_235 = tpu.memref_slice %arg6[%add3A_233, %dma_wait3A_234] : memref<80x128xi32, #tpu.memory_space<vmem>> -> memref<1x128xi32, #tpu.memory_space<vmem>>
      %dma_wait3A_236 = tpu.memref_squeeze %dma_wait3A_235 : memref<1x128xi32, #tpu.memory_space<vmem>> -> memref<128xi32, #tpu.memory_space<vmem>>
      %dma_wait3A_237 = arith.constant 0 : i32
      %dma_wait3A_238 = arith.constant 0 : i32
      %dma_wait3A_239 = tpu.memref_slice %arg8[%dma_wait3A_237, %dma_wait3A_238] : memref<10240x8xf32, #tpu.memory_space<vmem_shared>> -> memref<10240x8xf32, #tpu.memory_space<vmem_shared>>
      tpu.wait_indirect_dma semaphore(%arg9 : memref<!tpu.dma_semaphore, #tpu.memory_space<semaphore_mem>>) src(%arg7 : memref<128x8xf32, #tpu.memory_space<vmem>>) dst(%dma_wait3A_239 : memref<10240x8xf32, #tpu.memory_space<vmem_shared>>)
      %mul3A_240 = arith.constant 16 : i32
      %mul3A_241 = arith.muli %scan3A_31, %mul3A_240 : i32
      %add3A_242 = arith.constant 5 : i32
      %add3A_243 = arith.addi %mul3A_241, %add3A_242 : i32
      %dma_wait3A_244 = arith.constant 0 : i32
      %dma_wait3A_245 = tpu.memref_slice %arg6[%add3A_243, %dma_wait3A_244] : memref<80x128xi32, #tpu.memory_space<vmem>> -> memref<1x128xi32, #tpu.memory_space<vmem>>
      %dma_wait3A_246 = tpu.memref_squeeze %dma_wait3A_245 : memref<1x128xi32, #tpu.memory_space<vmem>> -> memref<128xi32, #tpu.memory_space<vmem>>
      %dma_wait3A_247 = arith.constant 0 : i32
      %dma_wait3A_248 = arith.constant 0 : i32
      %dma_wait3A_249 = tpu.memref_slice %arg8[%dma_wait3A_247, %dma_wait3A_248] : memref<10240x8xf32, #tpu.memory_space<vmem_shared>> -> memref<10240x8xf32, #tpu.memory_space<vmem_shared>>
      tpu.wait_indirect_dma semaphore(%arg9 : memref<!tpu.dma_semaphore, #tpu.memory_space<semaphore_mem>>) src(%arg7 : memref<128x8xf32, #tpu.memory_space<vmem>>) dst(%dma_wait3A_249 : memref<10240x8xf32, #tpu.memory_space<vmem_shared>>)
      %mul3A_250 = arith.constant 16 : i32
      %mul3A_251 = arith.muli %scan3A_31, %mul3A_250 : i32
      %add3A_252 = arith.constant 6 : i32
      %add3A_253 = arith.addi %mul3A_251, %add3A_252 : i32
      %dma_wait3A_254 = arith.constant 0 : i32
      %dma_wait3A_255 = tpu.memref_slice %arg6[%add3A_253, %dma_wait3A_254] : memref<80x128xi32, #tpu.memory_space<vmem>> -> memref<1x128xi32, #tpu.memory_space<vmem>>
      %dma_wait3A_256 = tpu.memref_squeeze %dma_wait3A_255 : memref<1x128xi32, #tpu.memory_space<vmem>> -> memref<128xi32, #tpu.memory_space<vmem>>
      %dma_wait3A_257 = arith.constant 0 : i32
      %dma_wait3A_258 = arith.constant 0 : i32
      %dma_wait3A_259 = tpu.memref_slice %arg8[%dma_wait3A_257, %dma_wait3A_258] : memref<10240x8xf32, #tpu.memory_space<vmem_shared>> -> memref<10240x8xf32, #tpu.memory_space<vmem_shared>>
      tpu.wait_indirect_dma semaphore(%arg9 : memref<!tpu.dma_semaphore, #tpu.memory_space<semaphore_mem>>) src(%arg7 : memref<128x8xf32, #tpu.memory_space<vmem>>) dst(%dma_wait3A_259 : memref<10240x8xf32, #tpu.memory_space<vmem_shared>>)
      %mul3A_260 = arith.constant 16 : i32
      %mul3A_261 = arith.muli %scan3A_31, %mul3A_260 : i32
      %add3A_262 = arith.constant 7 : i32
      %add3A_263 = arith.addi %mul3A_261, %add3A_262 : i32
      %dma_wait3A_264 = arith.constant 0 : i32
      %dma_wait3A_265 = tpu.memref_slice %arg6[%add3A_263, %dma_wait3A_264] : memref<80x128xi32, #tpu.memory_space<vmem>> -> memref<1x128xi32, #tpu.memory_space<vmem>>
      %dma_wait3A_266 = tpu.memref_squeeze %dma_wait3A_265 : memref<1x128xi32, #tpu.memory_space<vmem>> -> memref<128xi32, #tpu.memory_space<vmem>>
      %dma_wait3A_267 = arith.constant 0 : i32
      %dma_wait3A_268 = arith.constant 0 : i32
      %dma_wait3A_269 = tpu.memref_slice %arg8[%dma_wait3A_267, %dma_wait3A_268] : memref<10240x8xf32, #tpu.memory_space<vmem_shared>> -> memref<10240x8xf32, #tpu.memory_space<vmem_shared>>
      tpu.wait_indirect_dma semaphore(%arg9 : memref<!tpu.dma_semaphore, #tpu.memory_space<semaphore_mem>>) src(%arg7 : memref<128x8xf32, #tpu.memory_space<vmem>>) dst(%dma_wait3A_269 : memref<10240x8xf32, #tpu.memory_space<vmem_shared>>)
      %mul3A_270 = arith.constant 16 : i32
      %mul3A_271 = arith.muli %scan3A_31, %mul3A_270 : i32
      %add3A_272 = arith.constant 8 : i32
      %add3A_273 = arith.addi %mul3A_271, %add3A_272 : i32
      %dma_wait3A_274 = arith.constant 0 : i32
      %dma_wait3A_275 = tpu.memref_slice %arg6[%add3A_273, %dma_wait3A_274] : memref<80x128xi32, #tpu.memory_space<vmem>> -> memref<1x128xi32, #tpu.memory_space<vmem>>
      %dma_wait3A_276 = tpu.memref_squeeze %dma_wait3A_275 : memref<1x128xi32, #tpu.memory_space<vmem>> -> memref<128xi32, #tpu.memory_space<vmem>>
      %dma_wait3A_277 = arith.constant 0 : i32
      %dma_wait3A_278 = arith.constant 0 : i32
      %dma_wait3A_279 = tpu.memref_slice %arg8[%dma_wait3A_277, %dma_wait3A_278] : memref<10240x8xf32, #tpu.memory_space<vmem_shared>> -> memref<10240x8xf32, #tpu.memory_space<vmem_shared>>
      tpu.wait_indirect_dma semaphore(%arg9 : memref<!tpu.dma_semaphore, #tpu.memory_space<semaphore_mem>>) src(%arg7 : memref<128x8xf32, #tpu.memory_space<vmem>>) dst(%dma_wait3A_279 : memref<10240x8xf32, #tpu.memory_space<vmem_shared>>)
      %mul3A_280 = arith.constant 16 : i32
      %mul3A_281 = arith.muli %scan3A_31, %mul3A_280 : i32
      %add3A_282 = arith.constant 9 : i32
      %add3A_283 = arith.addi %mul3A_281, %add3A_282 : i32
      %dma_wait3A_284 = arith.constant 0 : i32
      %dma_wait3A_285 = tpu.memref_slice %arg6[%add3A_283, %dma_wait3A_284] : memref<80x128xi32, #tpu.memory_space<vmem>> -> memref<1x128xi32, #tpu.memory_space<vmem>>
      %dma_wait3A_286 = tpu.memref_squeeze %dma_wait3A_285 : memref<1x128xi32, #tpu.memory_space<vmem>> -> memref<128xi32, #tpu.memory_space<vmem>>
      %dma_wait3A_287 = arith.constant 0 : i32
      %dma_wait3A_288 = arith.constant 0 : i32
      %dma_wait3A_289 = tpu.memref_slice %arg8[%dma_wait3A_287, %dma_wait3A_288] : memref<10240x8xf32, #tpu.memory_space<vmem_shared>> -> memref<10240x8xf32, #tpu.memory_space<vmem_shared>>
      tpu.wait_indirect_dma semaphore(%arg9 : memref<!tpu.dma_semaphore, #tpu.memory_space<semaphore_mem>>) src(%arg7 : memref<128x8xf32, #tpu.memory_space<vmem>>) dst(%dma_wait3A_289 : memref<10240x8xf32, #tpu.memory_space<vmem_shared>>)
      %mul3A_290 = arith.constant 16 : i32
      %mul3A_291 = arith.muli %scan3A_31, %mul3A_290 : i32
      %add3A_292 = arith.constant 10 : i32
      %add3A_293 = arith.addi %mul3A_291, %add3A_292 : i32
      %dma_wait3A_294 = arith.constant 0 : i32
      %dma_wait3A_295 = tpu.memref_slice %arg6[%add3A_293, %dma_wait3A_294] : memref<80x128xi32, #tpu.memory_space<vmem>> -> memref<1x128xi32, #tpu.memory_space<vmem>>
      %dma_wait3A_296 = tpu.memref_squeeze %dma_wait3A_295 : memref<1x128xi32, #tpu.memory_space<vmem>> -> memref<128xi32, #tpu.memory_space<vmem>>
      %dma_wait3A_297 = arith.constant 0 : i32
      %dma_wait3A_298 = arith.constant 0 : i32
      %dma_wait3A_299 = tpu.memref_slice %arg8[%dma_wait3A_297, %dma_wait3A_298] : memref<10240x8xf32, #tpu.memory_space<vmem_shared>> -> memref<10240x8xf32, #tpu.memory_space<vmem_shared>>
      tpu.wait_indirect_dma semaphore(%arg9 : memref<!tpu.dma_semaphore, #tpu.memory_space<semaphore_mem>>) src(%arg7 : memref<128x8xf32, #tpu.memory_space<vmem>>) dst(%dma_wait3A_299 : memref<10240x8xf32, #tpu.memory_space<vmem_shared>>)
      %mul3A_300 = arith.constant 16 : i32
      %mul3A_301 = arith.muli %scan3A_31, %mul3A_300 : i32
      %add3A_302 = arith.constant 11 : i32
      %add3A_303 = arith.addi %mul3A_301, %add3A_302 : i32
      %dma_wait3A_304 = arith.constant 0 : i32
      %dma_wait3A_305 = tpu.memref_slice %arg6[%add3A_303, %dma_wait3A_304] : memref<80x128xi32, #tpu.memory_space<vmem>> -> memref<1x128xi32, #tpu.memory_space<vmem>>
      %dma_wait3A_306 = tpu.memref_squeeze %dma_wait3A_305 : memref<1x128xi32, #tpu.memory_space<vmem>> -> memref<128xi32, #tpu.memory_space<vmem>>
      %dma_wait3A_307 = arith.constant 0 : i32
      %dma_wait3A_308 = arith.constant 0 : i32
      %dma_wait3A_309 = tpu.memref_slice %arg8[%dma_wait3A_307, %dma_wait3A_308] : memref<10240x8xf32, #tpu.memory_space<vmem_shared>> -> memref<10240x8xf32, #tpu.memory_space<vmem_shared>>
      tpu.wait_indirect_dma semaphore(%arg9 : memref<!tpu.dma_semaphore, #tpu.memory_space<semaphore_mem>>) src(%arg7 : memref<128x8xf32, #tpu.memory_space<vmem>>) dst(%dma_wait3A_309 : memref<10240x8xf32, #tpu.memory_space<vmem_shared>>)
      %mul3A_310 = arith.constant 16 : i32
      %mul3A_311 = arith.muli %scan3A_31, %mul3A_310 : i32
      %add3A_312 = arith.constant 12 : i32
      %add3A_313 = arith.addi %mul3A_311, %add3A_312 : i32
      %dma_wait3A_314 = arith.constant 0 : i32
      %dma_wait3A_315 = tpu.memref_slice %arg6[%add3A_313, %dma_wait3A_314] : memref<80x128xi32, #tpu.memory_space<vmem>> -> memref<1x128xi32, #tpu.memory_space<vmem>>
      %dma_wait3A_316 = tpu.memref_squeeze %dma_wait3A_315 : memref<1x128xi32, #tpu.memory_space<vmem>> -> memref<128xi32, #tpu.memory_space<vmem>>
      %dma_wait3A_317 = arith.constant 0 : i32
      %dma_wait3A_318 = arith.constant 0 : i32
      %dma_wait3A_319 = tpu.memref_slice %arg8[%dma_wait3A_317, %dma_wait3A_318] : memref<10240x8xf32, #tpu.memory_space<vmem_shared>> -> memref<10240x8xf32, #tpu.memory_space<vmem_shared>>
      tpu.wait_indirect_dma semaphore(%arg9 : memref<!tpu.dma_semaphore, #tpu.memory_space<semaphore_mem>>) src(%arg7 : memref<128x8xf32, #tpu.memory_space<vmem>>) dst(%dma_wait3A_319 : memref<10240x8xf32, #tpu.memory_space<vmem_shared>>)
      %mul3A_320 = arith.constant 16 : i32
      %mul3A_321 = arith.muli %scan3A_31, %mul3A_320 : i32
      %add3A_322 = arith.constant 13 : i32
      %add3A_323 = arith.addi %mul3A_321, %add3A_322 : i32
      %dma_wait3A_324 = arith.constant 0 : i32
      %dma_wait3A_325 = tpu.memref_slice %arg6[%add3A_323, %dma_wait3A_324] : memref<80x128xi32, #tpu.memory_space<vmem>> -> memref<1x128xi32, #tpu.memory_space<vmem>>
      %dma_wait3A_326 = tpu.memref_squeeze %dma_wait3A_325 : memref<1x128xi32, #tpu.memory_space<vmem>> -> memref<128xi32, #tpu.memory_space<vmem>>
      %dma_wait3A_327 = arith.constant 0 : i32
      %dma_wait3A_328 = arith.constant 0 : i32
      %dma_wait3A_329 = tpu.memref_slice %arg8[%dma_wait3A_327, %dma_wait3A_328] : memref<10240x8xf32, #tpu.memory_space<vmem_shared>> -> memref<10240x8xf32, #tpu.memory_space<vmem_shared>>
      tpu.wait_indirect_dma semaphore(%arg9 : memref<!tpu.dma_semaphore, #tpu.memory_space<semaphore_mem>>) src(%arg7 : memref<128x8xf32, #tpu.memory_space<vmem>>) dst(%dma_wait3A_329 : memref<10240x8xf32, #tpu.memory_space<vmem_shared>>)
      %mul3A_330 = arith.constant 16 : i32
      %mul3A_331 = arith.muli %scan3A_31, %mul3A_330 : i32
      %add3A_332 = arith.constant 14 : i32
      %add3A_333 = arith.addi %mul3A_331, %add3A_332 : i32
      %dma_wait3A_334 = arith.constant 0 : i32
      %dma_wait3A_335 = tpu.memref_slice %arg6[%add3A_333, %dma_wait3A_334] : memref<80x128xi32, #tpu.memory_space<vmem>> -> memref<1x128xi32, #tpu.memory_space<vmem>>
      %dma_wait3A_336 = tpu.memref_squeeze %dma_wait3A_335 : memref<1x128xi32, #tpu.memory_space<vmem>> -> memref<128xi32, #tpu.memory_space<vmem>>
      %dma_wait3A_337 = arith.constant 0 : i32
      %dma_wait3A_338 = arith.constant 0 : i32
      %dma_wait3A_339 = tpu.memref_slice %arg8[%dma_wait3A_337, %dma_wait3A_338] : memref<10240x8xf32, #tpu.memory_space<vmem_shared>> -> memref<10240x8xf32, #tpu.memory_space<vmem_shared>>
      tpu.wait_indirect_dma semaphore(%arg9 : memref<!tpu.dma_semaphore, #tpu.memory_space<semaphore_mem>>) src(%arg7 : memref<128x8xf32, #tpu.memory_space<vmem>>) dst(%dma_wait3A_339 : memref<10240x8xf32, #tpu.memory_space<vmem_shared>>)
      %mul3A_340 = arith.constant 16 : i32
      %mul3A_341 = arith.muli %scan3A_31, %mul3A_340 : i32
      %add3A_342 = arith.constant 15 : i32
      %add3A_343 = arith.addi %mul3A_341, %add3A_342 : i32
      %dma_wait3A_344 = arith.constant 0 : i32
      %dma_wait3A_345 = tpu.memref_slice %arg6[%add3A_343, %dma_wait3A_344] : memref<80x128xi32, #tpu.memory_space<vmem>> -> memref<1x128xi32, #tpu.memory_space<vmem>>
      %dma_wait3A_346 = tpu.memref_squeeze %dma_wait3A_345 : memref<1x128xi32, #tpu.memory_space<vmem>> -> memref<128xi32, #tpu.memory_space<vmem>>
      %dma_wait3A_347 = arith.constant 0 : i32
      %dma_wait3A_348 = arith.constant 0 : i32
      %dma_wait3A_349 = tpu.memref_slice %arg8[%dma_wait3A_347, %dma_wait3A_348] : memref<10240x8xf32, #tpu.memory_space<vmem_shared>> -> memref<10240x8xf32, #tpu.memory_space<vmem_shared>>
      tpu.wait_indirect_dma semaphore(%arg9 : memref<!tpu.dma_semaphore, #tpu.memory_space<semaphore_mem>>) src(%arg7 : memref<128x8xf32, #tpu.memory_space<vmem>>) dst(%dma_wait3A_349 : memref<10240x8xf32, #tpu.memory_space<vmem_shared>>)
    }
    %scan3A_25 = arith.constant 5 : i32
    %barrier3A_26 = arith.constant 0 : index
    tpu.barrier barrier_id(%barrier3A_26)
    %mul3A_27 = arith.constant 640 : i32
    %mul3A_28 = arith.muli %arg1, %mul3A_27 : i32
    %mul3A_29 = arith.constant 640 : i32
    %mul3A_30 = arith.muli %arg1, %mul3A_29 : i32
    "tpu.region"() ({
      %run_scoped3A = tpu.sem_alloc : memref<!tpu.dma_semaphore, #tpu.memory_space<semaphore_mem>>
      %dma_start3A = arith.constant 0 : i32
      %dma_start3A_31 = tpu.memref_slice %arg5[%arg0, %mul3A_30, %dma_start3A] : memref<2x10240x8xf32, #tpu.memory_space<hbm>> -> memref<1x640x8xf32, #tpu.memory_space<hbm>>
      %dma_start3A_32 = tpu.memref_squeeze %dma_start3A_31 : memref<1x640x8xf32, #tpu.memory_space<hbm>> -> memref<640x8xf32, #tpu.memory_space<hbm>>
      %dma_start3A_33 = arith.constant 0 : i32
      %dma_start3A_34 = tpu.memref_slice %arg8[%mul3A_28, %dma_start3A_33] : memref<10240x8xf32, #tpu.memory_space<vmem_shared>> -> memref<640x8xf32, #tpu.memory_space<vmem_shared>>
      tpu.enqueue_dma source(%dma_start3A_34 : memref<640x8xf32, #tpu.memory_space<vmem_shared>>) target(%dma_start3A_32 : memref<640x8xf32, #tpu.memory_space<hbm>>) target_semaphore(%run_scoped3A : memref<!tpu.dma_semaphore, #tpu.memory_space<semaphore_mem>>)
      %dma_wait3A = arith.constant 0 : i32
      %dma_wait3A_35 = tpu.memref_slice %arg5[%arg0, %mul3A_30, %dma_wait3A] : memref<2x10240x8xf32, #tpu.memory_space<hbm>> -> memref<1x640x8xf32, #tpu.memory_space<hbm>>
      %dma_wait3A_36 = tpu.memref_squeeze %dma_wait3A_35 : memref<1x640x8xf32, #tpu.memory_space<hbm>> -> memref<640x8xf32, #tpu.memory_space<hbm>>
      %dma_wait3A_37 = arith.constant 0 : i32
      %dma_wait3A_38 = tpu.memref_slice %arg8[%mul3A_28, %dma_wait3A_37] : memref<10240x8xf32, #tpu.memory_space<vmem_shared>> -> memref<640x8xf32, #tpu.memory_space<vmem_shared>>
      tpu.wait_dma2 semaphore(%run_scoped3A : memref<!tpu.dma_semaphore, #tpu.memory_space<semaphore_mem>>) src(%dma_wait3A_38 : memref<640x8xf32, #tpu.memory_space<vmem_shared>>) dst(%dma_wait3A_36 : memref<640x8xf32, #tpu.memory_space<hbm>>)
      tpu.yield
    }) : () -> ()
    return
  }
}

module attributes {stable_mosaic.version = 14 : i64} {
  func.func @_tc1_body(%arg0: i32, %arg1: memref<2x400x8xf32, #tpu.memory_space<vmem>>, %arg2: memref<400x128xf32, #tpu.memory_space<vmem>>, %arg3: memref<128x128xf32, #tpu.memory_space<vmem>>, %arg4: memref<400x128xf32, #tpu.memory_space<vmem>>, %arg5: memref<400x1xf32, #tpu.memory_space<vmem>>) attributes {dimension_semantics = [#tpu.dimension_semantics<arbitrary>], iteration_bounds = array<i64: 25>, scalar_prefetch = 0 : i64, scratch_operands = 0 : i64, tpu.core_type = #tpu.core_type<tc>, window_params = [{transform_indices = @transform_0, window_bounds = array<i64: 2, 400, 8>}, {transform_indices = @transform_1, window_bounds = array<i64: 400, 128>}, {pipeline_mode = #tpu.pipeline_mode<synchronous>, transform_indices = @transform_2, window_bounds = array<i64: 128, 128>}, {transform_indices = @transform_3, window_bounds = array<i64: 400, 128>}, {transform_indices = @transform_4, window_bounds = array<i64: 400, 1>}]} {
    %get3A = arith.constant 0 : index
    %get3A_0 = arith.constant 0 : index
    %get3A_1 = arith.constant 0 : index
    %get3A_2 = vector.load %arg1[%get3A, %get3A_0, %get3A_1] : memref<2x400x8xf32, #tpu.memory_space<vmem>>, vector<1x400x1xf32>
    %get3A_3 = vector.shape_cast %get3A_2 : vector<1x400x1xf32> to vector<400x1xf32>
    %get3A_4 = arith.constant 1 : index
    %get3A_5 = arith.constant 0 : index
    %get3A_6 = arith.constant 0 : index
    %get3A_7 = vector.load %arg1[%get3A_4, %get3A_5, %get3A_6] : memref<2x400x8xf32, #tpu.memory_space<vmem>>, vector<1x400x1xf32>
    %get3A_8 = vector.shape_cast %get3A_7 : vector<1x400x1xf32> to vector<400x1xf32>
    %add3A = arith.addf %get3A_3, %get3A_8 : vector<400x1xf32>
    %max3A = arith.constant 1.000000e+00 : f32
    %max3A_9 = vector.broadcast %max3A : f32 to vector<400x1xf32>
    %max3A_10 = arith.maximumf %add3A, %max3A_9 : vector<400x1xf32>
    %rsqrt3A = math.rsqrt %max3A_10 : vector<400x1xf32>
    %get3A_11 = arith.constant 0 : index
    %get3A_12 = arith.constant 0 : index
    %get3A_13 = vector.load %arg2[%get3A_11, %get3A_12] : memref<400x128xf32, #tpu.memory_space<vmem>>, vector<400x128xf32>
    %get3A_14 = arith.constant 0 : index
    %get3A_15 = arith.constant 0 : index
    %get3A_16 = vector.load %arg3[%get3A_14, %get3A_15] : memref<128x128xf32, #tpu.memory_space<vmem>>, vector<128x128xf32>
    %dot_general3A = arith.constant dense<0.000000e+00> : vector<400x128xf32>
    %dot_general3A_17 = tpu.matmul %get3A_13, %get3A_16, %dot_general3A {dimension_numbers = #tpu.dot_dimension_numbers<[1], [0], [0], [1], [0, 0, 1, 1], [], []>, transpose_lhs_hint = false} : vector<400x128xf32>, vector<128x128xf32>, vector<400x128xf32> -> vector<400x128xf32>
    %mul3A = vector.broadcast %rsqrt3A : vector<400x1xf32> to vector<400x128xf32>
    %mul3A_18 = arith.mulf %dot_general3A_17, %mul3A : vector<400x128xf32>
    %swap3A = arith.constant 0 : index
    %swap3A_19 = arith.constant 0 : index
    %swap3A_20 = vector.load %arg4[%swap3A, %swap3A_19] : memref<400x128xf32, #tpu.memory_space<vmem>>, vector<400x128xf32>
    tpu.vector_store %arg4[%swap3A, %swap3A_19], %mul3A_18 {strides = array<i32>} : memref<400x128xf32, #tpu.memory_space<vmem>>, vector<400x128xf32>,
    %swap3A_21 = arith.constant 0 : index
    %swap3A_22 = arith.constant 0 : index
    %swap3A_23 = vector.load %arg5[%swap3A_21, %swap3A_22] : memref<400x1xf32, #tpu.memory_space<vmem>>, vector<400x1xf32>
    tpu.vector_store %arg5[%swap3A_21, %swap3A_22], %rsqrt3A {strides = array<i32>} : memref<400x1xf32, #tpu.memory_space<vmem>>, vector<400x1xf32>,
    return
  }
  func.func @transform_0(%arg0: i32) -> (i32, i32, i32) {
    %c0_i32 = arith.constant 0 : i32
    %c0_i32_0 = arith.constant 0 : i32
    %c0_i32_1 = arith.constant 0 : i32
    return %c0_i32, %arg0, %c0_i32_0 : i32, i32, i32
  }
  func.func @transform_1(%arg0: i32) -> (i32, i32) {
    %c0_i32 = arith.constant 0 : i32
    %c0_i32_0 = arith.constant 0 : i32
    return %arg0, %c0_i32 : i32, i32
  }
  func.func @transform_2(%arg0: i32) -> (i32, i32) {
    %c0_i32 = arith.constant 0 : i32
    %c0_i32_0 = arith.constant 0 : i32
    %c0_i32_1 = arith.constant 0 : i32
    return %c0_i32, %c0_i32_0 : i32, i32
  }
  func.func @transform_3(%arg0: i32) -> (i32, i32) {
    %c0_i32 = arith.constant 0 : i32
    %c0_i32_0 = arith.constant 0 : i32
    return %arg0, %c0_i32 : i32, i32
  }
  func.func @transform_4(%arg0: i32) -> (i32, i32) {
    %c0_i32 = arith.constant 0 : i32
    %c0_i32_0 = arith.constant 0 : i32
    return %arg0, %c0_i32 : i32, i32
  }
}

module attributes {stable_mosaic.version = 14 : i64} {
  func.func @_tc2_body(%arg0: i32, %arg1: memref<2x400x128xf32, #tpu.memory_space<vmem>>, %arg2: memref<400x1xf32, #tpu.memory_space<vmem>>, %arg3: memref<1x128xf32, #tpu.memory_space<vmem>>, %arg4: memref<128x8xf32, #tpu.memory_space<vmem>>, %arg5: memref<400x8xf32, #tpu.memory_space<vmem>>) attributes {dimension_semantics = [#tpu.dimension_semantics<arbitrary>], iteration_bounds = array<i64: 25>, scalar_prefetch = 0 : i64, scratch_operands = 0 : i64, tpu.core_type = #tpu.core_type<tc>, window_params = [{transform_indices = @transform_0, window_bounds = array<i64: 2, 400, 128>}, {transform_indices = @transform_1, window_bounds = array<i64: 400, 1>}, {pipeline_mode = #tpu.pipeline_mode<synchronous>, transform_indices = @transform_2, window_bounds = array<i64: 1, 128>}, {pipeline_mode = #tpu.pipeline_mode<synchronous>, transform_indices = @transform_3, window_bounds = array<i64: 128, 8>}, {transform_indices = @transform_4, window_bounds = array<i64: 400, 8>}]} {
    %get3A = arith.constant 0 : index
    %get3A_0 = arith.constant 0 : index
    %get3A_1 = vector.load %arg2[%get3A, %get3A_0] : memref<400x1xf32, #tpu.memory_space<vmem>>, vector<400x1xf32>
    %get3A_2 = arith.constant 0 : index
    %get3A_3 = arith.constant 0 : index
    %get3A_4 = arith.constant 0 : index
    %get3A_5 = vector.load %arg1[%get3A_2, %get3A_3, %get3A_4] : memref<2x400x128xf32, #tpu.memory_space<vmem>>, vector<1x400x128xf32>
    %get3A_6 = vector.shape_cast %get3A_5 : vector<1x400x128xf32> to vector<400x128xf32>
    %get3A_7 = arith.constant 1 : index
    %get3A_8 = arith.constant 0 : index
    %get3A_9 = arith.constant 0 : index
    %get3A_10 = vector.load %arg1[%get3A_7, %get3A_8, %get3A_9] : memref<2x400x128xf32, #tpu.memory_space<vmem>>, vector<1x400x128xf32>
    %get3A_11 = vector.shape_cast %get3A_10 : vector<1x400x128xf32> to vector<400x128xf32>
    %add3A = arith.addf %get3A_6, %get3A_11 : vector<400x128xf32>
    %mul3A = vector.broadcast %get3A_1 : vector<400x1xf32> to vector<400x128xf32>
    %mul3A_12 = arith.mulf %add3A, %mul3A : vector<400x128xf32>
    %get3A_13 = arith.constant 0 : index
    %get3A_14 = arith.constant 0 : index
    %get3A_15 = vector.load %arg3[%get3A_13, %get3A_14] : memref<1x128xf32, #tpu.memory_space<vmem>>, vector<1x128xf32>
    %add3A_16 = vector.broadcast %get3A_15 : vector<1x128xf32> to vector<400x128xf32>
    %add3A_17 = arith.addf %mul3A_12, %add3A_16 : vector<400x128xf32>
    %max3A = arith.constant 0.000000e+00 : f32
    %max3A_18 = vector.broadcast %max3A : f32 to vector<400x128xf32>
    %max3A_19 = arith.maximumf %add3A_17, %max3A_18 : vector<400x128xf32>
    %get3A_20 = arith.constant 0 : index
    %get3A_21 = arith.constant 0 : index
    %get3A_22 = vector.load %arg4[%get3A_20, %get3A_21] : memref<128x8xf32, #tpu.memory_space<vmem>>, vector<128x8xf32>
    %dot_general3A = arith.constant dense<0.000000e+00> : vector<400x8xf32>
    %dot_general3A_23 = tpu.matmul %max3A_19, %get3A_22, %dot_general3A {dimension_numbers = #tpu.dot_dimension_numbers<[1], [0], [0], [1], [0, 0, 1, 1], [], []>, transpose_lhs_hint = false} : vector<400x128xf32>, vector<128x8xf32>, vector<400x8xf32> -> vector<400x8xf32>
    %mul3A_24 = vector.broadcast %get3A_1 : vector<400x1xf32> to vector<400x8xf32>
    %mul3A_25 = arith.mulf %dot_general3A_23, %mul3A_24 : vector<400x8xf32>
    %swap3A = arith.constant 0 : index
    %swap3A_26 = arith.constant 0 : index
    %swap3A_27 = vector.load %arg5[%swap3A, %swap3A_26] : memref<400x8xf32, #tpu.memory_space<vmem>>, vector<400x8xf32>
    tpu.vector_store %arg5[%swap3A, %swap3A_26], %mul3A_25 {strides = array<i32>} : memref<400x8xf32, #tpu.memory_space<vmem>>, vector<400x8xf32>,
    return
  }
  func.func @transform_0(%arg0: i32) -> (i32, i32, i32) {
    %c0_i32 = arith.constant 0 : i32
    %c0_i32_0 = arith.constant 0 : i32
    %c0_i32_1 = arith.constant 0 : i32
    return %c0_i32, %arg0, %c0_i32_0 : i32, i32, i32
  }
  func.func @transform_1(%arg0: i32) -> (i32, i32) {
    %c0_i32 = arith.constant 0 : i32
    %c0_i32_0 = arith.constant 0 : i32
    return %arg0, %c0_i32 : i32, i32
  }
  func.func @transform_2(%arg0: i32) -> (i32, i32) {
    %c0_i32 = arith.constant 0 : i32
    %c0_i32_0 = arith.constant 0 : i32
    %c0_i32_1 = arith.constant 0 : i32
    return %c0_i32, %c0_i32_0 : i32, i32
  }
  func.func @transform_3(%arg0: i32) -> (i32, i32) {
    %c0_i32 = arith.constant 0 : i32
    %c0_i32_0 = arith.constant 0 : i32
    %c0_i32_1 = arith.constant 0 : i32
    return %c0_i32, %c0_i32_0 : i32, i32
  }
  func.func @transform_4(%arg0: i32) -> (i32, i32) {
    %c0_i32 = arith.constant 0 : i32
    %c0_i32_0 = arith.constant 0 : i32
    return %arg0, %c0_i32 : i32, i32
  }
}

module attributes {stable_mosaic.version = 14 : i64} {
  func.func @_tc3_body(%arg0: i32, %arg1: memref<2x400x8xf32, #tpu.memory_space<vmem>>, %arg2: memref<400x1xf32, #tpu.memory_space<vmem>>, %arg3: memref<1x2xf32, #tpu.memory_space<vmem>>, %arg4: memref<400x2xf32, #tpu.memory_space<vmem>>) attributes {dimension_semantics = [#tpu.dimension_semantics<arbitrary>], iteration_bounds = array<i64: 25>, scalar_prefetch = 0 : i64, scratch_operands = 0 : i64, tpu.core_type = #tpu.core_type<tc>, window_params = [{transform_indices = @transform_0, window_bounds = array<i64: 2, 400, 8>}, {transform_indices = @transform_1, window_bounds = array<i64: 400, 1>}, {pipeline_mode = #tpu.pipeline_mode<synchronous>, transform_indices = @transform_2, window_bounds = array<i64: 1, 2>}, {transform_indices = @transform_3, window_bounds = array<i64: 400, 2>}]} {
    %get3A = arith.constant 0 : index
    %get3A_0 = arith.constant 0 : index
    %get3A_1 = arith.constant 0 : index
    %get3A_2 = vector.load %arg1[%get3A, %get3A_0, %get3A_1] : memref<2x400x8xf32, #tpu.memory_space<vmem>>, vector<1x400x2xf32>
    %get3A_3 = vector.shape_cast %get3A_2 : vector<1x400x2xf32> to vector<400x2xf32>
    %get3A_4 = arith.constant 1 : index
    %get3A_5 = arith.constant 0 : index
    %get3A_6 = arith.constant 0 : index
    %get3A_7 = vector.load %arg1[%get3A_4, %get3A_5, %get3A_6] : memref<2x400x8xf32, #tpu.memory_space<vmem>>, vector<1x400x2xf32>
    %get3A_8 = vector.shape_cast %get3A_7 : vector<1x400x2xf32> to vector<400x2xf32>
    %add3A = arith.addf %get3A_3, %get3A_8 : vector<400x2xf32>
    %get3A_9 = arith.constant 0 : index
    %get3A_10 = arith.constant 0 : index
    %get3A_11 = vector.load %arg2[%get3A_9, %get3A_10] : memref<400x1xf32, #tpu.memory_space<vmem>>, vector<400x1xf32>
    %mul3A = vector.broadcast %get3A_11 : vector<400x1xf32> to vector<400x2xf32>
    %mul3A_12 = arith.mulf %add3A, %mul3A : vector<400x2xf32>
    %get3A_13 = arith.constant 0 : index
    %get3A_14 = arith.constant 0 : index
    %get3A_15 = vector.load %arg3[%get3A_13, %get3A_14] : memref<1x2xf32, #tpu.memory_space<vmem>>, vector<1x2xf32>
    %add3A_16 = vector.broadcast %get3A_15 : vector<1x2xf32> to vector<400x2xf32>
    %add3A_17 = arith.addf %mul3A_12, %add3A_16 : vector<400x2xf32>
    %reduce_max3A = arith.constant dense<0xFF800000> : vector<400xf32>
    %reduce_max3A_18 = vector.multi_reduction <maximumf>, %add3A_17, %reduce_max3A [1] : vector<400x2xf32> to vector<400xf32>
    %broadcast_in_dim3A = vector.shape_cast %reduce_max3A_18 : vector<400xf32> to vector<400x1xf32>
    %sub3A = vector.broadcast %broadcast_in_dim3A : vector<400x1xf32> to vector<400x2xf32>
    %sub3A_19 = arith.subf %add3A_17, %sub3A : vector<400x2xf32>
    %exp3A = math.exp %sub3A_19 : vector<400x2xf32>
    %reduce_sum3A = arith.constant dense<0.000000e+00> : vector<400xf32>
    %reduce_sum3A_20 = vector.multi_reduction <add>, %exp3A, %reduce_sum3A [1] : vector<400x2xf32> to vector<400xf32>
    %broadcast_in_dim3A_21 = vector.shape_cast %reduce_sum3A_20 : vector<400xf32> to vector<400x1xf32>
    %div3A = vector.broadcast %broadcast_in_dim3A_21 : vector<400x1xf32> to vector<400x2xf32>
    %div3A_22 = arith.divf %exp3A, %div3A : vector<400x2xf32>
    %swap3A = arith.constant 0 : index
    %swap3A_23 = arith.constant 0 : index
    %swap3A_24 = vector.load %arg4[%swap3A, %swap3A_23] : memref<400x2xf32, #tpu.memory_space<vmem>>, vector<400x2xf32>
    tpu.vector_store %arg4[%swap3A, %swap3A_23], %div3A_22 {strides = array<i32>} : memref<400x2xf32, #tpu.memory_space<vmem>>, vector<400x2xf32>,
    return
  }
  func.func @transform_0(%arg0: i32) -> (i32, i32, i32) {
    %c0_i32 = arith.constant 0 : i32
    %c0_i32_0 = arith.constant 0 : i32
    %c0_i32_1 = arith.constant 0 : i32
    return %c0_i32, %arg0, %c0_i32_0 : i32, i32, i32
  }
  func.func @transform_1(%arg0: i32) -> (i32, i32) {
    %c0_i32 = arith.constant 0 : i32
    %c0_i32_0 = arith.constant 0 : i32
    return %arg0, %c0_i32 : i32, i32
  }
  func.func @transform_2(%arg0: i32) -> (i32, i32) {
    %c0_i32 = arith.constant 0 : i32
    %c0_i32_0 = arith.constant 0 : i32
    %c0_i32_1 = arith.constant 0 : i32
    return %c0_i32, %c0_i32_0 : i32, i32
  }
  func.func @transform_3(%arg0: i32) -> (i32, i32) {
    %c0_i32 = arith.constant 0 : i32
    %c0_i32_0 = arith.constant 0 : i32
    return %arg0, %c0_i32 : i32, i32
  }
}

</mosaic_0001>

<sc_bundles>
// kernel: kernel.11.cloned.1.call-start
scs
__scs_entry_jumppad:
0x0: {  	(pc) =	sbr.rel $0x88, $3  }
0x1: {  	(tag) =	ssettag $0x0;
	lr =	simm.s32 $0x1  }
0x2: {  	[smem:$0x3F9B] =	sst lr;
	_ =	strace $0xD0000000  }
0x3: {  	_ = 	snop  }
0x4: {  	_ = 	snop  }
0x5: {  	_ = 	snop  }
0x6: {  	_ = 	snop  }
0x7: {  	_ = 	snop  }
__scs_overlays_trampoline_lowered:
0x8: {  	[smem:$0x3FAA] =	sst s0  }
0x9: {  	[smem:$0x3FAB] =	sst s1  }
0xa: {  	[smem:$0x3FAC] =	sst s2  }
0xb: {  	[smem:$0x3FAD] =	sst s3  }
0xc: {  	[smem:$0x3FAE] =	sst s4  }
0xd: {  	[smem:$0x3FAF] =	sst s5  }
0xe: {  	[smem:$0x3FB0] =	sst s6  }
0xf: {  	[smem:$0x3FB1] =	sst s7  }
0x10: {  	[smem:$0x3FB2] =	sst s8  }
0x11: {  	[smem:$0x3FB3] =	sst s9;
	s0 =	simm.s32 @!p0 $0x0  }
0x12: {  	s1 =	sld [smem:$0x3F99];
	s0 =	simm.s32 @p0 $0x1  }
0x13: {  	[smem:$0x3FB4] =	sst s0;
	s0 =	simm.s32 @!p1 $0x0  }
0x14: {  	s2 =	sld [smem:$0x3F98];
	s0 =	simm.s32 @p1 $0x1  }
0x15: {  	[smem:$0x3FB5] =	sst s0;
	s0 =	simm.s32 @!p2 $0x0  }
0x16: {  	s3 =	sld [smem:$0x3FDB];
	s0 =	simm.s32 @p2 $0x1  }
0x17: {  	s4 =	simm.s32 $0x1BF5;
	[smem:$0x3FB7] =	sst s0  }
0x18: {  	s0 =	sld [smem:$0x3F9A];
	_ =	swait.ge [sflag:s4], $0x0  }
0x19: {  	s7 =	sld [smem:$0x3F9B]  }
0x1a: {  	s8 =	sadd.s32 $0xFFFFE003, lr  }
0x1b: {  	s9 =	sadd.s32 $0xFFFFFEF7, lr;
	s5 =	simm.s32 $0xFFFFFFFF;
	p2 =	slt.u32 s8, $0xFFFFF086  }
0x1c: {  	p1 =	slt.u32 s9, $0xF7A;
	s5 =	simm.s32 @!p2 $0x0  }
0x1d: {  	s5 =	simm.s32 @p1 $0x1;
	p0 =	seq.s32 s7, s2  }
0x1e: {  	s7 =	smul.u32 @!p0 $0xF7A, s2;
	p2 =	seq.s32 @!p0 s5, $0x0  }
0x1f: {  	s9 =	smul.u32 $0xF7A, s1;
	s8 =	simm.s32 @!p0 $0x1BF5;
	p2 =	por !p2, p0  }
0x20: {  	[sflag:s8] =	ssyncset.s32 @!p0 $0xFFFFF086;
	s6 =	sadd.s32 @!p0 s3, s7;
	s7 =	simm.s32 @!p0 $0x108  }
0x21: {  	s3 =	sadd.s32 s3, s9;
	s6 =	sadd.s32 @!p0 $0x88, s6;
	s7 =	simm.s32 @p2 $0x1082  }
0x22: {  	[simem:s7], [sflag:s8] =	dma.local @!p0 [hbm:s6], $0xF7A  }
0x23: {  	s9 =	sor.u32 $0xD0000000, s2;
	s6 =	simm.s32 $0x108;
	_ =	swait.ge @!p0 [sflag:s8], $0x0  }
0x24: {  	s3 =	sadd.s32 $0x88, s3;
	s6 =	simm.s32 @!p1 $0x1082;
	[sflag:s4] =	ssyncset.s32 $0xFFFFF086  }
0x25: {  	[simem:s6], [sflag:s4] =	dma.local [hbm:s3], $0xF7A  }
0x26: {  	[smem:$0x3F9B] =	sst s1;
	(tag) =	ssettag s2;
	_ =	strace s9  }
0x27: {  	s1 =	sld [smem:$0x3FAB]  }
0x28: {  	s2 =	sld [smem:$0x3FAC]  }
0x29: {  	s4 =	sld [smem:$0x3FAE]  }
0x2a: {  	p0 =	seq.s32 s5, $0x0;
	s5 =	sld [smem:$0x3FAF]  }
0x2b: {  	s6 =	sld [smem:$0x3FB0]  }
0x2c: {  	s7 =	sld [smem:$0x3FB1]  }
0x2d: {  	s3 =	simm.s32 $0x108;
	s8 =	sld [smem:$0x3FB2]  }
0x2e: {  	s3 =	simm.s32 @!p0 $0x1082;
	s9 =	sld [smem:$0x3FB3]  }
0x2f: {  	lr =	sadd.s32 s0, s3;
	s0 =	sld [smem:$0x3FAA]  }
0x30: {  	s3 =	sld [smem:$0x3FAD]  }
0x31: {  	[smem:$0x3FB6] =	sst s10  }
0x32: {  	s10 =	sld [smem:$0x3FB4];
	_ =	sdelay $0x3  }
0x33: {  	p0 =	seq.s32 s10, $0x1;
	s10 =	sld [smem:$0x3FB6];
	_ =	sdelay $0x3  }
0x34: {  	[smem:$0x3FB6] =	sst s10  }
0x35: {  	s10 =	sld [smem:$0x3FB5];
	_ =	sdelay $0x3  }
0x36: {  	p1 =	seq.s32 s10, $0x1;
	s10 =	sld [smem:$0x3FB6];
	_ =	sdelay $0x3  }
0x37: {  	[smem:$0x3FB6] =	sst s10  }
0x38: {  	s10 =	sld [smem:$0x3FB7]  }
0x39: {  	_ = 	snop;
	(pc) =	sbr.ind lr, $3  }
0x3a: {  	_ = 	snop  }
0x3b: {  	_ = 	snop  }
0x3c: {  	p2 =	seq.s32 s10, $0x1;
	s10 =	sld [smem:$0x3FB6]  }
0x3d: {  	_ =	shalt  }
0x3e: {  	_ =	shalt  }
0x3f: {  	_ =	shalt  }
0x40: {  	_ =	shalt  }
0x41: {  	_ =	shalt  }
0x42: {  	_ =	shalt  }
0x43: {  	_ =	shalt  }
0x44: {  	_ =	shalt  }
0x45: {  	_ =	shalt  }
0x46: {  	_ =	shalt  }
0x47: {  	_ =	shalt  }
0x48: {  	_ =	shalt  }
0x49: {  	_ =	shalt  }
0x4a: {  	_ =	shalt  }
0x4b: {  	_ =	shalt  }
0x4c: {  	_ =	shalt  }
0x4d: {  	_ =	shalt  }
0x4e: {  	_ =	shalt  }
0x4f: {  	_ =	shalt  }
0x50: {  	_ =	shalt  }
0x51: {  	_ =	shalt  }
0x52: {  	_ =	shalt  }
0x53: {  	_ =	shalt  }
0x54: {  	_ =	shalt  }
0x55: {  	_ =	shalt  }
0x56: {  	_ =	shalt  }
0x57: {  	_ =	shalt  }
0x58: {  	_ =	shalt  }
0x59: {  	_ =	shalt  }
0x5a: {  	_ =	shalt  }
0x5b: {  	_ =	shalt  }
0x5c: {  	_ =	shalt  }
0x5d: {  	_ =	shalt  }
0x5e: {  	_ =	shalt  }
0x5f: {  	_ =	shalt  }
0x60: {  	_ =	shalt  }
0x61: {  	_ =	shalt  }
0x62: {  	_ =	shalt  }
0x63: {  	_ =	shalt  }
0x64: {  	_ =	shalt  }
0x65: {  	_ =	shalt  }
0x66: {  	_ =	shalt  }
0x67: {  	_ =	shalt  }
0x68: {  	_ =	shalt  }
0x69: {  	_ =	shalt  }
0x6a: {  	_ =	shalt  }
0x6b: {  	_ =	shalt  }
0x6c: {  	_ =	shalt  }
0x6d: {  	_ =	shalt  }
0x6e: {  	_ =	shalt  }
0x6f: {  	_ =	shalt  }
0x70: {  	_ =	shalt  }
0x71: {  	_ =	shalt  }
0x72: {  	_ =	shalt  }
0x73: {  	_ =	shalt  }
0x74: {  	_ =	shalt  }
0x75: {  	_ =	shalt  }
0x76: {  	_ =	shalt  }
0x77: {  	_ =	shalt  }
0x78: {  	_ =	shalt  }
0x79: {  	_ =	shalt  }
0x7a: {  	_ =	shalt  }
0x7b: {  	_ =	shalt  }
0x7c: {  	_ =	shalt  }
0x7d: {  	_ =	shalt  }
0x7e: {  	_ =	shalt  }
0x7f: {  	_ =	shalt  }
0x80: {  	_ =	shalt  }
0x81: {  	_ =	shalt  }
0x82: {  	_ =	shalt  }
0x83: {  	_ =	shalt  }
0x84: {  	_ =	shalt  }
0x85: {  	_ =	shalt  }
0x86: {  	_ =	shalt  }
0x87: {  	_ =	shalt  }
.Lfunc_end0:
.L_simem_size_0:
called_computation.1_lowered:
.L_overlay_start_0:
0x88: {  	s2 =	sld [smem:$0x3FD9]  }
0x89: {  	s3 =	sld [smem:$0x3FFE];
	_ =	sdelay $0x1  }
0x8a: {  	s1 =	srdreg.scid  }
0x8b: {  	s0 =	sand.u32 $0x1, s1  }
0x8c: {  	s17 =	sshll.u32 s0, $0xA;
	s2 =	sadd.s32 s3, s2  }
0x8d: {  	s2 =	sadd.s32 s2, s17  }
0x8e: {  	[smem:$0x3FC2] =	sst s2  }
0x8f: {  	_ = 	snop  }
0x90: {  	s2 =	sld [smem:$0x3FD0];
	(tm) =	ssettm $0x1  }
0x91: {  	s18 =	sld [smem:$0x3FFB];
	_ =	sdelay $0x3  }
0x92: {  	_ =	strace s18  }
0x93: {  	s3 =	sld [smem:$0x3FFC];
	_ =	sdelay $0x3  }
0x94: {  	_ =	strace s3  }
0x95: {  	s3 =	sld [smem:$0x3FFD];
	_ =	sdelay $0x3  }
0x96: {  	_ =	strace s3  }
0x97: {  	_ =	strace $0x8FFFFFFF  }
0x98: {  	s19 =	sld [smem:$0x3FDB];
	_ =	sdelay $0x1  }
0x99: {  	s4 =	simm.s32 $_scs_section_size  }
0x9a: {  	s5 =	simm.s32 $_size__tile_overlayer_lowered;
	s6 =	simm.s32 $_tile_overlayer_lowered  }
0x9b: {  	s22 =	simm.s32 $0x1BFF;
	s21 =	sshll.u32 s6, $0x1;
	s3 =	sadd.s32 s4, s19  }
0x9c: {  	s7 =	simm.s32 $0x0;
	s20 =	sshll.u32 s5, $0x1;
	s5 =	sadd.s32 s21, s3  }
0x9d: {  	[timem:s7], [sflag:s22] =	dma.local [hbm:s5], s20  }
0x9e: {  	_ =	swait.ge [sflag:s22], s20  }
0x9f: {  	s4 =	ssub.s32 $0x0, s20;
	[sflag:s22] =	ssyncset.done $0x0  }
0xa0: {  	[sflag:s22] =	ssyncadd.s32 s4;
	_ =	sdelay $0x1  }
0xa1: {  	s23 =	simm.s32 $0x1B8B  }
0xa2: {  	_ =	swait.ge [sflag:s23], $0x1  }
0xa3: {  	[sflag:s23] =	ssyncset.done $0x0  }
0xa4: {  	s25 =	simm.s32 $0x1B8E;
	s24 =	sld [smem:$0x3FFE];
	[sflag:s23] =	ssyncadd.s32 $0xFFFFFFFF  }
0xa5: {  	s26 =	simm.s32 $execute0_lowered;
	[smem:$0x3FD2] =	sst s25  }
0xa6: {  	s5 =	sshll.u32 s26, $0x1;
	_ =	strace $0x80000049;
	[dreg:$0x1] =	wrdreg $0xFFFFFFFF  }
0xa7: {  	s28 =	simm.s32 $_size_execute0_lowered;
	s3 =	sadd.s32 s3, s5;
	[dreg:$0x0] =	wrdreg $0x0  }
0xa8: {  	s5 =	sshll.u32 s28, $0x1;
	[dreg:$0x2] =	wrdreg s3  }
0xa9: {  	[dreg:$0x3] =	wrdreg s5  }
0xaa: {  	[dreg:$0x4] =	wrdreg $0xC0  }
0xab: {  	_ =	task [dreg:s7], $0x5FFFF  }
0xac: {  	[dreg:$0x1] =	wrdreg $0xFFFFFFFF  }
0xad: {  	[dreg:$0x0] =	wrdreg $0x60  }
0xae: {  	[dreg:$0x2] =	wrdreg s24  }
0xaf: {  	[dreg:$0x3] =	wrdreg s2  }
0xb0: {  	[dreg:$0x4] =	wrdreg $0xB0000  }
0xb1: {  	[dreg:$0x5] =	wrdreg $0x9  }
0xb2: {  	_ =	task.clear_ibuf [dreg:s7], $0x6FFFF;
	_ =	strace $0x90000049  }
0xb3: {  	s29 =	simm.s32 $0x9;
	_ =	strace $0x8000004B  }
0xb4: {  	_ =	swait.ge [sflag:s29], $0x1  }
0xb5: {  	[sflag:s29] =	ssyncadd.s32 $0xFFFFFFFF  }
0xb6: {  	_ =	strace $0x9000004B  }
0xb7: {  	_ =	sfence  }
0xb8: {  	s30 =	sld [smem:$0x0];
	_ =	sdelay $0x2  }
0xb9: {  	s31 =	sshll.u32 s1, $0xD;
	s1 =	sshrl.u32 s1, $0x2  }
0xba: {  	s3 =	sand.u32 $0x4000, s31;
	s1 =	sadd.s32 s1, s30  }
0xbb: {  	s0 =	sor.u32 s3, s0;
	s1 =	sshll.u32 s1, $0x11  }
0xbc: {  	s0 =	sor.u32 s1, s0  }
0xbd: {  	s0 =	sadd.s32 $0x8F2B, s0  }
0xbe: {  	[sflag:s0] =	ssyncadd.remote.s32 $0x1  }
0xbf: {  	_ =	sfence.sel $0xFFFF  }
0xc0: {  	[dreg:$0x0] =	wrdreg $0xFFFFFFFF;
	(pc) =	sbr.abs _section_cstart, $3  }
0xc1: {  	[dreg:$0x1] =	wrdreg $0xFFFFFFFF  }
0xc2: {  	_ =	task.clear_ibuf [dreg:s7], $0x2FFFF;
	_ =	strace $0x9FFFFFFF  }
0xc3: {  	(tm) =	ssettm $0x7FFFFFFF  }
tec
execute0_lowered:
.L_overlay_start_1:
0x0: {  	(tag) =	ssettag $0x1  }
0x1: {  	s0 =	srdreg.scid;
	s1 =	rddreg [dreg:$0x0]  }
0x2: {  	s9 =	stileid.u32;
	s3 =	rddreg [dreg:$0x2];
	s4 =	simm.s32 $0x0  }
0x3: {  	s15 =	simm.s32 $0x2;
	s16 =	simm.s32 $0x3000;
	s17 =	simm.s32 $0x80  }
0x4: {  	s18 =	simm.s32 $0x7000;
	s28 =	simm.s32 $0x2B80;
	s6 =	smul.u32 $0x5000, s9  }
0x5: {  	s29 =	simm.s32 $0x2C00;
	s30 =	simm.s32 $0x2C80;
	s19 =	smul.u32 $0x14000, s9  }
0x6: {  	s0 =	sand.u32 $0x1, s0;
	s2 =	sshll.u32 s9, $0x1;
	s9 =	smul.u32 $0x50000, s9  }
0x7: {  	s31 =	simm.s32 $0x2D00;
	[smem:$0x7FF] =	sst s4;
	s7 =	smul.u32 $0x2800, s0  }
0x8: {  	s5 =	sadd.s32 $0x15E00, s1;
	s2 =	sor.u32 s0, s2;
	s8 =	smul.u32 $0x140000, s0  }
0x9: {  	_ =	strace $0x8000004A;
	s0 =	ssub.s32 $0x2, s0;
	s2 =	smul.u32 $0x2800, s2  }
0xa: {  	s21 =	sshrl.u32 s0, $0x1;
	s22 =	sshrl.u32 s9, $0x2;
	s9 =	simm.s32 $0x0  }
0xb: {  	s6 =	sadd.s32 s7, s6;
	s20 =	sadd.s32 s19, s8;
	s0 =	ssub.s32 s0, s21  }
0xc: {  	s19 =	simm.s32 $0x2800;
	s21 =	simm.s32 $0x2880;
	s7 =	simm.s32 $0x2F00  }
0xd: {  	s8 =	simm.s32 $0x2F80;
	s2 =	sshrl.u32 s2, $0x3;
	s6 =	sshrl.u32 s6, $0x3  }
0xe: {  	s0 =	smax.u32 s0, $0x1;
	s2 =	sadd.s32 s2, s1;
	s10 =	sadd.s32 s6, s1  }
0xf: {  	s6 =	sshrl.u32 s20, $0x3;
	[dreg:$0xa] =	wrdreg s0;
	s20 =	simm.s32 $0x1  }
0x10: {  	s1 =	sadd.s32 s6, s1;
	s6 =	sadd.s32 s22, s3;
	s2 =	sadd.s32 $0xBC00, s2  }
0x11: {  	s0 =	simm.s32 $0x2E80;
	[dreg:$0x4] =	wrdreg s2;
	s23 =	sadd.s32 $0x4000, s6  }
0x12: {  	s11 =	sadd.s32 $0x1C00, s10;
	s24 =	sadd.s32 $0x8000, s6;
	[dreg:$0x5] =	wrdreg s23  }
.Ltmp0:
0x13: {  	s25 =	sadd.s32 $0xC000, s6;
	[dreg:$0x6] =	wrdreg s24;
	(pc) =	sbr.rel .LBB2_1-.Ltmp0, $4  }
0x14: {  	s22 =	simm.s32 $0x2900;
	s26 =	sadd.s32 $0x10000, s6;
	[dreg:$0x7] =	wrdreg s25  }
0x15: {  	s1 =	sadd.s32 $0x3D000, s1;
	s2 =	simm.s32 $0x2E00;
	[dreg:$0x8] =	wrdreg s26  }
0x16: {  	[dreg:$0x9] =	wrdreg s1;
	s23 =	simm.s32 $0x2980;
	s24 =	simm.s32 $0x2A00  }
0x17: {  	s25 =	simm.s32 $0x2A80;
	s26 =	simm.s32 $0x2B00;
	s1 =	simm.s32 $0x2D80  }
.LBB2_4:
0x18: {  	_ =	swait.ge [sflag:s20], $0x4000  }
0x19: {  	[sflag:s20] =	ssyncset.done $0x0  }
0x1a: {  	[sflag:s20] =	ssyncadd.s32 $0xFFFFC000  }
0x1b: {  	[spmem:s3] =	stream.indirect.scatter.add.f32 [tilespmem:s18], [sflag:$0x2], $0x80, s8, s17, $0xb8;
	[tilespmem:$0x1F000] =	vst v63  }
0x1c: {  	_ =	swait.ge [sflag:s15], $0x4000  }
0x1d: {  	[sflag:s15] =	ssyncset.done $0x0  }
0x1e: {  	s10 =	stileid.u32;
	[sflag:s15] =	ssyncadd.s32 $0xFFFFC000  }
0x1f: {  	s10 =	sshll.u32 s10, $0x6;
	[bflag:$0x0] =	sbarrier.arrive $0xFFFF  }
0x20: {  	s12 =	sshrl.u32 s6, $0x3;
	s10 =	sor.u32 $0x1C02, s10;
	s13 =	rddreg [dreg:$0x9]  }
0x21: {  	[hbm:s13], [sflag:s10] =	dma.local [spmem:s12], $0x2800  }
0x22: {  	_ =	swait.ge [sflag:s15], $0x2800  }
0x23: {  	s9 =	sadd.s32 $0x1, s9;
	s14 =	rddreg [dreg:$0xa]  }
0x24: {  	p0 =	sne.s32 s9, s14  }
.Ltmp1:
0x25: {  	_ = 	snop;
	(pc) =	sbr.rel @!p0 .LBB2_5-.Ltmp1, $3  }
0x26: {  	_ =	sdelay $0x1  }
0x27: {  	[sflag:s15] =	ssyncset.done $0x0  }
0x28: {  	[sflag:s15] =	ssyncadd.s32 $0xFFFFD800  }
.LBB2_1:
0x29: {  	s10 =	rddreg [dreg:$0x4]  }
0x2a: {  	[tilespmem:s4], [sflag:$0x2] =	stream.linear.gather [hbm4b:s10+s4], $0x2800, $0x38;
	[tilespmem:$0x1F000] =	vst v63  }
0x2b: {  	_ =	swait.ge [sflag:s15], $0x2800  }
0x2c: {  	[sflag:s15] =	ssyncset.done $0x0  }
0x2d: {  	[sflag:s15] =	ssyncadd.s32 $0xFFFFD800  }
0x2e: {  	s13 =	rddreg [dreg:$0x1]  }
0x2f: {  	[tilespmem:s16], [sflag:$0x2] =	stream.linear.gather [hbm4b:s13+s4], $0x4000, $0x38;
	[tilespmem:$0x1F000] =	vst v63  }
0x30: {  	_ =	swait.ge [sflag:s15], $0x4000  }
0x31: {  	[sflag:s15] =	ssyncset.done $0x0  }
0x32: {  	[sflag:s15] =	ssyncadd.s32 $0xFFFFC000  }
0x33: {  	[spmem:s6] =	stream.linear.scatter [tilespmem:s16], [sflag:$0x2], $0x4000, $0x38;
	[tilespmem:$0x1F000] =	vst v63  }
0x34: {  	_ =	swait.ge [sflag:s15], $0x4000  }
0x35: {  	[sflag:s15] =	ssyncset.done $0x0  }
0x36: {  	s14 =	rddreg [dreg:$0x5];
	[sflag:s15] =	ssyncadd.s32 $0xFFFFC000  }
0x37: {  	[spmem:s14] =	stream.linear.scatter [tilespmem:s16], [sflag:$0x2], $0x4000, $0x38;
	[tilespmem:$0x1F000] =	vst v63  }
0x38: {  	_ =	swait.ge [sflag:s15], $0x4000  }
0x39: {  	[sflag:s15] =	ssyncset.done $0x0  }
0x3a: {  	s12 =	rddreg [dreg:$0x6];
	[sflag:s15] =	ssyncadd.s32 $0xFFFFC000  }
0x3b: {  	[spmem:s12] =	stream.linear.scatter [tilespmem:s16], [sflag:$0x2], $0x4000, $0x38;
	[tilespmem:$0x1F000] =	vst v63  }
0x3c: {  	_ =	swait.ge [sflag:s15], $0x4000  }
0x3d: {  	[sflag:s15] =	ssyncset.done $0x0  }
0x3e: {  	s13 =	rddreg [dreg:$0x7];
	[sflag:s15] =	ssyncadd.s32 $0xFFFFC000  }
0x3f: {  	[spmem:s13] =	stream.linear.scatter [tilespmem:s16], [sflag:$0x2], $0x4000, $0x38;
	[tilespmem:$0x1F000] =	vst v63  }
0x40: {  	_ =	swait.ge [sflag:s15], $0x4000  }
0x41: {  	[sflag:s15] =	ssyncset.done $0x0  }
0x42: {  	s14 =	rddreg [dreg:$0x8];
	[sflag:s15] =	ssyncadd.s32 $0xFFFFC000  }
0x43: {  	[spmem:s14] =	stream.linear.scatter [tilespmem:s16], [sflag:$0x2], $0x4000, $0x38;
	[tilespmem:$0x1F000] =	vst v63  }
0x44: {  	_ =	swait.ge [sflag:s15], $0x4000  }
0x45: {  	[sflag:s15] =	ssyncset.done $0x0  }
0x46: {  	[sflag:s15] =	ssyncadd.s32 $0xFFFFC000  }
0x47: {  	[bflag:$0x0] =	sbarrier.arrive $0xFFFF  }
0x48: {  	[tilespmem:s16], [sflag:$0x1] =	stream.indirect.gather [hbm4b:s5+s17], $0x80, s4, s17, $0xb8;
	[tilespmem:$0x1F000] =	vst v63  }
0x49: {  	s10 =	simm.s32 $0x0;
	s14 =	smov.u32 s11  }
0x4a: {  	[tilespmem:s18], [sflag:$0x1] =	stream.indirect.gather [hbm4b:s5+s17], $0x80, s17, s17, $0xb8;
	[tilespmem:$0x1F000] =	vst v63  }
.LBB2_2:
0x4b: {  	[tilespmem:s19], [sflag:$0x2] =	stream.linear.gather [hbm4b:s14+s4], $0x800, $0x38;
	[tilespmem:$0x1F000] =	vst v63  }
0x4c: {  	_ =	swait.ge [sflag:s15], $0x800  }
0x4d: {  	[sflag:s15] =	ssyncset.done $0x0  }
0x4e: {  	[sflag:s15] =	ssyncadd.s32 $0xFFFFF800  }
0x4f: {  	_ =	swait.ge [sflag:s20], $0x4000  }
0x50: {  	[sflag:s20] =	ssyncset.done $0x0  }
0x51: {  	[sflag:s20] =	ssyncadd.s32 $0xFFFFC000  }
0x52: {  	[spmem:s3] =	stream.indirect.scatter.add.f32 [tilespmem:s16], [sflag:$0x2], $0x80, s19, s17, $0xb8;
	[tilespmem:$0x1F000] =	vst v63  }
0x53: {  	_ =	swait.ge [sflag:s15], $0x4000  }
0x54: {  	s12 =	sshra.s32 s10, $0x2;
	[sflag:s15] =	ssyncset.done $0x0  }
0x55: {  	s13 =	sadd.s32 $0x100, s12;
	[sflag:s15] =	ssyncadd.s32 $0xFFFFC000  }
0x56: {  	[tilespmem:s16], [sflag:$0x1] =	stream.indirect.gather [hbm4b:s5+s17], $0x80, s13, s17, $0xb8;
	[tilespmem:$0x1F000] =	vst v63  }
0x57: {  	_ =	swait.ge [sflag:s20], $0x4000  }
0x58: {  	[sflag:s20] =	ssyncset.done $0x0  }
0x59: {  	[sflag:s20] =	ssyncadd.s32 $0xFFFFC000  }
0x5a: {  	[spmem:s3] =	stream.indirect.scatter.add.f32 [tilespmem:s18], [sflag:$0x2], $0x80, s21, s17, $0xb8;
	[tilespmem:$0x1F000] =	vst v63  }
0x5b: {  	_ =	swait.ge [sflag:s15], $0x4000  }
0x5c: {  	[sflag:s15] =	ssyncset.done $0x0  }
0x5d: {  	s13 =	sadd.s32 $0x180, s12;
	[sflag:s15] =	ssyncadd.s32 $0xFFFFC000  }
0x5e: {  	[tilespmem:s18], [sflag:$0x1] =	stream.indirect.gather [hbm4b:s5+s17], $0x80, s13, s17, $0xb8;
	[tilespmem:$0x1F000] =	vst v63  }
0x5f: {  	_ =	swait.ge [sflag:s20], $0x4000  }
0x60: {  	[sflag:s20] =	ssyncset.done $0x0  }
0x61: {  	[sflag:s20] =	ssyncadd.s32 $0xFFFFC000  }
0x62: {  	[spmem:s3] =	stream.indirect.scatter.add.f32 [tilespmem:s16], [sflag:$0x2], $0x80, s22, s17, $0xb8;
	[tilespmem:$0x1F000] =	vst v63  }
0x63: {  	_ =	swait.ge [sflag:s15], $0x4000  }
0x64: {  	[sflag:s15] =	ssyncset.done $0x0  }
0x65: {  	s13 =	sadd.s32 $0x200, s12;
	[sflag:s15] =	ssyncadd.s32 $0xFFFFC000  }
0x66: {  	[tilespmem:s16], [sflag:$0x1] =	stream.indirect.gather [hbm4b:s5+s17], $0x80, s13, s17, $0xb8;
	[tilespmem:$0x1F000] =	vst v63  }
0x67: {  	_ =	swait.ge [sflag:s20], $0x4000  }
0x68: {  	[sflag:s20] =	ssyncset.done $0x0  }
0x69: {  	[sflag:s20] =	ssyncadd.s32 $0xFFFFC000  }
0x6a: {  	[spmem:s3] =	stream.indirect.scatter.add.f32 [tilespmem:s18], [sflag:$0x2], $0x80, s23, s17, $0xb8;
	[tilespmem:$0x1F000] =	vst v63  }
0x6b: {  	_ =	swait.ge [sflag:s15], $0x4000  }
0x6c: {  	[sflag:s15] =	ssyncset.done $0x0  }
0x6d: {  	s13 =	sadd.s32 $0x280, s12;
	[sflag:s15] =	ssyncadd.s32 $0xFFFFC000  }
0x6e: {  	[tilespmem:s18], [sflag:$0x1] =	stream.indirect.gather [hbm4b:s5+s17], $0x80, s13, s17, $0xb8;
	[tilespmem:$0x1F000] =	vst v63  }
0x6f: {  	_ =	swait.ge [sflag:s20], $0x4000  }
0x70: {  	[sflag:s20] =	ssyncset.done $0x0  }
0x71: {  	[sflag:s20] =	ssyncadd.s32 $0xFFFFC000  }
0x72: {  	[spmem:s3] =	stream.indirect.scatter.add.f32 [tilespmem:s16], [sflag:$0x2], $0x80, s24, s17, $0xb8;
	[tilespmem:$0x1F000] =	vst v63  }
0x73: {  	_ =	swait.ge [sflag:s15], $0x4000  }
0x74: {  	[sflag:s15] =	ssyncset.done $0x0  }
0x75: {  	s13 =	sadd.s32 $0x300, s12;
	[sflag:s15] =	ssyncadd.s32 $0xFFFFC000  }
0x76: {  	[tilespmem:s16], [sflag:$0x1] =	stream.indirect.gather [hbm4b:s5+s17], $0x80, s13, s17, $0xb8;
	[tilespmem:$0x1F000] =	vst v63  }
0x77: {  	_ =	swait.ge [sflag:s20], $0x4000  }
0x78: {  	[sflag:s20] =	ssyncset.done $0x0  }
0x79: {  	[sflag:s20] =	ssyncadd.s32 $0xFFFFC000  }
0x7a: {  	[spmem:s3] =	stream.indirect.scatter.add.f32 [tilespmem:s18], [sflag:$0x2], $0x80, s25, s17, $0xb8;
	[tilespmem:$0x1F000] =	vst v63  }
0x7b: {  	_ =	swait.ge [sflag:s15], $0x4000  }
0x7c: {  	[sflag:s15] =	ssyncset.done $0x0  }
0x7d: {  	s13 =	sadd.s32 $0x380, s12;
	[sflag:s15] =	ssyncadd.s32 $0xFFFFC000  }
0x7e: {  	[tilespmem:s18], [sflag:$0x1] =	stream.indirect.gather [hbm4b:s5+s17], $0x80, s13, s17, $0xb8;
	[tilespmem:$0x1F000] =	vst v63  }
0x7f: {  	_ =	swait.ge [sflag:s20], $0x4000  }
0x80: {  	[sflag:s20] =	ssyncset.done $0x0  }
0x81: {  	[sflag:s20] =	ssyncadd.s32 $0xFFFFC000  }
0x82: {  	[spmem:s3] =	stream.indirect.scatter.add.f32 [tilespmem:s16], [sflag:$0x2], $0x80, s26, s17, $0xb8;
	[tilespmem:$0x1F000] =	vst v63  }
0x83: {  	_ =	swait.ge [sflag:s15], $0x4000  }
0x84: {  	[sflag:s15] =	ssyncset.done $0x0  }
0x85: {  	s13 =	sadd.s32 $0x400, s12;
	[sflag:s15] =	ssyncadd.s32 $0xFFFFC000  }
0x86: {  	[tilespmem:s16], [sflag:$0x1] =	stream.indirect.gather [hbm4b:s5+s17], $0x80, s13, s17, $0xb8;
	[tilespmem:$0x1F000] =	vst v63  }
0x87: {  	_ =	swait.ge [sflag:s20], $0x4000  }
0x88: {  	[sflag:s20] =	ssyncset.done $0x0  }
0x89: {  	[sflag:s20] =	ssyncadd.s32 $0xFFFFC000  }
0x8a: {  	[spmem:s3] =	stream.indirect.scatter.add.f32 [tilespmem:s18], [sflag:$0x2], $0x80, s28, s17, $0xb8;
	[tilespmem:$0x1F000] =	vst v63  }
0x8b: {  	_ =	swait.ge [sflag:s15], $0x4000  }
0x8c: {  	[sflag:s15] =	ssyncset.done $0x0  }
0x8d: {  	s13 =	sadd.s32 $0x480, s12;
	[sflag:s15] =	ssyncadd.s32 $0xFFFFC000  }
0x8e: {  	[tilespmem:s18], [sflag:$0x1] =	stream.indirect.gather [hbm4b:s5+s17], $0x80, s13, s17, $0xb8;
	[tilespmem:$0x1F000] =	vst v63  }
0x8f: {  	_ =	swait.ge [sflag:s20], $0x4000  }
0x90: {  	[sflag:s20] =	ssyncset.done $0x0  }
0x91: {  	[sflag:s20] =	ssyncadd.s32 $0xFFFFC000  }
0x92: {  	[spmem:s3] =	stream.indirect.scatter.add.f32 [tilespmem:s16], [sflag:$0x2], $0x80, s29, s17, $0xb8;
	[tilespmem:$0x1F000] =	vst v63  }
0x93: {  	_ =	swait.ge [sflag:s15], $0x4000  }
0x94: {  	[sflag:s15] =	ssyncset.done $0x0  }
0x95: {  	s13 =	sadd.s32 $0x500, s12;
	[sflag:s15] =	ssyncadd.s32 $0xFFFFC000  }
0x96: {  	[tilespmem:s16], [sflag:$0x1] =	stream.indirect.gather [hbm4b:s5+s17], $0x80, s13, s17, $0xb8;
	[tilespmem:$0x1F000] =	vst v63  }
0x97: {  	_ =	swait.ge [sflag:s20], $0x4000  }
0x98: {  	[sflag:s20] =	ssyncset.done $0x0  }
0x99: {  	[sflag:s20] =	ssyncadd.s32 $0xFFFFC000  }
0x9a: {  	[spmem:s3] =	stream.indirect.scatter.add.f32 [tilespmem:s18], [sflag:$0x2], $0x80, s30, s17, $0xb8;
	[tilespmem:$0x1F000] =	vst v63  }
0x9b: {  	_ =	swait.ge [sflag:s15], $0x4000  }
0x9c: {  	[sflag:s15] =	ssyncset.done $0x0  }
0x9d: {  	s13 =	sadd.s32 $0x580, s12;
	[sflag:s15] =	ssyncadd.s32 $0xFFFFC000  }
0x9e: {  	[tilespmem:s18], [sflag:$0x1] =	stream.indirect.gather [hbm4b:s5+s17], $0x80, s13, s17, $0xb8;
	[tilespmem:$0x1F000] =	vst v63  }
0x9f: {  	_ =	swait.ge [sflag:s20], $0x4000  }
0xa0: {  	[sflag:s20] =	ssyncset.done $0x0  }
0xa1: {  	[sflag:s20] =	ssyncadd.s32 $0xFFFFC000  }
0xa2: {  	[spmem:s3] =	stream.indirect.scatter.add.f32 [tilespmem:s16], [sflag:$0x2], $0x80, s31, s17, $0xb8;
	[tilespmem:$0x1F000] =	vst v63  }
0xa3: {  	_ =	swait.ge [sflag:s15], $0x4000  }
0xa4: {  	[sflag:s15] =	ssyncset.done $0x0  }
0xa5: {  	s13 =	sadd.s32 $0x600, s12;
	[sflag:s15] =	ssyncadd.s32 $0xFFFFC000  }
0xa6: {  	[tilespmem:s16], [sflag:$0x1] =	stream.indirect.gather [hbm4b:s5+s17], $0x80, s13, s17, $0xb8;
	[tilespmem:$0x1F000] =	vst v63  }
0xa7: {  	_ =	swait.ge [sflag:s20], $0x4000  }
0xa8: {  	[sflag:s20] =	ssyncset.done $0x0  }
0xa9: {  	[sflag:s20] =	ssyncadd.s32 $0xFFFFC000  }
0xaa: {  	[spmem:s3] =	stream.indirect.scatter.add.f32 [tilespmem:s18], [sflag:$0x2], $0x80, s1, s17, $0xb8;
	[tilespmem:$0x1F000] =	vst v63  }
0xab: {  	_ =	swait.ge [sflag:s15], $0x4000  }
0xac: {  	[sflag:s15] =	ssyncset.done $0x0  }
0xad: {  	s13 =	sadd.s32 $0x680, s12;
	[sflag:s15] =	ssyncadd.s32 $0xFFFFC000  }
0xae: {  	[tilespmem:s18], [sflag:$0x1] =	stream.indirect.gather [hbm4b:s5+s17], $0x80, s13, s17, $0xb8;
	[tilespmem:$0x1F000] =	vst v63  }
0xaf: {  	_ =	swait.ge [sflag:s20], $0x4000  }
0xb0: {  	[sflag:s20] =	ssyncset.done $0x0  }
0xb1: {  	[sflag:s20] =	ssyncadd.s32 $0xFFFFC000  }
0xb2: {  	[spmem:s3] =	stream.indirect.scatter.add.f32 [tilespmem:s16], [sflag:$0x2], $0x80, s2, s17, $0xb8;
	[tilespmem:$0x1F000] =	vst v63  }
0xb3: {  	_ =	swait.ge [sflag:s15], $0x4000  }
0xb4: {  	[sflag:s15] =	ssyncset.done $0x0  }
0xb5: {  	s13 =	sadd.s32 $0x700, s12;
	[sflag:s15] =	ssyncadd.s32 $0xFFFFC000  }
0xb6: {  	[tilespmem:s16], [sflag:$0x1] =	stream.indirect.gather [hbm4b:s5+s17], $0x80, s13, s17, $0xb8;
	[tilespmem:$0x1F000] =	vst v63  }
0xb7: {  	_ =	swait.ge [sflag:s20], $0x4000  }
0xb8: {  	[sflag:s20] =	ssyncset.done $0x0  }
0xb9: {  	[sflag:s20] =	ssyncadd.s32 $0xFFFFC000  }
0xba: {  	[spmem:s3] =	stream.indirect.scatter.add.f32 [tilespmem:s18], [sflag:$0x2], $0x80, s0, s17, $0xb8;
	[tilespmem:$0x1F000] =	vst v63  }
0xbb: {  	_ =	swait.ge [sflag:s15], $0x4000  }
0xbc: {  	[sflag:s15] =	ssyncset.done $0x0  }
0xbd: {  	s13 =	sadd.s32 $0x780, s12;
	[sflag:s15] =	ssyncadd.s32 $0xFFFFC000  }
0xbe: {  	[tilespmem:s18], [sflag:$0x1] =	stream.indirect.gather [hbm4b:s5+s17], $0x80, s13, s17, $0xb8;
	[tilespmem:$0x1F000] =	vst v63  }
0xbf: {  	_ =	swait.ge [sflag:s20], $0x4000  }
0xc0: {  	p0 =	seq.s32 s10, $0x8000;
	[sflag:s20] =	ssyncset.done $0x0  }
.Ltmp2:
0xc1: {  	[sflag:s20] =	ssyncadd.s32 $0xFFFFC000;
	(pc) =	sbr.rel @p0 .LBB2_4-.Ltmp2, $4  }
0xc2: {  	[spmem:s3] =	stream.indirect.scatter.add.f32 [tilespmem:s16], [sflag:$0x2], $0x80, s7, s17, $0xb8;
	[tilespmem:$0x1F000] =	vst v63  }
0xc3: {  	_ =	swait.ge [sflag:s15], $0x4000  }
0xc4: {  	[sflag:s15] =	ssyncset.done $0x0  }
0xc5: {  	[sflag:s15] =	ssyncadd.s32 $0xFFFFC000  }
0xc6: {  	s13 =	sadd.s32 $0x800, s12  }
0xc7: {  	[tilespmem:s16], [sflag:$0x1] =	stream.indirect.gather [hbm4b:s5+s17], $0x80, s13, s17, $0xb8;
	[tilespmem:$0x1F000] =	vst v63  }
0xc8: {  	_ =	swait.ge [sflag:s20], $0x4000  }
0xc9: {  	[sflag:s20] =	ssyncset.done $0x0  }
0xca: {  	[sflag:s20] =	ssyncadd.s32 $0xFFFFC000  }
0xcb: {  	[spmem:s3] =	stream.indirect.scatter.add.f32 [tilespmem:s18], [sflag:$0x2], $0x80, s8, s17, $0xb8;
	[tilespmem:$0x1F000] =	vst v63  }
.Ltmp3:
0xcc: {  	_ = 	snop;
	(pc) =	sbr.rel .LBB2_2-.Ltmp3, $4  }
0xcd: {  	_ =	swait.ge [sflag:s15], $0x4000  }
0xce: {  	s14 =	sadd.s32 $0x100, s14;
	[sflag:s15] =	ssyncset.done $0x0  }
0xcf: {  	s10 =	sadd.s32 $0x2000, s10;
	s13 =	sadd.s32 $0x880, s12;
	[sflag:s15] =	ssyncadd.s32 $0xFFFFC000  }
0xd0: {  	[tilespmem:s18], [sflag:$0x1] =	stream.indirect.gather [hbm4b:s5+s17], $0x80, s13, s17, $0xb8;
	[tilespmem:$0x1F000] =	vst v63  }
.LBB2_5:
0xd1: {  	_ =	sfence.sel $0x180000  }
0xd2: {  	[bflag:$0x0] =	sbarrier.arrive $0xFFFF  }
0xd3: {  	_ =	strace $0x9000004A  }
0xd4: {  	s0 =	stileid.u32;
	[bflag:$0x2] =	sbarrier.arrive $0xFFFF  }
0xd5: {  	p0 =	sne.s32 s0, $0x0;
	s0 =	rddreg [dreg:$0x3]  }
0xd6: {  	s0 =	sadd.s32 @!p0 $0x100000, s0  }
0xd7: {  	[sflag:s0] =	ssyncadd.tile.s32 @!p0 $0x1;
	_ =	shalt  }
.Lfunc_end2:
_tile_overlayer_lowered:
.L_overlay_start_2:
0xd8: {  	(tag) =	ssettag $0x2  }
0xd9: {  	s0 =	rddreg [dreg:$0x0];
	s2 =	stileid.u32  }
0xda: {  	s1 =	rddreg [dreg:$0x1];
	p0 =	sne.s32 s2, $0x0  }
0xdb: {  	s3 =	rddreg [dreg:$0x2];
	[bflag:$0x3] =	sbarrier.arrive $0xFFFF;
	s2 =	simm.s32 @!p0 $0x1C02  }
0xdc: {  	[timem:s3], [sflag:s2] =	dma.local @!p0 [hbm:s0], s1  }
0xdd: {  	s0 =	simm.s32 @!p0 $0x2  }
0xde: {  	_ =	swait.ge @!p0 [sflag:s0], s1  }
0xdf: {  	s1 =	ssub.s32 @!p0 $0x0, s1;
	[sflag:s0] =	ssyncset.done @!p0 $0x0  }
0xe0: {  	[sflag:s0] =	ssyncadd.s32 @!p0 s1  }
0xe1: {  	[bflag:$0x3] =	sbarrier.arrive $0xFFFF  }
0xe2: {  	_ =	shalt  }

// kernel: kernel.14.cloned.1.call-start
scs
__scs_entry_jumppad:
0x0: {  	(pc) =	sbr.rel $0x88, $3  }
0x1: {  	(tag) =	ssettag $0x0;
	lr =	simm.s32 $0x1  }
0x2: {  	[smem:$0x3F9B] =	sst lr;
	_ =	strace $0xD0000000  }
0x3: {  	_ = 	snop  }
0x4: {  	_ = 	snop  }
0x5: {  	_ = 	snop  }
0x6: {  	_ = 	snop  }
0x7: {  	_ = 	snop  }
__scs_overlays_trampoline_lowered:
0x8: {  	[smem:$0x3FAA] =	sst s0  }
0x9: {  	[smem:$0x3FAB] =	sst s1  }
0xa: {  	[smem:$0x3FAC] =	sst s2  }
0xb: {  	[smem:$0x3FAD] =	sst s3  }
0xc: {  	[smem:$0x3FAE] =	sst s4  }
0xd: {  	[smem:$0x3FAF] =	sst s5  }
0xe: {  	[smem:$0x3FB0] =	sst s6  }
0xf: {  	[smem:$0x3FB1] =	sst s7  }
0x10: {  	[smem:$0x3FB2] =	sst s8  }
0x11: {  	[smem:$0x3FB3] =	sst s9;
	s0 =	simm.s32 @!p0 $0x0  }
0x12: {  	s1 =	sld [smem:$0x3F99];
	s0 =	simm.s32 @p0 $0x1  }
0x13: {  	[smem:$0x3FB4] =	sst s0;
	s0 =	simm.s32 @!p1 $0x0  }
0x14: {  	s2 =	sld [smem:$0x3F98];
	s0 =	simm.s32 @p1 $0x1  }
0x15: {  	[smem:$0x3FB5] =	sst s0;
	s0 =	simm.s32 @!p2 $0x0  }
0x16: {  	s3 =	sld [smem:$0x3FDB];
	s0 =	simm.s32 @p2 $0x1  }
0x17: {  	s4 =	simm.s32 $0x1BF5;
	[smem:$0x3FB7] =	sst s0  }
0x18: {  	s0 =	sld [smem:$0x3F9A];
	_ =	swait.ge [sflag:s4], $0x0  }
0x19: {  	s7 =	sld [smem:$0x3F9B]  }
0x1a: {  	s8 =	sadd.s32 $0xFFFFE003, lr  }
0x1b: {  	s9 =	sadd.s32 $0xFFFFFEF7, lr;
	s5 =	simm.s32 $0xFFFFFFFF;
	p2 =	slt.u32 s8, $0xFFFFF086  }
0x1c: {  	p1 =	slt.u32 s9, $0xF7A;
	s5 =	simm.s32 @!p2 $0x0  }
0x1d: {  	s5 =	simm.s32 @p1 $0x1;
	p0 =	seq.s32 s7, s2  }
0x1e: {  	s7 =	smul.u32 @!p0 $0xF7A, s2;
	p2 =	seq.s32 @!p0 s5, $0x0  }
0x1f: {  	s9 =	smul.u32 $0xF7A, s1;
	s8 =	simm.s32 @!p0 $0x1BF5;
	p2 =	por !p2, p0  }
0x20: {  	[sflag:s8] =	ssyncset.s32 @!p0 $0xFFFFF086;
	s6 =	sadd.s32 @!p0 s3, s7;
	s7 =	simm.s32 @!p0 $0x108  }
0x21: {  	s3 =	sadd.s32 s3, s9;
	s6 =	sadd.s32 @!p0 $0x88, s6;
	s7 =	simm.s32 @p2 $0x1082  }
0x22: {  	[simem:s7], [sflag:s8] =	dma.local @!p0 [hbm:s6], $0xF7A  }
0x23: {  	s9 =	sor.u32 $0xD0000000, s2;
	s6 =	simm.s32 $0x108;
	_ =	swait.ge @!p0 [sflag:s8], $0x0  }
0x24: {  	s3 =	sadd.s32 $0x88, s3;
	s6 =	simm.s32 @!p1 $0x1082;
	[sflag:s4] =	ssyncset.s32 $0xFFFFF086  }
0x25: {  	[simem:s6], [sflag:s4] =	dma.local [hbm:s3], $0xF7A  }
0x26: {  	[smem:$0x3F9B] =	sst s1;
	(tag) =	ssettag s2;
	_ =	strace s9  }
0x27: {  	s1 =	sld [smem:$0x3FAB]  }
0x28: {  	s2 =	sld [smem:$0x3FAC]  }
0x29: {  	s4 =	sld [smem:$0x3FAE]  }
0x2a: {  	p0 =	seq.s32 s5, $0x0;
	s5 =	sld [smem:$0x3FAF]  }
0x2b: {  	s6 =	sld [smem:$0x3FB0]  }
0x2c: {  	s7 =	sld [smem:$0x3FB1]  }
0x2d: {  	s3 =	simm.s32 $0x108;
	s8 =	sld [smem:$0x3FB2]  }
0x2e: {  	s3 =	simm.s32 @!p0 $0x1082;
	s9 =	sld [smem:$0x3FB3]  }
0x2f: {  	lr =	sadd.s32 s0, s3;
	s0 =	sld [smem:$0x3FAA]  }
0x30: {  	s3 =	sld [smem:$0x3FAD]  }
0x31: {  	[smem:$0x3FB6] =	sst s10  }
0x32: {  	s10 =	sld [smem:$0x3FB4];
	_ =	sdelay $0x3  }
0x33: {  	p0 =	seq.s32 s10, $0x1;
	s10 =	sld [smem:$0x3FB6];
	_ =	sdelay $0x3  }
0x34: {  	[smem:$0x3FB6] =	sst s10  }
0x35: {  	s10 =	sld [smem:$0x3FB5];
	_ =	sdelay $0x3  }
0x36: {  	p1 =	seq.s32 s10, $0x1;
	s10 =	sld [smem:$0x3FB6];
	_ =	sdelay $0x3  }
0x37: {  	[smem:$0x3FB6] =	sst s10  }
0x38: {  	s10 =	sld [smem:$0x3FB7]  }
0x39: {  	_ = 	snop;
	(pc) =	sbr.ind lr, $3  }
0x3a: {  	_ = 	snop  }
0x3b: {  	_ = 	snop  }
0x3c: {  	p2 =	seq.s32 s10, $0x1;
	s10 =	sld [smem:$0x3FB6]  }
0x3d: {  	_ =	shalt  }
0x3e: {  	_ =	shalt  }
0x3f: {  	_ =	shalt  }
0x40: {  	_ =	shalt  }
0x41: {  	_ =	shalt  }
0x42: {  	_ =	shalt  }
0x43: {  	_ =	shalt  }
0x44: {  	_ =	shalt  }
0x45: {  	_ =	shalt  }
0x46: {  	_ =	shalt  }
0x47: {  	_ =	shalt  }
0x48: {  	_ =	shalt  }
0x49: {  	_ =	shalt  }
0x4a: {  	_ =	shalt  }
0x4b: {  	_ =	shalt  }
0x4c: {  	_ =	shalt  }
0x4d: {  	_ =	shalt  }
0x4e: {  	_ =	shalt  }
0x4f: {  	_ =	shalt  }
0x50: {  	_ =	shalt  }
0x51: {  	_ =	shalt  }
0x52: {  	_ =	shalt  }
0x53: {  	_ =	shalt  }
0x54: {  	_ =	shalt  }
0x55: {  	_ =	shalt  }
0x56: {  	_ =	shalt  }
0x57: {  	_ =	shalt  }
0x58: {  	_ =	shalt  }
0x59: {  	_ =	shalt  }
0x5a: {  	_ =	shalt  }
0x5b: {  	_ =	shalt  }
0x5c: {  	_ =	shalt  }
0x5d: {  	_ =	shalt  }
0x5e: {  	_ =	shalt  }
0x5f: {  	_ =	shalt  }
0x60: {  	_ =	shalt  }
0x61: {  	_ =	shalt  }
0x62: {  	_ =	shalt  }
0x63: {  	_ =	shalt  }
0x64: {  	_ =	shalt  }
0x65: {  	_ =	shalt  }
0x66: {  	_ =	shalt  }
0x67: {  	_ =	shalt  }
0x68: {  	_ =	shalt  }
0x69: {  	_ =	shalt  }
0x6a: {  	_ =	shalt  }
0x6b: {  	_ =	shalt  }
0x6c: {  	_ =	shalt  }
0x6d: {  	_ =	shalt  }
0x6e: {  	_ =	shalt  }
0x6f: {  	_ =	shalt  }
0x70: {  	_ =	shalt  }
0x71: {  	_ =	shalt  }
0x72: {  	_ =	shalt  }
0x73: {  	_ =	shalt  }
0x74: {  	_ =	shalt  }
0x75: {  	_ =	shalt  }
0x76: {  	_ =	shalt  }
0x77: {  	_ =	shalt  }
0x78: {  	_ =	shalt  }
0x79: {  	_ =	shalt  }
0x7a: {  	_ =	shalt  }
0x7b: {  	_ =	shalt  }
0x7c: {  	_ =	shalt  }
0x7d: {  	_ =	shalt  }
0x7e: {  	_ =	shalt  }
0x7f: {  	_ =	shalt  }
0x80: {  	_ =	shalt  }
0x81: {  	_ =	shalt  }
0x82: {  	_ =	shalt  }
0x83: {  	_ =	shalt  }
0x84: {  	_ =	shalt  }
0x85: {  	_ =	shalt  }
0x86: {  	_ =	shalt  }
0x87: {  	_ =	shalt  }
.Lfunc_end0:
.L_simem_size_0:
called_computation.2_lowered:
.L_overlay_start_0:
0x88: {  	s2 =	sld [smem:$0x3FD9]  }
0x89: {  	s3 =	sld [smem:$0x3FFE];
	_ =	sdelay $0x1  }
0x8a: {  	s1 =	srdreg.scid  }
0x8b: {  	s0 =	sand.u32 $0x1, s1  }
0x8c: {  	s16 =	sshll.u32 s0, $0xA;
	s2 =	sadd.s32 s3, s2  }
0x8d: {  	s2 =	sadd.s32 s2, s16  }
0x8e: {  	[smem:$0x3FC2] =	sst s2  }
0x8f: {  	_ = 	snop  }
0x90: {  	(tm) =	ssettm $0x1  }
0x91: {  	s17 =	sld [smem:$0x3FFB];
	_ =	sdelay $0x3  }
0x92: {  	_ =	strace s17  }
0x93: {  	s2 =	sld [smem:$0x3FFC];
	_ =	sdelay $0x3  }
0x94: {  	_ =	strace s2  }
0x95: {  	s2 =	sld [smem:$0x3FFD];
	_ =	sdelay $0x3  }
0x96: {  	_ =	strace s2  }
0x97: {  	_ =	strace $0x8FFFFFFF  }
0x98: {  	s18 =	sld [smem:$0x3FDB];
	_ =	sdelay $0x1  }
0x99: {  	s19 =	simm.s32 $_scs_section_size  }
0x9a: {  	s4 =	simm.s32 $_size__tile_overlayer_lowered;
	s5 =	simm.s32 $_tile_overlayer_lowered  }
0x9b: {  	s22 =	simm.s32 $0x1BFF;
	s21 =	sshll.u32 s5, $0x1;
	s2 =	sadd.s32 s19, s18  }
0x9c: {  	s6 =	simm.s32 $0x0;
	s20 =	sshll.u32 s4, $0x1;
	s4 =	sadd.s32 s21, s2  }
0x9d: {  	[timem:s6], [sflag:s22] =	dma.local [hbm:s4], s20  }
0x9e: {  	_ =	swait.ge [sflag:s22], s20  }
0x9f: {  	s3 =	ssub.s32 $0x0, s20;
	[sflag:s22] =	ssyncset.done $0x0  }
0xa0: {  	[sflag:s22] =	ssyncadd.s32 s3;
	_ =	sdelay $0x1  }
0xa1: {  	s23 =	simm.s32 $0x1B8B  }
0xa2: {  	_ =	swait.ge [sflag:s23], $0x1  }
0xa3: {  	[sflag:s23] =	ssyncset.done $0x0  }
0xa4: {  	s25 =	simm.s32 $0x1B8E;
	s24 =	sld [smem:$0x3FFE];
	[sflag:s23] =	ssyncadd.s32 $0xFFFFFFFF  }
0xa5: {  	s26 =	simm.s32 $execute0_lowered;
	[smem:$0x3FD2] =	sst s25  }
0xa6: {  	s4 =	sshll.u32 s26, $0x1;
	_ =	strace $0x8000004C;
	[dreg:$0x1] =	wrdreg $0xFFFFFFFF  }
0xa7: {  	s28 =	simm.s32 $_size_execute0_lowered;
	s2 =	sadd.s32 s2, s4;
	[dreg:$0x0] =	wrdreg $0x0  }
0xa8: {  	s4 =	sshll.u32 s28, $0x1;
	[dreg:$0x2] =	wrdreg s2  }
0xa9: {  	[dreg:$0x3] =	wrdreg s4  }
0xaa: {  	[dreg:$0x4] =	wrdreg $0xC0  }
0xab: {  	_ =	task [dreg:s6], $0x5FFFF  }
0xac: {  	[dreg:$0x1] =	wrdreg $0xFFFFFFFF  }
0xad: {  	[dreg:$0x0] =	wrdreg $0x60  }
0xae: {  	[dreg:$0x2] =	wrdreg s24  }
0xaf: {  	[dreg:$0x3] =	wrdreg $0x40000  }
0xb0: {  	[dreg:$0x4] =	wrdreg $0x9  }
0xb1: {  	_ =	task.clear_ibuf [dreg:s6], $0x5FFFF;
	_ =	strace $0x9000004C  }
0xb2: {  	s29 =	simm.s32 $0x9;
	_ =	strace $0x8000004E  }
0xb3: {  	_ =	swait.ge [sflag:s29], $0x1  }
0xb4: {  	[sflag:s29] =	ssyncadd.s32 $0xFFFFFFFF  }
0xb5: {  	_ =	strace $0x9000004E  }
0xb6: {  	_ =	sfence  }
0xb7: {  	s30 =	sld [smem:$0x0];
	_ =	sdelay $0x2  }
0xb8: {  	s31 =	sshll.u32 s1, $0xD;
	s1 =	sshrl.u32 s1, $0x2  }
0xb9: {  	s3 =	sand.u32 $0x4000, s31;
	s1 =	sadd.s32 s1, s30  }
0xba: {  	s0 =	sor.u32 s3, s0;
	s1 =	sshll.u32 s1, $0x11  }
0xbb: {  	s0 =	sor.u32 s1, s0  }
0xbc: {  	s0 =	sadd.s32 $0x8F2B, s0  }
0xbd: {  	[sflag:s0] =	ssyncadd.remote.s32 $0x1  }
0xbe: {  	_ =	sfence.sel $0xFFFF  }
0xbf: {  	[dreg:$0x0] =	wrdreg $0xFFFFFFFF;
	(pc) =	sbr.abs _section_cstart, $3  }
0xc0: {  	[dreg:$0x1] =	wrdreg $0xFFFFFFFF  }
0xc1: {  	_ =	task.clear_ibuf [dreg:s6], $0x2FFFF;
	_ =	strace $0x9FFFFFFF  }
0xc2: {  	(tm) =	ssettm $0x7FFFFFFF  }
0xc3: {  	_ =	shalt  }
tec
execute0_lowered:
.L_overlay_start_1:
0x0: {  	(tag) =	ssettag $0x1  }
0x1: {  	s0 =	srdreg.scid;
	s5 =	rddreg [dreg:$0x0]  }
0x2: {  	s3 =	stileid.u32;
	s2 =	rddreg [dreg:$0x1]  }
0x3: {  	s7 =	simm.s32 $0x0;
	s15 =	simm.s32 $0x2;
	s16 =	simm.s32 $0x3000  }
0x4: {  	s17 =	simm.s32 $0x80;
	s28 =	simm.s32 $0x2980;
	s29 =	simm.s32 $0x2A00  }
0x5: {  	s30 =	simm.s32 $0x2A80;
	s31 =	simm.s32 $0x2B00;
	s0 =	sand.u32 $0x1, s0  }
0x6: {  	s1 =	sshll.u32 s3, $0x1;
	s6 =	smul.u32 $0x5000, s3;
	[smem:$0x7FF] =	sst s7  }
0x7: {  	s18 =	smul.u32 $0x1400, s3;
	s19 =	sadd.s32 $0x15C00, s5;
	s7 =	simm.s32 $0x0  }
0x8: {  	s1 =	sor.u32 s0, s1;
	s4 =	smul.u32 $0x2800, s0;
	_ =	strace $0x8000004D  }
0x9: {  	s9 =	smul.u32 $0x14000, s0;
	[dreg:$0x3] =	wrdreg s19;
	s0 =	ssub.s32 $0x2, s0  }
0xa: {  	s19 =	simm.s32 $0x2C80;
	s1 =	smul.u32 $0x2800, s1;
	s20 =	sshrl.u32 s0, $0x1  }
0xb: {  	s10 =	sadd.s32 s18, s2;
	s8 =	sadd.s32 s4, s6;
	s4 =	sadd.s32 $0x15E00, s5  }
0xc: {  	s9 =	sadd.s32 s18, s9;
	s6 =	sshrl.u32 s6, $0x2;
	s0 =	ssub.s32 s0, s20  }
0xd: {  	s18 =	simm.s32 $0x3400;
	s20 =	simm.s32 $0x3800;
	[dreg:$0x5] =	wrdreg s10  }
0xe: {  	s1 =	sshrl.u32 s1, $0x3;
	s8 =	sshrl.u32 s8, $0x3;
	s9 =	sshrl.u32 s9, $0x3  }
0xf: {  	s21 =	sadd.s32 s6, s2;
	s0 =	smax.u32 s0, $0x1;
	s6 =	simm.s32 $0x2E00  }
0x10: {  	s1 =	sadd.s32 s1, s5;
	s8 =	sadd.s32 s8, s5;
	s5 =	sadd.s32 s9, s5  }
0x11: {  	s22 =	sadd.s32 $0x400, s21;
	s23 =	sadd.s32 $0x800, s21;
	[dreg:$0xb] =	wrdreg s0  }
0x12: {  	s24 =	sadd.s32 $0xC00, s21;
	s0 =	simm.s32 $0x2C00;
	[dreg:$0x6] =	wrdreg s22  }
0x13: {  	s9 =	simm.s32 $0x2F80;
	s1 =	sadd.s32 $0xBC00, s1;
	[dreg:$0x7] =	wrdreg s23  }
0x14: {  	[dreg:$0x8] =	wrdreg s24;
	s25 =	sadd.s32 $0x18600, s5;
	s26 =	sadd.s32 $0x1C00, s8  }
.Ltmp0:
0x15: {  	s22 =	simm.s32 $0x3C00;
	s23 =	simm.s32 $0x2800;
	(pc) =	sbr.rel .LBB2_1-.Ltmp0, $4  }
0x16: {  	s24 =	simm.s32 $0x1;
	s5 =	simm.s32 $0x2D80;
	[dreg:$0x4] =	wrdreg s1  }
0x17: {  	s8 =	simm.s32 $0x2F00;
	s1 =	sadd.s32 $0x1000, s21;
	[dreg:$0xa] =	wrdreg s25  }
0x18: {  	[dreg:$0xc] =	wrdreg s26;
	s26 =	simm.s32 $0x2900;
	s21 =	simm.s32 $0x2D00  }
0x19: {  	s25 =	simm.s32 $0x0;
	[dreg:$0x9] =	wrdreg s1;
	s1 =	simm.s32 $0x2B80  }
.LBB2_4:
0x1a: {  	_ =	swait.ge [sflag:s24], $0x400  }
0x1b: {  	[sflag:s24] =	ssyncset.done $0x0  }
0x1c: {  	[sflag:s24] =	ssyncadd.s32 $0xFFFFFC00  }
0x1d: {  	[spmem:s2] =	stream.indirect.scatter.add.f32 [tilespmem:s22], [sflag:$0x2], $0x8, s9, s17, $0xb8;
	[tilespmem:$0x5400] =	vst v63  }
0x1e: {  	_ =	swait.ge [sflag:s15], $0x400  }
0x1f: {  	[sflag:s15] =	ssyncset.done $0x0  }
0x20: {  	[sflag:s15] =	ssyncadd.s32 $0xFFFFFC00  }
0x21: {  	s3 =	stileid.u32;
	[bflag:$0x0] =	sbarrier.arrive $0xFFFF  }
0x22: {  	s3 =	sshll.u32 s3, $0x6;
	s10 =	rddreg [dreg:$0x5]  }
0x23: {  	s3 =	sor.u32 $0x1C02, s3;
	s11 =	rddreg [dreg:$0xa];
	s7 =	sshrl.u32 s10, $0x3  }
0x24: {  	[hbm:s11], [sflag:s3] =	dma.local [spmem:s7], $0x280  }
0x25: {  	_ =	swait.ge [sflag:s15], $0x280  }
0x26: {  	s13 =	rddreg [dreg:$0xd]  }
0x27: {  	s14 =	rddreg [dreg:$0xb];
	s7 =	sadd.s32 $0x1, s13  }
0x28: {  	p0 =	sne.s32 s7, s14  }
.Ltmp1:
0x29: {  	_ = 	snop;
	(pc) =	sbr.rel @!p0 .LBB2_5-.Ltmp1, $3  }
0x2a: {  	_ =	sdelay $0x1  }
0x2b: {  	[sflag:s15] =	ssyncset.done $0x0  }
0x2c: {  	[sflag:s15] =	ssyncadd.s32 $0xFFFFFD80  }
.LBB2_1:
0x2d: {  	[dreg:$0xd] =	wrdreg s7  }
0x2e: {  	s3 =	simm.s32 $0x0;
	s12 =	rddreg [dreg:$0x4]  }
0x2f: {  	[tilespmem:s3], [sflag:$0x2] =	stream.linear.gather [hbm4b:s12+s3], $0x2800, $0x38;
	[tilespmem:$0x5400] =	vst v63  }
0x30: {  	_ =	swait.ge [sflag:s15], $0x2800  }
0x31: {  	[sflag:s15] =	ssyncset.done $0x0  }
0x32: {  	s13 =	rddreg [dreg:$0x3];
	[sflag:s15] =	ssyncadd.s32 $0xFFFFD800  }
0x33: {  	[tilespmem:s16], [sflag:$0x2] =	stream.linear.gather [hbm4b:s13+s3], $0x400, $0x38;
	[tilespmem:$0x5400] =	vst v63  }
0x34: {  	_ =	swait.ge [sflag:s15], $0x400  }
0x35: {  	[sflag:s15] =	ssyncset.done $0x0  }
0x36: {  	[sflag:s15] =	ssyncadd.s32 $0xFFFFFC00  }
0x37: {  	[spmem:s10] =	stream.linear.scatter [tilespmem:s16], [sflag:$0x2], $0x400, $0x38;
	[tilespmem:$0x5400] =	vst v63  }
0x38: {  	_ =	swait.ge [sflag:s15], $0x400  }
0x39: {  	[sflag:s15] =	ssyncset.done $0x0  }
0x3a: {  	s14 =	rddreg [dreg:$0x6];
	[sflag:s15] =	ssyncadd.s32 $0xFFFFFC00  }
0x3b: {  	[spmem:s14] =	stream.linear.scatter [tilespmem:s16], [sflag:$0x2], $0x400, $0x38;
	[tilespmem:$0x5400] =	vst v63  }
0x3c: {  	_ =	swait.ge [sflag:s15], $0x400  }
0x3d: {  	[sflag:s15] =	ssyncset.done $0x0  }
0x3e: {  	s10 =	rddreg [dreg:$0x7];
	[sflag:s15] =	ssyncadd.s32 $0xFFFFFC00  }
0x3f: {  	[spmem:s10] =	stream.linear.scatter [tilespmem:s16], [sflag:$0x2], $0x400, $0x38;
	[tilespmem:$0x5400] =	vst v63  }
0x40: {  	_ =	swait.ge [sflag:s15], $0x400  }
0x41: {  	[sflag:s15] =	ssyncset.done $0x0  }
0x42: {  	s11 =	rddreg [dreg:$0x8];
	[sflag:s15] =	ssyncadd.s32 $0xFFFFFC00  }
0x43: {  	[spmem:s11] =	stream.linear.scatter [tilespmem:s16], [sflag:$0x2], $0x400, $0x38;
	[tilespmem:$0x5400] =	vst v63  }
0x44: {  	_ =	swait.ge [sflag:s15], $0x400  }
0x45: {  	[sflag:s15] =	ssyncset.done $0x0  }
0x46: {  	s12 =	rddreg [dreg:$0x9];
	[sflag:s15] =	ssyncadd.s32 $0xFFFFFC00  }
0x47: {  	[spmem:s12] =	stream.linear.scatter [tilespmem:s16], [sflag:$0x2], $0x400, $0x38;
	[tilespmem:$0x5400] =	vst v63  }
0x48: {  	_ =	swait.ge [sflag:s15], $0x400  }
0x49: {  	[sflag:s15] =	ssyncset.done $0x0  }
0x4a: {  	[sflag:s15] =	ssyncadd.s32 $0xFFFFFC00  }
0x4b: {  	[bflag:$0x0] =	sbarrier.arrive $0xFFFF  }
0x4c: {  	[tilespmem:s16], [sflag:$0x1] =	stream.indirect.gather [hbm4b:s4+s17], $0x8, s3, s17, $0xb8;
	[tilespmem:$0x5400] =	vst v63  }
0x4d: {  	_ = 	snop  }
0x4e: {  	[tilespmem:s18], [sflag:$0x1] =	stream.indirect.gather [hbm4b:s4+s17], $0x8, s17, s17, $0xb8;
	[tilespmem:$0x5400] =	vst v63  }
0x4f: {  	s13 =	simm.s32 $0x100  }
0x50: {  	[tilespmem:s20], [sflag:$0x1] =	stream.indirect.gather [hbm4b:s4+s17], $0x8, s13, s17, $0xb8;
	[tilespmem:$0x5400] =	vst v63  }
0x51: {  	s14 =	simm.s32 $0x180  }
0x52: {  	[tilespmem:s22], [sflag:$0x1] =	stream.indirect.gather [hbm4b:s4+s17], $0x8, s14, s17, $0xb8;
	[tilespmem:$0x5400] =	vst v63  }
0x53: {  	s11 =	simm.s32 $0x0;
	s14 =	rddreg [dreg:$0xc]  }
.LBB2_2:
0x54: {  	[tilespmem:s23], [sflag:$0x2] =	stream.linear.gather [hbm4b:s14+s25], $0x800, $0x38;
	[tilespmem:$0x5400] =	vst v63  }
0x55: {  	_ =	swait.ge [sflag:s15], $0x800  }
0x56: {  	[sflag:s15] =	ssyncset.done $0x0  }
0x57: {  	[sflag:s15] =	ssyncadd.s32 $0xFFFFF800  }
0x58: {  	_ =	swait.ge [sflag:s24], $0x400  }
0x59: {  	[sflag:s24] =	ssyncset.done $0x0  }
0x5a: {  	[sflag:s24] =	ssyncadd.s32 $0xFFFFFC00  }
0x5b: {  	[spmem:s2] =	stream.indirect.scatter.add.f32 [tilespmem:s16], [sflag:$0x2], $0x8, s23, s17, $0xb8;
	[tilespmem:$0x5400] =	vst v63  }
0x5c: {  	_ =	swait.ge [sflag:s15], $0x400  }
0x5d: {  	s13 =	sshra.s32 s11, $0x2;
	[sflag:s15] =	ssyncset.done $0x0  }
0x5e: {  	s12 =	sadd.s32 $0x200, s13;
	[sflag:s15] =	ssyncadd.s32 $0xFFFFFC00  }
0x5f: {  	[tilespmem:s16], [sflag:$0x1] =	stream.indirect.gather [hbm4b:s4+s17], $0x8, s12, s17, $0xb8;
	[tilespmem:$0x5400] =	vst v63  }
0x60: {  	_ =	swait.ge [sflag:s24], $0x400  }
0x61: {  	[sflag:s24] =	ssyncset.done $0x0  }
0x62: {  	s3 =	simm.s32 $0x2880;
	[sflag:s24] =	ssyncadd.s32 $0xFFFFFC00  }
0x63: {  	[spmem:s2] =	stream.indirect.scatter.add.f32 [tilespmem:s18], [sflag:$0x2], $0x8, s3, s17, $0xb8;
	[tilespmem:$0x5400] =	vst v63  }
0x64: {  	_ =	swait.ge [sflag:s15], $0x400  }
0x65: {  	[sflag:s15] =	ssyncset.done $0x0  }
0x66: {  	s7 =	sadd.s32 $0x280, s13;
	[sflag:s15] =	ssyncadd.s32 $0xFFFFFC00  }
0x67: {  	[tilespmem:s18], [sflag:$0x1] =	stream.indirect.gather [hbm4b:s4+s17], $0x8, s7, s17, $0xb8;
	[tilespmem:$0x5400] =	vst v63  }
0x68: {  	_ =	swait.ge [sflag:s24], $0x400  }
0x69: {  	[sflag:s24] =	ssyncset.done $0x0  }
0x6a: {  	[sflag:s24] =	ssyncadd.s32 $0xFFFFFC00  }
0x6b: {  	[spmem:s2] =	stream.indirect.scatter.add.f32 [tilespmem:s20], [sflag:$0x2], $0x8, s26, s17, $0xb8;
	[tilespmem:$0x5400] =	vst v63  }
0x6c: {  	_ =	swait.ge [sflag:s15], $0x400  }
0x6d: {  	[sflag:s15] =	ssyncset.done $0x0  }
0x6e: {  	s10 =	sadd.s32 $0x300, s13;
	[sflag:s15] =	ssyncadd.s32 $0xFFFFFC00  }
0x6f: {  	[tilespmem:s20], [sflag:$0x1] =	stream.indirect.gather [hbm4b:s4+s17], $0x8, s10, s17, $0xb8;
	[tilespmem:$0x5400] =	vst v63  }
0x70: {  	_ =	swait.ge [sflag:s24], $0x400  }
0x71: {  	[sflag:s24] =	ssyncset.done $0x0  }
0x72: {  	[sflag:s24] =	ssyncadd.s32 $0xFFFFFC00  }
0x73: {  	[spmem:s2] =	stream.indirect.scatter.add.f32 [tilespmem:s22], [sflag:$0x2], $0x8, s28, s17, $0xb8;
	[tilespmem:$0x5400] =	vst v63  }
0x74: {  	_ =	swait.ge [sflag:s15], $0x400  }
0x75: {  	[sflag:s15] =	ssyncset.done $0x0  }
0x76: {  	s3 =	sadd.s32 $0x380, s13;
	[sflag:s15] =	ssyncadd.s32 $0xFFFFFC00  }
0x77: {  	[tilespmem:s22], [sflag:$0x1] =	stream.indirect.gather [hbm4b:s4+s17], $0x8, s3, s17, $0xb8;
	[tilespmem:$0x5400] =	vst v63  }
0x78: {  	_ =	swait.ge [sflag:s24], $0x400  }
0x79: {  	[sflag:s24] =	ssyncset.done $0x0  }
0x7a: {  	[sflag:s24] =	ssyncadd.s32 $0xFFFFFC00  }
0x7b: {  	[spmem:s2] =	stream.indirect.scatter.add.f32 [tilespmem:s16], [sflag:$0x2], $0x8, s29, s17, $0xb8;
	[tilespmem:$0x5400] =	vst v63  }
0x7c: {  	_ =	swait.ge [sflag:s15], $0x400  }
0x7d: {  	[sflag:s15] =	ssyncset.done $0x0  }
0x7e: {  	s7 =	sadd.s32 $0x400, s13;
	[sflag:s15] =	ssyncadd.s32 $0xFFFFFC00  }
0x7f: {  	[tilespmem:s16], [sflag:$0x1] =	stream.indirect.gather [hbm4b:s4+s17], $0x8, s7, s17, $0xb8;
	[tilespmem:$0x5400] =	vst v63  }
0x80: {  	_ =	swait.ge [sflag:s24], $0x400  }
0x81: {  	[sflag:s24] =	ssyncset.done $0x0  }
0x82: {  	[sflag:s24] =	ssyncadd.s32 $0xFFFFFC00  }
0x83: {  	[spmem:s2] =	stream.indirect.scatter.add.f32 [tilespmem:s18], [sflag:$0x2], $0x8, s30, s17, $0xb8;
	[tilespmem:$0x5400] =	vst v63  }
0x84: {  	_ =	swait.ge [sflag:s15], $0x400  }
0x85: {  	[sflag:s15] =	ssyncset.done $0x0  }
0x86: {  	s10 =	sadd.s32 $0x480, s13;
	[sflag:s15] =	ssyncadd.s32 $0xFFFFFC00  }
0x87: {  	[tilespmem:s18], [sflag:$0x1] =	stream.indirect.gather [hbm4b:s4+s17], $0x8, s10, s17, $0xb8;
	[tilespmem:$0x5400] =	vst v63  }
0x88: {  	_ =	swait.ge [sflag:s24], $0x400  }
0x89: {  	[sflag:s24] =	ssyncset.done $0x0  }
0x8a: {  	[sflag:s24] =	ssyncadd.s32 $0xFFFFFC00  }
0x8b: {  	[spmem:s2] =	stream.indirect.scatter.add.f32 [tilespmem:s20], [sflag:$0x2], $0x8, s31, s17, $0xb8;
	[tilespmem:$0x5400] =	vst v63  }
0x8c: {  	_ =	swait.ge [sflag:s15], $0x400  }
0x8d: {  	[sflag:s15] =	ssyncset.done $0x0  }
0x8e: {  	s3 =	sadd.s32 $0x500, s13;
	[sflag:s15] =	ssyncadd.s32 $0xFFFFFC00  }
0x8f: {  	[tilespmem:s20], [sflag:$0x1] =	stream.indirect.gather [hbm4b:s4+s17], $0x8, s3, s17, $0xb8;
	[tilespmem:$0x5400] =	vst v63  }
0x90: {  	_ =	swait.ge [sflag:s24], $0x400  }
0x91: {  	[sflag:s24] =	ssyncset.done $0x0  }
0x92: {  	[sflag:s24] =	ssyncadd.s32 $0xFFFFFC00  }
0x93: {  	[spmem:s2] =	stream.indirect.scatter.add.f32 [tilespmem:s22], [sflag:$0x2], $0x8, s1, s17, $0xb8;
	[tilespmem:$0x5400] =	vst v63  }
0x94: {  	_ =	swait.ge [sflag:s15], $0x400  }
0x95: {  	[sflag:s15] =	ssyncset.done $0x0  }
0x96: {  	s7 =	sadd.s32 $0x580, s13;
	[sflag:s15] =	ssyncadd.s32 $0xFFFFFC00  }
0x97: {  	[tilespmem:s22], [sflag:$0x1] =	stream.indirect.gather [hbm4b:s4+s17], $0x8, s7, s17, $0xb8;
	[tilespmem:$0x5400] =	vst v63  }
0x98: {  	_ =	swait.ge [sflag:s24], $0x400  }
0x99: {  	[sflag:s24] =	ssyncset.done $0x0  }
0x9a: {  	[sflag:s24] =	ssyncadd.s32 $0xFFFFFC00  }
0x9b: {  	[spmem:s2] =	stream.indirect.scatter.add.f32 [tilespmem:s16], [sflag:$0x2], $0x8, s0, s17, $0xb8;
	[tilespmem:$0x5400] =	vst v63  }
0x9c: {  	_ =	swait.ge [sflag:s15], $0x400  }
0x9d: {  	[sflag:s15] =	ssyncset.done $0x0  }
0x9e: {  	s10 =	sadd.s32 $0x600, s13;
	[sflag:s15] =	ssyncadd.s32 $0xFFFFFC00  }
0x9f: {  	[tilespmem:s16], [sflag:$0x1] =	stream.indirect.gather [hbm4b:s4+s17], $0x8, s10, s17, $0xb8;
	[tilespmem:$0x5400] =	vst v63  }
0xa0: {  	_ =	swait.ge [sflag:s24], $0x400  }
0xa1: {  	[sflag:s24] =	ssyncset.done $0x0  }
0xa2: {  	[sflag:s24] =	ssyncadd.s32 $0xFFFFFC00  }
0xa3: {  	[spmem:s2] =	stream.indirect.scatter.add.f32 [tilespmem:s18], [sflag:$0x2], $0x8, s19, s17, $0xb8;
	[tilespmem:$0x5400] =	vst v63  }
0xa4: {  	_ =	swait.ge [sflag:s15], $0x400  }
0xa5: {  	[sflag:s15] =	ssyncset.done $0x0  }
0xa6: {  	s3 =	sadd.s32 $0x680, s13;
	[sflag:s15] =	ssyncadd.s32 $0xFFFFFC00  }
0xa7: {  	[tilespmem:s18], [sflag:$0x1] =	stream.indirect.gather [hbm4b:s4+s17], $0x8, s3, s17, $0xb8;
	[tilespmem:$0x5400] =	vst v63  }
0xa8: {  	_ =	swait.ge [sflag:s24], $0x400  }
0xa9: {  	[sflag:s24] =	ssyncset.done $0x0  }
0xaa: {  	[sflag:s24] =	ssyncadd.s32 $0xFFFFFC00  }
0xab: {  	[spmem:s2] =	stream.indirect.scatter.add.f32 [tilespmem:s20], [sflag:$0x2], $0x8, s21, s17, $0xb8;
	[tilespmem:$0x5400] =	vst v63  }
0xac: {  	_ =	swait.ge [sflag:s15], $0x400  }
0xad: {  	[sflag:s15] =	ssyncset.done $0x0  }
0xae: {  	s7 =	sadd.s32 $0x700, s13;
	[sflag:s15] =	ssyncadd.s32 $0xFFFFFC00  }
0xaf: {  	[tilespmem:s20], [sflag:$0x1] =	stream.indirect.gather [hbm4b:s4+s17], $0x8, s7, s17, $0xb8;
	[tilespmem:$0x5400] =	vst v63  }
0xb0: {  	_ =	swait.ge [sflag:s24], $0x400  }
0xb1: {  	[sflag:s24] =	ssyncset.done $0x0  }
0xb2: {  	[sflag:s24] =	ssyncadd.s32 $0xFFFFFC00  }
0xb3: {  	[spmem:s2] =	stream.indirect.scatter.add.f32 [tilespmem:s22], [sflag:$0x2], $0x8, s5, s17, $0xb8;
	[tilespmem:$0x5400] =	vst v63  }
0xb4: {  	_ =	swait.ge [sflag:s15], $0x400  }
0xb5: {  	[sflag:s15] =	ssyncset.done $0x0  }
0xb6: {  	s10 =	sadd.s32 $0x780, s13;
	[sflag:s15] =	ssyncadd.s32 $0xFFFFFC00  }
0xb7: {  	[tilespmem:s22], [sflag:$0x1] =	stream.indirect.gather [hbm4b:s4+s17], $0x8, s10, s17, $0xb8;
	[tilespmem:$0x5400] =	vst v63  }
0xb8: {  	_ =	swait.ge [sflag:s24], $0x400  }
0xb9: {  	[sflag:s24] =	ssyncset.done $0x0  }
0xba: {  	[sflag:s24] =	ssyncadd.s32 $0xFFFFFC00  }
0xbb: {  	[spmem:s2] =	stream.indirect.scatter.add.f32 [tilespmem:s16], [sflag:$0x2], $0x8, s6, s17, $0xb8;
	[tilespmem:$0x5400] =	vst v63  }
0xbc: {  	_ =	swait.ge [sflag:s15], $0x400  }
0xbd: {  	p0 =	seq.s32 s11, $0x8000;
	[sflag:s15] =	ssyncset.done $0x0  }
0xbe: {  	s12 =	simm.s32 @p0 $0x1;
	[sflag:s15] =	ssyncadd.s32 $0xFFFFFC00  }
0xbf: {  	_ =	swait.ge @p0 [sflag:s12], $0x400  }
0xc0: {  	s7 =	simm.s32 @p0 $0x2E80;
	[sflag:s12] =	ssyncset.done @p0 $0x0  }
0xc1: {  	s10 =	simm.s32 @p0 $0x3400;
	[sflag:s12] =	ssyncadd.s32 @p0 $0xFFFFFC00;
	s12 =	simm.s32 @p0 $0x80  }
0xc2: {  	[spmem:s2] =	stream.indirect.scatter.add.f32 @p0 [tilespmem:s10], [sflag:$0x2], $0x8, s7, s12, $0xb8;
	[tilespmem:$0x5400] =	vst v63  }
0xc3: {  	s7 =	simm.s32 @p0 $0x2  }
0xc4: {  	_ =	swait.ge @p0 [sflag:s7], $0x400  }
0xc5: {  	[sflag:s7] =	ssyncset.done @p0 $0x0  }
0xc6: {  	[sflag:s7] =	ssyncadd.s32 @p0 $0xFFFFFC00;
	s7 =	sshra.s32 @!p0 s11, $0x2  }
0xc7: {  	s3 =	simm.s32 @!p0 $0x3000;
	s12 =	simm.s32 @!p0 $0x80;
	s10 =	sadd.s32 @!p0 $0x800, s7  }
0xc8: {  	[tilespmem:s3], [sflag:$0x1] =	stream.indirect.gather @!p0 [hbm4b:s4+s12], $0x8, s10, s12, $0xb8;
	[tilespmem:$0x5400] =	vst v63  }
0xc9: {  	s3 =	simm.s32 @!p0 $0x1  }
0xca: {  	_ =	swait.ge @!p0 [sflag:s3], $0x400  }
0xcb: {  	[sflag:s3] =	ssyncset.done @!p0 $0x0  }
0xcc: {  	s10 =	simm.s32 @!p0 $0x3400;
	[sflag:s3] =	ssyncadd.s32 @!p0 $0xFFFFFC00;
	s3 =	simm.s32 @!p0 $0x2E80  }
0xcd: {  	[spmem:s2] =	stream.indirect.scatter.add.f32 @!p0 [tilespmem:s10], [sflag:$0x2], $0x8, s3, s12, $0xb8;
	[tilespmem:$0x5400] =	vst v63  }
0xce: {  	s3 =	simm.s32 @!p0 $0x2  }
0xcf: {  	_ =	swait.ge @!p0 [sflag:s3], $0x400  }
0xd0: {  	[sflag:s3] =	ssyncset.done @!p0 $0x0  }
0xd1: {  	[sflag:s3] =	ssyncadd.s32 @!p0 $0xFFFFFC00;
	s3 =	sadd.s32 @!p0 $0x880, s7  }
0xd2: {  	[tilespmem:s10], [sflag:$0x1] =	stream.indirect.gather @!p0 [hbm4b:s4+s12], $0x8, s3, s12, $0xb8;
	[tilespmem:$0x5400] =	vst v63  }
0xd3: {  	_ =	swait.ge [sflag:s24], $0x400  }
0xd4: {  	[sflag:s24] =	ssyncset.done $0x0  }
.Ltmp2:
0xd5: {  	[sflag:s24] =	ssyncadd.s32 $0xFFFFFC00;
	(pc) =	sbr.rel @p0 .LBB2_4-.Ltmp2, $4  }
0xd6: {  	[spmem:s2] =	stream.indirect.scatter.add.f32 [tilespmem:s20], [sflag:$0x2], $0x8, s8, s17, $0xb8;
	[tilespmem:$0x5400] =	vst v63  }
0xd7: {  	_ =	swait.ge [sflag:s15], $0x400  }
0xd8: {  	[sflag:s15] =	ssyncset.done $0x0  }
0xd9: {  	[sflag:s15] =	ssyncadd.s32 $0xFFFFFC00  }
0xda: {  	s3 =	sadd.s32 $0x900, s13  }
0xdb: {  	[tilespmem:s20], [sflag:$0x1] =	stream.indirect.gather [hbm4b:s4+s17], $0x8, s3, s17, $0xb8;
	[tilespmem:$0x5400] =	vst v63  }
0xdc: {  	_ =	swait.ge [sflag:s24], $0x400  }
0xdd: {  	[sflag:s24] =	ssyncset.done $0x0  }
0xde: {  	[sflag:s24] =	ssyncadd.s32 $0xFFFFFC00  }
0xdf: {  	[spmem:s2] =	stream.indirect.scatter.add.f32 [tilespmem:s22], [sflag:$0x2], $0x8, s9, s17, $0xb8;
	[tilespmem:$0x5400] =	vst v63  }
.Ltmp3:
0xe0: {  	_ = 	snop;
	(pc) =	sbr.rel .LBB2_2-.Ltmp3, $4  }
0xe1: {  	_ =	swait.ge [sflag:s15], $0x400  }
0xe2: {  	s13 =	sadd.s32 $0x980, s13;
	[sflag:s15] =	ssyncset.done $0x0  }
0xe3: {  	s14 =	sadd.s32 $0x100, s14;
	s11 =	sadd.s32 $0x2000, s11;
	[sflag:s15] =	ssyncadd.s32 $0xFFFFFC00  }
0xe4: {  	[tilespmem:s22], [sflag:$0x1] =	stream.indirect.gather [hbm4b:s4+s17], $0x8, s13, s17, $0xb8;
	[tilespmem:$0x5400] =	vst v63  }
.LBB2_5:
0xe5: {  	_ =	sfence.sel $0x180000  }
0xe6: {  	[bflag:$0x0] =	sbarrier.arrive $0xFFFF  }
0xe7: {  	_ =	strace $0x9000004D  }
0xe8: {  	s0 =	stileid.u32;
	[bflag:$0x2] =	sbarrier.arrive $0xFFFF  }
0xe9: {  	p0 =	sne.s32 s0, $0x0;
	s0 =	rddreg [dreg:$0x2]  }
0xea: {  	s0 =	sadd.s32 @!p0 $0x100000, s0  }
0xeb: {  	[sflag:s0] =	ssyncadd.tile.s32 @!p0 $0x1;
	_ =	shalt  }
.Lfunc_end2:
_tile_overlayer_lowered:
.L_overlay_start_2:
0xec: {  	(tag) =	ssettag $0x2  }
0xed: {  	s0 =	rddreg [dreg:$0x0];
	s2 =	stileid.u32  }
0xee: {  	s1 =	rddreg [dreg:$0x1];
	p0 =	sne.s32 s2, $0x0  }
0xef: {  	s3 =	rddreg [dreg:$0x2];
	[bflag:$0x3] =	sbarrier.arrive $0xFFFF;
	s2 =	simm.s32 @!p0 $0x1C02  }
0xf0: {  	[timem:s3], [sflag:s2] =	dma.local @!p0 [hbm:s0], s1  }
0xf1: {  	s0 =	simm.s32 @!p0 $0x2  }
0xf2: {  	_ =	swait.ge @!p0 [sflag:s0], s1  }
0xf3: {  	s1 =	ssub.s32 @!p0 $0x0, s1;
	[sflag:s0] =	ssyncset.done @!p0 $0x0  }
0xf4: {  	[sflag:s0] =	ssyncadd.s32 @!p0 s1  }
0xf5: {  	[bflag:$0x3] =	sbarrier.arrive $0xFFFF  }
0xf6: {  	_ =	shalt  }

// kernel: kernel.8.cloned.1.call-start
scs
__scs_entry_jumppad:
0x0: {  	(pc) =	sbr.rel $0x88, $3  }
0x1: {  	(tag) =	ssettag $0x0;
	lr =	simm.s32 $0x1  }
0x2: {  	[smem:$0x3F9B] =	sst lr;
	_ =	strace $0xD0000000  }
0x3: {  	_ = 	snop  }
0x4: {  	_ = 	snop  }
0x5: {  	_ = 	snop  }
0x6: {  	_ = 	snop  }
0x7: {  	_ = 	snop  }
__scs_overlays_trampoline_lowered:
0x8: {  	[smem:$0x3FAA] =	sst s0  }
0x9: {  	[smem:$0x3FAB] =	sst s1  }
0xa: {  	[smem:$0x3FAC] =	sst s2  }
0xb: {  	[smem:$0x3FAD] =	sst s3  }
0xc: {  	[smem:$0x3FAE] =	sst s4  }
0xd: {  	[smem:$0x3FAF] =	sst s5  }
0xe: {  	[smem:$0x3FB0] =	sst s6  }
0xf: {  	[smem:$0x3FB1] =	sst s7  }
0x10: {  	[smem:$0x3FB2] =	sst s8  }
0x11: {  	[smem:$0x3FB3] =	sst s9;
	s0 =	simm.s32 @!p0 $0x0  }
0x12: {  	s1 =	sld [smem:$0x3F99];
	s0 =	simm.s32 @p0 $0x1  }
0x13: {  	[smem:$0x3FB4] =	sst s0;
	s0 =	simm.s32 @!p1 $0x0  }
0x14: {  	s2 =	sld [smem:$0x3F98];
	s0 =	simm.s32 @p1 $0x1  }
0x15: {  	[smem:$0x3FB5] =	sst s0;
	s0 =	simm.s32 @!p2 $0x0  }
0x16: {  	s3 =	sld [smem:$0x3FDB];
	s0 =	simm.s32 @p2 $0x1  }
0x17: {  	s4 =	simm.s32 $0x1BF5;
	[smem:$0x3FB7] =	sst s0  }
0x18: {  	s0 =	sld [smem:$0x3F9A];
	_ =	swait.ge [sflag:s4], $0x0  }
0x19: {  	s7 =	sld [smem:$0x3F9B]  }
0x1a: {  	s8 =	sadd.s32 $0xFFFFE003, lr  }
0x1b: {  	s9 =	sadd.s32 $0xFFFFFEF7, lr;
	s5 =	simm.s32 $0xFFFFFFFF;
	p2 =	slt.u32 s8, $0xFFFFF086  }
0x1c: {  	p1 =	slt.u32 s9, $0xF7A;
	s5 =	simm.s32 @!p2 $0x0  }
0x1d: {  	s5 =	simm.s32 @p1 $0x1;
	p0 =	seq.s32 s7, s2  }
0x1e: {  	s7 =	smul.u32 @!p0 $0xF7A, s2;
	p2 =	seq.s32 @!p0 s5, $0x0  }
0x1f: {  	s9 =	smul.u32 $0xF7A, s1;
	s8 =	simm.s32 @!p0 $0x1BF5;
	p2 =	por !p2, p0  }
0x20: {  	[sflag:s8] =	ssyncset.s32 @!p0 $0xFFFFF086;
	s6 =	sadd.s32 @!p0 s3, s7;
	s7 =	simm.s32 @!p0 $0x108  }
0x21: {  	s3 =	sadd.s32 s3, s9;
	s6 =	sadd.s32 @!p0 $0x88, s6;
	s7 =	simm.s32 @p2 $0x1082  }
0x22: {  	[simem:s7], [sflag:s8] =	dma.local @!p0 [hbm:s6], $0xF7A  }
0x23: {  	s9 =	sor.u32 $0xD0000000, s2;
	s6 =	simm.s32 $0x108;
	_ =	swait.ge @!p0 [sflag:s8], $0x0  }
0x24: {  	s3 =	sadd.s32 $0x88, s3;
	s6 =	simm.s32 @!p1 $0x1082;
	[sflag:s4] =	ssyncset.s32 $0xFFFFF086  }
0x25: {  	[simem:s6], [sflag:s4] =	dma.local [hbm:s3], $0xF7A  }
0x26: {  	[smem:$0x3F9B] =	sst s1;
	(tag) =	ssettag s2;
	_ =	strace s9  }
0x27: {  	s1 =	sld [smem:$0x3FAB]  }
0x28: {  	s2 =	sld [smem:$0x3FAC]  }
0x29: {  	s4 =	sld [smem:$0x3FAE]  }
0x2a: {  	p0 =	seq.s32 s5, $0x0;
	s5 =	sld [smem:$0x3FAF]  }
0x2b: {  	s6 =	sld [smem:$0x3FB0]  }
0x2c: {  	s7 =	sld [smem:$0x3FB1]  }
0x2d: {  	s3 =	simm.s32 $0x108;
	s8 =	sld [smem:$0x3FB2]  }
0x2e: {  	s3 =	simm.s32 @!p0 $0x1082;
	s9 =	sld [smem:$0x3FB3]  }
0x2f: {  	lr =	sadd.s32 s0, s3;
	s0 =	sld [smem:$0x3FAA]  }
0x30: {  	s3 =	sld [smem:$0x3FAD]  }
0x31: {  	[smem:$0x3FB6] =	sst s10  }
0x32: {  	s10 =	sld [smem:$0x3FB4];
	_ =	sdelay $0x3  }
0x33: {  	p0 =	seq.s32 s10, $0x1;
	s10 =	sld [smem:$0x3FB6];
	_ =	sdelay $0x3  }
0x34: {  	[smem:$0x3FB6] =	sst s10  }
0x35: {  	s10 =	sld [smem:$0x3FB5];
	_ =	sdelay $0x3  }
0x36: {  	p1 =	seq.s32 s10, $0x1;
	s10 =	sld [smem:$0x3FB6];
	_ =	sdelay $0x3  }
0x37: {  	[smem:$0x3FB6] =	sst s10  }
0x38: {  	s10 =	sld [smem:$0x3FB7]  }
0x39: {  	_ = 	snop;
	(pc) =	sbr.ind lr, $3  }
0x3a: {  	_ = 	snop  }
0x3b: {  	_ = 	snop  }
0x3c: {  	p2 =	seq.s32 s10, $0x1;
	s10 =	sld [smem:$0x3FB6]  }
0x3d: {  	_ =	shalt  }
0x3e: {  	_ =	shalt  }
0x3f: {  	_ =	shalt  }
0x40: {  	_ =	shalt  }
0x41: {  	_ =	shalt  }
0x42: {  	_ =	shalt  }
0x43: {  	_ =	shalt  }
0x44: {  	_ =	shalt  }
0x45: {  	_ =	shalt  }
0x46: {  	_ =	shalt  }
0x47: {  	_ =	shalt  }
0x48: {  	_ =	shalt  }
0x49: {  	_ =	shalt  }
0x4a: {  	_ =	shalt  }
0x4b: {  	_ =	shalt  }
0x4c: {  	_ =	shalt  }
0x4d: {  	_ =	shalt  }
0x4e: {  	_ =	shalt  }
0x4f: {  	_ =	shalt  }
0x50: {  	_ =	shalt  }
0x51: {  	_ =	shalt  }
0x52: {  	_ =	shalt  }
0x53: {  	_ =	shalt  }
0x54: {  	_ =	shalt  }
0x55: {  	_ =	shalt  }
0x56: {  	_ =	shalt  }
0x57: {  	_ =	shalt  }
0x58: {  	_ =	shalt  }
0x59: {  	_ =	shalt  }
0x5a: {  	_ =	shalt  }
0x5b: {  	_ =	shalt  }
0x5c: {  	_ =	shalt  }
0x5d: {  	_ =	shalt  }
0x5e: {  	_ =	shalt  }
0x5f: {  	_ =	shalt  }
0x60: {  	_ =	shalt  }
0x61: {  	_ =	shalt  }
0x62: {  	_ =	shalt  }
0x63: {  	_ =	shalt  }
0x64: {  	_ =	shalt  }
0x65: {  	_ =	shalt  }
0x66: {  	_ =	shalt  }
0x67: {  	_ =	shalt  }
0x68: {  	_ =	shalt  }
0x69: {  	_ =	shalt  }
0x6a: {  	_ =	shalt  }
0x6b: {  	_ =	shalt  }
0x6c: {  	_ =	shalt  }
0x6d: {  	_ =	shalt  }
0x6e: {  	_ =	shalt  }
0x6f: {  	_ =	shalt  }
0x70: {  	_ =	shalt  }
0x71: {  	_ =	shalt  }
0x72: {  	_ =	shalt  }
0x73: {  	_ =	shalt  }
0x74: {  	_ =	shalt  }
0x75: {  	_ =	shalt  }
0x76: {  	_ =	shalt  }
0x77: {  	_ =	shalt  }
0x78: {  	_ =	shalt  }
0x79: {  	_ =	shalt  }
0x7a: {  	_ =	shalt  }
0x7b: {  	_ =	shalt  }
0x7c: {  	_ =	shalt  }
0x7d: {  	_ =	shalt  }
0x7e: {  	_ =	shalt  }
0x7f: {  	_ =	shalt  }
0x80: {  	_ =	shalt  }
0x81: {  	_ =	shalt  }
0x82: {  	_ =	shalt  }
0x83: {  	_ =	shalt  }
0x84: {  	_ =	shalt  }
0x85: {  	_ =	shalt  }
0x86: {  	_ =	shalt  }
0x87: {  	_ =	shalt  }
.Lfunc_end0:
.L_simem_size_0:
called_computation_lowered:
.L_overlay_start_0:
0x88: {  	s2 =	sld [smem:$0x3FD9]  }
0x89: {  	s3 =	sld [smem:$0x3FFE];
	_ =	sdelay $0x1  }
0x8a: {  	s1 =	srdreg.scid  }
0x8b: {  	s0 =	sand.u32 $0x1, s1  }
0x8c: {  	s17 =	sshll.u32 s0, $0xA;
	s2 =	sadd.s32 s3, s2  }
0x8d: {  	s2 =	sadd.s32 s2, s17  }
0x8e: {  	[smem:$0x3FC2] =	sst s2  }
0x8f: {  	_ = 	snop  }
0x90: {  	s2 =	sld [smem:$0x3FD0];
	(tm) =	ssettm $0x1  }
0x91: {  	s18 =	sld [smem:$0x3FFB];
	_ =	sdelay $0x3  }
0x92: {  	_ =	strace s18  }
0x93: {  	s3 =	sld [smem:$0x3FFC];
	_ =	sdelay $0x3  }
0x94: {  	_ =	strace s3  }
0x95: {  	s3 =	sld [smem:$0x3FFD];
	_ =	sdelay $0x3  }
0x96: {  	_ =	strace s3  }
0x97: {  	_ =	strace $0x8FFFFFFF  }
0x98: {  	s19 =	sld [smem:$0x3FDB];
	_ =	sdelay $0x1  }
0x99: {  	s4 =	simm.s32 $_scs_section_size  }
0x9a: {  	s5 =	simm.s32 $_size__tile_overlayer_lowered;
	s6 =	simm.s32 $_tile_overlayer_lowered  }
0x9b: {  	s22 =	simm.s32 $0x1BFF;
	s21 =	sshll.u32 s6, $0x1;
	s3 =	sadd.s32 s4, s19  }
0x9c: {  	s7 =	simm.s32 $0x0;
	s20 =	sshll.u32 s5, $0x1;
	s5 =	sadd.s32 s21, s3  }
0x9d: {  	[timem:s7], [sflag:s22] =	dma.local [hbm:s5], s20  }
0x9e: {  	_ =	swait.ge [sflag:s22], s20  }
0x9f: {  	s4 =	ssub.s32 $0x0, s20;
	[sflag:s22] =	ssyncset.done $0x0  }
0xa0: {  	[sflag:s22] =	ssyncadd.s32 s4;
	_ =	sdelay $0x1  }
0xa1: {  	s23 =	simm.s32 $0x1B8B  }
0xa2: {  	_ =	swait.ge [sflag:s23], $0x1  }
0xa3: {  	[sflag:s23] =	ssyncset.done $0x0  }
0xa4: {  	s25 =	simm.s32 $0x1B8E;
	s24 =	sld [smem:$0x3FFE];
	[sflag:s23] =	ssyncadd.s32 $0xFFFFFFFF  }
0xa5: {  	s26 =	simm.s32 $execute0_lowered;
	[smem:$0x3FD2] =	sst s25  }
0xa6: {  	s5 =	sshll.u32 s26, $0x1;
	_ =	strace $0x80000046;
	[dreg:$0x1] =	wrdreg $0xFFFFFFFF  }
0xa7: {  	s28 =	simm.s32 $_size_execute0_lowered;
	s3 =	sadd.s32 s3, s5;
	[dreg:$0x0] =	wrdreg $0x0  }
0xa8: {  	s5 =	sshll.u32 s28, $0x1;
	[dreg:$0x2] =	wrdreg s3  }
0xa9: {  	[dreg:$0x3] =	wrdreg s5  }
0xaa: {  	[dreg:$0x4] =	wrdreg $0xC0  }
0xab: {  	_ =	task [dreg:s7], $0x5FFFF  }
0xac: {  	[dreg:$0x1] =	wrdreg $0xFFFFFFFF  }
0xad: {  	[dreg:$0x0] =	wrdreg $0x60  }
0xae: {  	[dreg:$0x2] =	wrdreg s24  }
0xaf: {  	[dreg:$0x3] =	wrdreg s2  }
0xb0: {  	[dreg:$0x4] =	wrdreg $0x2C000  }
0xb1: {  	[dreg:$0x5] =	wrdreg $0x9  }
0xb2: {  	_ =	task.clear_ibuf [dreg:s7], $0x6FFFF;
	_ =	strace $0x90000046  }
0xb3: {  	s29 =	simm.s32 $0x9;
	_ =	strace $0x80000048  }
0xb4: {  	_ =	swait.ge [sflag:s29], $0x1  }
0xb5: {  	[sflag:s29] =	ssyncadd.s32 $0xFFFFFFFF  }
0xb6: {  	_ =	strace $0x90000048  }
0xb7: {  	_ =	sfence  }
0xb8: {  	s30 =	sld [smem:$0x0];
	_ =	sdelay $0x2  }
0xb9: {  	s31 =	sshll.u32 s1, $0xD;
	s1 =	sshrl.u32 s1, $0x2  }
0xba: {  	s3 =	sand.u32 $0x4000, s31;
	s1 =	sadd.s32 s1, s30  }
0xbb: {  	s0 =	sor.u32 s3, s0;
	s1 =	sshll.u32 s1, $0x11  }
0xbc: {  	s0 =	sor.u32 s1, s0  }
0xbd: {  	s0 =	sadd.s32 $0x8F2B, s0  }
0xbe: {  	[sflag:s0] =	ssyncadd.remote.s32 $0x1  }
0xbf: {  	_ =	sfence.sel $0xFFFF  }
0xc0: {  	[dreg:$0x0] =	wrdreg $0xFFFFFFFF;
	(pc) =	sbr.abs _section_cstart, $3  }
0xc1: {  	[dreg:$0x1] =	wrdreg $0xFFFFFFFF  }
0xc2: {  	_ =	task.clear_ibuf [dreg:s7], $0x2FFFF;
	_ =	strace $0x9FFFFFFF  }
0xc3: {  	(tm) =	ssettm $0x7FFFFFFF  }
tec
execute0_lowered:
.L_overlay_start_1:
0x0: {  	(tag) =	ssettag $0x1  }
0x1: {  	s6 =	rddreg [dreg:$0x0]  }
0x2: {  	s1 =	srdreg.scid;
	s2 =	rddreg [dreg:$0x1]  }
0x3: {  	s0 =	stileid.u32;
	s3 =	rddreg [dreg:$0x2];
	s4 =	simm.s32 $0x0  }
0x4: {  	s14 =	simm.s32 $0x2;
	s15 =	simm.s32 $0x2800;
	s16 =	simm.s32 $0x80  }
0x5: {  	s17 =	simm.s32 $0x1;
	s20 =	simm.s32 $0x0;
	s7 =	sand.u32 $0x1, s1  }
0x6: {  	s29 =	sshll.u32 s0, $0x1;
	s8 =	smul.u32 $0x1400, s0;
	[smem:$0x7FF] =	sst s4  }
0x7: {  	s11 =	smul.u32 $0x5000, s0;
	s18 =	sshll.u32 s0, $0x6;
	s1 =	sor.u32 s7, s29  }
0x8: {  	s9 =	smul.u32 $0x14000, s7;
	s7 =	ssub.s32 $0x2, s7;
	s18 =	sor.u32 $0x1C02, s18  }
0x9: {  	s5 =	smul.u32 $0x500, s1;
	s1 =	rddreg [dreg:$0x3];
	_ =	strace $0x80000047  }
0xa: {  	s30 =	sshrl.u32 s7, $0x1;
	s31 =	sshrl.u32 s11, $0x2;
	s9 =	sadd.s32 s8, s9  }
0xb: {  	s13 =	ssub.s32 s7, s30;
	s11 =	sadd.s32 s31, s3;
	s7 =	sadd.s32 s8, s3  }
0xc: {  	s10 =	sadd.s32 s5, s6;
	s5 =	sadd.s32 $0x15C00, s6;
	s9 =	sshrl.u32 s9, $0x3  }
0xd: {  	s8 =	sadd.s32 $0x400, s11;
	s13 =	smax.u32 s13, $0x1;
	s19 =	sshrl.u32 s7, $0x3  }
0xe: {  	s12 =	sadd.s32 s9, s6;
	s6 =	sadd.s32 $0x1C00, s10;
	s9 =	sadd.s32 $0x800, s11  }
0xf: {  	s10 =	sadd.s32 $0xC00, s11;
	s11 =	sadd.s32 $0x1000, s11;
	s12 =	sadd.s32 $0x15E00, s12  }
.LBB2_1:
0x10: {  	[tilespmem:s4], [sflag:$0x2] =	stream.linear.gather [hbm4b:s6+s4], $0x2800, $0x38;
	[tilespmem:$0x4000] =	vst v63  }
0x11: {  	_ =	swait.ge [sflag:s14], $0x2800  }
0x12: {  	[sflag:s14] =	ssyncset.done $0x0  }
0x13: {  	[sflag:s14] =	ssyncadd.s32 $0xFFFFD800  }
0x14: {  	[tilespmem:s15], [sflag:$0x2] =	stream.linear.gather [hbm4b:s5+s4], $0x400, $0x38;
	[tilespmem:$0x4000] =	vst v63  }
0x15: {  	_ =	swait.ge [sflag:s14], $0x400  }
0x16: {  	[sflag:s14] =	ssyncset.done $0x0  }
0x17: {  	[sflag:s14] =	ssyncadd.s32 $0xFFFFFC00  }
0x18: {  	[spmem:s7] =	stream.linear.scatter [tilespmem:s15], [sflag:$0x2], $0x400, $0x38;
	[tilespmem:$0x4000] =	vst v63  }
0x19: {  	_ =	swait.ge [sflag:s14], $0x400  }
0x1a: {  	[sflag:s14] =	ssyncset.done $0x0  }
0x1b: {  	[sflag:s14] =	ssyncadd.s32 $0xFFFFFC00  }
0x1c: {  	[spmem:s8] =	stream.linear.scatter [tilespmem:s15], [sflag:$0x2], $0x400, $0x38;
	[tilespmem:$0x4000] =	vst v63  }
0x1d: {  	_ =	swait.ge [sflag:s14], $0x400  }
0x1e: {  	[sflag:s14] =	ssyncset.done $0x0  }
0x1f: {  	[sflag:s14] =	ssyncadd.s32 $0xFFFFFC00  }
0x20: {  	[spmem:s9] =	stream.linear.scatter [tilespmem:s15], [sflag:$0x2], $0x400, $0x38;
	[tilespmem:$0x4000] =	vst v63  }
0x21: {  	_ =	swait.ge [sflag:s14], $0x400  }
0x22: {  	[sflag:s14] =	ssyncset.done $0x0  }
0x23: {  	[sflag:s14] =	ssyncadd.s32 $0xFFFFFC00  }
0x24: {  	[spmem:s10] =	stream.linear.scatter [tilespmem:s15], [sflag:$0x2], $0x400, $0x38;
	[tilespmem:$0x4000] =	vst v63  }
0x25: {  	_ =	swait.ge [sflag:s14], $0x400  }
0x26: {  	[sflag:s14] =	ssyncset.done $0x0  }
0x27: {  	[sflag:s14] =	ssyncadd.s32 $0xFFFFFC00  }
0x28: {  	[spmem:s11] =	stream.linear.scatter [tilespmem:s15], [sflag:$0x2], $0x400, $0x38;
	[tilespmem:$0x4000] =	vst v63  }
0x29: {  	_ =	swait.ge [sflag:s14], $0x400  }
0x2a: {  	[sflag:s14] =	ssyncset.done $0x0  }
0x2b: {  	[sflag:s14] =	ssyncadd.s32 $0xFFFFFC00  }
0x2c: {  	[bflag:$0x0] =	sbarrier.arrive $0xFFFF  }
0x2d: {  	[tilespmem:s15], [sflag:$0x2] =	stream.linear.gather [hbm4b:s2+s4], $0x400, $0x38;
	[tilespmem:$0x4000] =	vst v63  }
0x2e: {  	_ =	swait.ge [sflag:s14], $0x400  }
0x2f: {  	[sflag:s14] =	ssyncset.done $0x0  }
0x30: {  	s21 =	simm.s32 $0x0;
	[sflag:s14] =	ssyncadd.s32 $0xFFFFFC00  }
0x31: {  	[spmem:s3] =	stream.indirect.scatter.add.f32 [tilespmem:s15], [sflag:$0x1], $0x8, s21, s16, $0xb8;
	[tilespmem:$0x4000] =	vst v63  }
0x32: {  	s25 =	simm.s32 $0x80  }
0x33: {  	[spmem:s3] =	stream.indirect.scatter.add.f32 [tilespmem:s15], [sflag:$0x1], $0x8, s25, s16, $0xb8;
	[tilespmem:$0x4000] =	vst v63  }
0x34: {  	s26 =	simm.s32 $0x100  }
0x35: {  	[spmem:s3] =	stream.indirect.scatter.add.f32 [tilespmem:s15], [sflag:$0x1], $0x8, s26, s16, $0xb8;
	[tilespmem:$0x4000] =	vst v63  }
0x36: {  	s28 =	simm.s32 $0x180  }
0x37: {  	[spmem:s3] =	stream.indirect.scatter.add.f32 [tilespmem:s15], [sflag:$0x1], $0x8, s28, s16, $0xb8;
	[tilespmem:$0x4000] =	vst v63  }
0x38: {  	s29 =	simm.s32 $0x200  }
0x39: {  	[spmem:s3] =	stream.indirect.scatter.add.f32 [tilespmem:s15], [sflag:$0x1], $0x8, s29, s16, $0xb8;
	[tilespmem:$0x4000] =	vst v63  }
0x3a: {  	s30 =	simm.s32 $0x280  }
0x3b: {  	[spmem:s3] =	stream.indirect.scatter.add.f32 [tilespmem:s15], [sflag:$0x1], $0x8, s30, s16, $0xb8;
	[tilespmem:$0x4000] =	vst v63  }
0x3c: {  	s31 =	simm.s32 $0x300  }
0x3d: {  	[spmem:s3] =	stream.indirect.scatter.add.f32 [tilespmem:s15], [sflag:$0x1], $0x8, s31, s16, $0xb8;
	[tilespmem:$0x4000] =	vst v63  }
0x3e: {  	s22 =	simm.s32 $0x380  }
0x3f: {  	[spmem:s3] =	stream.indirect.scatter.add.f32 [tilespmem:s15], [sflag:$0x1], $0x8, s22, s16, $0xb8;
	[tilespmem:$0x4000] =	vst v63  }
0x40: {  	s23 =	simm.s32 $0x400  }
0x41: {  	[spmem:s3] =	stream.indirect.scatter.add.f32 [tilespmem:s15], [sflag:$0x1], $0x8, s23, s16, $0xb8;
	[tilespmem:$0x4000] =	vst v63  }
0x42: {  	s24 =	simm.s32 $0x480  }
0x43: {  	[spmem:s3] =	stream.indirect.scatter.add.f32 [tilespmem:s15], [sflag:$0x1], $0x8, s24, s16, $0xb8;
	[tilespmem:$0x4000] =	vst v63  }
0x44: {  	s25 =	simm.s32 $0x500  }
0x45: {  	[spmem:s3] =	stream.indirect.scatter.add.f32 [tilespmem:s15], [sflag:$0x1], $0x8, s25, s16, $0xb8;
	[tilespmem:$0x4000] =	vst v63  }
0x46: {  	s26 =	simm.s32 $0x580  }
0x47: {  	[spmem:s3] =	stream.indirect.scatter.add.f32 [tilespmem:s15], [sflag:$0x1], $0x8, s26, s16, $0xb8;
	[tilespmem:$0x4000] =	vst v63  }
0x48: {  	s28 =	simm.s32 $0x600  }
0x49: {  	[spmem:s3] =	stream.indirect.scatter.add.f32 [tilespmem:s15], [sflag:$0x1], $0x8, s28, s16, $0xb8;
	[tilespmem:$0x4000] =	vst v63  }
0x4a: {  	s29 =	simm.s32 $0x680  }
0x4b: {  	[spmem:s3] =	stream.indirect.scatter.add.f32 [tilespmem:s15], [sflag:$0x1], $0x8, s29, s16, $0xb8;
	[tilespmem:$0x4000] =	vst v63  }
0x4c: {  	s30 =	simm.s32 $0x700  }
0x4d: {  	[spmem:s3] =	stream.indirect.scatter.add.f32 [tilespmem:s15], [sflag:$0x1], $0x8, s30, s16, $0xb8;
	[tilespmem:$0x4000] =	vst v63  }
0x4e: {  	s31 =	simm.s32 $0x780  }
0x4f: {  	[spmem:s3] =	stream.indirect.scatter.add.f32 [tilespmem:s15], [sflag:$0x1], $0x8, s31, s16, $0xb8;
	[tilespmem:$0x4000] =	vst v63  }
0x50: {  	_ =	swait.ge [sflag:s17], $0x400  }
0x51: {  	[sflag:s17] =	ssyncset.done $0x0  }
0x52: {  	[sflag:s17] =	ssyncadd.s32 $0xFFFFFC00  }
0x53: {  	_ =	swait.ge [sflag:s17], $0x400  }
0x54: {  	[sflag:s17] =	ssyncset.done $0x0  }
0x55: {  	[sflag:s17] =	ssyncadd.s32 $0xFFFFFC00  }
0x56: {  	_ =	swait.ge [sflag:s17], $0x400  }
0x57: {  	[sflag:s17] =	ssyncset.done $0x0  }
0x58: {  	[sflag:s17] =	ssyncadd.s32 $0xFFFFFC00  }
0x59: {  	_ =	swait.ge [sflag:s17], $0x400  }
0x5a: {  	[sflag:s17] =	ssyncset.done $0x0  }
0x5b: {  	[sflag:s17] =	ssyncadd.s32 $0xFFFFFC00  }
0x5c: {  	_ =	swait.ge [sflag:s17], $0x400  }
0x5d: {  	[sflag:s17] =	ssyncset.done $0x0  }
0x5e: {  	[sflag:s17] =	ssyncadd.s32 $0xFFFFFC00  }
0x5f: {  	_ =	swait.ge [sflag:s17], $0x400  }
0x60: {  	[sflag:s17] =	ssyncset.done $0x0  }
0x61: {  	[sflag:s17] =	ssyncadd.s32 $0xFFFFFC00  }
0x62: {  	_ =	swait.ge [sflag:s17], $0x400  }
0x63: {  	[sflag:s17] =	ssyncset.done $0x0  }
0x64: {  	[sflag:s17] =	ssyncadd.s32 $0xFFFFFC00  }
0x65: {  	_ =	swait.ge [sflag:s17], $0x400  }
0x66: {  	[sflag:s17] =	ssyncset.done $0x0  }
0x67: {  	[sflag:s17] =	ssyncadd.s32 $0xFFFFFC00  }
0x68: {  	_ =	swait.ge [sflag:s17], $0x400  }
0x69: {  	[sflag:s17] =	ssyncset.done $0x0  }
0x6a: {  	[sflag:s17] =	ssyncadd.s32 $0xFFFFFC00  }
0x6b: {  	_ =	swait.ge [sflag:s17], $0x400  }
0x6c: {  	[sflag:s17] =	ssyncset.done $0x0  }
0x6d: {  	[sflag:s17] =	ssyncadd.s32 $0xFFFFFC00  }
0x6e: {  	_ =	swait.ge [sflag:s17], $0x400  }
0x6f: {  	[sflag:s17] =	ssyncset.done $0x0  }
0x70: {  	[sflag:s17] =	ssyncadd.s32 $0xFFFFFC00  }
0x71: {  	_ =	swait.ge [sflag:s17], $0x400  }
0x72: {  	[sflag:s17] =	ssyncset.done $0x0  }
0x73: {  	[sflag:s17] =	ssyncadd.s32 $0xFFFFFC00  }
0x74: {  	_ =	swait.ge [sflag:s17], $0x400  }
0x75: {  	[sflag:s17] =	ssyncset.done $0x0  }
0x76: {  	[sflag:s17] =	ssyncadd.s32 $0xFFFFFC00  }
0x77: {  	_ =	swait.ge [sflag:s17], $0x400  }
0x78: {  	[sflag:s17] =	ssyncset.done $0x0  }
0x79: {  	[sflag:s17] =	ssyncadd.s32 $0xFFFFFC00  }
0x7a: {  	_ =	swait.ge [sflag:s17], $0x400  }
0x7b: {  	[sflag:s17] =	ssyncset.done $0x0  }
0x7c: {  	[sflag:s17] =	ssyncadd.s32 $0xFFFFFC00  }
0x7d: {  	_ =	swait.ge [sflag:s17], $0x400  }
0x7e: {  	s21 =	simm.s32 $0x2000;
	s24 =	simm.s32 $0x4000;
	[sflag:s17] =	ssyncset.done $0x0  }
.LBB2_2:
0x7f: {  	s23 =	sshra.s32 s21, $0x2  }
0x80: {  	[sflag:s17] =	ssyncadd.s32 $0xFFFFFC00;
	s21 =	smov.u32 s24;
	s22 =	sadd.s32 $0x2000, s24  }
0x81: {  	[spmem:s3] =	stream.indirect.scatter.add.f32 [tilespmem:s15], [sflag:$0x1], $0x8, s23, s16, $0xb8;
	[tilespmem:$0x4000] =	vst v63  }
0x82: {  	p0 =	sne.s32 s24, $0x8000;
	s24 =	sadd.s32 $0x80, s23  }
0x83: {  	[spmem:s3] =	stream.indirect.scatter.add.f32 [tilespmem:s15], [sflag:$0x1], $0x8, s24, s16, $0xb8;
	[tilespmem:$0x4000] =	vst v63  }
0x84: {  	s24 =	sadd.s32 $0x100, s23  }
0x85: {  	[spmem:s3] =	stream.indirect.scatter.add.f32 [tilespmem:s15], [sflag:$0x1], $0x8, s24, s16, $0xb8;
	[tilespmem:$0x4000] =	vst v63  }
0x86: {  	s24 =	sadd.s32 $0x180, s23  }
0x87: {  	[spmem:s3] =	stream.indirect.scatter.add.f32 [tilespmem:s15], [sflag:$0x1], $0x8, s24, s16, $0xb8;
	[tilespmem:$0x4000] =	vst v63  }
0x88: {  	s24 =	sadd.s32 $0x200, s23  }
0x89: {  	[spmem:s3] =	stream.indirect.scatter.add.f32 [tilespmem:s15], [sflag:$0x1], $0x8, s24, s16, $0xb8;
	[tilespmem:$0x4000] =	vst v63  }
0x8a: {  	s24 =	sadd.s32 $0x280, s23  }
0x8b: {  	[spmem:s3] =	stream.indirect.scatter.add.f32 [tilespmem:s15], [sflag:$0x1], $0x8, s24, s16, $0xb8;
	[tilespmem:$0x4000] =	vst v63  }
0x8c: {  	s24 =	sadd.s32 $0x300, s23  }
0x8d: {  	[spmem:s3] =	stream.indirect.scatter.add.f32 [tilespmem:s15], [sflag:$0x1], $0x8, s24, s16, $0xb8;
	[tilespmem:$0x4000] =	vst v63  }
0x8e: {  	s24 =	sadd.s32 $0x380, s23  }
0x8f: {  	[spmem:s3] =	stream.indirect.scatter.add.f32 [tilespmem:s15], [sflag:$0x1], $0x8, s24, s16, $0xb8;
	[tilespmem:$0x4000] =	vst v63  }
0x90: {  	s24 =	sadd.s32 $0x400, s23  }
0x91: {  	[spmem:s3] =	stream.indirect.scatter.add.f32 [tilespmem:s15], [sflag:$0x1], $0x8, s24, s16, $0xb8;
	[tilespmem:$0x4000] =	vst v63  }
0x92: {  	s24 =	sadd.s32 $0x480, s23  }
0x93: {  	[spmem:s3] =	stream.indirect.scatter.add.f32 [tilespmem:s15], [sflag:$0x1], $0x8, s24, s16, $0xb8;
	[tilespmem:$0x4000] =	vst v63  }
0x94: {  	s24 =	sadd.s32 $0x500, s23  }
0x95: {  	[spmem:s3] =	stream.indirect.scatter.add.f32 [tilespmem:s15], [sflag:$0x1], $0x8, s24, s16, $0xb8;
	[tilespmem:$0x4000] =	vst v63  }
0x96: {  	s24 =	sadd.s32 $0x580, s23  }
0x97: {  	[spmem:s3] =	stream.indirect.scatter.add.f32 [tilespmem:s15], [sflag:$0x1], $0x8, s24, s16, $0xb8;
	[tilespmem:$0x4000] =	vst v63  }
0x98: {  	s24 =	sadd.s32 $0x600, s23  }
0x99: {  	[spmem:s3] =	stream.indirect.scatter.add.f32 [tilespmem:s15], [sflag:$0x1], $0x8, s24, s16, $0xb8;
	[tilespmem:$0x4000] =	vst v63  }
0x9a: {  	s24 =	sadd.s32 $0x680, s23  }
0x9b: {  	[spmem:s3] =	stream.indirect.scatter.add.f32 [tilespmem:s15], [sflag:$0x1], $0x8, s24, s16, $0xb8;
	[tilespmem:$0x4000] =	vst v63  }
0x9c: {  	s24 =	sadd.s32 $0x700, s23  }
0x9d: {  	[spmem:s3] =	stream.indirect.scatter.add.f32 [tilespmem:s15], [sflag:$0x1], $0x8, s24, s16, $0xb8;
	[tilespmem:$0x4000] =	vst v63  }
0x9e: {  	s23 =	sadd.s32 $0x780, s23  }
0x9f: {  	[spmem:s3] =	stream.indirect.scatter.add.f32 [tilespmem:s15], [sflag:$0x1], $0x8, s23, s16, $0xb8;
	[tilespmem:$0x4000] =	vst v63  }
0xa0: {  	_ =	swait.ge [sflag:s17], $0x400  }
0xa1: {  	[sflag:s17] =	ssyncset.done $0x0  }
0xa2: {  	[sflag:s17] =	ssyncadd.s32 $0xFFFFFC00  }
0xa3: {  	_ =	swait.ge [sflag:s17], $0x400  }
0xa4: {  	[sflag:s17] =	ssyncset.done $0x0  }
0xa5: {  	[sflag:s17] =	ssyncadd.s32 $0xFFFFFC00  }
0xa6: {  	_ =	swait.ge [sflag:s17], $0x400  }
0xa7: {  	[sflag:s17] =	ssyncset.done $0x0  }
0xa8: {  	[sflag:s17] =	ssyncadd.s32 $0xFFFFFC00  }
0xa9: {  	_ =	swait.ge [sflag:s17], $0x400  }
0xaa: {  	[sflag:s17] =	ssyncset.done $0x0  }
0xab: {  	[sflag:s17] =	ssyncadd.s32 $0xFFFFFC00  }
0xac: {  	_ =	swait.ge [sflag:s17], $0x400  }
0xad: {  	[sflag:s17] =	ssyncset.done $0x0  }
0xae: {  	[sflag:s17] =	ssyncadd.s32 $0xFFFFFC00  }
0xaf: {  	_ =	swait.ge [sflag:s17], $0x400  }
0xb0: {  	[sflag:s17] =	ssyncset.done $0x0  }
0xb1: {  	[sflag:s17] =	ssyncadd.s32 $0xFFFFFC00  }
0xb2: {  	_ =	swait.ge [sflag:s17], $0x400  }
0xb3: {  	[sflag:s17] =	ssyncset.done $0x0  }
0xb4: {  	[sflag:s17] =	ssyncadd.s32 $0xFFFFFC00  }
0xb5: {  	_ =	swait.ge [sflag:s17], $0x400  }
0xb6: {  	[sflag:s17] =	ssyncset.done $0x0  }
0xb7: {  	[sflag:s17] =	ssyncadd.s32 $0xFFFFFC00  }
0xb8: {  	_ =	swait.ge [sflag:s17], $0x400  }
0xb9: {  	[sflag:s17] =	ssyncset.done $0x0  }
0xba: {  	[sflag:s17] =	ssyncadd.s32 $0xFFFFFC00  }
0xbb: {  	_ =	swait.ge [sflag:s17], $0x400  }
0xbc: {  	[sflag:s17] =	ssyncset.done $0x0  }
0xbd: {  	[sflag:s17] =	ssyncadd.s32 $0xFFFFFC00  }
0xbe: {  	_ =	swait.ge [sflag:s17], $0x400  }
0xbf: {  	[sflag:s17] =	ssyncset.done $0x0  }
0xc0: {  	[sflag:s17] =	ssyncadd.s32 $0xFFFFFC00  }
0xc1: {  	_ =	swait.ge [sflag:s17], $0x400  }
0xc2: {  	[sflag:s17] =	ssyncset.done $0x0  }
0xc3: {  	[sflag:s17] =	ssyncadd.s32 $0xFFFFFC00  }
0xc4: {  	_ =	swait.ge [sflag:s17], $0x400  }
0xc5: {  	[sflag:s17] =	ssyncset.done $0x0  }
0xc6: {  	[sflag:s17] =	ssyncadd.s32 $0xFFFFFC00  }
0xc7: {  	_ =	swait.ge [sflag:s17], $0x400  }
0xc8: {  	[sflag:s17] =	ssyncset.done $0x0  }
0xc9: {  	[sflag:s17] =	ssyncadd.s32 $0xFFFFFC00  }
.Ltmp0:
0xca: {  	_ =	swait.ge [sflag:s17], $0x400;
	(pc) =	sbr.rel @p0 .LBB2_2-.Ltmp0, $4  }
0xcb: {  	[sflag:s17] =	ssyncset.done $0x0  }
0xcc: {  	[sflag:s17] =	ssyncadd.s32 $0xFFFFFC00  }
0xcd: {  	_ =	swait.ge [sflag:s17], $0x400  }
0xce: {  	s24 =	smov.u32 s22;
	[sflag:s17] =	ssyncset.done $0x0  }
0xcf: {  	s21 =	sshra.s32 s21, $0x2;
	[sflag:s17] =	ssyncadd.s32 $0xFFFFFC00  }
0xd0: {  	[spmem:s3] =	stream.indirect.scatter.add.f32 [tilespmem:s15], [sflag:$0x1], $0x8, s21, s16, $0xb8;
	[tilespmem:$0x4000] =	vst v63  }
0xd1: {  	s22 =	sadd.s32 $0x80, s21  }
0xd2: {  	[spmem:s3] =	stream.indirect.scatter.add.f32 [tilespmem:s15], [sflag:$0x1], $0x8, s22, s16, $0xb8;
	[tilespmem:$0x4000] =	vst v63  }
0xd3: {  	s26 =	sadd.s32 $0x100, s21  }
0xd4: {  	[spmem:s3] =	stream.indirect.scatter.add.f32 [tilespmem:s15], [sflag:$0x1], $0x8, s26, s16, $0xb8;
	[tilespmem:$0x4000] =	vst v63  }
0xd5: {  	s28 =	sadd.s32 $0x180, s21  }
0xd6: {  	[spmem:s3] =	stream.indirect.scatter.add.f32 [tilespmem:s15], [sflag:$0x1], $0x8, s28, s16, $0xb8;
	[tilespmem:$0x4000] =	vst v63  }
0xd7: {  	s29 =	sadd.s32 $0x200, s21  }
0xd8: {  	[spmem:s3] =	stream.indirect.scatter.add.f32 [tilespmem:s15], [sflag:$0x1], $0x8, s29, s16, $0xb8;
	[tilespmem:$0x4000] =	vst v63  }
0xd9: {  	s30 =	sadd.s32 $0x280, s21  }
0xda: {  	[spmem:s3] =	stream.indirect.scatter.add.f32 [tilespmem:s15], [sflag:$0x1], $0x8, s30, s16, $0xb8;
	[tilespmem:$0x4000] =	vst v63  }
0xdb: {  	s31 =	sadd.s32 $0x300, s21  }
0xdc: {  	[spmem:s3] =	stream.indirect.scatter.add.f32 [tilespmem:s15], [sflag:$0x1], $0x8, s31, s16, $0xb8;
	[tilespmem:$0x4000] =	vst v63  }
0xdd: {  	s23 =	sadd.s32 $0x380, s21  }
0xde: {  	[spmem:s3] =	stream.indirect.scatter.add.f32 [tilespmem:s15], [sflag:$0x1], $0x8, s23, s16, $0xb8;
	[tilespmem:$0x4000] =	vst v63  }
0xdf: {  	s24 =	sadd.s32 $0x400, s21  }
0xe0: {  	[spmem:s3] =	stream.indirect.scatter.add.f32 [tilespmem:s15], [sflag:$0x1], $0x8, s24, s16, $0xb8;
	[tilespmem:$0x4000] =	vst v63  }
0xe1: {  	s25 =	sadd.s32 $0x480, s21  }
0xe2: {  	[spmem:s3] =	stream.indirect.scatter.add.f32 [tilespmem:s15], [sflag:$0x1], $0x8, s25, s16, $0xb8;
	[tilespmem:$0x4000] =	vst v63  }
0xe3: {  	s26 =	sadd.s32 $0x500, s21  }
0xe4: {  	[spmem:s3] =	stream.indirect.scatter.add.f32 [tilespmem:s15], [sflag:$0x1], $0x8, s26, s16, $0xb8;
	[tilespmem:$0x4000] =	vst v63  }
0xe5: {  	s28 =	sadd.s32 $0x580, s21  }
0xe6: {  	[spmem:s3] =	stream.indirect.scatter.add.f32 [tilespmem:s15], [sflag:$0x1], $0x8, s28, s16, $0xb8;
	[tilespmem:$0x4000] =	vst v63  }
0xe7: {  	s29 =	sadd.s32 $0x600, s21  }
0xe8: {  	[spmem:s3] =	stream.indirect.scatter.add.f32 [tilespmem:s15], [sflag:$0x1], $0x8, s29, s16, $0xb8;
	[tilespmem:$0x4000] =	vst v63  }
0xe9: {  	s30 =	sadd.s32 $0x680, s21  }
0xea: {  	[spmem:s3] =	stream.indirect.scatter.add.f32 [tilespmem:s15], [sflag:$0x1], $0x8, s30, s16, $0xb8;
	[tilespmem:$0x4000] =	vst v63  }
0xeb: {  	s31 =	sadd.s32 $0x700, s21  }
0xec: {  	[spmem:s3] =	stream.indirect.scatter.add.f32 [tilespmem:s15], [sflag:$0x1], $0x8, s31, s16, $0xb8;
	[tilespmem:$0x4000] =	vst v63  }
0xed: {  	s21 =	sadd.s32 $0x780, s21  }
0xee: {  	[spmem:s3] =	stream.indirect.scatter.add.f32 [tilespmem:s15], [sflag:$0x1], $0x8, s21, s16, $0xb8;
	[tilespmem:$0x4000] =	vst v63  }
0xef: {  	_ =	swait.ge [sflag:s17], $0x400  }
0xf0: {  	[sflag:s17] =	ssyncset.done $0x0  }
0xf1: {  	[sflag:s17] =	ssyncadd.s32 $0xFFFFFC00  }
0xf2: {  	_ =	swait.ge [sflag:s17], $0x400  }
0xf3: {  	[sflag:s17] =	ssyncset.done $0x0  }
0xf4: {  	[sflag:s17] =	ssyncadd.s32 $0xFFFFFC00  }
0xf5: {  	_ =	swait.ge [sflag:s17], $0x400  }
0xf6: {  	[sflag:s17] =	ssyncset.done $0x0  }
0xf7: {  	[sflag:s17] =	ssyncadd.s32 $0xFFFFFC00  }
0xf8: {  	_ =	swait.ge [sflag:s17], $0x400  }
0xf9: {  	[sflag:s17] =	ssyncset.done $0x0  }
0xfa: {  	[sflag:s17] =	ssyncadd.s32 $0xFFFFFC00  }
0xfb: {  	_ =	swait.ge [sflag:s17], $0x400  }
0xfc: {  	[sflag:s17] =	ssyncset.done $0x0  }
0xfd: {  	[sflag:s17] =	ssyncadd.s32 $0xFFFFFC00  }
0xfe: {  	_ =	swait.ge [sflag:s17], $0x400  }
0xff: {  	[sflag:s17] =	ssyncset.done $0x0  }
0x100: {  	[sflag:s17] =	ssyncadd.s32 $0xFFFFFC00  }
0x101: {  	_ =	swait.ge [sflag:s17], $0x400  }
0x102: {  	[sflag:s17] =	ssyncset.done $0x0  }
0x103: {  	[sflag:s17] =	ssyncadd.s32 $0xFFFFFC00  }
0x104: {  	_ =	swait.ge [sflag:s17], $0x400  }
0x105: {  	[sflag:s17] =	ssyncset.done $0x0  }
0x106: {  	[sflag:s17] =	ssyncadd.s32 $0xFFFFFC00  }
0x107: {  	_ =	swait.ge [sflag:s17], $0x400  }
0x108: {  	[sflag:s17] =	ssyncset.done $0x0  }
0x109: {  	[sflag:s17] =	ssyncadd.s32 $0xFFFFFC00  }
0x10a: {  	_ =	swait.ge [sflag:s17], $0x400  }
0x10b: {  	[sflag:s17] =	ssyncset.done $0x0  }
0x10c: {  	[sflag:s17] =	ssyncadd.s32 $0xFFFFFC00  }
0x10d: {  	_ =	swait.ge [sflag:s17], $0x400  }
0x10e: {  	[sflag:s17] =	ssyncset.done $0x0  }
0x10f: {  	[sflag:s17] =	ssyncadd.s32 $0xFFFFFC00  }
0x110: {  	_ =	swait.ge [sflag:s17], $0x400  }
0x111: {  	[sflag:s17] =	ssyncset.done $0x0  }
0x112: {  	[sflag:s17] =	ssyncadd.s32 $0xFFFFFC00  }
0x113: {  	_ =	swait.ge [sflag:s17], $0x400  }
0x114: {  	[sflag:s17] =	ssyncset.done $0x0  }
0x115: {  	[sflag:s17] =	ssyncadd.s32 $0xFFFFFC00  }
0x116: {  	_ =	swait.ge [sflag:s17], $0x400  }
0x117: {  	[sflag:s17] =	ssyncset.done $0x0  }
0x118: {  	[sflag:s17] =	ssyncadd.s32 $0xFFFFFC00  }
0x119: {  	_ =	swait.ge [sflag:s17], $0x400  }
0x11a: {  	[sflag:s17] =	ssyncset.done $0x0  }
0x11b: {  	[sflag:s17] =	ssyncadd.s32 $0xFFFFFC00  }
0x11c: {  	_ =	swait.ge [sflag:s17], $0x400  }
0x11d: {  	s20 =	sadd.s32 $0x1, s20;
	[sflag:s17] =	ssyncset.done $0x0  }
0x11e: {  	p0 =	sne.s32 s20, s13;
	[sflag:s17] =	ssyncadd.s32 $0xFFFFFC00  }
.Ltmp1:
0x11f: {  	[bflag:$0x0] =	sbarrier.arrive $0xFFFF;
	(pc) =	sbr.rel @p0 .LBB2_1-.Ltmp1, $4  }
0x120: {  	[hbm:s12], [sflag:s18] =	dma.local [spmem:s19], $0x280  }
0x121: {  	_ =	swait.ge [sflag:s14], $0x280  }
0x122: {  	[sflag:s14] =	ssyncset.done $0x0  }
0x123: {  	[sflag:s14] =	ssyncadd.s32 $0xFFFFFD80  }
0x124: {  	_ =	sfence.sel $0x180000  }
0x125: {  	[bflag:$0x0] =	sbarrier.arrive $0xFFFF  }
0x126: {  	p0 =	sne.s32 s0, $0x0;
	_ =	strace $0x90000047  }
0x127: {  	s0 =	sadd.s32 @!p0 $0x100000, s1;
	[bflag:$0x2] =	sbarrier.arrive $0xFFFF  }
0x128: {  	[sflag:s0] =	ssyncadd.tile.s32 @!p0 $0x1;
	_ =	shalt  }
.Lfunc_end2:
_tile_overlayer_lowered:
.L_overlay_start_2:
0x129: {  	(tag) =	ssettag $0x2  }
0x12a: {  	s0 =	rddreg [dreg:$0x0];
	s2 =	stileid.u32  }
0x12b: {  	s1 =	rddreg [dreg:$0x1];
	p0 =	sne.s32 s2, $0x0  }
0x12c: {  	s3 =	rddreg [dreg:$0x2];
	[bflag:$0x3] =	sbarrier.arrive $0xFFFF;
	s2 =	simm.s32 @!p0 $0x1C02  }
0x12d: {  	[timem:s3], [sflag:s2] =	dma.local @!p0 [hbm:s0], s1  }
0x12e: {  	s0 =	simm.s32 @!p0 $0x2  }
0x12f: {  	_ =	swait.ge @!p0 [sflag:s0], s1  }
0x130: {  	s1 =	ssub.s32 @!p0 $0x0, s1;
	[sflag:s0] =	ssyncset.done @!p0 $0x0  }
0x131: {  	[sflag:s0] =	ssyncadd.s32 @!p0 s1  }
0x132: {  	[bflag:$0x3] =	sbarrier.arrive $0xFFFF  }
0x133: {  	_ =	shalt  }

</sc_bundles>
